<compile_context>
chip_gen: v7x
topology: tpu7x:2x2x1
jax: 0.10.2.dev20260603
libtpu: 0.0.44.dev20260713+nightly
codegen_flags: <defaults>
</compile_context>

<pallas_src>
import functools

import jax
import jax.numpy as jnp
from jax import lax
from jax.experimental import pallas as pl
from jax.experimental.pallas import tpu as pltpu
from jax.experimental.pallas import tpu_sc as plsc

N = 10000
E = 160000
D = 256
R = 8

NC = 2
NS = 16
L = 16

NB = N * R
PB = 81920
PBROWS = PB // L
EP = 160256
EPT = EP // (NC * NS)
BLK = 128
G = 2560
NG = 4
EC4 = 160000
DUMMY_BIN = NB

_mesh = plsc.VectorSubcoreMesh(core_axis_name="c", subcore_axis_name="s")


def _iota16():
    return lax.iota(jnp.int32, 16)


_GDN = lax.GatherDimensionNumbers(
    offset_dims=(), collapsed_slice_dims=(0,), start_index_map=(0,))


def _take16(vec, idx_vec):
    return lax.gather(vec, idx_vec[:, None], _GDN, (1,),
                      mode=lax.GatherScatterMode.PROMISE_IN_BOUNDS)


NT = NC * NS


@functools.partial(
    pl.kernel,
    mesh=_mesh,
    out_type=[jax.ShapeDtypeStruct((NT, PB), jnp.float32)],
    scratch_types=[
        pltpu.VMEM((EPT,), jnp.int32),
        pltpu.VMEM((PB,), jnp.float32),
    ],
    compiler_params=pltpu.CompilerParams(needs_layout_passes=False),
)
def _k_hist(q_hbm, zeros_hbm, hist_hbm, qbuf, histv):
    c = lax.axis_index("c")
    s = lax.axis_index("s")
    w = c * NS + s
    pltpu.sync_copy(zeros_hbm, histv)
    pltpu.sync_copy(q_hbm.at[pl.ds(w * EPT, EPT)], qbuf)
    onev = jnp.full((L,), 1.0, jnp.float32)
    mask0 = _iota16() == jnp.full((L,), 0, jnp.int32)

    def body(j, carry):
        jv = jnp.full((L,), j, jnp.int32)
        qj = plsc.load_gather(qbuf, [jv])
        plsc.addupdate_scatter(histv, [qj], onev, mask=mask0)
        return carry

    lax.fori_loop(0, EPT, body, 0)
    pltpu.sync_copy(histv, hist_hbm.at[w])


_K2C = PB // NT


@functools.partial(
    pl.kernel,
    mesh=_mesh,
    out_type=[jax.ShapeDtypeStruct((PB,), jnp.float32)],
    scratch_types=[
        pltpu.VMEM((_K2C,), jnp.float32),
        pltpu.VMEM((_K2C,), jnp.float32),
        pltpu.VMEM((_K2C,), jnp.float32),
    ],
)
def _k_invcnt(hist_hbm, inv_hbm, abuf, bbuf, obuf):
    c = lax.axis_index("c")
    s = lax.axis_index("s")
    off = (c * NS + s) * _K2C
    pltpu.sync_copy(hist_hbm.at[0, pl.ds(off, _K2C)], abuf)
    for t in range(1, NT):
        pltpu.sync_copy(hist_hbm.at[t, pl.ds(off, _K2C)], bbuf)

        def addbody(i, carry):
            abuf[pl.ds(i * L, L)] = abuf[pl.ds(i * L, L)] + bbuf[pl.ds(i * L, L)]
            return carry

        lax.fori_loop(0, _K2C // L, addbody, 0)

    onev = jnp.full((L,), 1.0, jnp.float32)

    def body(i, carry):
        va = abuf[pl.ds(i * L, L)]
        obuf[pl.ds(i * L, L)] = onev / jnp.maximum(va, onev)
        return carry

    lax.fori_loop(0, _K2C // L, body, 0)
    pltpu.sync_copy(obuf, inv_hbm.at[pl.ds(off, _K2C)])


@functools.partial(
    pl.kernel,
    mesh=_mesh,
    out_type=[jax.ShapeDtypeStruct((EP,), jnp.float32)],
    scratch_types=[
        pltpu.VMEM((PB,), jnp.float32),
        pltpu.VMEM((EPT,), jnp.int32),
        pltpu.VMEM((EPT,), jnp.float32),
    ],
    compiler_params=pltpu.CompilerParams(needs_layout_passes=False),
)
def _k_scale(inv_hbm, q_hbm, scale_hbm, invbuf, qbuf, obuf):
    c = lax.axis_index("c")
    s = lax.axis_index("s")
    base = (c * NS + s) * EPT
    pltpu.sync_copy(inv_hbm, invbuf)
    pltpu.sync_copy(q_hbm.at[pl.ds(base, EPT)], qbuf)

    def body(i, carry):
        qv = qbuf[pl.ds(i * L, L)]
        obuf[pl.ds(i * L, L)] = plsc.load_gather(invbuf, [qv])
        return carry

    lax.fori_loop(0, EPT // L, body, 0)
    pltpu.sync_copy(obuf, scale_hbm.at[pl.ds(base, EPT)])


GT = 320
BLK = 64
EC32 = 160000


@functools.partial(
    pl.kernel,
    mesh=_mesh,
    out_type=[jax.ShapeDtypeStruct((NT * GT, D), jnp.float32)],
    scratch_types=[
        pltpu.VMEM((BLK,), jnp.int32),
        pltpu.VMEM((BLK,), jnp.int32),
        pltpu.VMEM((BLK,), jnp.float32),
        pltpu.VMEM((BLK, D), jnp.float32),
        pltpu.VMEM((L,), jnp.int32),
        pltpu.VMEM((GT, D), jnp.float32),
        pltpu.SemaphoreType.DMA,
    ],
    compiler_params=pltpu.CompilerParams(needs_layout_passes=False),
)
def _k_edge(ytab_hbm, gidx_hbm, loc_hbm, scale_hbm, nblk_hbm, zeros_hbm,
            agg_hbm, gbuf, lbuf, sbuf, rowbuf, nbv, acc, sem):
    c = lax.axis_index("c")
    s = lax.axis_index("s")
    w = c * NS + s

    pltpu.sync_copy(zeros_hbm, acc)
    pltpu.sync_copy(nblk_hbm.at[w], nbv)
    trips = nbv[...][0]

    colvs = [jnp.arange(k * L, k * L + L, dtype=jnp.int32)
             for k in range(D // L)]

    def body(i, carry):
        off = i * BLK
        pltpu.sync_copy(gidx_hbm.at[w, pl.ds(off, BLK)], gbuf)
        pltpu.sync_copy(loc_hbm.at[w, pl.ds(off, BLK)], lbuf)
        pltpu.sync_copy(scale_hbm.at[w, pl.ds(off, BLK)], sbuf)
        pltpu.async_copy(ytab_hbm.at[gbuf], rowbuf, sem).wait()

        def rbody(j, rc):
            jv = jnp.full((L,), j, jnp.int32)
            bj = plsc.load_gather(sbuf, [jv])
            locv = plsc.load_gather(lbuf, [jv])
            for k in range(D // L):
                val = rowbuf[j, pl.ds(k * L, L)] * bj
                plsc.addupdate_scatter(acc, [locv, colvs[k]], val)
            return rc

        lax.fori_loop(0, BLK, rbody, 0)
        return carry

    lax.fori_loop(0, trips, body, 0)
    pltpu.sync_copy(acc, agg_hbm.at[pl.ds(w * GT, GT)])


RB = 200
NBLOCKS = N // RB


def _dense_math(x, wall_ref, root_ref, bias_ref, w1_ref, b1_ref, g_ref,
                be_ref, w2_ref, b2_ref, y_ref, base_ref):
    y_ref[...] = jnp.dot(x, wall_ref[...], preferred_element_type=jnp.float32)
    base = jnp.dot(x, root_ref[...], preferred_element_type=jnp.float32)
    base = base + bias_ref[...]
    h1 = jnp.dot(x, w1_ref[...], preferred_element_type=jnp.float32) + b1_ref[...]
    mu = jnp.mean(h1, axis=-1, keepdims=True)
    var = jnp.mean((h1 - mu) ** 2, axis=-1, keepdims=True)
    h1 = (h1 - mu) * lax.rsqrt(var + 1e-5) * g_ref[...] + be_ref[...]
    h1 = jnp.maximum(h1, 0.0)
    base = base + jnp.dot(h1, w2_ref[...], preferred_element_type=jnp.float32)
    base_ref[...] = base + b2_ref[...]


def _tc_first_body(x_ref, *rest):
    _dense_math(x_ref[...], *rest)


def _tc_fused_body(agg_ref, prev_ref, *rest):
    x = jnp.maximum(agg_ref[...] + prev_ref[...], 0.0)
    _dense_math(x, *rest)


_w_specs = [
    pl.BlockSpec((D, R * D), lambda i: (0, 0)),
    pl.BlockSpec((D, D), lambda i: (0, 0)),
    pl.BlockSpec((D,), lambda i: (0,)),
    pl.BlockSpec((D, D), lambda i: (0, 0)),
    pl.BlockSpec((D,), lambda i: (0,)),
    pl.BlockSpec((D,), lambda i: (0,)),
    pl.BlockSpec((D,), lambda i: (0,)),
    pl.BlockSpec((D, D), lambda i: (0, 0)),
    pl.BlockSpec((D,), lambda i: (0,)),
]
_row_spec = pl.BlockSpec((RB, D), lambda i: (i, 0))
_agg_spec = pl.BlockSpec((RB, D), lambda i: (i, 0))
_dense_out = [
    jax.ShapeDtypeStruct((N, R * D), jnp.float32),
    jax.ShapeDtypeStruct((N, D), jnp.float32),
]
_dense_out_specs = [pl.BlockSpec((RB, R * D), lambda i: (i, 0)), _row_spec]

_tc_first = pl.pallas_call(
    _tc_first_body,
    grid=(NBLOCKS,),
    in_specs=[_row_spec] + _w_specs,
    out_specs=_dense_out_specs,
    out_shape=_dense_out,
)

_tc_fused = pl.pallas_call(
    _tc_fused_body,
    grid=(NBLOCKS,),
    in_specs=[_agg_spec, _row_spec] + _w_specs,
    out_specs=_dense_out_specs,
    out_shape=_dense_out,
)


def _tc_final_body(agg_ref, prev_ref, o_ref):
    o_ref[...] = agg_ref[...] + prev_ref[...]

_tc_final = pl.pallas_call(
    _tc_final_body,
    grid=(NBLOCKS,),
    in_specs=[_agg_spec, _row_spec],
    out_specs=_row_spec,
    out_shape=jax.ShapeDtypeStruct((N, D), jnp.float32),
)


def _layer_weights(p):
    w = (p['comp'] @ p['weight'].reshape(p['weight'].shape[0], -1))
    w = w.reshape(R, D, D)
    wall = w.transpose(1, 0, 2).reshape(D, R * D)
    e = 1.0 + p['eps'][0]
    return (wall, p['root'], p['bias'], e * p['mlp_w1'], p['mlp_b1'],
            p['ln_g'], p['ln_b'], p['mlp_w2'], p['mlp_b2'])


def kernel(x, edge_index, edge_type, params):
    src = edge_index[0].astype(jnp.int32)
    dst = edge_index[1].astype(jnp.int32)
    et = edge_type.astype(jnp.int32)

    q = dst * R + et
    gidx = src * R + et
    q_pad = jnp.concatenate([q, jnp.full((EP - E,), DUMMY_BIN, jnp.int32)])

    zeros_hist = jnp.zeros((PB,), jnp.float32)
    zeros_out = jnp.zeros((GT, D), jnp.float32)

    (hist,) = _k_hist(q_pad, zeros_hist)
    (inv,) = _k_invcnt(hist)
    (scale_all,) = _k_scale(inv, q_pad)
    scale_e = scale_all[:E]

    grp = dst // GT
    pos = jnp.zeros((E,), jnp.int32)
    cnts = []
    for g in range(NT):
        mg = (grp == g)
        cg = jnp.cumsum(mg.astype(jnp.int32))
        pos = jnp.where(mg, cg - 1, pos)
        cnts.append(cg[-1])
    gidx_p = jnp.zeros((NT, EC32), jnp.int32).at[grp, pos].set(gidx)
    loc_p = jnp.zeros((NT, EC32), jnp.int32).at[grp, pos].set(dst - grp * GT)
    scale_p = jnp.zeros((NT, EC32), jnp.float32).at[grp, pos].set(scale_e)
    nblk = (jnp.stack(cnts) + BLK - 1) // BLK
    nblk_b = jnp.broadcast_to(nblk.astype(jnp.int32)[:, None], (NT, L))

    h = x
    base = None
    agg = None
    for li, lname in enumerate(('l1', 'l2', 'l3')):
        wts = _layer_weights(params[lname])
        if li == 0:
            y, base = _tc_first(h, *wts)
        else:
            y, base = _tc_fused(agg, base, *wts)
        ytab = y.reshape(N * R, D)
        (agg,) = _k_edge(ytab, gidx_p, loc_p, scale_p, nblk_b, zeros_out)

    return _tc_final(agg, base)

# --- scband reference (transcript-rebuilt; emitter-appended) ---
"""Pipeline reference for scband-rgin-86114094285427 (READ-ONLY COPY).

The authoritative reference and input builder live on the scoring server;
editing this copy changes nothing except your own understanding.
"""

import jax, jax.numpy as jnp
import numpy as np

N = 10000
E = 160000
D = 256
R = 8
B = 4

def _make_layer(key, din, dout, R=R, B=B):
    ks = jax.random.split(key, 5)
    return {
        'weight': jax.random.normal(ks[0], (B, din, dout), dtype=jnp.float32) * 0.05,
        'comp': jax.random.normal(ks[1], (R, B), dtype=jnp.float32) * 0.3,
        'root': jax.random.normal(ks[2], (din, dout), dtype=jnp.float32) * 0.05,
        'bias': jnp.zeros((dout,), dtype=jnp.float32),
        'eps': jnp.zeros((1,), dtype=jnp.float32),
        'mlp_w1': jax.random.normal(ks[3], (din, dout), dtype=jnp.float32) * 0.05,
        'mlp_b1': jnp.zeros((dout,), dtype=jnp.float32),
        'ln_g': jnp.ones((dout,), dtype=jnp.float32),
        'ln_b': jnp.zeros((dout,), dtype=jnp.float32),
        'mlp_w2': jax.random.normal(ks[4], (dout, dout), dtype=jnp.float32) * 0.05,
        'mlp_b2': jnp.zeros((dout,), dtype=jnp.float32),
    }

def setup_inputs(seed: int = 0):
    key = jax.random.key(seed)
    k_x, k_ei, k_et, k1, k2, k3 = jax.random.split(key, 6)
    x = jax.random.normal(k_x, (N, D), dtype=jnp.float32)
    edge_index = jax.random.randint(k_ei, (2, E), 0, N, dtype=jnp.int64)
    edge_type = jax.random.randint(k_et, (E,), 0, R, dtype=jnp.int64)
    params = {
        'l1': _make_layer(k1, D, D),
        'l2': _make_layer(k2, D, D),
        'l3': _make_layer(k3, D, D),
    }
    return {'x': x, 'edge_index': edge_index, 'edge_type': edge_type, 'params': params}

def _rgin_conv(x, edge_index, edge_type, p):
    src = edge_index[0]
    dst = edge_index[1]
    n = x.shape[0]
    din = p['weight'].shape[1]
    dout = p['weight'].shape[2]
    # basis decomposition: weight[r] = sum_b comp[r, b] * basis[b]
    w = (p['comp'] @ p['weight'].reshape(B, -1)).reshape(R, din, dout)
    xj = x[src]  # gather source features per edge
    out = jnp.zeros((n, dout), dtype=x.dtype)
    for i in range(R):
        mask = (edge_type == i).astype(x.dtype)
        s = jax.ops.segment_sum(xj * mask[:, None], dst, num_segments=n)
        cnt = jax.ops.segment_sum(mask, dst, num_segments=n)
        h = s / jnp.maximum(cnt, 1.0)[:, None]  # mean aggregation
        out = out + h @ w[i]
    out = out + x @ p['root'] + p['bias']
    # GIN-style MLP branch on (1 + eps) * x
    z = (1.0 + p['eps']) * x
    h1 = z @ p['mlp_w1'] + p['mlp_b1']
    mu = jnp.mean(h1, axis=-1, keepdims=True)
    var = jnp.var(h1, axis=-1, keepdims=True)
    h1 = (h1 - mu) / jnp.sqrt(var + 1e-5) * p['ln_g'] + p['ln_b']
    h1 = jax.nn.relu(h1)
    h2 = h1 @ p['mlp_w2'] + p['mlp_b2']
    return h2 + out

def reference(x, edge_index, edge_type, params):
    u = _rgin_conv(x, edge_index, edge_type, params['l1'])
    u = jax.nn.relu(u)
    u = _rgin_conv(u, edge_index, edge_type, params['l2'])
    u = jax.nn.relu(u)
    u = _rgin_conv(u, edge_index, edge_type, params['l3'])
    return u

if __name__ == "__main__":
    import jax
    _d = setup_inputs()
    print(jax.jit(kernel)(*tuple(_d.values())))

</pallas_src>

<mosaic_0001>
#map = affine_map<(d0, d1) -> (0, 0)>
#map1 = affine_map<(d0, d1) -> (0)>
module attributes {stable_mosaic.version = 14 : i64} {
  func.func @_k_invcnt(%arg0: i32, %arg1: i32, %arg2: memref<32x81920xf32, #tpu.memory_space<hbm>>, %arg3: memref<81920xf32, #tpu.memory_space<hbm>>, %arg4: memref<2560xf32, #tpu.memory_space<vmem>>, %arg5: memref<2560xf32, #tpu.memory_space<vmem>>, %arg6: memref<2560xf32, #tpu.memory_space<vmem>>) attributes {dimension_semantics = [#tpu.dimension_semantics<core_parallel>, #tpu.dimension_semantics<subcore_parallel>], iteration_bounds = array<i64: 2, 16>, scalar_prefetch = 0 : i64, scratch_operands = 3 : i64, tpu.core_type = #tpu.core_type<sc_vector_subcore>, window_params = [{transform_indices = #map}, {transform_indices = #map1}]} {
    %mul3A = arith.constant 16 : i32
    %mul3A_0 = arith.muli %arg0, %mul3A : i32
    %add3A = arith.addi %mul3A_0, %arg1 : i32
    %mul3A_1 = arith.constant 2560 : i32
    %mul3A_2 = arith.muli %add3A, %mul3A_1 : i32
    %run_scoped3A = arith.constant 0 : i32
    "tpu.region"() ({
      %run_scoped3A_226 = tpu.sem_alloc : memref<!tpu.dma_semaphore, #tpu.memory_space<semaphore_mem>>
      %dma_start3A = tpu.memref_slice %arg2[%run_scoped3A, %mul3A_2] : memref<32x81920xf32, #tpu.memory_space<hbm>> -> memref<1x2560xf32, #tpu.memory_space<hbm>>
      %dma_start3A_227 = tpu.memref_squeeze %dma_start3A : memref<1x2560xf32, #tpu.memory_space<hbm>> -> memref<2560xf32, #tpu.memory_space<hbm>>
      %dma_start3A_228 = tpu.memref_slice %arg2[%run_scoped3A, %mul3A_2] : memref<32x81920xf32, #tpu.memory_space<hbm>> -> memref<1x2560xf32, #tpu.memory_space<hbm>>
      %dma_start3A_229 = tpu.memref_squeeze %dma_start3A_228 : memref<1x2560xf32, #tpu.memory_space<hbm>> -> memref<2560xf32, #tpu.memory_space<hbm>>
      tpu.enqueue_dma source(%dma_start3A_229 : memref<2560xf32, #tpu.memory_space<hbm>>) target(%arg4 : memref<2560xf32, #tpu.memory_space<vmem>>) target_semaphore(%run_scoped3A_226 : memref<!tpu.dma_semaphore, #tpu.memory_space<semaphore_mem>>)
      %dma_wait3A = tpu.memref_slice %arg2[%run_scoped3A, %mul3A_2] : memref<32x81920xf32, #tpu.memory_space<hbm>> -> memref<1x2560xf32, #tpu.memory_space<hbm>>
      %dma_wait3A_230 = tpu.memref_squeeze %dma_wait3A : memref<1x2560xf32, #tpu.memory_space<hbm>> -> memref<2560xf32, #tpu.memory_space<hbm>>
      %dma_wait3A_231 = tpu.memref_slice %arg2[%run_scoped3A, %mul3A_2] : memref<32x81920xf32, #tpu.memory_space<hbm>> -> memref<1x2560xf32, #tpu.memory_space<hbm>>
      %dma_wait3A_232 = tpu.memref_squeeze %dma_wait3A_231 : memref<1x2560xf32, #tpu.memory_space<hbm>> -> memref<2560xf32, #tpu.memory_space<hbm>>
      tpu.wait_dma2 semaphore(%run_scoped3A_226 : memref<!tpu.dma_semaphore, #tpu.memory_space<semaphore_mem>>) src(%dma_wait3A_232 : memref<2560xf32, #tpu.memory_space<hbm>>) dst(%arg4 : memref<2560xf32, #tpu.memory_space<vmem>>)
      tpu.yield
    }) : () -> ()
    %run_scoped3A_3 = arith.constant 1 : i32
    "tpu.region"() ({
      %run_scoped3A_226 = tpu.sem_alloc : memref<!tpu.dma_semaphore, #tpu.memory_space<semaphore_mem>>
      %dma_start3A = tpu.memref_slice %arg2[%run_scoped3A_3, %mul3A_2] : memref<32x81920xf32, #tpu.memory_space<hbm>> -> memref<1x2560xf32, #tpu.memory_space<hbm>>
      %dma_start3A_227 = tpu.memref_squeeze %dma_start3A : memref<1x2560xf32, #tpu.memory_space<hbm>> -> memref<2560xf32, #tpu.memory_space<hbm>>
      %dma_start3A_228 = tpu.memref_slice %arg2[%run_scoped3A_3, %mul3A_2] : memref<32x81920xf32, #tpu.memory_space<hbm>> -> memref<1x2560xf32, #tpu.memory_space<hbm>>
      %dma_start3A_229 = tpu.memref_squeeze %dma_start3A_228 : memref<1x2560xf32, #tpu.memory_space<hbm>> -> memref<2560xf32, #tpu.memory_space<hbm>>
      tpu.enqueue_dma source(%dma_start3A_229 : memref<2560xf32, #tpu.memory_space<hbm>>) target(%arg5 : memref<2560xf32, #tpu.memory_space<vmem>>) target_semaphore(%run_scoped3A_226 : memref<!tpu.dma_semaphore, #tpu.memory_space<semaphore_mem>>)
      %dma_wait3A = tpu.memref_slice %arg2[%run_scoped3A_3, %mul3A_2] : memref<32x81920xf32, #tpu.memory_space<hbm>> -> memref<1x2560xf32, #tpu.memory_space<hbm>>
      %dma_wait3A_230 = tpu.memref_squeeze %dma_wait3A : memref<1x2560xf32, #tpu.memory_space<hbm>> -> memref<2560xf32, #tpu.memory_space<hbm>>
      %dma_wait3A_231 = tpu.memref_slice %arg2[%run_scoped3A_3, %mul3A_2] : memref<32x81920xf32, #tpu.memory_space<hbm>> -> memref<1x2560xf32, #tpu.memory_space<hbm>>
      %dma_wait3A_232 = tpu.memref_squeeze %dma_wait3A_231 : memref<1x2560xf32, #tpu.memory_space<hbm>> -> memref<2560xf32, #tpu.memory_space<hbm>>
      tpu.wait_dma2 semaphore(%run_scoped3A_226 : memref<!tpu.dma_semaphore, #tpu.memory_space<semaphore_mem>>) src(%dma_wait3A_232 : memref<2560xf32, #tpu.memory_space<hbm>>) dst(%arg5 : memref<2560xf32, #tpu.memory_space<vmem>>)
      tpu.yield
    }) : () -> ()
    %scan3A = arith.constant 0 : i32
    %scan3A_4 = arith.constant 0 : i32
    %scan3A_5 = arith.constant 160 : i32
    %scan3A_6 = arith.addi %scan3A_4, %scan3A_5 : i32
    %scan3A_7 = arith.constant 1 : i32
    scf.for %scan3A_226 = %scan3A_4 to %scan3A_6 step %scan3A_7  : i32 {
      %mul3A_227 = arith.constant 16 : i32
      %mul3A_228 = arith.muli %scan3A_226, %mul3A_227 : i32
      %get3A = arith.index_cast %mul3A_228 : i32 to index
      %get3A_229 = tpu.vector_load %arg4[%get3A] {strides = array<i32>} : memref<2560xf32, #tpu.memory_space<vmem>>, vector<16xf32>,
      %get3A_230 = vector.shape_cast %get3A_229 : vector<16xf32> to vector<16xf32>
      %mul3A_231 = arith.constant 16 : i32
      %mul3A_232 = arith.muli %scan3A_226, %mul3A_231 : i32
      %get3A_233 = arith.index_cast %mul3A_232 : i32 to index
      %get3A_234 = tpu.vector_load %arg5[%get3A_233] {strides = array<i32>} : memref<2560xf32, #tpu.memory_space<vmem>>, vector<16xf32>,
      %get3A_235 = vector.shape_cast %get3A_234 : vector<16xf32> to vector<16xf32>
      %add3A_236 = arith.addf %get3A_230, %get3A_235 : vector<16xf32>
      %mul3A_237 = arith.constant 16 : i32
      %mul3A_238 = arith.muli %scan3A_226, %mul3A_237 : i32
      %swap3A = arith.index_cast %mul3A_238 : i32 to index
      %swap3A_239 = tpu.vector_load %arg4[%swap3A] {strides = array<i32>} : memref<2560xf32, #tpu.memory_space<vmem>>, vector<16xf32>,
      %swap3A_240 = vector.shape_cast %swap3A_239 : vector<16xf32> to vector<16xf32>
      %swap3A_241 = vector.shape_cast %add3A_236 : vector<16xf32> to vector<16xf32>
      tpu.vector_store %arg4[%swap3A], %swap3A_241 {strides = array<i32>} : memref<2560xf32, #tpu.memory_space<vmem>>, vector<16xf32>,
    }
    %scan3A_8 = arith.constant 160 : i32
    %run_scoped3A_9 = arith.constant 2 : i32
    "tpu.region"() ({
      %run_scoped3A_226 = tpu.sem_alloc : memref<!tpu.dma_semaphore, #tpu.memory_space<semaphore_mem>>
      %dma_start3A = tpu.memref_slice %arg2[%run_scoped3A_9, %mul3A_2] : memref<32x81920xf32, #tpu.memory_space<hbm>> -> memref<1x2560xf32, #tpu.memory_space<hbm>>
      %dma_start3A_227 = tpu.memref_squeeze %dma_start3A : memref<1x2560xf32, #tpu.memory_space<hbm>> -> memref<2560xf32, #tpu.memory_space<hbm>>
      %dma_start3A_228 = tpu.memref_slice %arg2[%run_scoped3A_9, %mul3A_2] : memref<32x81920xf32, #tpu.memory_space<hbm>> -> memref<1x2560xf32, #tpu.memory_space<hbm>>
      %dma_start3A_229 = tpu.memref_squeeze %dma_start3A_228 : memref<1x2560xf32, #tpu.memory_space<hbm>> -> memref<2560xf32, #tpu.memory_space<hbm>>
      tpu.enqueue_dma source(%dma_start3A_229 : memref<2560xf32, #tpu.memory_space<hbm>>) target(%arg5 : memref<2560xf32, #tpu.memory_space<vmem>>) target_semaphore(%run_scoped3A_226 : memref<!tpu.dma_semaphore, #tpu.memory_space<semaphore_mem>>)
      %dma_wait3A = tpu.memref_slice %arg2[%run_scoped3A_9, %mul3A_2] : memref<32x81920xf32, #tpu.memory_space<hbm>> -> memref<1x2560xf32, #tpu.memory_space<hbm>>
      %dma_wait3A_230 = tpu.memref_squeeze %dma_wait3A : memref<1x2560xf32, #tpu.memory_space<hbm>> -> memref<2560xf32, #tpu.memory_space<hbm>>
      %dma_wait3A_231 = tpu.memref_slice %arg2[%run_scoped3A_9, %mul3A_2] : memref<32x81920xf32, #tpu.memory_space<hbm>> -> memref<1x2560xf32, #tpu.memory_space<hbm>>
      %dma_wait3A_232 = tpu.memref_squeeze %dma_wait3A_231 : memref<1x2560xf32, #tpu.memory_space<hbm>> -> memref<2560xf32, #tpu.memory_space<hbm>>
      tpu.wait_dma2 semaphore(%run_scoped3A_226 : memref<!tpu.dma_semaphore, #tpu.memory_space<semaphore_mem>>) src(%dma_wait3A_232 : memref<2560xf32, #tpu.memory_space<hbm>>) dst(%arg5 : memref<2560xf32, #tpu.memory_space<vmem>>)
      tpu.yield
    }) : () -> ()
    %scan3A_10 = arith.constant 0 : i32
    %scan3A_11 = arith.constant 0 : i32
    %scan3A_12 = arith.constant 160 : i32
    %scan3A_13 = arith.addi %scan3A_11, %scan3A_12 : i32
    %scan3A_14 = arith.constant 1 : i32
    scf.for %scan3A_226 = %scan3A_11 to %scan3A_13 step %scan3A_14  : i32 {
      %mul3A_227 = arith.constant 16 : i32
      %mul3A_228 = arith.muli %scan3A_226, %mul3A_227 : i32
      %get3A = arith.index_cast %mul3A_228 : i32 to index
      %get3A_229 = tpu.vector_load %arg4[%get3A] {strides = array<i32>} : memref<2560xf32, #tpu.memory_space<vmem>>, vector<16xf32>,
      %get3A_230 = vector.shape_cast %get3A_229 : vector<16xf32> to vector<16xf32>
      %mul3A_231 = arith.constant 16 : i32
      %mul3A_232 = arith.muli %scan3A_226, %mul3A_231 : i32
      %get3A_233 = arith.index_cast %mul3A_232 : i32 to index
      %get3A_234 = tpu.vector_load %arg5[%get3A_233] {strides = array<i32>} : memref<2560xf32, #tpu.memory_space<vmem>>, vector<16xf32>,
      %get3A_235 = vector.shape_cast %get3A_234 : vector<16xf32> to vector<16xf32>
      %add3A_236 = arith.addf %get3A_230, %get3A_235 : vector<16xf32>
      %mul3A_237 = arith.constant 16 : i32
      %mul3A_238 = arith.muli %scan3A_226, %mul3A_237 : i32
      %swap3A = arith.index_cast %mul3A_238 : i32 to index
      %swap3A_239 = tpu.vector_load %arg4[%swap3A] {strides = array<i32>} : memref<2560xf32, #tpu.memory_space<vmem>>, vector<16xf32>,
      %swap3A_240 = vector.shape_cast %swap3A_239 : vector<16xf32> to vector<16xf32>
      %swap3A_241 = vector.shape_cast %add3A_236 : vector<16xf32> to vector<16xf32>
      tpu.vector_store %arg4[%swap3A], %swap3A_241 {strides = array<i32>} : memref<2560xf32, #tpu.memory_space<vmem>>, vector<16xf32>,
    }
    %scan3A_15 = arith.constant 160 : i32
    %run_scoped3A_16 = arith.constant 3 : i32
    "tpu.region"() ({
      %run_scoped3A_226 = tpu.sem_alloc : memref<!tpu.dma_semaphore, #tpu.memory_space<semaphore_mem>>
      %dma_start3A = tpu.memref_slice %arg2[%run_scoped3A_16, %mul3A_2] : memref<32x81920xf32, #tpu.memory_space<hbm>> -> memref<1x2560xf32, #tpu.memory_space<hbm>>
      %dma_start3A_227 = tpu.memref_squeeze %dma_start3A : memref<1x2560xf32, #tpu.memory_space<hbm>> -> memref<2560xf32, #tpu.memory_space<hbm>>
      %dma_start3A_228 = tpu.memref_slice %arg2[%run_scoped3A_16, %mul3A_2] : memref<32x81920xf32, #tpu.memory_space<hbm>> -> memref<1x2560xf32, #tpu.memory_space<hbm>>
      %dma_start3A_229 = tpu.memref_squeeze %dma_start3A_228 : memref<1x2560xf32, #tpu.memory_space<hbm>> -> memref<2560xf32, #tpu.memory_space<hbm>>
      tpu.enqueue_dma source(%dma_start3A_229 : memref<2560xf32, #tpu.memory_space<hbm>>) target(%arg5 : memref<2560xf32, #tpu.memory_space<vmem>>) target_semaphore(%run_scoped3A_226 : memref<!tpu.dma_semaphore, #tpu.memory_space<semaphore_mem>>)
      %dma_wait3A = tpu.memref_slice %arg2[%run_scoped3A_16, %mul3A_2] : memref<32x81920xf32, #tpu.memory_space<hbm>> -> memref<1x2560xf32, #tpu.memory_space<hbm>>
      %dma_wait3A_230 = tpu.memref_squeeze %dma_wait3A : memref<1x2560xf32, #tpu.memory_space<hbm>> -> memref<2560xf32, #tpu.memory_space<hbm>>
      %dma_wait3A_231 = tpu.memref_slice %arg2[%run_scoped3A_16, %mul3A_2] : memref<32x81920xf32, #tpu.memory_space<hbm>> -> memref<1x2560xf32, #tpu.memory_space<hbm>>
      %dma_wait3A_232 = tpu.memref_squeeze %dma_wait3A_231 : memref<1x2560xf32, #tpu.memory_space<hbm>> -> memref<2560xf32, #tpu.memory_space<hbm>>
      tpu.wait_dma2 semaphore(%run_scoped3A_226 : memref<!tpu.dma_semaphore, #tpu.memory_space<semaphore_mem>>) src(%dma_wait3A_232 : memref<2560xf32, #tpu.memory_space<hbm>>) dst(%arg5 : memref<2560xf32, #tpu.memory_space<vmem>>)
      tpu.yield
    }) : () -> ()
    %scan3A_17 = arith.constant 0 : i32
    %scan3A_18 = arith.constant 0 : i32
    %scan3A_19 = arith.constant 160 : i32
    %scan3A_20 = arith.addi %scan3A_18, %scan3A_19 : i32
    %scan3A_21 = arith.constant 1 : i32
    scf.for %scan3A_226 = %scan3A_18 to %scan3A_20 step %scan3A_21  : i32 {
      %mul3A_227 = arith.constant 16 : i32
      %mul3A_228 = arith.muli %scan3A_226, %mul3A_227 : i32
      %get3A = arith.index_cast %mul3A_228 : i32 to index
      %get3A_229 = tpu.vector_load %arg4[%get3A] {strides = array<i32>} : memref<2560xf32, #tpu.memory_space<vmem>>, vector<16xf32>,
      %get3A_230 = vector.shape_cast %get3A_229 : vector<16xf32> to vector<16xf32>
      %mul3A_231 = arith.constant 16 : i32
      %mul3A_232 = arith.muli %scan3A_226, %mul3A_231 : i32
      %get3A_233 = arith.index_cast %mul3A_232 : i32 to index
      %get3A_234 = tpu.vector_load %arg5[%get3A_233] {strides = array<i32>} : memref<2560xf32, #tpu.memory_space<vmem>>, vector<16xf32>,
      %get3A_235 = vector.shape_cast %get3A_234 : vector<16xf32> to vector<16xf32>
      %add3A_236 = arith.addf %get3A_230, %get3A_235 : vector<16xf32>
      %mul3A_237 = arith.constant 16 : i32
      %mul3A_238 = arith.muli %scan3A_226, %mul3A_237 : i32
      %swap3A = arith.index_cast %mul3A_238 : i32 to index
      %swap3A_239 = tpu.vector_load %arg4[%swap3A] {strides = array<i32>} : memref<2560xf32, #tpu.memory_space<vmem>>, vector<16xf32>,
      %swap3A_240 = vector.shape_cast %swap3A_239 : vector<16xf32> to vector<16xf32>
      %swap3A_241 = vector.shape_cast %add3A_236 : vector<16xf32> to vector<16xf32>
      tpu.vector_store %arg4[%swap3A], %swap3A_241 {strides = array<i32>} : memref<2560xf32, #tpu.memory_space<vmem>>, vector<16xf32>,
    }
    %scan3A_22 = arith.constant 160 : i32
    %run_scoped3A_23 = arith.constant 4 : i32
    "tpu.region"() ({
      %run_scoped3A_226 = tpu.sem_alloc : memref<!tpu.dma_semaphore, #tpu.memory_space<semaphore_mem>>
      %dma_start3A = tpu.memref_slice %arg2[%run_scoped3A_23, %mul3A_2] : memref<32x81920xf32, #tpu.memory_space<hbm>> -> memref<1x2560xf32, #tpu.memory_space<hbm>>
      %dma_start3A_227 = tpu.memref_squeeze %dma_start3A : memref<1x2560xf32, #tpu.memory_space<hbm>> -> memref<2560xf32, #tpu.memory_space<hbm>>
      %dma_start3A_228 = tpu.memref_slice %arg2[%run_scoped3A_23, %mul3A_2] : memref<32x81920xf32, #tpu.memory_space<hbm>> -> memref<1x2560xf32, #tpu.memory_space<hbm>>
      %dma_start3A_229 = tpu.memref_squeeze %dma_start3A_228 : memref<1x2560xf32, #tpu.memory_space<hbm>> -> memref<2560xf32, #tpu.memory_space<hbm>>
      tpu.enqueue_dma source(%dma_start3A_229 : memref<2560xf32, #tpu.memory_space<hbm>>) target(%arg5 : memref<2560xf32, #tpu.memory_space<vmem>>) target_semaphore(%run_scoped3A_226 : memref<!tpu.dma_semaphore, #tpu.memory_space<semaphore_mem>>)
      %dma_wait3A = tpu.memref_slice %arg2[%run_scoped3A_23, %mul3A_2] : memref<32x81920xf32, #tpu.memory_space<hbm>> -> memref<1x2560xf32, #tpu.memory_space<hbm>>
      %dma_wait3A_230 = tpu.memref_squeeze %dma_wait3A : memref<1x2560xf32, #tpu.memory_space<hbm>> -> memref<2560xf32, #tpu.memory_space<hbm>>
      %dma_wait3A_231 = tpu.memref_slice %arg2[%run_scoped3A_23, %mul3A_2] : memref<32x81920xf32, #tpu.memory_space<hbm>> -> memref<1x2560xf32, #tpu.memory_space<hbm>>
      %dma_wait3A_232 = tpu.memref_squeeze %dma_wait3A_231 : memref<1x2560xf32, #tpu.memory_space<hbm>> -> memref<2560xf32, #tpu.memory_space<hbm>>
      tpu.wait_dma2 semaphore(%run_scoped3A_226 : memref<!tpu.dma_semaphore, #tpu.memory_space<semaphore_mem>>) src(%dma_wait3A_232 : memref<2560xf32, #tpu.memory_space<hbm>>) dst(%arg5 : memref<2560xf32, #tpu.memory_space<vmem>>)
      tpu.yield
    }) : () -> ()
    %scan3A_24 = arith.constant 0 : i32
    %scan3A_25 = arith.constant 0 : i32
    %scan3A_26 = arith.constant 160 : i32
    %scan3A_27 = arith.addi %scan3A_25, %scan3A_26 : i32
    %scan3A_28 = arith.constant 1 : i32
    scf.for %scan3A_226 = %scan3A_25 to %scan3A_27 step %scan3A_28  : i32 {
      %mul3A_227 = arith.constant 16 : i32
      %mul3A_228 = arith.muli %scan3A_226, %mul3A_227 : i32
      %get3A = arith.index_cast %mul3A_228 : i32 to index
      %get3A_229 = tpu.vector_load %arg4[%get3A] {strides = array<i32>} : memref<2560xf32, #tpu.memory_space<vmem>>, vector<16xf32>,
      %get3A_230 = vector.shape_cast %get3A_229 : vector<16xf32> to vector<16xf32>
      %mul3A_231 = arith.constant 16 : i32
      %mul3A_232 = arith.muli %scan3A_226, %mul3A_231 : i32
      %get3A_233 = arith.index_cast %mul3A_232 : i32 to index
      %get3A_234 = tpu.vector_load %arg5[%get3A_233] {strides = array<i32>} : memref<2560xf32, #tpu.memory_space<vmem>>, vector<16xf32>,
      %get3A_235 = vector.shape_cast %get3A_234 : vector<16xf32> to vector<16xf32>
      %add3A_236 = arith.addf %get3A_230, %get3A_235 : vector<16xf32>
      %mul3A_237 = arith.constant 16 : i32
      %mul3A_238 = arith.muli %scan3A_226, %mul3A_237 : i32
      %swap3A = arith.index_cast %mul3A_238 : i32 to index
      %swap3A_239 = tpu.vector_load %arg4[%swap3A] {strides = array<i32>} : memref<2560xf32, #tpu.memory_space<vmem>>, vector<16xf32>,
      %swap3A_240 = vector.shape_cast %swap3A_239 : vector<16xf32> to vector<16xf32>
      %swap3A_241 = vector.shape_cast %add3A_236 : vector<16xf32> to vector<16xf32>
      tpu.vector_store %arg4[%swap3A], %swap3A_241 {strides = array<i32>} : memref<2560xf32, #tpu.memory_space<vmem>>, vector<16xf32>,
    }
    %scan3A_29 = arith.constant 160 : i32
    %run_scoped3A_30 = arith.constant 5 : i32
    "tpu.region"() ({
      %run_scoped3A_226 = tpu.sem_alloc : memref<!tpu.dma_semaphore, #tpu.memory_space<semaphore_mem>>
      %dma_start3A = tpu.memref_slice %arg2[%run_scoped3A_30, %mul3A_2] : memref<32x81920xf32, #tpu.memory_space<hbm>> -> memref<1x2560xf32, #tpu.memory_space<hbm>>
      %dma_start3A_227 = tpu.memref_squeeze %dma_start3A : memref<1x2560xf32, #tpu.memory_space<hbm>> -> memref<2560xf32, #tpu.memory_space<hbm>>
      %dma_start3A_228 = tpu.memref_slice %arg2[%run_scoped3A_30, %mul3A_2] : memref<32x81920xf32, #tpu.memory_space<hbm>> -> memref<1x2560xf32, #tpu.memory_space<hbm>>
      %dma_start3A_229 = tpu.memref_squeeze %dma_start3A_228 : memref<1x2560xf32, #tpu.memory_space<hbm>> -> memref<2560xf32, #tpu.memory_space<hbm>>
      tpu.enqueue_dma source(%dma_start3A_229 : memref<2560xf32, #tpu.memory_space<hbm>>) target(%arg5 : memref<2560xf32, #tpu.memory_space<vmem>>) target_semaphore(%run_scoped3A_226 : memref<!tpu.dma_semaphore, #tpu.memory_space<semaphore_mem>>)
      %dma_wait3A = tpu.memref_slice %arg2[%run_scoped3A_30, %mul3A_2] : memref<32x81920xf32, #tpu.memory_space<hbm>> -> memref<1x2560xf32, #tpu.memory_space<hbm>>
      %dma_wait3A_230 = tpu.memref_squeeze %dma_wait3A : memref<1x2560xf32, #tpu.memory_space<hbm>> -> memref<2560xf32, #tpu.memory_space<hbm>>
      %dma_wait3A_231 = tpu.memref_slice %arg2[%run_scoped3A_30, %mul3A_2] : memref<32x81920xf32, #tpu.memory_space<hbm>> -> memref<1x2560xf32, #tpu.memory_space<hbm>>
      %dma_wait3A_232 = tpu.memref_squeeze %dma_wait3A_231 : memref<1x2560xf32, #tpu.memory_space<hbm>> -> memref<2560xf32, #tpu.memory_space<hbm>>
      tpu.wait_dma2 semaphore(%run_scoped3A_226 : memref<!tpu.dma_semaphore, #tpu.memory_space<semaphore_mem>>) src(%dma_wait3A_232 : memref<2560xf32, #tpu.memory_space<hbm>>) dst(%arg5 : memref<2560xf32, #tpu.memory_space<vmem>>)
      tpu.yield
    }) : () -> ()
    %scan3A_31 = arith.constant 0 : i32
    %scan3A_32 = arith.constant 0 : i32
    %scan3A_33 = arith.constant 160 : i32
    %scan3A_34 = arith.addi %scan3A_32, %scan3A_33 : i32
    %scan3A_35 = arith.constant 1 : i32
    scf.for %scan3A_226 = %scan3A_32 to %scan3A_34 step %scan3A_35  : i32 {
      %mul3A_227 = arith.constant 16 : i32
      %mul3A_228 = arith.muli %scan3A_226, %mul3A_227 : i32
      %get3A = arith.index_cast %mul3A_228 : i32 to index
      %get3A_229 = tpu.vector_load %arg4[%get3A] {strides = array<i32>} : memref<2560xf32, #tpu.memory_space<vmem>>, vector<16xf32>,
      %get3A_230 = vector.shape_cast %get3A_229 : vector<16xf32> to vector<16xf32>
      %mul3A_231 = arith.constant 16 : i32
      %mul3A_232 = arith.muli %scan3A_226, %mul3A_231 : i32
      %get3A_233 = arith.index_cast %mul3A_232 : i32 to index
      %get3A_234 = tpu.vector_load %arg5[%get3A_233] {strides = array<i32>} : memref<2560xf32, #tpu.memory_space<vmem>>, vector<16xf32>,
      %get3A_235 = vector.shape_cast %get3A_234 : vector<16xf32> to vector<16xf32>
      %add3A_236 = arith.addf %get3A_230, %get3A_235 : vector<16xf32>
      %mul3A_237 = arith.constant 16 : i32
      %mul3A_238 = arith.muli %scan3A_226, %mul3A_237 : i32
      %swap3A = arith.index_cast %mul3A_238 : i32 to index
      %swap3A_239 = tpu.vector_load %arg4[%swap3A] {strides = array<i32>} : memref<2560xf32, #tpu.memory_space<vmem>>, vector<16xf32>,
      %swap3A_240 = vector.shape_cast %swap3A_239 : vector<16xf32> to vector<16xf32>
      %swap3A_241 = vector.shape_cast %add3A_236 : vector<16xf32> to vector<16xf32>
      tpu.vector_store %arg4[%swap3A], %swap3A_241 {strides = array<i32>} : memref<2560xf32, #tpu.memory_space<vmem>>, vector<16xf32>,
    }
    %scan3A_36 = arith.constant 160 : i32
    %run_scoped3A_37 = arith.constant 6 : i32
    "tpu.region"() ({
      %run_scoped3A_226 = tpu.sem_alloc : memref<!tpu.dma_semaphore, #tpu.memory_space<semaphore_mem>>
      %dma_start3A = tpu.memref_slice %arg2[%run_scoped3A_37, %mul3A_2] : memref<32x81920xf32, #tpu.memory_space<hbm>> -> memref<1x2560xf32, #tpu.memory_space<hbm>>
      %dma_start3A_227 = tpu.memref_squeeze %dma_start3A : memref<1x2560xf32, #tpu.memory_space<hbm>> -> memref<2560xf32, #tpu.memory_space<hbm>>
      %dma_start3A_228 = tpu.memref_slice %arg2[%run_scoped3A_37, %mul3A_2] : memref<32x81920xf32, #tpu.memory_space<hbm>> -> memref<1x2560xf32, #tpu.memory_space<hbm>>
      %dma_start3A_229 = tpu.memref_squeeze %dma_start3A_228 : memref<1x2560xf32, #tpu.memory_space<hbm>> -> memref<2560xf32, #tpu.memory_space<hbm>>
      tpu.enqueue_dma source(%dma_start3A_229 : memref<2560xf32, #tpu.memory_space<hbm>>) target(%arg5 : memref<2560xf32, #tpu.memory_space<vmem>>) target_semaphore(%run_scoped3A_226 : memref<!tpu.dma_semaphore, #tpu.memory_space<semaphore_mem>>)
      %dma_wait3A = tpu.memref_slice %arg2[%run_scoped3A_37, %mul3A_2] : memref<32x81920xf32, #tpu.memory_space<hbm>> -> memref<1x2560xf32, #tpu.memory_space<hbm>>
      %dma_wait3A_230 = tpu.memref_squeeze %dma_wait3A : memref<1x2560xf32, #tpu.memory_space<hbm>> -> memref<2560xf32, #tpu.memory_space<hbm>>
      %dma_wait3A_231 = tpu.memref_slice %arg2[%run_scoped3A_37, %mul3A_2] : memref<32x81920xf32, #tpu.memory_space<hbm>> -> memref<1x2560xf32, #tpu.memory_space<hbm>>
      %dma_wait3A_232 = tpu.memref_squeeze %dma_wait3A_231 : memref<1x2560xf32, #tpu.memory_space<hbm>> -> memref<2560xf32, #tpu.memory_space<hbm>>
      tpu.wait_dma2 semaphore(%run_scoped3A_226 : memref<!tpu.dma_semaphore, #tpu.memory_space<semaphore_mem>>) src(%dma_wait3A_232 : memref<2560xf32, #tpu.memory_space<hbm>>) dst(%arg5 : memref<2560xf32, #tpu.memory_space<vmem>>)
      tpu.yield
    }) : () -> ()
    %scan3A_38 = arith.constant 0 : i32
    %scan3A_39 = arith.constant 0 : i32
    %scan3A_40 = arith.constant 160 : i32
    %scan3A_41 = arith.addi %scan3A_39, %scan3A_40 : i32
    %scan3A_42 = arith.constant 1 : i32
    scf.for %scan3A_226 = %scan3A_39 to %scan3A_41 step %scan3A_42  : i32 {
      %mul3A_227 = arith.constant 16 : i32
      %mul3A_228 = arith.muli %scan3A_226, %mul3A_227 : i32
      %get3A = arith.index_cast %mul3A_228 : i32 to index
      %get3A_229 = tpu.vector_load %arg4[%get3A] {strides = array<i32>} : memref<2560xf32, #tpu.memory_space<vmem>>, vector<16xf32>,
      %get3A_230 = vector.shape_cast %get3A_229 : vector<16xf32> to vector<16xf32>
      %mul3A_231 = arith.constant 16 : i32
      %mul3A_232 = arith.muli %scan3A_226, %mul3A_231 : i32
      %get3A_233 = arith.index_cast %mul3A_232 : i32 to index
      %get3A_234 = tpu.vector_load %arg5[%get3A_233] {strides = array<i32>} : memref<2560xf32, #tpu.memory_space<vmem>>, vector<16xf32>,
      %get3A_235 = vector.shape_cast %get3A_234 : vector<16xf32> to vector<16xf32>
      %add3A_236 = arith.addf %get3A_230, %get3A_235 : vector<16xf32>
      %mul3A_237 = arith.constant 16 : i32
      %mul3A_238 = arith.muli %scan3A_226, %mul3A_237 : i32
      %swap3A = arith.index_cast %mul3A_238 : i32 to index
      %swap3A_239 = tpu.vector_load %arg4[%swap3A] {strides = array<i32>} : memref<2560xf32, #tpu.memory_space<vmem>>, vector<16xf32>,
      %swap3A_240 = vector.shape_cast %swap3A_239 : vector<16xf32> to vector<16xf32>
      %swap3A_241 = vector.shape_cast %add3A_236 : vector<16xf32> to vector<16xf32>
      tpu.vector_store %arg4[%swap3A], %swap3A_241 {strides = array<i32>} : memref<2560xf32, #tpu.memory_space<vmem>>, vector<16xf32>,
    }
    %scan3A_43 = arith.constant 160 : i32
    %run_scoped3A_44 = arith.constant 7 : i32
    "tpu.region"() ({
      %run_scoped3A_226 = tpu.sem_alloc : memref<!tpu.dma_semaphore, #tpu.memory_space<semaphore_mem>>
      %dma_start3A = tpu.memref_slice %arg2[%run_scoped3A_44, %mul3A_2] : memref<32x81920xf32, #tpu.memory_space<hbm>> -> memref<1x2560xf32, #tpu.memory_space<hbm>>
      %dma_start3A_227 = tpu.memref_squeeze %dma_start3A : memref<1x2560xf32, #tpu.memory_space<hbm>> -> memref<2560xf32, #tpu.memory_space<hbm>>
      %dma_start3A_228 = tpu.memref_slice %arg2[%run_scoped3A_44, %mul3A_2] : memref<32x81920xf32, #tpu.memory_space<hbm>> -> memref<1x2560xf32, #tpu.memory_space<hbm>>
      %dma_start3A_229 = tpu.memref_squeeze %dma_start3A_228 : memref<1x2560xf32, #tpu.memory_space<hbm>> -> memref<2560xf32, #tpu.memory_space<hbm>>
      tpu.enqueue_dma source(%dma_start3A_229 : memref<2560xf32, #tpu.memory_space<hbm>>) target(%arg5 : memref<2560xf32, #tpu.memory_space<vmem>>) target_semaphore(%run_scoped3A_226 : memref<!tpu.dma_semaphore, #tpu.memory_space<semaphore_mem>>)
      %dma_wait3A = tpu.memref_slice %arg2[%run_scoped3A_44, %mul3A_2] : memref<32x81920xf32, #tpu.memory_space<hbm>> -> memref<1x2560xf32, #tpu.memory_space<hbm>>
      %dma_wait3A_230 = tpu.memref_squeeze %dma_wait3A : memref<1x2560xf32, #tpu.memory_space<hbm>> -> memref<2560xf32, #tpu.memory_space<hbm>>
      %dma_wait3A_231 = tpu.memref_slice %arg2[%run_scoped3A_44, %mul3A_2] : memref<32x81920xf32, #tpu.memory_space<hbm>> -> memref<1x2560xf32, #tpu.memory_space<hbm>>
      %dma_wait3A_232 = tpu.memref_squeeze %dma_wait3A_231 : memref<1x2560xf32, #tpu.memory_space<hbm>> -> memref<2560xf32, #tpu.memory_space<hbm>>
      tpu.wait_dma2 semaphore(%run_scoped3A_226 : memref<!tpu.dma_semaphore, #tpu.memory_space<semaphore_mem>>) src(%dma_wait3A_232 : memref<2560xf32, #tpu.memory_space<hbm>>) dst(%arg5 : memref<2560xf32, #tpu.memory_space<vmem>>)
      tpu.yield
    }) : () -> ()
    %scan3A_45 = arith.constant 0 : i32
    %scan3A_46 = arith.constant 0 : i32
    %scan3A_47 = arith.constant 160 : i32
    %scan3A_48 = arith.addi %scan3A_46, %scan3A_47 : i32
    %scan3A_49 = arith.constant 1 : i32
    scf.for %scan3A_226 = %scan3A_46 to %scan3A_48 step %scan3A_49  : i32 {
      %mul3A_227 = arith.constant 16 : i32
      %mul3A_228 = arith.muli %scan3A_226, %mul3A_227 : i32
      %get3A = arith.index_cast %mul3A_228 : i32 to index
      %get3A_229 = tpu.vector_load %arg4[%get3A] {strides = array<i32>} : memref<2560xf32, #tpu.memory_space<vmem>>, vector<16xf32>,
      %get3A_230 = vector.shape_cast %get3A_229 : vector<16xf32> to vector<16xf32>
      %mul3A_231 = arith.constant 16 : i32
      %mul3A_232 = arith.muli %scan3A_226, %mul3A_231 : i32
      %get3A_233 = arith.index_cast %mul3A_232 : i32 to index
      %get3A_234 = tpu.vector_load %arg5[%get3A_233] {strides = array<i32>} : memref<2560xf32, #tpu.memory_space<vmem>>, vector<16xf32>,
      %get3A_235 = vector.shape_cast %get3A_234 : vector<16xf32> to vector<16xf32>
      %add3A_236 = arith.addf %get3A_230, %get3A_235 : vector<16xf32>
      %mul3A_237 = arith.constant 16 : i32
      %mul3A_238 = arith.muli %scan3A_226, %mul3A_237 : i32
      %swap3A = arith.index_cast %mul3A_238 : i32 to index
      %swap3A_239 = tpu.vector_load %arg4[%swap3A] {strides = array<i32>} : memref<2560xf32, #tpu.memory_space<vmem>>, vector<16xf32>,
      %swap3A_240 = vector.shape_cast %swap3A_239 : vector<16xf32> to vector<16xf32>
      %swap3A_241 = vector.shape_cast %add3A_236 : vector<16xf32> to vector<16xf32>
      tpu.vector_store %arg4[%swap3A], %swap3A_241 {strides = array<i32>} : memref<2560xf32, #tpu.memory_space<vmem>>, vector<16xf32>,
    }
    %scan3A_50 = arith.constant 160 : i32
    %run_scoped3A_51 = arith.constant 8 : i32
    "tpu.region"() ({
      %run_scoped3A_226 = tpu.sem_alloc : memref<!tpu.dma_semaphore, #tpu.memory_space<semaphore_mem>>
      %dma_start3A = tpu.memref_slice %arg2[%run_scoped3A_51, %mul3A_2] : memref<32x81920xf32, #tpu.memory_space<hbm>> -> memref<1x2560xf32, #tpu.memory_space<hbm>>
      %dma_start3A_227 = tpu.memref_squeeze %dma_start3A : memref<1x2560xf32, #tpu.memory_space<hbm>> -> memref<2560xf32, #tpu.memory_space<hbm>>
      %dma_start3A_228 = tpu.memref_slice %arg2[%run_scoped3A_51, %mul3A_2] : memref<32x81920xf32, #tpu.memory_space<hbm>> -> memref<1x2560xf32, #tpu.memory_space<hbm>>
      %dma_start3A_229 = tpu.memref_squeeze %dma_start3A_228 : memref<1x2560xf32, #tpu.memory_space<hbm>> -> memref<2560xf32, #tpu.memory_space<hbm>>
      tpu.enqueue_dma source(%dma_start3A_229 : memref<2560xf32, #tpu.memory_space<hbm>>) target(%arg5 : memref<2560xf32, #tpu.memory_space<vmem>>) target_semaphore(%run_scoped3A_226 : memref<!tpu.dma_semaphore, #tpu.memory_space<semaphore_mem>>)
      %dma_wait3A = tpu.memref_slice %arg2[%run_scoped3A_51, %mul3A_2] : memref<32x81920xf32, #tpu.memory_space<hbm>> -> memref<1x2560xf32, #tpu.memory_space<hbm>>
      %dma_wait3A_230 = tpu.memref_squeeze %dma_wait3A : memref<1x2560xf32, #tpu.memory_space<hbm>> -> memref<2560xf32, #tpu.memory_space<hbm>>
      %dma_wait3A_231 = tpu.memref_slice %arg2[%run_scoped3A_51, %mul3A_2] : memref<32x81920xf32, #tpu.memory_space<hbm>> -> memref<1x2560xf32, #tpu.memory_space<hbm>>
      %dma_wait3A_232 = tpu.memref_squeeze %dma_wait3A_231 : memref<1x2560xf32, #tpu.memory_space<hbm>> -> memref<2560xf32, #tpu.memory_space<hbm>>
      tpu.wait_dma2 semaphore(%run_scoped3A_226 : memref<!tpu.dma_semaphore, #tpu.memory_space<semaphore_mem>>) src(%dma_wait3A_232 : memref<2560xf32, #tpu.memory_space<hbm>>) dst(%arg5 : memref<2560xf32, #tpu.memory_space<vmem>>)
      tpu.yield
    }) : () -> ()
    %scan3A_52 = arith.constant 0 : i32
    %scan3A_53 = arith.constant 0 : i32
    %scan3A_54 = arith.constant 160 : i32
    %scan3A_55 = arith.addi %scan3A_53, %scan3A_54 : i32
    %scan3A_56 = arith.constant 1 : i32
    scf.for %scan3A_226 = %scan3A_53 to %scan3A_55 step %scan3A_56  : i32 {
      %mul3A_227 = arith.constant 16 : i32
      %mul3A_228 = arith.muli %scan3A_226, %mul3A_227 : i32
      %get3A = arith.index_cast %mul3A_228 : i32 to index
      %get3A_229 = tpu.vector_load %arg4[%get3A] {strides = array<i32>} : memref<2560xf32, #tpu.memory_space<vmem>>, vector<16xf32>,
      %get3A_230 = vector.shape_cast %get3A_229 : vector<16xf32> to vector<16xf32>
      %mul3A_231 = arith.constant 16 : i32
      %mul3A_232 = arith.muli %scan3A_226, %mul3A_231 : i32
      %get3A_233 = arith.index_cast %mul3A_232 : i32 to index
      %get3A_234 = tpu.vector_load %arg5[%get3A_233] {strides = array<i32>} : memref<2560xf32, #tpu.memory_space<vmem>>, vector<16xf32>,
      %get3A_235 = vector.shape_cast %get3A_234 : vector<16xf32> to vector<16xf32>
      %add3A_236 = arith.addf %get3A_230, %get3A_235 : vector<16xf32>
      %mul3A_237 = arith.constant 16 : i32
      %mul3A_238 = arith.muli %scan3A_226, %mul3A_237 : i32
      %swap3A = arith.index_cast %mul3A_238 : i32 to index
      %swap3A_239 = tpu.vector_load %arg4[%swap3A] {strides = array<i32>} : memref<2560xf32, #tpu.memory_space<vmem>>, vector<16xf32>,
      %swap3A_240 = vector.shape_cast %swap3A_239 : vector<16xf32> to vector<16xf32>
      %swap3A_241 = vector.shape_cast %add3A_236 : vector<16xf32> to vector<16xf32>
      tpu.vector_store %arg4[%swap3A], %swap3A_241 {strides = array<i32>} : memref<2560xf32, #tpu.memory_space<vmem>>, vector<16xf32>,
    }
    %scan3A_57 = arith.constant 160 : i32
    %run_scoped3A_58 = arith.constant 9 : i32
    "tpu.region"() ({
      %run_scoped3A_226 = tpu.sem_alloc : memref<!tpu.dma_semaphore, #tpu.memory_space<semaphore_mem>>
      %dma_start3A = tpu.memref_slice %arg2[%run_scoped3A_58, %mul3A_2] : memref<32x81920xf32, #tpu.memory_space<hbm>> -> memref<1x2560xf32, #tpu.memory_space<hbm>>
      %dma_start3A_227 = tpu.memref_squeeze %dma_start3A : memref<1x2560xf32, #tpu.memory_space<hbm>> -> memref<2560xf32, #tpu.memory_space<hbm>>
      %dma_start3A_228 = tpu.memref_slice %arg2[%run_scoped3A_58, %mul3A_2] : memref<32x81920xf32, #tpu.memory_space<hbm>> -> memref<1x2560xf32, #tpu.memory_space<hbm>>
      %dma_start3A_229 = tpu.memref_squeeze %dma_start3A_228 : memref<1x2560xf32, #tpu.memory_space<hbm>> -> memref<2560xf32, #tpu.memory_space<hbm>>
      tpu.enqueue_dma source(%dma_start3A_229 : memref<2560xf32, #tpu.memory_space<hbm>>) target(%arg5 : memref<2560xf32, #tpu.memory_space<vmem>>) target_semaphore(%run_scoped3A_226 : memref<!tpu.dma_semaphore, #tpu.memory_space<semaphore_mem>>)
      %dma_wait3A = tpu.memref_slice %arg2[%run_scoped3A_58, %mul3A_2] : memref<32x81920xf32, #tpu.memory_space<hbm>> -> memref<1x2560xf32, #tpu.memory_space<hbm>>
      %dma_wait3A_230 = tpu.memref_squeeze %dma_wait3A : memref<1x2560xf32, #tpu.memory_space<hbm>> -> memref<2560xf32, #tpu.memory_space<hbm>>
      %dma_wait3A_231 = tpu.memref_slice %arg2[%run_scoped3A_58, %mul3A_2] : memref<32x81920xf32, #tpu.memory_space<hbm>> -> memref<1x2560xf32, #tpu.memory_space<hbm>>
      %dma_wait3A_232 = tpu.memref_squeeze %dma_wait3A_231 : memref<1x2560xf32, #tpu.memory_space<hbm>> -> memref<2560xf32, #tpu.memory_space<hbm>>
      tpu.wait_dma2 semaphore(%run_scoped3A_226 : memref<!tpu.dma_semaphore, #tpu.memory_space<semaphore_mem>>) src(%dma_wait3A_232 : memref<2560xf32, #tpu.memory_space<hbm>>) dst(%arg5 : memref<2560xf32, #tpu.memory_space<vmem>>)
      tpu.yield
    }) : () -> ()
    %scan3A_59 = arith.constant 0 : i32
    %scan3A_60 = arith.constant 0 : i32
    %scan3A_61 = arith.constant 160 : i32
    %scan3A_62 = arith.addi %scan3A_60, %scan3A_61 : i32
    %scan3A_63 = arith.constant 1 : i32
    scf.for %scan3A_226 = %scan3A_60 to %scan3A_62 step %scan3A_63  : i32 {
      %mul3A_227 = arith.constant 16 : i32
      %mul3A_228 = arith.muli %scan3A_226, %mul3A_227 : i32
      %get3A = arith.index_cast %mul3A_228 : i32 to index
      %get3A_229 = tpu.vector_load %arg4[%get3A] {strides = array<i32>} : memref<2560xf32, #tpu.memory_space<vmem>>, vector<16xf32>,
      %get3A_230 = vector.shape_cast %get3A_229 : vector<16xf32> to vector<16xf32>
      %mul3A_231 = arith.constant 16 : i32
      %mul3A_232 = arith.muli %scan3A_226, %mul3A_231 : i32
      %get3A_233 = arith.index_cast %mul3A_232 : i32 to index
      %get3A_234 = tpu.vector_load %arg5[%get3A_233] {strides = array<i32>} : memref<2560xf32, #tpu.memory_space<vmem>>, vector<16xf32>,
      %get3A_235 = vector.shape_cast %get3A_234 : vector<16xf32> to vector<16xf32>
      %add3A_236 = arith.addf %get3A_230, %get3A_235 : vector<16xf32>
      %mul3A_237 = arith.constant 16 : i32
      %mul3A_238 = arith.muli %scan3A_226, %mul3A_237 : i32
      %swap3A = arith.index_cast %mul3A_238 : i32 to index
      %swap3A_239 = tpu.vector_load %arg4[%swap3A] {strides = array<i32>} : memref<2560xf32, #tpu.memory_space<vmem>>, vector<16xf32>,
      %swap3A_240 = vector.shape_cast %swap3A_239 : vector<16xf32> to vector<16xf32>
      %swap3A_241 = vector.shape_cast %add3A_236 : vector<16xf32> to vector<16xf32>
      tpu.vector_store %arg4[%swap3A], %swap3A_241 {strides = array<i32>} : memref<2560xf32, #tpu.memory_space<vmem>>, vector<16xf32>,
    }
    %scan3A_64 = arith.constant 160 : i32
    %run_scoped3A_65 = arith.constant 10 : i32
    "tpu.region"() ({
      %run_scoped3A_226 = tpu.sem_alloc : memref<!tpu.dma_semaphore, #tpu.memory_space<semaphore_mem>>
      %dma_start3A = tpu.memref_slice %arg2[%run_scoped3A_65, %mul3A_2] : memref<32x81920xf32, #tpu.memory_space<hbm>> -> memref<1x2560xf32, #tpu.memory_space<hbm>>
      %dma_start3A_227 = tpu.memref_squeeze %dma_start3A : memref<1x2560xf32, #tpu.memory_space<hbm>> -> memref<2560xf32, #tpu.memory_space<hbm>>
      %dma_start3A_228 = tpu.memref_slice %arg2[%run_scoped3A_65, %mul3A_2] : memref<32x81920xf32, #tpu.memory_space<hbm>> -> memref<1x2560xf32, #tpu.memory_space<hbm>>
      %dma_start3A_229 = tpu.memref_squeeze %dma_start3A_228 : memref<1x2560xf32, #tpu.memory_space<hbm>> -> memref<2560xf32, #tpu.memory_space<hbm>>
      tpu.enqueue_dma source(%dma_start3A_229 : memref<2560xf32, #tpu.memory_space<hbm>>) target(%arg5 : memref<2560xf32, #tpu.memory_space<vmem>>) target_semaphore(%run_scoped3A_226 : memref<!tpu.dma_semaphore, #tpu.memory_space<semaphore_mem>>)
      %dma_wait3A = tpu.memref_slice %arg2[%run_scoped3A_65, %mul3A_2] : memref<32x81920xf32, #tpu.memory_space<hbm>> -> memref<1x2560xf32, #tpu.memory_space<hbm>>
      %dma_wait3A_230 = tpu.memref_squeeze %dma_wait3A : memref<1x2560xf32, #tpu.memory_space<hbm>> -> memref<2560xf32, #tpu.memory_space<hbm>>
      %dma_wait3A_231 = tpu.memref_slice %arg2[%run_scoped3A_65, %mul3A_2] : memref<32x81920xf32, #tpu.memory_space<hbm>> -> memref<1x2560xf32, #tpu.memory_space<hbm>>
      %dma_wait3A_232 = tpu.memref_squeeze %dma_wait3A_231 : memref<1x2560xf32, #tpu.memory_space<hbm>> -> memref<2560xf32, #tpu.memory_space<hbm>>
      tpu.wait_dma2 semaphore(%run_scoped3A_226 : memref<!tpu.dma_semaphore, #tpu.memory_space<semaphore_mem>>) src(%dma_wait3A_232 : memref<2560xf32, #tpu.memory_space<hbm>>) dst(%arg5 : memref<2560xf32, #tpu.memory_space<vmem>>)
      tpu.yield
    }) : () -> ()
    %scan3A_66 = arith.constant 0 : i32
    %scan3A_67 = arith.constant 0 : i32
    %scan3A_68 = arith.constant 160 : i32
    %scan3A_69 = arith.addi %scan3A_67, %scan3A_68 : i32
    %scan3A_70 = arith.constant 1 : i32
    scf.for %scan3A_226 = %scan3A_67 to %scan3A_69 step %scan3A_70  : i32 {
      %mul3A_227 = arith.constant 16 : i32
      %mul3A_228 = arith.muli %scan3A_226, %mul3A_227 : i32
      %get3A = arith.index_cast %mul3A_228 : i32 to index
      %get3A_229 = tpu.vector_load %arg4[%get3A] {strides = array<i32>} : memref<2560xf32, #tpu.memory_space<vmem>>, vector<16xf32>,
      %get3A_230 = vector.shape_cast %get3A_229 : vector<16xf32> to vector<16xf32>
      %mul3A_231 = arith.constant 16 : i32
      %mul3A_232 = arith.muli %scan3A_226, %mul3A_231 : i32
      %get3A_233 = arith.index_cast %mul3A_232 : i32 to index
      %get3A_234 = tpu.vector_load %arg5[%get3A_233] {strides = array<i32>} : memref<2560xf32, #tpu.memory_space<vmem>>, vector<16xf32>,
      %get3A_235 = vector.shape_cast %get3A_234 : vector<16xf32> to vector<16xf32>
      %add3A_236 = arith.addf %get3A_230, %get3A_235 : vector<16xf32>
      %mul3A_237 = arith.constant 16 : i32
      %mul3A_238 = arith.muli %scan3A_226, %mul3A_237 : i32
      %swap3A = arith.index_cast %mul3A_238 : i32 to index
      %swap3A_239 = tpu.vector_load %arg4[%swap3A] {strides = array<i32>} : memref<2560xf32, #tpu.memory_space<vmem>>, vector<16xf32>,
      %swap3A_240 = vector.shape_cast %swap3A_239 : vector<16xf32> to vector<16xf32>
      %swap3A_241 = vector.shape_cast %add3A_236 : vector<16xf32> to vector<16xf32>
      tpu.vector_store %arg4[%swap3A], %swap3A_241 {strides = array<i32>} : memref<2560xf32, #tpu.memory_space<vmem>>, vector<16xf32>,
    }
    %scan3A_71 = arith.constant 160 : i32
    %run_scoped3A_72 = arith.constant 11 : i32
    "tpu.region"() ({
      %run_scoped3A_226 = tpu.sem_alloc : memref<!tpu.dma_semaphore, #tpu.memory_space<semaphore_mem>>
      %dma_start3A = tpu.memref_slice %arg2[%run_scoped3A_72, %mul3A_2] : memref<32x81920xf32, #tpu.memory_space<hbm>> -> memref<1x2560xf32, #tpu.memory_space<hbm>>
      %dma_start3A_227 = tpu.memref_squeeze %dma_start3A : memref<1x2560xf32, #tpu.memory_space<hbm>> -> memref<2560xf32, #tpu.memory_space<hbm>>
      %dma_start3A_228 = tpu.memref_slice %arg2[%run_scoped3A_72, %mul3A_2] : memref<32x81920xf32, #tpu.memory_space<hbm>> -> memref<1x2560xf32, #tpu.memory_space<hbm>>
      %dma_start3A_229 = tpu.memref_squeeze %dma_start3A_228 : memref<1x2560xf32, #tpu.memory_space<hbm>> -> memref<2560xf32, #tpu.memory_space<hbm>>
      tpu.enqueue_dma source(%dma_start3A_229 : memref<2560xf32, #tpu.memory_space<hbm>>) target(%arg5 : memref<2560xf32, #tpu.memory_space<vmem>>) target_semaphore(%run_scoped3A_226 : memref<!tpu.dma_semaphore, #tpu.memory_space<semaphore_mem>>)
      %dma_wait3A = tpu.memref_slice %arg2[%run_scoped3A_72, %mul3A_2] : memref<32x81920xf32, #tpu.memory_space<hbm>> -> memref<1x2560xf32, #tpu.memory_space<hbm>>
      %dma_wait3A_230 = tpu.memref_squeeze %dma_wait3A : memref<1x2560xf32, #tpu.memory_space<hbm>> -> memref<2560xf32, #tpu.memory_space<hbm>>
      %dma_wait3A_231 = tpu.memref_slice %arg2[%run_scoped3A_72, %mul3A_2] : memref<32x81920xf32, #tpu.memory_space<hbm>> -> memref<1x2560xf32, #tpu.memory_space<hbm>>
      %dma_wait3A_232 = tpu.memref_squeeze %dma_wait3A_231 : memref<1x2560xf32, #tpu.memory_space<hbm>> -> memref<2560xf32, #tpu.memory_space<hbm>>
      tpu.wait_dma2 semaphore(%run_scoped3A_226 : memref<!tpu.dma_semaphore, #tpu.memory_space<semaphore_mem>>) src(%dma_wait3A_232 : memref<2560xf32, #tpu.memory_space<hbm>>) dst(%arg5 : memref<2560xf32, #tpu.memory_space<vmem>>)
      tpu.yield
    }) : () -> ()
    %scan3A_73 = arith.constant 0 : i32
    %scan3A_74 = arith.constant 0 : i32
    %scan3A_75 = arith.constant 160 : i32
    %scan3A_76 = arith.addi %scan3A_74, %scan3A_75 : i32
    %scan3A_77 = arith.constant 1 : i32
    scf.for %scan3A_226 = %scan3A_74 to %scan3A_76 step %scan3A_77  : i32 {
      %mul3A_227 = arith.constant 16 : i32
      %mul3A_228 = arith.muli %scan3A_226, %mul3A_227 : i32
      %get3A = arith.index_cast %mul3A_228 : i32 to index
      %get3A_229 = tpu.vector_load %arg4[%get3A] {strides = array<i32>} : memref<2560xf32, #tpu.memory_space<vmem>>, vector<16xf32>,
      %get3A_230 = vector.shape_cast %get3A_229 : vector<16xf32> to vector<16xf32>
      %mul3A_231 = arith.constant 16 : i32
      %mul3A_232 = arith.muli %scan3A_226, %mul3A_231 : i32
      %get3A_233 = arith.index_cast %mul3A_232 : i32 to index
      %get3A_234 = tpu.vector_load %arg5[%get3A_233] {strides = array<i32>} : memref<2560xf32, #tpu.memory_space<vmem>>, vector<16xf32>,
      %get3A_235 = vector.shape_cast %get3A_234 : vector<16xf32> to vector<16xf32>
      %add3A_236 = arith.addf %get3A_230, %get3A_235 : vector<16xf32>
      %mul3A_237 = arith.constant 16 : i32
      %mul3A_238 = arith.muli %scan3A_226, %mul3A_237 : i32
      %swap3A = arith.index_cast %mul3A_238 : i32 to index
      %swap3A_239 = tpu.vector_load %arg4[%swap3A] {strides = array<i32>} : memref<2560xf32, #tpu.memory_space<vmem>>, vector<16xf32>,
      %swap3A_240 = vector.shape_cast %swap3A_239 : vector<16xf32> to vector<16xf32>
      %swap3A_241 = vector.shape_cast %add3A_236 : vector<16xf32> to vector<16xf32>
      tpu.vector_store %arg4[%swap3A], %swap3A_241 {strides = array<i32>} : memref<2560xf32, #tpu.memory_space<vmem>>, vector<16xf32>,
    }
    %scan3A_78 = arith.constant 160 : i32
    %run_scoped3A_79 = arith.constant 12 : i32
    "tpu.region"() ({
      %run_scoped3A_226 = tpu.sem_alloc : memref<!tpu.dma_semaphore, #tpu.memory_space<semaphore_mem>>
      %dma_start3A = tpu.memref_slice %arg2[%run_scoped3A_79, %mul3A_2] : memref<32x81920xf32, #tpu.memory_space<hbm>> -> memref<1x2560xf32, #tpu.memory_space<hbm>>
      %dma_start3A_227 = tpu.memref_squeeze %dma_start3A : memref<1x2560xf32, #tpu.memory_space<hbm>> -> memref<2560xf32, #tpu.memory_space<hbm>>
      %dma_start3A_228 = tpu.memref_slice %arg2[%run_scoped3A_79, %mul3A_2] : memref<32x81920xf32, #tpu.memory_space<hbm>> -> memref<1x2560xf32, #tpu.memory_space<hbm>>
      %dma_start3A_229 = tpu.memref_squeeze %dma_start3A_228 : memref<1x2560xf32, #tpu.memory_space<hbm>> -> memref<2560xf32, #tpu.memory_space<hbm>>
      tpu.enqueue_dma source(%dma_start3A_229 : memref<2560xf32, #tpu.memory_space<hbm>>) target(%arg5 : memref<2560xf32, #tpu.memory_space<vmem>>) target_semaphore(%run_scoped3A_226 : memref<!tpu.dma_semaphore, #tpu.memory_space<semaphore_mem>>)
      %dma_wait3A = tpu.memref_slice %arg2[%run_scoped3A_79, %mul3A_2] : memref<32x81920xf32, #tpu.memory_space<hbm>> -> memref<1x2560xf32, #tpu.memory_space<hbm>>
      %dma_wait3A_230 = tpu.memref_squeeze %dma_wait3A : memref<1x2560xf32, #tpu.memory_space<hbm>> -> memref<2560xf32, #tpu.memory_space<hbm>>
      %dma_wait3A_231 = tpu.memref_slice %arg2[%run_scoped3A_79, %mul3A_2] : memref<32x81920xf32, #tpu.memory_space<hbm>> -> memref<1x2560xf32, #tpu.memory_space<hbm>>
      %dma_wait3A_232 = tpu.memref_squeeze %dma_wait3A_231 : memref<1x2560xf32, #tpu.memory_space<hbm>> -> memref<2560xf32, #tpu.memory_space<hbm>>
      tpu.wait_dma2 semaphore(%run_scoped3A_226 : memref<!tpu.dma_semaphore, #tpu.memory_space<semaphore_mem>>) src(%dma_wait3A_232 : memref<2560xf32, #tpu.memory_space<hbm>>) dst(%arg5 : memref<2560xf32, #tpu.memory_space<vmem>>)
      tpu.yield
    }) : () -> ()
    %scan3A_80 = arith.constant 0 : i32
    %scan3A_81 = arith.constant 0 : i32
    %scan3A_82 = arith.constant 160 : i32
    %scan3A_83 = arith.addi %scan3A_81, %scan3A_82 : i32
    %scan3A_84 = arith.constant 1 : i32
    scf.for %scan3A_226 = %scan3A_81 to %scan3A_83 step %scan3A_84  : i32 {
      %mul3A_227 = arith.constant 16 : i32
      %mul3A_228 = arith.muli %scan3A_226, %mul3A_227 : i32
      %get3A = arith.index_cast %mul3A_228 : i32 to index
      %get3A_229 = tpu.vector_load %arg4[%get3A] {strides = array<i32>} : memref<2560xf32, #tpu.memory_space<vmem>>, vector<16xf32>,
      %get3A_230 = vector.shape_cast %get3A_229 : vector<16xf32> to vector<16xf32>
      %mul3A_231 = arith.constant 16 : i32
      %mul3A_232 = arith.muli %scan3A_226, %mul3A_231 : i32
      %get3A_233 = arith.index_cast %mul3A_232 : i32 to index
      %get3A_234 = tpu.vector_load %arg5[%get3A_233] {strides = array<i32>} : memref<2560xf32, #tpu.memory_space<vmem>>, vector<16xf32>,
      %get3A_235 = vector.shape_cast %get3A_234 : vector<16xf32> to vector<16xf32>
      %add3A_236 = arith.addf %get3A_230, %get3A_235 : vector<16xf32>
      %mul3A_237 = arith.constant 16 : i32
      %mul3A_238 = arith.muli %scan3A_226, %mul3A_237 : i32
      %swap3A = arith.index_cast %mul3A_238 : i32 to index
      %swap3A_239 = tpu.vector_load %arg4[%swap3A] {strides = array<i32>} : memref<2560xf32, #tpu.memory_space<vmem>>, vector<16xf32>,
      %swap3A_240 = vector.shape_cast %swap3A_239 : vector<16xf32> to vector<16xf32>
      %swap3A_241 = vector.shape_cast %add3A_236 : vector<16xf32> to vector<16xf32>
      tpu.vector_store %arg4[%swap3A], %swap3A_241 {strides = array<i32>} : memref<2560xf32, #tpu.memory_space<vmem>>, vector<16xf32>,
    }
    %scan3A_85 = arith.constant 160 : i32
    %run_scoped3A_86 = arith.constant 13 : i32
    "tpu.region"() ({
      %run_scoped3A_226 = tpu.sem_alloc : memref<!tpu.dma_semaphore, #tpu.memory_space<semaphore_mem>>
      %dma_start3A = tpu.memref_slice %arg2[%run_scoped3A_86, %mul3A_2] : memref<32x81920xf32, #tpu.memory_space<hbm>> -> memref<1x2560xf32, #tpu.memory_space<hbm>>
      %dma_start3A_227 = tpu.memref_squeeze %dma_start3A : memref<1x2560xf32, #tpu.memory_space<hbm>> -> memref<2560xf32, #tpu.memory_space<hbm>>
      %dma_start3A_228 = tpu.memref_slice %arg2[%run_scoped3A_86, %mul3A_2] : memref<32x81920xf32, #tpu.memory_space<hbm>> -> memref<1x2560xf32, #tpu.memory_space<hbm>>
      %dma_start3A_229 = tpu.memref_squeeze %dma_start3A_228 : memref<1x2560xf32, #tpu.memory_space<hbm>> -> memref<2560xf32, #tpu.memory_space<hbm>>
      tpu.enqueue_dma source(%dma_start3A_229 : memref<2560xf32, #tpu.memory_space<hbm>>) target(%arg5 : memref<2560xf32, #tpu.memory_space<vmem>>) target_semaphore(%run_scoped3A_226 : memref<!tpu.dma_semaphore, #tpu.memory_space<semaphore_mem>>)
      %dma_wait3A = tpu.memref_slice %arg2[%run_scoped3A_86, %mul3A_2] : memref<32x81920xf32, #tpu.memory_space<hbm>> -> memref<1x2560xf32, #tpu.memory_space<hbm>>
      %dma_wait3A_230 = tpu.memref_squeeze %dma_wait3A : memref<1x2560xf32, #tpu.memory_space<hbm>> -> memref<2560xf32, #tpu.memory_space<hbm>>
      %dma_wait3A_231 = tpu.memref_slice %arg2[%run_scoped3A_86, %mul3A_2] : memref<32x81920xf32, #tpu.memory_space<hbm>> -> memref<1x2560xf32, #tpu.memory_space<hbm>>
      %dma_wait3A_232 = tpu.memref_squeeze %dma_wait3A_231 : memref<1x2560xf32, #tpu.memory_space<hbm>> -> memref<2560xf32, #tpu.memory_space<hbm>>
      tpu.wait_dma2 semaphore(%run_scoped3A_226 : memref<!tpu.dma_semaphore, #tpu.memory_space<semaphore_mem>>) src(%dma_wait3A_232 : memref<2560xf32, #tpu.memory_space<hbm>>) dst(%arg5 : memref<2560xf32, #tpu.memory_space<vmem>>)
      tpu.yield
    }) : () -> ()
    %scan3A_87 = arith.constant 0 : i32
    %scan3A_88 = arith.constant 0 : i32
    %scan3A_89 = arith.constant 160 : i32
    %scan3A_90 = arith.addi %scan3A_88, %scan3A_89 : i32
    %scan3A_91 = arith.constant 1 : i32
    scf.for %scan3A_226 = %scan3A_88 to %scan3A_90 step %scan3A_91  : i32 {
      %mul3A_227 = arith.constant 16 : i32
      %mul3A_228 = arith.muli %scan3A_226, %mul3A_227 : i32
      %get3A = arith.index_cast %mul3A_228 : i32 to index
      %get3A_229 = tpu.vector_load %arg4[%get3A] {strides = array<i32>} : memref<2560xf32, #tpu.memory_space<vmem>>, vector<16xf32>,
      %get3A_230 = vector.shape_cast %get3A_229 : vector<16xf32> to vector<16xf32>
      %mul3A_231 = arith.constant 16 : i32
      %mul3A_232 = arith.muli %scan3A_226, %mul3A_231 : i32
      %get3A_233 = arith.index_cast %mul3A_232 : i32 to index
      %get3A_234 = tpu.vector_load %arg5[%get3A_233] {strides = array<i32>} : memref<2560xf32, #tpu.memory_space<vmem>>, vector<16xf32>,
      %get3A_235 = vector.shape_cast %get3A_234 : vector<16xf32> to vector<16xf32>
      %add3A_236 = arith.addf %get3A_230, %get3A_235 : vector<16xf32>
      %mul3A_237 = arith.constant 16 : i32
      %mul3A_238 = arith.muli %scan3A_226, %mul3A_237 : i32
      %swap3A = arith.index_cast %mul3A_238 : i32 to index
      %swap3A_239 = tpu.vector_load %arg4[%swap3A] {strides = array<i32>} : memref<2560xf32, #tpu.memory_space<vmem>>, vector<16xf32>,
      %swap3A_240 = vector.shape_cast %swap3A_239 : vector<16xf32> to vector<16xf32>
      %swap3A_241 = vector.shape_cast %add3A_236 : vector<16xf32> to vector<16xf32>
      tpu.vector_store %arg4[%swap3A], %swap3A_241 {strides = array<i32>} : memref<2560xf32, #tpu.memory_space<vmem>>, vector<16xf32>,
    }
    %scan3A_92 = arith.constant 160 : i32
    %run_scoped3A_93 = arith.constant 14 : i32
    "tpu.region"() ({
      %run_scoped3A_226 = tpu.sem_alloc : memref<!tpu.dma_semaphore, #tpu.memory_space<semaphore_mem>>
      %dma_start3A = tpu.memref_slice %arg2[%run_scoped3A_93, %mul3A_2] : memref<32x81920xf32, #tpu.memory_space<hbm>> -> memref<1x2560xf32, #tpu.memory_space<hbm>>
      %dma_start3A_227 = tpu.memref_squeeze %dma_start3A : memref<1x2560xf32, #tpu.memory_space<hbm>> -> memref<2560xf32, #tpu.memory_space<hbm>>
      %dma_start3A_228 = tpu.memref_slice %arg2[%run_scoped3A_93, %mul3A_2] : memref<32x81920xf32, #tpu.memory_space<hbm>> -> memref<1x2560xf32, #tpu.memory_space<hbm>>
      %dma_start3A_229 = tpu.memref_squeeze %dma_start3A_228 : memref<1x2560xf32, #tpu.memory_space<hbm>> -> memref<2560xf32, #tpu.memory_space<hbm>>
      tpu.enqueue_dma source(%dma_start3A_229 : memref<2560xf32, #tpu.memory_space<hbm>>) target(%arg5 : memref<2560xf32, #tpu.memory_space<vmem>>) target_semaphore(%run_scoped3A_226 : memref<!tpu.dma_semaphore, #tpu.memory_space<semaphore_mem>>)
      %dma_wait3A = tpu.memref_slice %arg2[%run_scoped3A_93, %mul3A_2] : memref<32x81920xf32, #tpu.memory_space<hbm>> -> memref<1x2560xf32, #tpu.memory_space<hbm>>
      %dma_wait3A_230 = tpu.memref_squeeze %dma_wait3A : memref<1x2560xf32, #tpu.memory_space<hbm>> -> memref<2560xf32, #tpu.memory_space<hbm>>
      %dma_wait3A_231 = tpu.memref_slice %arg2[%run_scoped3A_93, %mul3A_2] : memref<32x81920xf32, #tpu.memory_space<hbm>> -> memref<1x2560xf32, #tpu.memory_space<hbm>>
      %dma_wait3A_232 = tpu.memref_squeeze %dma_wait3A_231 : memref<1x2560xf32, #tpu.memory_space<hbm>> -> memref<2560xf32, #tpu.memory_space<hbm>>
      tpu.wait_dma2 semaphore(%run_scoped3A_226 : memref<!tpu.dma_semaphore, #tpu.memory_space<semaphore_mem>>) src(%dma_wait3A_232 : memref<2560xf32, #tpu.memory_space<hbm>>) dst(%arg5 : memref<2560xf32, #tpu.memory_space<vmem>>)
      tpu.yield
    }) : () -> ()
    %scan3A_94 = arith.constant 0 : i32
    %scan3A_95 = arith.constant 0 : i32
    %scan3A_96 = arith.constant 160 : i32
    %scan3A_97 = arith.addi %scan3A_95, %scan3A_96 : i32
    %scan3A_98 = arith.constant 1 : i32
    scf.for %scan3A_226 = %scan3A_95 to %scan3A_97 step %scan3A_98  : i32 {
      %mul3A_227 = arith.constant 16 : i32
      %mul3A_228 = arith.muli %scan3A_226, %mul3A_227 : i32
      %get3A = arith.index_cast %mul3A_228 : i32 to index
      %get3A_229 = tpu.vector_load %arg4[%get3A] {strides = array<i32>} : memref<2560xf32, #tpu.memory_space<vmem>>, vector<16xf32>,
      %get3A_230 = vector.shape_cast %get3A_229 : vector<16xf32> to vector<16xf32>
      %mul3A_231 = arith.constant 16 : i32
      %mul3A_232 = arith.muli %scan3A_226, %mul3A_231 : i32
      %get3A_233 = arith.index_cast %mul3A_232 : i32 to index
      %get3A_234 = tpu.vector_load %arg5[%get3A_233] {strides = array<i32>} : memref<2560xf32, #tpu.memory_space<vmem>>, vector<16xf32>,
      %get3A_235 = vector.shape_cast %get3A_234 : vector<16xf32> to vector<16xf32>
      %add3A_236 = arith.addf %get3A_230, %get3A_235 : vector<16xf32>
      %mul3A_237 = arith.constant 16 : i32
      %mul3A_238 = arith.muli %scan3A_226, %mul3A_237 : i32
      %swap3A = arith.index_cast %mul3A_238 : i32 to index
      %swap3A_239 = tpu.vector_load %arg4[%swap3A] {strides = array<i32>} : memref<2560xf32, #tpu.memory_space<vmem>>, vector<16xf32>,
      %swap3A_240 = vector.shape_cast %swap3A_239 : vector<16xf32> to vector<16xf32>
      %swap3A_241 = vector.shape_cast %add3A_236 : vector<16xf32> to vector<16xf32>
      tpu.vector_store %arg4[%swap3A], %swap3A_241 {strides = array<i32>} : memref<2560xf32, #tpu.memory_space<vmem>>, vector<16xf32>,
    }
    %scan3A_99 = arith.constant 160 : i32
    %run_scoped3A_100 = arith.constant 15 : i32
    "tpu.region"() ({
      %run_scoped3A_226 = tpu.sem_alloc : memref<!tpu.dma_semaphore, #tpu.memory_space<semaphore_mem>>
      %dma_start3A = tpu.memref_slice %arg2[%run_scoped3A_100, %mul3A_2] : memref<32x81920xf32, #tpu.memory_space<hbm>> -> memref<1x2560xf32, #tpu.memory_space<hbm>>
      %dma_start3A_227 = tpu.memref_squeeze %dma_start3A : memref<1x2560xf32, #tpu.memory_space<hbm>> -> memref<2560xf32, #tpu.memory_space<hbm>>
      %dma_start3A_228 = tpu.memref_slice %arg2[%run_scoped3A_100, %mul3A_2] : memref<32x81920xf32, #tpu.memory_space<hbm>> -> memref<1x2560xf32, #tpu.memory_space<hbm>>
      %dma_start3A_229 = tpu.memref_squeeze %dma_start3A_228 : memref<1x2560xf32, #tpu.memory_space<hbm>> -> memref<2560xf32, #tpu.memory_space<hbm>>
      tpu.enqueue_dma source(%dma_start3A_229 : memref<2560xf32, #tpu.memory_space<hbm>>) target(%arg5 : memref<2560xf32, #tpu.memory_space<vmem>>) target_semaphore(%run_scoped3A_226 : memref<!tpu.dma_semaphore, #tpu.memory_space<semaphore_mem>>)
      %dma_wait3A = tpu.memref_slice %arg2[%run_scoped3A_100, %mul3A_2] : memref<32x81920xf32, #tpu.memory_space<hbm>> -> memref<1x2560xf32, #tpu.memory_space<hbm>>
      %dma_wait3A_230 = tpu.memref_squeeze %dma_wait3A : memref<1x2560xf32, #tpu.memory_space<hbm>> -> memref<2560xf32, #tpu.memory_space<hbm>>
      %dma_wait3A_231 = tpu.memref_slice %arg2[%run_scoped3A_100, %mul3A_2] : memref<32x81920xf32, #tpu.memory_space<hbm>> -> memref<1x2560xf32, #tpu.memory_space<hbm>>
      %dma_wait3A_232 = tpu.memref_squeeze %dma_wait3A_231 : memref<1x2560xf32, #tpu.memory_space<hbm>> -> memref<2560xf32, #tpu.memory_space<hbm>>
      tpu.wait_dma2 semaphore(%run_scoped3A_226 : memref<!tpu.dma_semaphore, #tpu.memory_space<semaphore_mem>>) src(%dma_wait3A_232 : memref<2560xf32, #tpu.memory_space<hbm>>) dst(%arg5 : memref<2560xf32, #tpu.memory_space<vmem>>)
      tpu.yield
    }) : () -> ()
    %scan3A_101 = arith.constant 0 : i32
    %scan3A_102 = arith.constant 0 : i32
    %scan3A_103 = arith.constant 160 : i32
    %scan3A_104 = arith.addi %scan3A_102, %scan3A_103 : i32
    %scan3A_105 = arith.constant 1 : i32
    scf.for %scan3A_226 = %scan3A_102 to %scan3A_104 step %scan3A_105  : i32 {
      %mul3A_227 = arith.constant 16 : i32
      %mul3A_228 = arith.muli %scan3A_226, %mul3A_227 : i32
      %get3A = arith.index_cast %mul3A_228 : i32 to index
      %get3A_229 = tpu.vector_load %arg4[%get3A] {strides = array<i32>} : memref<2560xf32, #tpu.memory_space<vmem>>, vector<16xf32>,
      %get3A_230 = vector.shape_cast %get3A_229 : vector<16xf32> to vector<16xf32>
      %mul3A_231 = arith.constant 16 : i32
      %mul3A_232 = arith.muli %scan3A_226, %mul3A_231 : i32
      %get3A_233 = arith.index_cast %mul3A_232 : i32 to index
      %get3A_234 = tpu.vector_load %arg5[%get3A_233] {strides = array<i32>} : memref<2560xf32, #tpu.memory_space<vmem>>, vector<16xf32>,
      %get3A_235 = vector.shape_cast %get3A_234 : vector<16xf32> to vector<16xf32>
      %add3A_236 = arith.addf %get3A_230, %get3A_235 : vector<16xf32>
      %mul3A_237 = arith.constant 16 : i32
      %mul3A_238 = arith.muli %scan3A_226, %mul3A_237 : i32
      %swap3A = arith.index_cast %mul3A_238 : i32 to index
      %swap3A_239 = tpu.vector_load %arg4[%swap3A] {strides = array<i32>} : memref<2560xf32, #tpu.memory_space<vmem>>, vector<16xf32>,
      %swap3A_240 = vector.shape_cast %swap3A_239 : vector<16xf32> to vector<16xf32>
      %swap3A_241 = vector.shape_cast %add3A_236 : vector<16xf32> to vector<16xf32>
      tpu.vector_store %arg4[%swap3A], %swap3A_241 {strides = array<i32>} : memref<2560xf32, #tpu.memory_space<vmem>>, vector<16xf32>,
    }
    %scan3A_106 = arith.constant 160 : i32
    %run_scoped3A_107 = arith.constant 16 : i32
    "tpu.region"() ({
      %run_scoped3A_226 = tpu.sem_alloc : memref<!tpu.dma_semaphore, #tpu.memory_space<semaphore_mem>>
      %dma_start3A = tpu.memref_slice %arg2[%run_scoped3A_107, %mul3A_2] : memref<32x81920xf32, #tpu.memory_space<hbm>> -> memref<1x2560xf32, #tpu.memory_space<hbm>>
      %dma_start3A_227 = tpu.memref_squeeze %dma_start3A : memref<1x2560xf32, #tpu.memory_space<hbm>> -> memref<2560xf32, #tpu.memory_space<hbm>>
      %dma_start3A_228 = tpu.memref_slice %arg2[%run_scoped3A_107, %mul3A_2] : memref<32x81920xf32, #tpu.memory_space<hbm>> -> memref<1x2560xf32, #tpu.memory_space<hbm>>
      %dma_start3A_229 = tpu.memref_squeeze %dma_start3A_228 : memref<1x2560xf32, #tpu.memory_space<hbm>> -> memref<2560xf32, #tpu.memory_space<hbm>>
      tpu.enqueue_dma source(%dma_start3A_229 : memref<2560xf32, #tpu.memory_space<hbm>>) target(%arg5 : memref<2560xf32, #tpu.memory_space<vmem>>) target_semaphore(%run_scoped3A_226 : memref<!tpu.dma_semaphore, #tpu.memory_space<semaphore_mem>>)
      %dma_wait3A = tpu.memref_slice %arg2[%run_scoped3A_107, %mul3A_2] : memref<32x81920xf32, #tpu.memory_space<hbm>> -> memref<1x2560xf32, #tpu.memory_space<hbm>>
      %dma_wait3A_230 = tpu.memref_squeeze %dma_wait3A : memref<1x2560xf32, #tpu.memory_space<hbm>> -> memref<2560xf32, #tpu.memory_space<hbm>>
      %dma_wait3A_231 = tpu.memref_slice %arg2[%run_scoped3A_107, %mul3A_2] : memref<32x81920xf32, #tpu.memory_space<hbm>> -> memref<1x2560xf32, #tpu.memory_space<hbm>>
      %dma_wait3A_232 = tpu.memref_squeeze %dma_wait3A_231 : memref<1x2560xf32, #tpu.memory_space<hbm>> -> memref<2560xf32, #tpu.memory_space<hbm>>
      tpu.wait_dma2 semaphore(%run_scoped3A_226 : memref<!tpu.dma_semaphore, #tpu.memory_space<semaphore_mem>>) src(%dma_wait3A_232 : memref<2560xf32, #tpu.memory_space<hbm>>) dst(%arg5 : memref<2560xf32, #tpu.memory_space<vmem>>)
      tpu.yield
    }) : () -> ()
    %scan3A_108 = arith.constant 0 : i32
    %scan3A_109 = arith.constant 0 : i32
    %scan3A_110 = arith.constant 160 : i32
    %scan3A_111 = arith.addi %scan3A_109, %scan3A_110 : i32
    %scan3A_112 = arith.constant 1 : i32
    scf.for %scan3A_226 = %scan3A_109 to %scan3A_111 step %scan3A_112  : i32 {
      %mul3A_227 = arith.constant 16 : i32
      %mul3A_228 = arith.muli %scan3A_226, %mul3A_227 : i32
      %get3A = arith.index_cast %mul3A_228 : i32 to index
      %get3A_229 = tpu.vector_load %arg4[%get3A] {strides = array<i32>} : memref<2560xf32, #tpu.memory_space<vmem>>, vector<16xf32>,
      %get3A_230 = vector.shape_cast %get3A_229 : vector<16xf32> to vector<16xf32>
      %mul3A_231 = arith.constant 16 : i32
      %mul3A_232 = arith.muli %scan3A_226, %mul3A_231 : i32
      %get3A_233 = arith.index_cast %mul3A_232 : i32 to index
      %get3A_234 = tpu.vector_load %arg5[%get3A_233] {strides = array<i32>} : memref<2560xf32, #tpu.memory_space<vmem>>, vector<16xf32>,
      %get3A_235 = vector.shape_cast %get3A_234 : vector<16xf32> to vector<16xf32>
      %add3A_236 = arith.addf %get3A_230, %get3A_235 : vector<16xf32>
      %mul3A_237 = arith.constant 16 : i32
      %mul3A_238 = arith.muli %scan3A_226, %mul3A_237 : i32
      %swap3A = arith.index_cast %mul3A_238 : i32 to index
      %swap3A_239 = tpu.vector_load %arg4[%swap3A] {strides = array<i32>} : memref<2560xf32, #tpu.memory_space<vmem>>, vector<16xf32>,
      %swap3A_240 = vector.shape_cast %swap3A_239 : vector<16xf32> to vector<16xf32>
      %swap3A_241 = vector.shape_cast %add3A_236 : vector<16xf32> to vector<16xf32>
      tpu.vector_store %arg4[%swap3A], %swap3A_241 {strides = array<i32>} : memref<2560xf32, #tpu.memory_space<vmem>>, vector<16xf32>,
    }
    %scan3A_113 = arith.constant 160 : i32
    %run_scoped3A_114 = arith.constant 17 : i32
    "tpu.region"() ({
      %run_scoped3A_226 = tpu.sem_alloc : memref<!tpu.dma_semaphore, #tpu.memory_space<semaphore_mem>>
      %dma_start3A = tpu.memref_slice %arg2[%run_scoped3A_114, %mul3A_2] : memref<32x81920xf32, #tpu.memory_space<hbm>> -> memref<1x2560xf32, #tpu.memory_space<hbm>>
      %dma_start3A_227 = tpu.memref_squeeze %dma_start3A : memref<1x2560xf32, #tpu.memory_space<hbm>> -> memref<2560xf32, #tpu.memory_space<hbm>>
      %dma_start3A_228 = tpu.memref_slice %arg2[%run_scoped3A_114, %mul3A_2] : memref<32x81920xf32, #tpu.memory_space<hbm>> -> memref<1x2560xf32, #tpu.memory_space<hbm>>
      %dma_start3A_229 = tpu.memref_squeeze %dma_start3A_228 : memref<1x2560xf32, #tpu.memory_space<hbm>> -> memref<2560xf32, #tpu.memory_space<hbm>>
      tpu.enqueue_dma source(%dma_start3A_229 : memref<2560xf32, #tpu.memory_space<hbm>>) target(%arg5 : memref<2560xf32, #tpu.memory_space<vmem>>) target_semaphore(%run_scoped3A_226 : memref<!tpu.dma_semaphore, #tpu.memory_space<semaphore_mem>>)
      %dma_wait3A = tpu.memref_slice %arg2[%run_scoped3A_114, %mul3A_2] : memref<32x81920xf32, #tpu.memory_space<hbm>> -> memref<1x2560xf32, #tpu.memory_space<hbm>>
      %dma_wait3A_230 = tpu.memref_squeeze %dma_wait3A : memref<1x2560xf32, #tpu.memory_space<hbm>> -> memref<2560xf32, #tpu.memory_space<hbm>>
      %dma_wait3A_231 = tpu.memref_slice %arg2[%run_scoped3A_114, %mul3A_2] : memref<32x81920xf32, #tpu.memory_space<hbm>> -> memref<1x2560xf32, #tpu.memory_space<hbm>>
      %dma_wait3A_232 = tpu.memref_squeeze %dma_wait3A_231 : memref<1x2560xf32, #tpu.memory_space<hbm>> -> memref<2560xf32, #tpu.memory_space<hbm>>
      tpu.wait_dma2 semaphore(%run_scoped3A_226 : memref<!tpu.dma_semaphore, #tpu.memory_space<semaphore_mem>>) src(%dma_wait3A_232 : memref<2560xf32, #tpu.memory_space<hbm>>) dst(%arg5 : memref<2560xf32, #tpu.memory_space<vmem>>)
      tpu.yield
    }) : () -> ()
    %scan3A_115 = arith.constant 0 : i32
    %scan3A_116 = arith.constant 0 : i32
    %scan3A_117 = arith.constant 160 : i32
    %scan3A_118 = arith.addi %scan3A_116, %scan3A_117 : i32
    %scan3A_119 = arith.constant 1 : i32
    scf.for %scan3A_226 = %scan3A_116 to %scan3A_118 step %scan3A_119  : i32 {
      %mul3A_227 = arith.constant 16 : i32
      %mul3A_228 = arith.muli %scan3A_226, %mul3A_227 : i32
      %get3A = arith.index_cast %mul3A_228 : i32 to index
      %get3A_229 = tpu.vector_load %arg4[%get3A] {strides = array<i32>} : memref<2560xf32, #tpu.memory_space<vmem>>, vector<16xf32>,
      %get3A_230 = vector.shape_cast %get3A_229 : vector<16xf32> to vector<16xf32>
      %mul3A_231 = arith.constant 16 : i32
      %mul3A_232 = arith.muli %scan3A_226, %mul3A_231 : i32
      %get3A_233 = arith.index_cast %mul3A_232 : i32 to index
      %get3A_234 = tpu.vector_load %arg5[%get3A_233] {strides = array<i32>} : memref<2560xf32, #tpu.memory_space<vmem>>, vector<16xf32>,
      %get3A_235 = vector.shape_cast %get3A_234 : vector<16xf32> to vector<16xf32>
      %add3A_236 = arith.addf %get3A_230, %get3A_235 : vector<16xf32>
      %mul3A_237 = arith.constant 16 : i32
      %mul3A_238 = arith.muli %scan3A_226, %mul3A_237 : i32
      %swap3A = arith.index_cast %mul3A_238 : i32 to index
      %swap3A_239 = tpu.vector_load %arg4[%swap3A] {strides = array<i32>} : memref<2560xf32, #tpu.memory_space<vmem>>, vector<16xf32>,
      %swap3A_240 = vector.shape_cast %swap3A_239 : vector<16xf32> to vector<16xf32>
      %swap3A_241 = vector.shape_cast %add3A_236 : vector<16xf32> to vector<16xf32>
      tpu.vector_store %arg4[%swap3A], %swap3A_241 {strides = array<i32>} : memref<2560xf32, #tpu.memory_space<vmem>>, vector<16xf32>,
    }
    %scan3A_120 = arith.constant 160 : i32
    %run_scoped3A_121 = arith.constant 18 : i32
    "tpu.region"() ({
      %run_scoped3A_226 = tpu.sem_alloc : memref<!tpu.dma_semaphore, #tpu.memory_space<semaphore_mem>>
      %dma_start3A = tpu.memref_slice %arg2[%run_scoped3A_121, %mul3A_2] : memref<32x81920xf32, #tpu.memory_space<hbm>> -> memref<1x2560xf32, #tpu.memory_space<hbm>>
      %dma_start3A_227 = tpu.memref_squeeze %dma_start3A : memref<1x2560xf32, #tpu.memory_space<hbm>> -> memref<2560xf32, #tpu.memory_space<hbm>>
      %dma_start3A_228 = tpu.memref_slice %arg2[%run_scoped3A_121, %mul3A_2] : memref<32x81920xf32, #tpu.memory_space<hbm>> -> memref<1x2560xf32, #tpu.memory_space<hbm>>
      %dma_start3A_229 = tpu.memref_squeeze %dma_start3A_228 : memref<1x2560xf32, #tpu.memory_space<hbm>> -> memref<2560xf32, #tpu.memory_space<hbm>>
      tpu.enqueue_dma source(%dma_start3A_229 : memref<2560xf32, #tpu.memory_space<hbm>>) target(%arg5 : memref<2560xf32, #tpu.memory_space<vmem>>) target_semaphore(%run_scoped3A_226 : memref<!tpu.dma_semaphore, #tpu.memory_space<semaphore_mem>>)
      %dma_wait3A = tpu.memref_slice %arg2[%run_scoped3A_121, %mul3A_2] : memref<32x81920xf32, #tpu.memory_space<hbm>> -> memref<1x2560xf32, #tpu.memory_space<hbm>>
      %dma_wait3A_230 = tpu.memref_squeeze %dma_wait3A : memref<1x2560xf32, #tpu.memory_space<hbm>> -> memref<2560xf32, #tpu.memory_space<hbm>>
      %dma_wait3A_231 = tpu.memref_slice %arg2[%run_scoped3A_121, %mul3A_2] : memref<32x81920xf32, #tpu.memory_space<hbm>> -> memref<1x2560xf32, #tpu.memory_space<hbm>>
      %dma_wait3A_232 = tpu.memref_squeeze %dma_wait3A_231 : memref<1x2560xf32, #tpu.memory_space<hbm>> -> memref<2560xf32, #tpu.memory_space<hbm>>
      tpu.wait_dma2 semaphore(%run_scoped3A_226 : memref<!tpu.dma_semaphore, #tpu.memory_space<semaphore_mem>>) src(%dma_wait3A_232 : memref<2560xf32, #tpu.memory_space<hbm>>) dst(%arg5 : memref<2560xf32, #tpu.memory_space<vmem>>)
      tpu.yield
    }) : () -> ()
    %scan3A_122 = arith.constant 0 : i32
    %scan3A_123 = arith.constant 0 : i32
    %scan3A_124 = arith.constant 160 : i32
    %scan3A_125 = arith.addi %scan3A_123, %scan3A_124 : i32
    %scan3A_126 = arith.constant 1 : i32
    scf.for %scan3A_226 = %scan3A_123 to %scan3A_125 step %scan3A_126  : i32 {
      %mul3A_227 = arith.constant 16 : i32
      %mul3A_228 = arith.muli %scan3A_226, %mul3A_227 : i32
      %get3A = arith.index_cast %mul3A_228 : i32 to index
      %get3A_229 = tpu.vector_load %arg4[%get3A] {strides = array<i32>} : memref<2560xf32, #tpu.memory_space<vmem>>, vector<16xf32>,
      %get3A_230 = vector.shape_cast %get3A_229 : vector<16xf32> to vector<16xf32>
      %mul3A_231 = arith.constant 16 : i32
      %mul3A_232 = arith.muli %scan3A_226, %mul3A_231 : i32
      %get3A_233 = arith.index_cast %mul3A_232 : i32 to index
      %get3A_234 = tpu.vector_load %arg5[%get3A_233] {strides = array<i32>} : memref<2560xf32, #tpu.memory_space<vmem>>, vector<16xf32>,
      %get3A_235 = vector.shape_cast %get3A_234 : vector<16xf32> to vector<16xf32>
      %add3A_236 = arith.addf %get3A_230, %get3A_235 : vector<16xf32>
      %mul3A_237 = arith.constant 16 : i32
      %mul3A_238 = arith.muli %scan3A_226, %mul3A_237 : i32
      %swap3A = arith.index_cast %mul3A_238 : i32 to index
      %swap3A_239 = tpu.vector_load %arg4[%swap3A] {strides = array<i32>} : memref<2560xf32, #tpu.memory_space<vmem>>, vector<16xf32>,
      %swap3A_240 = vector.shape_cast %swap3A_239 : vector<16xf32> to vector<16xf32>
      %swap3A_241 = vector.shape_cast %add3A_236 : vector<16xf32> to vector<16xf32>
      tpu.vector_store %arg4[%swap3A], %swap3A_241 {strides = array<i32>} : memref<2560xf32, #tpu.memory_space<vmem>>, vector<16xf32>,
    }
    %scan3A_127 = arith.constant 160 : i32
    %run_scoped3A_128 = arith.constant 19 : i32
    "tpu.region"() ({
      %run_scoped3A_226 = tpu.sem_alloc : memref<!tpu.dma_semaphore, #tpu.memory_space<semaphore_mem>>
      %dma_start3A = tpu.memref_slice %arg2[%run_scoped3A_128, %mul3A_2] : memref<32x81920xf32, #tpu.memory_space<hbm>> -> memref<1x2560xf32, #tpu.memory_space<hbm>>
      %dma_start3A_227 = tpu.memref_squeeze %dma_start3A : memref<1x2560xf32, #tpu.memory_space<hbm>> -> memref<2560xf32, #tpu.memory_space<hbm>>
      %dma_start3A_228 = tpu.memref_slice %arg2[%run_scoped3A_128, %mul3A_2] : memref<32x81920xf32, #tpu.memory_space<hbm>> -> memref<1x2560xf32, #tpu.memory_space<hbm>>
      %dma_start3A_229 = tpu.memref_squeeze %dma_start3A_228 : memref<1x2560xf32, #tpu.memory_space<hbm>> -> memref<2560xf32, #tpu.memory_space<hbm>>
      tpu.enqueue_dma source(%dma_start3A_229 : memref<2560xf32, #tpu.memory_space<hbm>>) target(%arg5 : memref<2560xf32, #tpu.memory_space<vmem>>) target_semaphore(%run_scoped3A_226 : memref<!tpu.dma_semaphore, #tpu.memory_space<semaphore_mem>>)
      %dma_wait3A = tpu.memref_slice %arg2[%run_scoped3A_128, %mul3A_2] : memref<32x81920xf32, #tpu.memory_space<hbm>> -> memref<1x2560xf32, #tpu.memory_space<hbm>>
      %dma_wait3A_230 = tpu.memref_squeeze %dma_wait3A : memref<1x2560xf32, #tpu.memory_space<hbm>> -> memref<2560xf32, #tpu.memory_space<hbm>>
      %dma_wait3A_231 = tpu.memref_slice %arg2[%run_scoped3A_128, %mul3A_2] : memref<32x81920xf32, #tpu.memory_space<hbm>> -> memref<1x2560xf32, #tpu.memory_space<hbm>>
      %dma_wait3A_232 = tpu.memref_squeeze %dma_wait3A_231 : memref<1x2560xf32, #tpu.memory_space<hbm>> -> memref<2560xf32, #tpu.memory_space<hbm>>
      tpu.wait_dma2 semaphore(%run_scoped3A_226 : memref<!tpu.dma_semaphore, #tpu.memory_space<semaphore_mem>>) src(%dma_wait3A_232 : memref<2560xf32, #tpu.memory_space<hbm>>) dst(%arg5 : memref<2560xf32, #tpu.memory_space<vmem>>)
      tpu.yield
    }) : () -> ()
    %scan3A_129 = arith.constant 0 : i32
    %scan3A_130 = arith.constant 0 : i32
    %scan3A_131 = arith.constant 160 : i32
    %scan3A_132 = arith.addi %scan3A_130, %scan3A_131 : i32
    %scan3A_133 = arith.constant 1 : i32
    scf.for %scan3A_226 = %scan3A_130 to %scan3A_132 step %scan3A_133  : i32 {
      %mul3A_227 = arith.constant 16 : i32
      %mul3A_228 = arith.muli %scan3A_226, %mul3A_227 : i32
      %get3A = arith.index_cast %mul3A_228 : i32 to index
      %get3A_229 = tpu.vector_load %arg4[%get3A] {strides = array<i32>} : memref<2560xf32, #tpu.memory_space<vmem>>, vector<16xf32>,
      %get3A_230 = vector.shape_cast %get3A_229 : vector<16xf32> to vector<16xf32>
      %mul3A_231 = arith.constant 16 : i32
      %mul3A_232 = arith.muli %scan3A_226, %mul3A_231 : i32
      %get3A_233 = arith.index_cast %mul3A_232 : i32 to index
      %get3A_234 = tpu.vector_load %arg5[%get3A_233] {strides = array<i32>} : memref<2560xf32, #tpu.memory_space<vmem>>, vector<16xf32>,
      %get3A_235 = vector.shape_cast %get3A_234 : vector<16xf32> to vector<16xf32>
      %add3A_236 = arith.addf %get3A_230, %get3A_235 : vector<16xf32>
      %mul3A_237 = arith.constant 16 : i32
      %mul3A_238 = arith.muli %scan3A_226, %mul3A_237 : i32
      %swap3A = arith.index_cast %mul3A_238 : i32 to index
      %swap3A_239 = tpu.vector_load %arg4[%swap3A] {strides = array<i32>} : memref<2560xf32, #tpu.memory_space<vmem>>, vector<16xf32>,
      %swap3A_240 = vector.shape_cast %swap3A_239 : vector<16xf32> to vector<16xf32>
      %swap3A_241 = vector.shape_cast %add3A_236 : vector<16xf32> to vector<16xf32>
      tpu.vector_store %arg4[%swap3A], %swap3A_241 {strides = array<i32>} : memref<2560xf32, #tpu.memory_space<vmem>>, vector<16xf32>,
    }
    %scan3A_134 = arith.constant 160 : i32
    %run_scoped3A_135 = arith.constant 20 : i32
    "tpu.region"() ({
      %run_scoped3A_226 = tpu.sem_alloc : memref<!tpu.dma_semaphore, #tpu.memory_space<semaphore_mem>>
      %dma_start3A = tpu.memref_slice %arg2[%run_scoped3A_135, %mul3A_2] : memref<32x81920xf32, #tpu.memory_space<hbm>> -> memref<1x2560xf32, #tpu.memory_space<hbm>>
      %dma_start3A_227 = tpu.memref_squeeze %dma_start3A : memref<1x2560xf32, #tpu.memory_space<hbm>> -> memref<2560xf32, #tpu.memory_space<hbm>>
      %dma_start3A_228 = tpu.memref_slice %arg2[%run_scoped3A_135, %mul3A_2] : memref<32x81920xf32, #tpu.memory_space<hbm>> -> memref<1x2560xf32, #tpu.memory_space<hbm>>
      %dma_start3A_229 = tpu.memref_squeeze %dma_start3A_228 : memref<1x2560xf32, #tpu.memory_space<hbm>> -> memref<2560xf32, #tpu.memory_space<hbm>>
      tpu.enqueue_dma source(%dma_start3A_229 : memref<2560xf32, #tpu.memory_space<hbm>>) target(%arg5 : memref<2560xf32, #tpu.memory_space<vmem>>) target_semaphore(%run_scoped3A_226 : memref<!tpu.dma_semaphore, #tpu.memory_space<semaphore_mem>>)
      %dma_wait3A = tpu.memref_slice %arg2[%run_scoped3A_135, %mul3A_2] : memref<32x81920xf32, #tpu.memory_space<hbm>> -> memref<1x2560xf32, #tpu.memory_space<hbm>>
      %dma_wait3A_230 = tpu.memref_squeeze %dma_wait3A : memref<1x2560xf32, #tpu.memory_space<hbm>> -> memref<2560xf32, #tpu.memory_space<hbm>>
      %dma_wait3A_231 = tpu.memref_slice %arg2[%run_scoped3A_135, %mul3A_2] : memref<32x81920xf32, #tpu.memory_space<hbm>> -> memref<1x2560xf32, #tpu.memory_space<hbm>>
      %dma_wait3A_232 = tpu.memref_squeeze %dma_wait3A_231 : memref<1x2560xf32, #tpu.memory_space<hbm>> -> memref<2560xf32, #tpu.memory_space<hbm>>
      tpu.wait_dma2 semaphore(%run_scoped3A_226 : memref<!tpu.dma_semaphore, #tpu.memory_space<semaphore_mem>>) src(%dma_wait3A_232 : memref<2560xf32, #tpu.memory_space<hbm>>) dst(%arg5 : memref<2560xf32, #tpu.memory_space<vmem>>)
      tpu.yield
    }) : () -> ()
    %scan3A_136 = arith.constant 0 : i32
    %scan3A_137 = arith.constant 0 : i32
    %scan3A_138 = arith.constant 160 : i32
    %scan3A_139 = arith.addi %scan3A_137, %scan3A_138 : i32
    %scan3A_140 = arith.constant 1 : i32
    scf.for %scan3A_226 = %scan3A_137 to %scan3A_139 step %scan3A_140  : i32 {
      %mul3A_227 = arith.constant 16 : i32
      %mul3A_228 = arith.muli %scan3A_226, %mul3A_227 : i32
      %get3A = arith.index_cast %mul3A_228 : i32 to index
      %get3A_229 = tpu.vector_load %arg4[%get3A] {strides = array<i32>} : memref<2560xf32, #tpu.memory_space<vmem>>, vector<16xf32>,
      %get3A_230 = vector.shape_cast %get3A_229 : vector<16xf32> to vector<16xf32>
      %mul3A_231 = arith.constant 16 : i32
      %mul3A_232 = arith.muli %scan3A_226, %mul3A_231 : i32
      %get3A_233 = arith.index_cast %mul3A_232 : i32 to index
      %get3A_234 = tpu.vector_load %arg5[%get3A_233] {strides = array<i32>} : memref<2560xf32, #tpu.memory_space<vmem>>, vector<16xf32>,
      %get3A_235 = vector.shape_cast %get3A_234 : vector<16xf32> to vector<16xf32>
      %add3A_236 = arith.addf %get3A_230, %get3A_235 : vector<16xf32>
      %mul3A_237 = arith.constant 16 : i32
      %mul3A_238 = arith.muli %scan3A_226, %mul3A_237 : i32
      %swap3A = arith.index_cast %mul3A_238 : i32 to index
      %swap3A_239 = tpu.vector_load %arg4[%swap3A] {strides = array<i32>} : memref<2560xf32, #tpu.memory_space<vmem>>, vector<16xf32>,
      %swap3A_240 = vector.shape_cast %swap3A_239 : vector<16xf32> to vector<16xf32>
      %swap3A_241 = vector.shape_cast %add3A_236 : vector<16xf32> to vector<16xf32>
      tpu.vector_store %arg4[%swap3A], %swap3A_241 {strides = array<i32>} : memref<2560xf32, #tpu.memory_space<vmem>>, vector<16xf32>,
    }
    %scan3A_141 = arith.constant 160 : i32
    %run_scoped3A_142 = arith.constant 21 : i32
    "tpu.region"() ({
      %run_scoped3A_226 = tpu.sem_alloc : memref<!tpu.dma_semaphore, #tpu.memory_space<semaphore_mem>>
      %dma_start3A = tpu.memref_slice %arg2[%run_scoped3A_142, %mul3A_2] : memref<32x81920xf32, #tpu.memory_space<hbm>> -> memref<1x2560xf32, #tpu.memory_space<hbm>>
      %dma_start3A_227 = tpu.memref_squeeze %dma_start3A : memref<1x2560xf32, #tpu.memory_space<hbm>> -> memref<2560xf32, #tpu.memory_space<hbm>>
      %dma_start3A_228 = tpu.memref_slice %arg2[%run_scoped3A_142, %mul3A_2] : memref<32x81920xf32, #tpu.memory_space<hbm>> -> memref<1x2560xf32, #tpu.memory_space<hbm>>
      %dma_start3A_229 = tpu.memref_squeeze %dma_start3A_228 : memref<1x2560xf32, #tpu.memory_space<hbm>> -> memref<2560xf32, #tpu.memory_space<hbm>>
      tpu.enqueue_dma source(%dma_start3A_229 : memref<2560xf32, #tpu.memory_space<hbm>>) target(%arg5 : memref<2560xf32, #tpu.memory_space<vmem>>) target_semaphore(%run_scoped3A_226 : memref<!tpu.dma_semaphore, #tpu.memory_space<semaphore_mem>>)
      %dma_wait3A = tpu.memref_slice %arg2[%run_scoped3A_142, %mul3A_2] : memref<32x81920xf32, #tpu.memory_space<hbm>> -> memref<1x2560xf32, #tpu.memory_space<hbm>>
      %dma_wait3A_230 = tpu.memref_squeeze %dma_wait3A : memref<1x2560xf32, #tpu.memory_space<hbm>> -> memref<2560xf32, #tpu.memory_space<hbm>>
      %dma_wait3A_231 = tpu.memref_slice %arg2[%run_scoped3A_142, %mul3A_2] : memref<32x81920xf32, #tpu.memory_space<hbm>> -> memref<1x2560xf32, #tpu.memory_space<hbm>>
      %dma_wait3A_232 = tpu.memref_squeeze %dma_wait3A_231 : memref<1x2560xf32, #tpu.memory_space<hbm>> -> memref<2560xf32, #tpu.memory_space<hbm>>
      tpu.wait_dma2 semaphore(%run_scoped3A_226 : memref<!tpu.dma_semaphore, #tpu.memory_space<semaphore_mem>>) src(%dma_wait3A_232 : memref<2560xf32, #tpu.memory_space<hbm>>) dst(%arg5 : memref<2560xf32, #tpu.memory_space<vmem>>)
      tpu.yield
    }) : () -> ()
    %scan3A_143 = arith.constant 0 : i32
    %scan3A_144 = arith.constant 0 : i32
    %scan3A_145 = arith.constant 160 : i32
    %scan3A_146 = arith.addi %scan3A_144, %scan3A_145 : i32
    %scan3A_147 = arith.constant 1 : i32
    scf.for %scan3A_226 = %scan3A_144 to %scan3A_146 step %scan3A_147  : i32 {
      %mul3A_227 = arith.constant 16 : i32
      %mul3A_228 = arith.muli %scan3A_226, %mul3A_227 : i32
      %get3A = arith.index_cast %mul3A_228 : i32 to index
      %get3A_229 = tpu.vector_load %arg4[%get3A] {strides = array<i32>} : memref<2560xf32, #tpu.memory_space<vmem>>, vector<16xf32>,
      %get3A_230 = vector.shape_cast %get3A_229 : vector<16xf32> to vector<16xf32>
      %mul3A_231 = arith.constant 16 : i32
      %mul3A_232 = arith.muli %scan3A_226, %mul3A_231 : i32
      %get3A_233 = arith.index_cast %mul3A_232 : i32 to index
      %get3A_234 = tpu.vector_load %arg5[%get3A_233] {strides = array<i32>} : memref<2560xf32, #tpu.memory_space<vmem>>, vector<16xf32>,
      %get3A_235 = vector.shape_cast %get3A_234 : vector<16xf32> to vector<16xf32>
      %add3A_236 = arith.addf %get3A_230, %get3A_235 : vector<16xf32>
      %mul3A_237 = arith.constant 16 : i32
      %mul3A_238 = arith.muli %scan3A_226, %mul3A_237 : i32
      %swap3A = arith.index_cast %mul3A_238 : i32 to index
      %swap3A_239 = tpu.vector_load %arg4[%swap3A] {strides = array<i32>} : memref<2560xf32, #tpu.memory_space<vmem>>, vector<16xf32>,
      %swap3A_240 = vector.shape_cast %swap3A_239 : vector<16xf32> to vector<16xf32>
      %swap3A_241 = vector.shape_cast %add3A_236 : vector<16xf32> to vector<16xf32>
      tpu.vector_store %arg4[%swap3A], %swap3A_241 {strides = array<i32>} : memref<2560xf32, #tpu.memory_space<vmem>>, vector<16xf32>,
    }
    %scan3A_148 = arith.constant 160 : i32
    %run_scoped3A_149 = arith.constant 22 : i32
    "tpu.region"() ({
      %run_scoped3A_226 = tpu.sem_alloc : memref<!tpu.dma_semaphore, #tpu.memory_space<semaphore_mem>>
      %dma_start3A = tpu.memref_slice %arg2[%run_scoped3A_149, %mul3A_2] : memref<32x81920xf32, #tpu.memory_space<hbm>> -> memref<1x2560xf32, #tpu.memory_space<hbm>>
      %dma_start3A_227 = tpu.memref_squeeze %dma_start3A : memref<1x2560xf32, #tpu.memory_space<hbm>> -> memref<2560xf32, #tpu.memory_space<hbm>>
      %dma_start3A_228 = tpu.memref_slice %arg2[%run_scoped3A_149, %mul3A_2] : memref<32x81920xf32, #tpu.memory_space<hbm>> -> memref<1x2560xf32, #tpu.memory_space<hbm>>
      %dma_start3A_229 = tpu.memref_squeeze %dma_start3A_228 : memref<1x2560xf32, #tpu.memory_space<hbm>> -> memref<2560xf32, #tpu.memory_space<hbm>>
      tpu.enqueue_dma source(%dma_start3A_229 : memref<2560xf32, #tpu.memory_space<hbm>>) target(%arg5 : memref<2560xf32, #tpu.memory_space<vmem>>) target_semaphore(%run_scoped3A_226 : memref<!tpu.dma_semaphore, #tpu.memory_space<semaphore_mem>>)
      %dma_wait3A = tpu.memref_slice %arg2[%run_scoped3A_149, %mul3A_2] : memref<32x81920xf32, #tpu.memory_space<hbm>> -> memref<1x2560xf32, #tpu.memory_space<hbm>>
      %dma_wait3A_230 = tpu.memref_squeeze %dma_wait3A : memref<1x2560xf32, #tpu.memory_space<hbm>> -> memref<2560xf32, #tpu.memory_space<hbm>>
      %dma_wait3A_231 = tpu.memref_slice %arg2[%run_scoped3A_149, %mul3A_2] : memref<32x81920xf32, #tpu.memory_space<hbm>> -> memref<1x2560xf32, #tpu.memory_space<hbm>>
      %dma_wait3A_232 = tpu.memref_squeeze %dma_wait3A_231 : memref<1x2560xf32, #tpu.memory_space<hbm>> -> memref<2560xf32, #tpu.memory_space<hbm>>
      tpu.wait_dma2 semaphore(%run_scoped3A_226 : memref<!tpu.dma_semaphore, #tpu.memory_space<semaphore_mem>>) src(%dma_wait3A_232 : memref<2560xf32, #tpu.memory_space<hbm>>) dst(%arg5 : memref<2560xf32, #tpu.memory_space<vmem>>)
      tpu.yield
    }) : () -> ()
    %scan3A_150 = arith.constant 0 : i32
    %scan3A_151 = arith.constant 0 : i32
    %scan3A_152 = arith.constant 160 : i32
    %scan3A_153 = arith.addi %scan3A_151, %scan3A_152 : i32
    %scan3A_154 = arith.constant 1 : i32
    scf.for %scan3A_226 = %scan3A_151 to %scan3A_153 step %scan3A_154  : i32 {
      %mul3A_227 = arith.constant 16 : i32
      %mul3A_228 = arith.muli %scan3A_226, %mul3A_227 : i32
      %get3A = arith.index_cast %mul3A_228 : i32 to index
      %get3A_229 = tpu.vector_load %arg4[%get3A] {strides = array<i32>} : memref<2560xf32, #tpu.memory_space<vmem>>, vector<16xf32>,
      %get3A_230 = vector.shape_cast %get3A_229 : vector<16xf32> to vector<16xf32>
      %mul3A_231 = arith.constant 16 : i32
      %mul3A_232 = arith.muli %scan3A_226, %mul3A_231 : i32
      %get3A_233 = arith.index_cast %mul3A_232 : i32 to index
      %get3A_234 = tpu.vector_load %arg5[%get3A_233] {strides = array<i32>} : memref<2560xf32, #tpu.memory_space<vmem>>, vector<16xf32>,
      %get3A_235 = vector.shape_cast %get3A_234 : vector<16xf32> to vector<16xf32>
      %add3A_236 = arith.addf %get3A_230, %get3A_235 : vector<16xf32>
      %mul3A_237 = arith.constant 16 : i32
      %mul3A_238 = arith.muli %scan3A_226, %mul3A_237 : i32
      %swap3A = arith.index_cast %mul3A_238 : i32 to index
      %swap3A_239 = tpu.vector_load %arg4[%swap3A] {strides = array<i32>} : memref<2560xf32, #tpu.memory_space<vmem>>, vector<16xf32>,
      %swap3A_240 = vector.shape_cast %swap3A_239 : vector<16xf32> to vector<16xf32>
      %swap3A_241 = vector.shape_cast %add3A_236 : vector<16xf32> to vector<16xf32>
      tpu.vector_store %arg4[%swap3A], %swap3A_241 {strides = array<i32>} : memref<2560xf32, #tpu.memory_space<vmem>>, vector<16xf32>,
    }
    %scan3A_155 = arith.constant 160 : i32
    %run_scoped3A_156 = arith.constant 23 : i32
    "tpu.region"() ({
      %run_scoped3A_226 = tpu.sem_alloc : memref<!tpu.dma_semaphore, #tpu.memory_space<semaphore_mem>>
      %dma_start3A = tpu.memref_slice %arg2[%run_scoped3A_156, %mul3A_2] : memref<32x81920xf32, #tpu.memory_space<hbm>> -> memref<1x2560xf32, #tpu.memory_space<hbm>>
      %dma_start3A_227 = tpu.memref_squeeze %dma_start3A : memref<1x2560xf32, #tpu.memory_space<hbm>> -> memref<2560xf32, #tpu.memory_space<hbm>>
      %dma_start3A_228 = tpu.memref_slice %arg2[%run_scoped3A_156, %mul3A_2] : memref<32x81920xf32, #tpu.memory_space<hbm>> -> memref<1x2560xf32, #tpu.memory_space<hbm>>
      %dma_start3A_229 = tpu.memref_squeeze %dma_start3A_228 : memref<1x2560xf32, #tpu.memory_space<hbm>> -> memref<2560xf32, #tpu.memory_space<hbm>>
      tpu.enqueue_dma source(%dma_start3A_229 : memref<2560xf32, #tpu.memory_space<hbm>>) target(%arg5 : memref<2560xf32, #tpu.memory_space<vmem>>) target_semaphore(%run_scoped3A_226 : memref<!tpu.dma_semaphore, #tpu.memory_space<semaphore_mem>>)
      %dma_wait3A = tpu.memref_slice %arg2[%run_scoped3A_156, %mul3A_2] : memref<32x81920xf32, #tpu.memory_space<hbm>> -> memref<1x2560xf32, #tpu.memory_space<hbm>>
      %dma_wait3A_230 = tpu.memref_squeeze %dma_wait3A : memref<1x2560xf32, #tpu.memory_space<hbm>> -> memref<2560xf32, #tpu.memory_space<hbm>>
      %dma_wait3A_231 = tpu.memref_slice %arg2[%run_scoped3A_156, %mul3A_2] : memref<32x81920xf32, #tpu.memory_space<hbm>> -> memref<1x2560xf32, #tpu.memory_space<hbm>>
      %dma_wait3A_232 = tpu.memref_squeeze %dma_wait3A_231 : memref<1x2560xf32, #tpu.memory_space<hbm>> -> memref<2560xf32, #tpu.memory_space<hbm>>
      tpu.wait_dma2 semaphore(%run_scoped3A_226 : memref<!tpu.dma_semaphore, #tpu.memory_space<semaphore_mem>>) src(%dma_wait3A_232 : memref<2560xf32, #tpu.memory_space<hbm>>) dst(%arg5 : memref<2560xf32, #tpu.memory_space<vmem>>)
      tpu.yield
    }) : () -> ()
    %scan3A_157 = arith.constant 0 : i32
    %scan3A_158 = arith.constant 0 : i32
    %scan3A_159 = arith.constant 160 : i32
    %scan3A_160 = arith.addi %scan3A_158, %scan3A_159 : i32
    %scan3A_161 = arith.constant 1 : i32
    scf.for %scan3A_226 = %scan3A_158 to %scan3A_160 step %scan3A_161  : i32 {
      %mul3A_227 = arith.constant 16 : i32
      %mul3A_228 = arith.muli %scan3A_226, %mul3A_227 : i32
      %get3A = arith.index_cast %mul3A_228 : i32 to index
      %get3A_229 = tpu.vector_load %arg4[%get3A] {strides = array<i32>} : memref<2560xf32, #tpu.memory_space<vmem>>, vector<16xf32>,
      %get3A_230 = vector.shape_cast %get3A_229 : vector<16xf32> to vector<16xf32>
      %mul3A_231 = arith.constant 16 : i32
      %mul3A_232 = arith.muli %scan3A_226, %mul3A_231 : i32
      %get3A_233 = arith.index_cast %mul3A_232 : i32 to index
      %get3A_234 = tpu.vector_load %arg5[%get3A_233] {strides = array<i32>} : memref<2560xf32, #tpu.memory_space<vmem>>, vector<16xf32>,
      %get3A_235 = vector.shape_cast %get3A_234 : vector<16xf32> to vector<16xf32>
      %add3A_236 = arith.addf %get3A_230, %get3A_235 : vector<16xf32>
      %mul3A_237 = arith.constant 16 : i32
      %mul3A_238 = arith.muli %scan3A_226, %mul3A_237 : i32
      %swap3A = arith.index_cast %mul3A_238 : i32 to index
      %swap3A_239 = tpu.vector_load %arg4[%swap3A] {strides = array<i32>} : memref<2560xf32, #tpu.memory_space<vmem>>, vector<16xf32>,
      %swap3A_240 = vector.shape_cast %swap3A_239 : vector<16xf32> to vector<16xf32>
      %swap3A_241 = vector.shape_cast %add3A_236 : vector<16xf32> to vector<16xf32>
      tpu.vector_store %arg4[%swap3A], %swap3A_241 {strides = array<i32>} : memref<2560xf32, #tpu.memory_space<vmem>>, vector<16xf32>,
    }
    %scan3A_162 = arith.constant 160 : i32
    %run_scoped3A_163 = arith.constant 24 : i32
    "tpu.region"() ({
      %run_scoped3A_226 = tpu.sem_alloc : memref<!tpu.dma_semaphore, #tpu.memory_space<semaphore_mem>>
      %dma_start3A = tpu.memref_slice %arg2[%run_scoped3A_163, %mul3A_2] : memref<32x81920xf32, #tpu.memory_space<hbm>> -> memref<1x2560xf32, #tpu.memory_space<hbm>>
      %dma_start3A_227 = tpu.memref_squeeze %dma_start3A : memref<1x2560xf32, #tpu.memory_space<hbm>> -> memref<2560xf32, #tpu.memory_space<hbm>>
      %dma_start3A_228 = tpu.memref_slice %arg2[%run_scoped3A_163, %mul3A_2] : memref<32x81920xf32, #tpu.memory_space<hbm>> -> memref<1x2560xf32, #tpu.memory_space<hbm>>
      %dma_start3A_229 = tpu.memref_squeeze %dma_start3A_228 : memref<1x2560xf32, #tpu.memory_space<hbm>> -> memref<2560xf32, #tpu.memory_space<hbm>>
      tpu.enqueue_dma source(%dma_start3A_229 : memref<2560xf32, #tpu.memory_space<hbm>>) target(%arg5 : memref<2560xf32, #tpu.memory_space<vmem>>) target_semaphore(%run_scoped3A_226 : memref<!tpu.dma_semaphore, #tpu.memory_space<semaphore_mem>>)
      %dma_wait3A = tpu.memref_slice %arg2[%run_scoped3A_163, %mul3A_2] : memref<32x81920xf32, #tpu.memory_space<hbm>> -> memref<1x2560xf32, #tpu.memory_space<hbm>>
      %dma_wait3A_230 = tpu.memref_squeeze %dma_wait3A : memref<1x2560xf32, #tpu.memory_space<hbm>> -> memref<2560xf32, #tpu.memory_space<hbm>>
      %dma_wait3A_231 = tpu.memref_slice %arg2[%run_scoped3A_163, %mul3A_2] : memref<32x81920xf32, #tpu.memory_space<hbm>> -> memref<1x2560xf32, #tpu.memory_space<hbm>>
      %dma_wait3A_232 = tpu.memref_squeeze %dma_wait3A_231 : memref<1x2560xf32, #tpu.memory_space<hbm>> -> memref<2560xf32, #tpu.memory_space<hbm>>
      tpu.wait_dma2 semaphore(%run_scoped3A_226 : memref<!tpu.dma_semaphore, #tpu.memory_space<semaphore_mem>>) src(%dma_wait3A_232 : memref<2560xf32, #tpu.memory_space<hbm>>) dst(%arg5 : memref<2560xf32, #tpu.memory_space<vmem>>)
      tpu.yield
    }) : () -> ()
    %scan3A_164 = arith.constant 0 : i32
    %scan3A_165 = arith.constant 0 : i32
    %scan3A_166 = arith.constant 160 : i32
    %scan3A_167 = arith.addi %scan3A_165, %scan3A_166 : i32
    %scan3A_168 = arith.constant 1 : i32
    scf.for %scan3A_226 = %scan3A_165 to %scan3A_167 step %scan3A_168  : i32 {
      %mul3A_227 = arith.constant 16 : i32
      %mul3A_228 = arith.muli %scan3A_226, %mul3A_227 : i32
      %get3A = arith.index_cast %mul3A_228 : i32 to index
      %get3A_229 = tpu.vector_load %arg4[%get3A] {strides = array<i32>} : memref<2560xf32, #tpu.memory_space<vmem>>, vector<16xf32>,
      %get3A_230 = vector.shape_cast %get3A_229 : vector<16xf32> to vector<16xf32>
      %mul3A_231 = arith.constant 16 : i32
      %mul3A_232 = arith.muli %scan3A_226, %mul3A_231 : i32
      %get3A_233 = arith.index_cast %mul3A_232 : i32 to index
      %get3A_234 = tpu.vector_load %arg5[%get3A_233] {strides = array<i32>} : memref<2560xf32, #tpu.memory_space<vmem>>, vector<16xf32>,
      %get3A_235 = vector.shape_cast %get3A_234 : vector<16xf32> to vector<16xf32>
      %add3A_236 = arith.addf %get3A_230, %get3A_235 : vector<16xf32>
      %mul3A_237 = arith.constant 16 : i32
      %mul3A_238 = arith.muli %scan3A_226, %mul3A_237 : i32
      %swap3A = arith.index_cast %mul3A_238 : i32 to index
      %swap3A_239 = tpu.vector_load %arg4[%swap3A] {strides = array<i32>} : memref<2560xf32, #tpu.memory_space<vmem>>, vector<16xf32>,
      %swap3A_240 = vector.shape_cast %swap3A_239 : vector<16xf32> to vector<16xf32>
      %swap3A_241 = vector.shape_cast %add3A_236 : vector<16xf32> to vector<16xf32>
      tpu.vector_store %arg4[%swap3A], %swap3A_241 {strides = array<i32>} : memref<2560xf32, #tpu.memory_space<vmem>>, vector<16xf32>,
    }
    %scan3A_169 = arith.constant 160 : i32
    %run_scoped3A_170 = arith.constant 25 : i32
    "tpu.region"() ({
      %run_scoped3A_226 = tpu.sem_alloc : memref<!tpu.dma_semaphore, #tpu.memory_space<semaphore_mem>>
      %dma_start3A = tpu.memref_slice %arg2[%run_scoped3A_170, %mul3A_2] : memref<32x81920xf32, #tpu.memory_space<hbm>> -> memref<1x2560xf32, #tpu.memory_space<hbm>>
      %dma_start3A_227 = tpu.memref_squeeze %dma_start3A : memref<1x2560xf32, #tpu.memory_space<hbm>> -> memref<2560xf32, #tpu.memory_space<hbm>>
      %dma_start3A_228 = tpu.memref_slice %arg2[%run_scoped3A_170, %mul3A_2] : memref<32x81920xf32, #tpu.memory_space<hbm>> -> memref<1x2560xf32, #tpu.memory_space<hbm>>
      %dma_start3A_229 = tpu.memref_squeeze %dma_start3A_228 : memref<1x2560xf32, #tpu.memory_space<hbm>> -> memref<2560xf32, #tpu.memory_space<hbm>>
      tpu.enqueue_dma source(%dma_start3A_229 : memref<2560xf32, #tpu.memory_space<hbm>>) target(%arg5 : memref<2560xf32, #tpu.memory_space<vmem>>) target_semaphore(%run_scoped3A_226 : memref<!tpu.dma_semaphore, #tpu.memory_space<semaphore_mem>>)
      %dma_wait3A = tpu.memref_slice %arg2[%run_scoped3A_170, %mul3A_2] : memref<32x81920xf32, #tpu.memory_space<hbm>> -> memref<1x2560xf32, #tpu.memory_space<hbm>>
      %dma_wait3A_230 = tpu.memref_squeeze %dma_wait3A : memref<1x2560xf32, #tpu.memory_space<hbm>> -> memref<2560xf32, #tpu.memory_space<hbm>>
      %dma_wait3A_231 = tpu.memref_slice %arg2[%run_scoped3A_170, %mul3A_2] : memref<32x81920xf32, #tpu.memory_space<hbm>> -> memref<1x2560xf32, #tpu.memory_space<hbm>>
      %dma_wait3A_232 = tpu.memref_squeeze %dma_wait3A_231 : memref<1x2560xf32, #tpu.memory_space<hbm>> -> memref<2560xf32, #tpu.memory_space<hbm>>
      tpu.wait_dma2 semaphore(%run_scoped3A_226 : memref<!tpu.dma_semaphore, #tpu.memory_space<semaphore_mem>>) src(%dma_wait3A_232 : memref<2560xf32, #tpu.memory_space<hbm>>) dst(%arg5 : memref<2560xf32, #tpu.memory_space<vmem>>)
      tpu.yield
    }) : () -> ()
    %scan3A_171 = arith.constant 0 : i32
    %scan3A_172 = arith.constant 0 : i32
    %scan3A_173 = arith.constant 160 : i32
    %scan3A_174 = arith.addi %scan3A_172, %scan3A_173 : i32
    %scan3A_175 = arith.constant 1 : i32
    scf.for %scan3A_226 = %scan3A_172 to %scan3A_174 step %scan3A_175  : i32 {
      %mul3A_227 = arith.constant 16 : i32
      %mul3A_228 = arith.muli %scan3A_226, %mul3A_227 : i32
      %get3A = arith.index_cast %mul3A_228 : i32 to index
      %get3A_229 = tpu.vector_load %arg4[%get3A] {strides = array<i32>} : memref<2560xf32, #tpu.memory_space<vmem>>, vector<16xf32>,
      %get3A_230 = vector.shape_cast %get3A_229 : vector<16xf32> to vector<16xf32>
      %mul3A_231 = arith.constant 16 : i32
      %mul3A_232 = arith.muli %scan3A_226, %mul3A_231 : i32
      %get3A_233 = arith.index_cast %mul3A_232 : i32 to index
      %get3A_234 = tpu.vector_load %arg5[%get3A_233] {strides = array<i32>} : memref<2560xf32, #tpu.memory_space<vmem>>, vector<16xf32>,
      %get3A_235 = vector.shape_cast %get3A_234 : vector<16xf32> to vector<16xf32>
      %add3A_236 = arith.addf %get3A_230, %get3A_235 : vector<16xf32>
      %mul3A_237 = arith.constant 16 : i32
      %mul3A_238 = arith.muli %scan3A_226, %mul3A_237 : i32
      %swap3A = arith.index_cast %mul3A_238 : i32 to index
      %swap3A_239 = tpu.vector_load %arg4[%swap3A] {strides = array<i32>} : memref<2560xf32, #tpu.memory_space<vmem>>, vector<16xf32>,
      %swap3A_240 = vector.shape_cast %swap3A_239 : vector<16xf32> to vector<16xf32>
      %swap3A_241 = vector.shape_cast %add3A_236 : vector<16xf32> to vector<16xf32>
      tpu.vector_store %arg4[%swap3A], %swap3A_241 {strides = array<i32>} : memref<2560xf32, #tpu.memory_space<vmem>>, vector<16xf32>,
    }
    %scan3A_176 = arith.constant 160 : i32
    %run_scoped3A_177 = arith.constant 26 : i32
    "tpu.region"() ({
      %run_scoped3A_226 = tpu.sem_alloc : memref<!tpu.dma_semaphore, #tpu.memory_space<semaphore_mem>>
      %dma_start3A = tpu.memref_slice %arg2[%run_scoped3A_177, %mul3A_2] : memref<32x81920xf32, #tpu.memory_space<hbm>> -> memref<1x2560xf32, #tpu.memory_space<hbm>>
      %dma_start3A_227 = tpu.memref_squeeze %dma_start3A : memref<1x2560xf32, #tpu.memory_space<hbm>> -> memref<2560xf32, #tpu.memory_space<hbm>>
      %dma_start3A_228 = tpu.memref_slice %arg2[%run_scoped3A_177, %mul3A_2] : memref<32x81920xf32, #tpu.memory_space<hbm>> -> memref<1x2560xf32, #tpu.memory_space<hbm>>
      %dma_start3A_229 = tpu.memref_squeeze %dma_start3A_228 : memref<1x2560xf32, #tpu.memory_space<hbm>> -> memref<2560xf32, #tpu.memory_space<hbm>>
      tpu.enqueue_dma source(%dma_start3A_229 : memref<2560xf32, #tpu.memory_space<hbm>>) target(%arg5 : memref<2560xf32, #tpu.memory_space<vmem>>) target_semaphore(%run_scoped3A_226 : memref<!tpu.dma_semaphore, #tpu.memory_space<semaphore_mem>>)
      %dma_wait3A = tpu.memref_slice %arg2[%run_scoped3A_177, %mul3A_2] : memref<32x81920xf32, #tpu.memory_space<hbm>> -> memref<1x2560xf32, #tpu.memory_space<hbm>>
      %dma_wait3A_230 = tpu.memref_squeeze %dma_wait3A : memref<1x2560xf32, #tpu.memory_space<hbm>> -> memref<2560xf32, #tpu.memory_space<hbm>>
      %dma_wait3A_231 = tpu.memref_slice %arg2[%run_scoped3A_177, %mul3A_2] : memref<32x81920xf32, #tpu.memory_space<hbm>> -> memref<1x2560xf32, #tpu.memory_space<hbm>>
      %dma_wait3A_232 = tpu.memref_squeeze %dma_wait3A_231 : memref<1x2560xf32, #tpu.memory_space<hbm>> -> memref<2560xf32, #tpu.memory_space<hbm>>
      tpu.wait_dma2 semaphore(%run_scoped3A_226 : memref<!tpu.dma_semaphore, #tpu.memory_space<semaphore_mem>>) src(%dma_wait3A_232 : memref<2560xf32, #tpu.memory_space<hbm>>) dst(%arg5 : memref<2560xf32, #tpu.memory_space<vmem>>)
      tpu.yield
    }) : () -> ()
    %scan3A_178 = arith.constant 0 : i32
    %scan3A_179 = arith.constant 0 : i32
    %scan3A_180 = arith.constant 160 : i32
    %scan3A_181 = arith.addi %scan3A_179, %scan3A_180 : i32
    %scan3A_182 = arith.constant 1 : i32
    scf.for %scan3A_226 = %scan3A_179 to %scan3A_181 step %scan3A_182  : i32 {
      %mul3A_227 = arith.constant 16 : i32
      %mul3A_228 = arith.muli %scan3A_226, %mul3A_227 : i32
      %get3A = arith.index_cast %mul3A_228 : i32 to index
      %get3A_229 = tpu.vector_load %arg4[%get3A] {strides = array<i32>} : memref<2560xf32, #tpu.memory_space<vmem>>, vector<16xf32>,
      %get3A_230 = vector.shape_cast %get3A_229 : vector<16xf32> to vector<16xf32>
      %mul3A_231 = arith.constant 16 : i32
      %mul3A_232 = arith.muli %scan3A_226, %mul3A_231 : i32
      %get3A_233 = arith.index_cast %mul3A_232 : i32 to index
      %get3A_234 = tpu.vector_load %arg5[%get3A_233] {strides = array<i32>} : memref<2560xf32, #tpu.memory_space<vmem>>, vector<16xf32>,
      %get3A_235 = vector.shape_cast %get3A_234 : vector<16xf32> to vector<16xf32>
      %add3A_236 = arith.addf %get3A_230, %get3A_235 : vector<16xf32>
      %mul3A_237 = arith.constant 16 : i32
      %mul3A_238 = arith.muli %scan3A_226, %mul3A_237 : i32
      %swap3A = arith.index_cast %mul3A_238 : i32 to index
      %swap3A_239 = tpu.vector_load %arg4[%swap3A] {strides = array<i32>} : memref<2560xf32, #tpu.memory_space<vmem>>, vector<16xf32>,
      %swap3A_240 = vector.shape_cast %swap3A_239 : vector<16xf32> to vector<16xf32>
      %swap3A_241 = vector.shape_cast %add3A_236 : vector<16xf32> to vector<16xf32>
      tpu.vector_store %arg4[%swap3A], %swap3A_241 {strides = array<i32>} : memref<2560xf32, #tpu.memory_space<vmem>>, vector<16xf32>,
    }
    %scan3A_183 = arith.constant 160 : i32
    %run_scoped3A_184 = arith.constant 27 : i32
    "tpu.region"() ({
      %run_scoped3A_226 = tpu.sem_alloc : memref<!tpu.dma_semaphore, #tpu.memory_space<semaphore_mem>>
      %dma_start3A = tpu.memref_slice %arg2[%run_scoped3A_184, %mul3A_2] : memref<32x81920xf32, #tpu.memory_space<hbm>> -> memref<1x2560xf32, #tpu.memory_space<hbm>>
      %dma_start3A_227 = tpu.memref_squeeze %dma_start3A : memref<1x2560xf32, #tpu.memory_space<hbm>> -> memref<2560xf32, #tpu.memory_space<hbm>>
      %dma_start3A_228 = tpu.memref_slice %arg2[%run_scoped3A_184, %mul3A_2] : memref<32x81920xf32, #tpu.memory_space<hbm>> -> memref<1x2560xf32, #tpu.memory_space<hbm>>
      %dma_start3A_229 = tpu.memref_squeeze %dma_start3A_228 : memref<1x2560xf32, #tpu.memory_space<hbm>> -> memref<2560xf32, #tpu.memory_space<hbm>>
      tpu.enqueue_dma source(%dma_start3A_229 : memref<2560xf32, #tpu.memory_space<hbm>>) target(%arg5 : memref<2560xf32, #tpu.memory_space<vmem>>) target_semaphore(%run_scoped3A_226 : memref<!tpu.dma_semaphore, #tpu.memory_space<semaphore_mem>>)
      %dma_wait3A = tpu.memref_slice %arg2[%run_scoped3A_184, %mul3A_2] : memref<32x81920xf32, #tpu.memory_space<hbm>> -> memref<1x2560xf32, #tpu.memory_space<hbm>>
      %dma_wait3A_230 = tpu.memref_squeeze %dma_wait3A : memref<1x2560xf32, #tpu.memory_space<hbm>> -> memref<2560xf32, #tpu.memory_space<hbm>>
      %dma_wait3A_231 = tpu.memref_slice %arg2[%run_scoped3A_184, %mul3A_2] : memref<32x81920xf32, #tpu.memory_space<hbm>> -> memref<1x2560xf32, #tpu.memory_space<hbm>>
      %dma_wait3A_232 = tpu.memref_squeeze %dma_wait3A_231 : memref<1x2560xf32, #tpu.memory_space<hbm>> -> memref<2560xf32, #tpu.memory_space<hbm>>
      tpu.wait_dma2 semaphore(%run_scoped3A_226 : memref<!tpu.dma_semaphore, #tpu.memory_space<semaphore_mem>>) src(%dma_wait3A_232 : memref<2560xf32, #tpu.memory_space<hbm>>) dst(%arg5 : memref<2560xf32, #tpu.memory_space<vmem>>)
      tpu.yield
    }) : () -> ()
    %scan3A_185 = arith.constant 0 : i32
    %scan3A_186 = arith.constant 0 : i32
    %scan3A_187 = arith.constant 160 : i32
    %scan3A_188 = arith.addi %scan3A_186, %scan3A_187 : i32
    %scan3A_189 = arith.constant 1 : i32
    scf.for %scan3A_226 = %scan3A_186 to %scan3A_188 step %scan3A_189  : i32 {
      %mul3A_227 = arith.constant 16 : i32
      %mul3A_228 = arith.muli %scan3A_226, %mul3A_227 : i32
      %get3A = arith.index_cast %mul3A_228 : i32 to index
      %get3A_229 = tpu.vector_load %arg4[%get3A] {strides = array<i32>} : memref<2560xf32, #tpu.memory_space<vmem>>, vector<16xf32>,
      %get3A_230 = vector.shape_cast %get3A_229 : vector<16xf32> to vector<16xf32>
      %mul3A_231 = arith.constant 16 : i32
      %mul3A_232 = arith.muli %scan3A_226, %mul3A_231 : i32
      %get3A_233 = arith.index_cast %mul3A_232 : i32 to index
      %get3A_234 = tpu.vector_load %arg5[%get3A_233] {strides = array<i32>} : memref<2560xf32, #tpu.memory_space<vmem>>, vector<16xf32>,
      %get3A_235 = vector.shape_cast %get3A_234 : vector<16xf32> to vector<16xf32>
      %add3A_236 = arith.addf %get3A_230, %get3A_235 : vector<16xf32>
      %mul3A_237 = arith.constant 16 : i32
      %mul3A_238 = arith.muli %scan3A_226, %mul3A_237 : i32
      %swap3A = arith.index_cast %mul3A_238 : i32 to index
      %swap3A_239 = tpu.vector_load %arg4[%swap3A] {strides = array<i32>} : memref<2560xf32, #tpu.memory_space<vmem>>, vector<16xf32>,
      %swap3A_240 = vector.shape_cast %swap3A_239 : vector<16xf32> to vector<16xf32>
      %swap3A_241 = vector.shape_cast %add3A_236 : vector<16xf32> to vector<16xf32>
      tpu.vector_store %arg4[%swap3A], %swap3A_241 {strides = array<i32>} : memref<2560xf32, #tpu.memory_space<vmem>>, vector<16xf32>,
    }
    %scan3A_190 = arith.constant 160 : i32
    %run_scoped3A_191 = arith.constant 28 : i32
    "tpu.region"() ({
      %run_scoped3A_226 = tpu.sem_alloc : memref<!tpu.dma_semaphore, #tpu.memory_space<semaphore_mem>>
      %dma_start3A = tpu.memref_slice %arg2[%run_scoped3A_191, %mul3A_2] : memref<32x81920xf32, #tpu.memory_space<hbm>> -> memref<1x2560xf32, #tpu.memory_space<hbm>>
      %dma_start3A_227 = tpu.memref_squeeze %dma_start3A : memref<1x2560xf32, #tpu.memory_space<hbm>> -> memref<2560xf32, #tpu.memory_space<hbm>>
      %dma_start3A_228 = tpu.memref_slice %arg2[%run_scoped3A_191, %mul3A_2] : memref<32x81920xf32, #tpu.memory_space<hbm>> -> memref<1x2560xf32, #tpu.memory_space<hbm>>
      %dma_start3A_229 = tpu.memref_squeeze %dma_start3A_228 : memref<1x2560xf32, #tpu.memory_space<hbm>> -> memref<2560xf32, #tpu.memory_space<hbm>>
      tpu.enqueue_dma source(%dma_start3A_229 : memref<2560xf32, #tpu.memory_space<hbm>>) target(%arg5 : memref<2560xf32, #tpu.memory_space<vmem>>) target_semaphore(%run_scoped3A_226 : memref<!tpu.dma_semaphore, #tpu.memory_space<semaphore_mem>>)
      %dma_wait3A = tpu.memref_slice %arg2[%run_scoped3A_191, %mul3A_2] : memref<32x81920xf32, #tpu.memory_space<hbm>> -> memref<1x2560xf32, #tpu.memory_space<hbm>>
      %dma_wait3A_230 = tpu.memref_squeeze %dma_wait3A : memref<1x2560xf32, #tpu.memory_space<hbm>> -> memref<2560xf32, #tpu.memory_space<hbm>>
      %dma_wait3A_231 = tpu.memref_slice %arg2[%run_scoped3A_191, %mul3A_2] : memref<32x81920xf32, #tpu.memory_space<hbm>> -> memref<1x2560xf32, #tpu.memory_space<hbm>>
      %dma_wait3A_232 = tpu.memref_squeeze %dma_wait3A_231 : memref<1x2560xf32, #tpu.memory_space<hbm>> -> memref<2560xf32, #tpu.memory_space<hbm>>
      tpu.wait_dma2 semaphore(%run_scoped3A_226 : memref<!tpu.dma_semaphore, #tpu.memory_space<semaphore_mem>>) src(%dma_wait3A_232 : memref<2560xf32, #tpu.memory_space<hbm>>) dst(%arg5 : memref<2560xf32, #tpu.memory_space<vmem>>)
      tpu.yield
    }) : () -> ()
    %scan3A_192 = arith.constant 0 : i32
    %scan3A_193 = arith.constant 0 : i32
    %scan3A_194 = arith.constant 160 : i32
    %scan3A_195 = arith.addi %scan3A_193, %scan3A_194 : i32
    %scan3A_196 = arith.constant 1 : i32
    scf.for %scan3A_226 = %scan3A_193 to %scan3A_195 step %scan3A_196  : i32 {
      %mul3A_227 = arith.constant 16 : i32
      %mul3A_228 = arith.muli %scan3A_226, %mul3A_227 : i32
      %get3A = arith.index_cast %mul3A_228 : i32 to index
      %get3A_229 = tpu.vector_load %arg4[%get3A] {strides = array<i32>} : memref<2560xf32, #tpu.memory_space<vmem>>, vector<16xf32>,
      %get3A_230 = vector.shape_cast %get3A_229 : vector<16xf32> to vector<16xf32>
      %mul3A_231 = arith.constant 16 : i32
      %mul3A_232 = arith.muli %scan3A_226, %mul3A_231 : i32
      %get3A_233 = arith.index_cast %mul3A_232 : i32 to index
      %get3A_234 = tpu.vector_load %arg5[%get3A_233] {strides = array<i32>} : memref<2560xf32, #tpu.memory_space<vmem>>, vector<16xf32>,
      %get3A_235 = vector.shape_cast %get3A_234 : vector<16xf32> to vector<16xf32>
      %add3A_236 = arith.addf %get3A_230, %get3A_235 : vector<16xf32>
      %mul3A_237 = arith.constant 16 : i32
      %mul3A_238 = arith.muli %scan3A_226, %mul3A_237 : i32
      %swap3A = arith.index_cast %mul3A_238 : i32 to index
      %swap3A_239 = tpu.vector_load %arg4[%swap3A] {strides = array<i32>} : memref<2560xf32, #tpu.memory_space<vmem>>, vector<16xf32>,
      %swap3A_240 = vector.shape_cast %swap3A_239 : vector<16xf32> to vector<16xf32>
      %swap3A_241 = vector.shape_cast %add3A_236 : vector<16xf32> to vector<16xf32>
      tpu.vector_store %arg4[%swap3A], %swap3A_241 {strides = array<i32>} : memref<2560xf32, #tpu.memory_space<vmem>>, vector<16xf32>,
    }
    %scan3A_197 = arith.constant 160 : i32
    %run_scoped3A_198 = arith.constant 29 : i32
    "tpu.region"() ({
      %run_scoped3A_226 = tpu.sem_alloc : memref<!tpu.dma_semaphore, #tpu.memory_space<semaphore_mem>>
      %dma_start3A = tpu.memref_slice %arg2[%run_scoped3A_198, %mul3A_2] : memref<32x81920xf32, #tpu.memory_space<hbm>> -> memref<1x2560xf32, #tpu.memory_space<hbm>>
      %dma_start3A_227 = tpu.memref_squeeze %dma_start3A : memref<1x2560xf32, #tpu.memory_space<hbm>> -> memref<2560xf32, #tpu.memory_space<hbm>>
      %dma_start3A_228 = tpu.memref_slice %arg2[%run_scoped3A_198, %mul3A_2] : memref<32x81920xf32, #tpu.memory_space<hbm>> -> memref<1x2560xf32, #tpu.memory_space<hbm>>
      %dma_start3A_229 = tpu.memref_squeeze %dma_start3A_228 : memref<1x2560xf32, #tpu.memory_space<hbm>> -> memref<2560xf32, #tpu.memory_space<hbm>>
      tpu.enqueue_dma source(%dma_start3A_229 : memref<2560xf32, #tpu.memory_space<hbm>>) target(%arg5 : memref<2560xf32, #tpu.memory_space<vmem>>) target_semaphore(%run_scoped3A_226 : memref<!tpu.dma_semaphore, #tpu.memory_space<semaphore_mem>>)
      %dma_wait3A = tpu.memref_slice %arg2[%run_scoped3A_198, %mul3A_2] : memref<32x81920xf32, #tpu.memory_space<hbm>> -> memref<1x2560xf32, #tpu.memory_space<hbm>>
      %dma_wait3A_230 = tpu.memref_squeeze %dma_wait3A : memref<1x2560xf32, #tpu.memory_space<hbm>> -> memref<2560xf32, #tpu.memory_space<hbm>>
      %dma_wait3A_231 = tpu.memref_slice %arg2[%run_scoped3A_198, %mul3A_2] : memref<32x81920xf32, #tpu.memory_space<hbm>> -> memref<1x2560xf32, #tpu.memory_space<hbm>>
      %dma_wait3A_232 = tpu.memref_squeeze %dma_wait3A_231 : memref<1x2560xf32, #tpu.memory_space<hbm>> -> memref<2560xf32, #tpu.memory_space<hbm>>
      tpu.wait_dma2 semaphore(%run_scoped3A_226 : memref<!tpu.dma_semaphore, #tpu.memory_space<semaphore_mem>>) src(%dma_wait3A_232 : memref<2560xf32, #tpu.memory_space<hbm>>) dst(%arg5 : memref<2560xf32, #tpu.memory_space<vmem>>)
      tpu.yield
    }) : () -> ()
    %scan3A_199 = arith.constant 0 : i32
    %scan3A_200 = arith.constant 0 : i32
    %scan3A_201 = arith.constant 160 : i32
    %scan3A_202 = arith.addi %scan3A_200, %scan3A_201 : i32
    %scan3A_203 = arith.constant 1 : i32
    scf.for %scan3A_226 = %scan3A_200 to %scan3A_202 step %scan3A_203  : i32 {
      %mul3A_227 = arith.constant 16 : i32
      %mul3A_228 = arith.muli %scan3A_226, %mul3A_227 : i32
      %get3A = arith.index_cast %mul3A_228 : i32 to index
      %get3A_229 = tpu.vector_load %arg4[%get3A] {strides = array<i32>} : memref<2560xf32, #tpu.memory_space<vmem>>, vector<16xf32>,
      %get3A_230 = vector.shape_cast %get3A_229 : vector<16xf32> to vector<16xf32>
      %mul3A_231 = arith.constant 16 : i32
      %mul3A_232 = arith.muli %scan3A_226, %mul3A_231 : i32
      %get3A_233 = arith.index_cast %mul3A_232 : i32 to index
      %get3A_234 = tpu.vector_load %arg5[%get3A_233] {strides = array<i32>} : memref<2560xf32, #tpu.memory_space<vmem>>, vector<16xf32>,
      %get3A_235 = vector.shape_cast %get3A_234 : vector<16xf32> to vector<16xf32>
      %add3A_236 = arith.addf %get3A_230, %get3A_235 : vector<16xf32>
      %mul3A_237 = arith.constant 16 : i32
      %mul3A_238 = arith.muli %scan3A_226, %mul3A_237 : i32
      %swap3A = arith.index_cast %mul3A_238 : i32 to index
      %swap3A_239 = tpu.vector_load %arg4[%swap3A] {strides = array<i32>} : memref<2560xf32, #tpu.memory_space<vmem>>, vector<16xf32>,
      %swap3A_240 = vector.shape_cast %swap3A_239 : vector<16xf32> to vector<16xf32>
      %swap3A_241 = vector.shape_cast %add3A_236 : vector<16xf32> to vector<16xf32>
      tpu.vector_store %arg4[%swap3A], %swap3A_241 {strides = array<i32>} : memref<2560xf32, #tpu.memory_space<vmem>>, vector<16xf32>,
    }
    %scan3A_204 = arith.constant 160 : i32
    %run_scoped3A_205 = arith.constant 30 : i32
    "tpu.region"() ({
      %run_scoped3A_226 = tpu.sem_alloc : memref<!tpu.dma_semaphore, #tpu.memory_space<semaphore_mem>>
      %dma_start3A = tpu.memref_slice %arg2[%run_scoped3A_205, %mul3A_2] : memref<32x81920xf32, #tpu.memory_space<hbm>> -> memref<1x2560xf32, #tpu.memory_space<hbm>>
      %dma_start3A_227 = tpu.memref_squeeze %dma_start3A : memref<1x2560xf32, #tpu.memory_space<hbm>> -> memref<2560xf32, #tpu.memory_space<hbm>>
      %dma_start3A_228 = tpu.memref_slice %arg2[%run_scoped3A_205, %mul3A_2] : memref<32x81920xf32, #tpu.memory_space<hbm>> -> memref<1x2560xf32, #tpu.memory_space<hbm>>
      %dma_start3A_229 = tpu.memref_squeeze %dma_start3A_228 : memref<1x2560xf32, #tpu.memory_space<hbm>> -> memref<2560xf32, #tpu.memory_space<hbm>>
      tpu.enqueue_dma source(%dma_start3A_229 : memref<2560xf32, #tpu.memory_space<hbm>>) target(%arg5 : memref<2560xf32, #tpu.memory_space<vmem>>) target_semaphore(%run_scoped3A_226 : memref<!tpu.dma_semaphore, #tpu.memory_space<semaphore_mem>>)
      %dma_wait3A = tpu.memref_slice %arg2[%run_scoped3A_205, %mul3A_2] : memref<32x81920xf32, #tpu.memory_space<hbm>> -> memref<1x2560xf32, #tpu.memory_space<hbm>>
      %dma_wait3A_230 = tpu.memref_squeeze %dma_wait3A : memref<1x2560xf32, #tpu.memory_space<hbm>> -> memref<2560xf32, #tpu.memory_space<hbm>>
      %dma_wait3A_231 = tpu.memref_slice %arg2[%run_scoped3A_205, %mul3A_2] : memref<32x81920xf32, #tpu.memory_space<hbm>> -> memref<1x2560xf32, #tpu.memory_space<hbm>>
      %dma_wait3A_232 = tpu.memref_squeeze %dma_wait3A_231 : memref<1x2560xf32, #tpu.memory_space<hbm>> -> memref<2560xf32, #tpu.memory_space<hbm>>
      tpu.wait_dma2 semaphore(%run_scoped3A_226 : memref<!tpu.dma_semaphore, #tpu.memory_space<semaphore_mem>>) src(%dma_wait3A_232 : memref<2560xf32, #tpu.memory_space<hbm>>) dst(%arg5 : memref<2560xf32, #tpu.memory_space<vmem>>)
      tpu.yield
    }) : () -> ()
    %scan3A_206 = arith.constant 0 : i32
    %scan3A_207 = arith.constant 0 : i32
    %scan3A_208 = arith.constant 160 : i32
    %scan3A_209 = arith.addi %scan3A_207, %scan3A_208 : i32
    %scan3A_210 = arith.constant 1 : i32
    scf.for %scan3A_226 = %scan3A_207 to %scan3A_209 step %scan3A_210  : i32 {
      %mul3A_227 = arith.constant 16 : i32
      %mul3A_228 = arith.muli %scan3A_226, %mul3A_227 : i32
      %get3A = arith.index_cast %mul3A_228 : i32 to index
      %get3A_229 = tpu.vector_load %arg4[%get3A] {strides = array<i32>} : memref<2560xf32, #tpu.memory_space<vmem>>, vector<16xf32>,
      %get3A_230 = vector.shape_cast %get3A_229 : vector<16xf32> to vector<16xf32>
      %mul3A_231 = arith.constant 16 : i32
      %mul3A_232 = arith.muli %scan3A_226, %mul3A_231 : i32
      %get3A_233 = arith.index_cast %mul3A_232 : i32 to index
      %get3A_234 = tpu.vector_load %arg5[%get3A_233] {strides = array<i32>} : memref<2560xf32, #tpu.memory_space<vmem>>, vector<16xf32>,
      %get3A_235 = vector.shape_cast %get3A_234 : vector<16xf32> to vector<16xf32>
      %add3A_236 = arith.addf %get3A_230, %get3A_235 : vector<16xf32>
      %mul3A_237 = arith.constant 16 : i32
      %mul3A_238 = arith.muli %scan3A_226, %mul3A_237 : i32
      %swap3A = arith.index_cast %mul3A_238 : i32 to index
      %swap3A_239 = tpu.vector_load %arg4[%swap3A] {strides = array<i32>} : memref<2560xf32, #tpu.memory_space<vmem>>, vector<16xf32>,
      %swap3A_240 = vector.shape_cast %swap3A_239 : vector<16xf32> to vector<16xf32>
      %swap3A_241 = vector.shape_cast %add3A_236 : vector<16xf32> to vector<16xf32>
      tpu.vector_store %arg4[%swap3A], %swap3A_241 {strides = array<i32>} : memref<2560xf32, #tpu.memory_space<vmem>>, vector<16xf32>,
    }
    %scan3A_211 = arith.constant 160 : i32
    %run_scoped3A_212 = arith.constant 31 : i32
    "tpu.region"() ({
      %run_scoped3A_226 = tpu.sem_alloc : memref<!tpu.dma_semaphore, #tpu.memory_space<semaphore_mem>>
      %dma_start3A = tpu.memref_slice %arg2[%run_scoped3A_212, %mul3A_2] : memref<32x81920xf32, #tpu.memory_space<hbm>> -> memref<1x2560xf32, #tpu.memory_space<hbm>>
      %dma_start3A_227 = tpu.memref_squeeze %dma_start3A : memref<1x2560xf32, #tpu.memory_space<hbm>> -> memref<2560xf32, #tpu.memory_space<hbm>>
      %dma_start3A_228 = tpu.memref_slice %arg2[%run_scoped3A_212, %mul3A_2] : memref<32x81920xf32, #tpu.memory_space<hbm>> -> memref<1x2560xf32, #tpu.memory_space<hbm>>
      %dma_start3A_229 = tpu.memref_squeeze %dma_start3A_228 : memref<1x2560xf32, #tpu.memory_space<hbm>> -> memref<2560xf32, #tpu.memory_space<hbm>>
      tpu.enqueue_dma source(%dma_start3A_229 : memref<2560xf32, #tpu.memory_space<hbm>>) target(%arg5 : memref<2560xf32, #tpu.memory_space<vmem>>) target_semaphore(%run_scoped3A_226 : memref<!tpu.dma_semaphore, #tpu.memory_space<semaphore_mem>>)
      %dma_wait3A = tpu.memref_slice %arg2[%run_scoped3A_212, %mul3A_2] : memref<32x81920xf32, #tpu.memory_space<hbm>> -> memref<1x2560xf32, #tpu.memory_space<hbm>>
      %dma_wait3A_230 = tpu.memref_squeeze %dma_wait3A : memref<1x2560xf32, #tpu.memory_space<hbm>> -> memref<2560xf32, #tpu.memory_space<hbm>>
      %dma_wait3A_231 = tpu.memref_slice %arg2[%run_scoped3A_212, %mul3A_2] : memref<32x81920xf32, #tpu.memory_space<hbm>> -> memref<1x2560xf32, #tpu.memory_space<hbm>>
      %dma_wait3A_232 = tpu.memref_squeeze %dma_wait3A_231 : memref<1x2560xf32, #tpu.memory_space<hbm>> -> memref<2560xf32, #tpu.memory_space<hbm>>
      tpu.wait_dma2 semaphore(%run_scoped3A_226 : memref<!tpu.dma_semaphore, #tpu.memory_space<semaphore_mem>>) src(%dma_wait3A_232 : memref<2560xf32, #tpu.memory_space<hbm>>) dst(%arg5 : memref<2560xf32, #tpu.memory_space<vmem>>)
      tpu.yield
    }) : () -> ()
    %scan3A_213 = arith.constant 0 : i32
    %scan3A_214 = arith.constant 0 : i32
    %scan3A_215 = arith.constant 160 : i32
    %scan3A_216 = arith.addi %scan3A_214, %scan3A_215 : i32
    %scan3A_217 = arith.constant 1 : i32
    scf.for %scan3A_226 = %scan3A_214 to %scan3A_216 step %scan3A_217  : i32 {
      %mul3A_227 = arith.constant 16 : i32
      %mul3A_228 = arith.muli %scan3A_226, %mul3A_227 : i32
      %get3A = arith.index_cast %mul3A_228 : i32 to index
      %get3A_229 = tpu.vector_load %arg4[%get3A] {strides = array<i32>} : memref<2560xf32, #tpu.memory_space<vmem>>, vector<16xf32>,
      %get3A_230 = vector.shape_cast %get3A_229 : vector<16xf32> to vector<16xf32>
      %mul3A_231 = arith.constant 16 : i32
      %mul3A_232 = arith.muli %scan3A_226, %mul3A_231 : i32
      %get3A_233 = arith.index_cast %mul3A_232 : i32 to index
      %get3A_234 = tpu.vector_load %arg5[%get3A_233] {strides = array<i32>} : memref<2560xf32, #tpu.memory_space<vmem>>, vector<16xf32>,
      %get3A_235 = vector.shape_cast %get3A_234 : vector<16xf32> to vector<16xf32>
      %add3A_236 = arith.addf %get3A_230, %get3A_235 : vector<16xf32>
      %mul3A_237 = arith.constant 16 : i32
      %mul3A_238 = arith.muli %scan3A_226, %mul3A_237 : i32
      %swap3A = arith.index_cast %mul3A_238 : i32 to index
      %swap3A_239 = tpu.vector_load %arg4[%swap3A] {strides = array<i32>} : memref<2560xf32, #tpu.memory_space<vmem>>, vector<16xf32>,
      %swap3A_240 = vector.shape_cast %swap3A_239 : vector<16xf32> to vector<16xf32>
      %swap3A_241 = vector.shape_cast %add3A_236 : vector<16xf32> to vector<16xf32>
      tpu.vector_store %arg4[%swap3A], %swap3A_241 {strides = array<i32>} : memref<2560xf32, #tpu.memory_space<vmem>>, vector<16xf32>,
    }
    %scan3A_218 = arith.constant 160 : i32
    %broadcast_in_dim3A = arith.constant 1.000000e+00 : f32
    %broadcast_in_dim3A_219 = vector.broadcast %broadcast_in_dim3A : f32 to vector<16xf32>
    %scan3A_220 = arith.constant 0 : i32
    %scan3A_221 = arith.constant 0 : i32
    %scan3A_222 = arith.constant 160 : i32
    %scan3A_223 = arith.addi %scan3A_221, %scan3A_222 : i32
    %scan3A_224 = arith.constant 1 : i32
    scf.for %scan3A_226 = %scan3A_221 to %scan3A_223 step %scan3A_224  : i32 {
      %mul3A_227 = arith.constant 16 : i32
      %mul3A_228 = arith.muli %scan3A_226, %mul3A_227 : i32
      %get3A = arith.index_cast %mul3A_228 : i32 to index
      %get3A_229 = tpu.vector_load %arg4[%get3A] {strides = array<i32>} : memref<2560xf32, #tpu.memory_space<vmem>>, vector<16xf32>,
      %get3A_230 = vector.shape_cast %get3A_229 : vector<16xf32> to vector<16xf32>
      %max3A = arith.maximumf %get3A_230, %broadcast_in_dim3A_219 : vector<16xf32>
      %div3A = arith.divf %broadcast_in_dim3A_219, %max3A : vector<16xf32>
      %mul3A_231 = arith.constant 16 : i32
      %mul3A_232 = arith.muli %scan3A_226, %mul3A_231 : i32
      %swap3A = arith.index_cast %mul3A_232 : i32 to index
      %swap3A_233 = tpu.vector_load %arg6[%swap3A] {strides = array<i32>} : memref<2560xf32, #tpu.memory_space<vmem>>, vector<16xf32>,
      %swap3A_234 = vector.shape_cast %swap3A_233 : vector<16xf32> to vector<16xf32>
      %swap3A_235 = vector.shape_cast %div3A : vector<16xf32> to vector<16xf32>
      tpu.vector_store %arg6[%swap3A], %swap3A_235 {strides = array<i32>} : memref<2560xf32, #tpu.memory_space<vmem>>, vector<16xf32>,
    }
    %scan3A_225 = arith.constant 160 : i32
    "tpu.region"() ({
      %run_scoped3A_226 = tpu.sem_alloc : memref<!tpu.dma_semaphore, #tpu.memory_space<semaphore_mem>>
      %dma_start3A = tpu.memref_slice %arg3[%mul3A_2] : memref<81920xf32, #tpu.memory_space<hbm>> -> memref<2560xf32, #tpu.memory_space<hbm>>
      %dma_start3A_227 = tpu.memref_slice %arg3[%mul3A_2] : memref<81920xf32, #tpu.memory_space<hbm>> -> memref<2560xf32, #tpu.memory_space<hbm>>
      tpu.enqueue_dma source(%arg6 : memref<2560xf32, #tpu.memory_space<vmem>>) target(%dma_start3A_227 : memref<2560xf32, #tpu.memory_space<hbm>>) target_semaphore(%run_scoped3A_226 : memref<!tpu.dma_semaphore, #tpu.memory_space<semaphore_mem>>)
      %dma_wait3A = tpu.memref_slice %arg3[%mul3A_2] : memref<81920xf32, #tpu.memory_space<hbm>> -> memref<2560xf32, #tpu.memory_space<hbm>>
      %dma_wait3A_228 = tpu.memref_slice %arg3[%mul3A_2] : memref<81920xf32, #tpu.memory_space<hbm>> -> memref<2560xf32, #tpu.memory_space<hbm>>
      tpu.wait_dma2 semaphore(%run_scoped3A_226 : memref<!tpu.dma_semaphore, #tpu.memory_space<semaphore_mem>>) src(%arg6 : memref<2560xf32, #tpu.memory_space<vmem>>) dst(%dma_wait3A_228 : memref<2560xf32, #tpu.memory_space<hbm>>)
      tpu.yield
    }) : () -> ()
    return
  }
}

#map = affine_map<(d0, d1) -> (0)>
#map1 = affine_map<(d0, d1) -> (0, 0)>
module attributes {stable_mosaic.version = 14 : i64} {
  func.func @_k_hist(%arg0: i32, %arg1: i32, %arg2: memref<160256xi32, #tpu.memory_space<hbm>>, %arg3: memref<81920xf32, #tpu.memory_space<hbm>>, %arg4: memref<32x81920xf32, #tpu.memory_space<hbm>>, %arg5: memref<5008xi32, #tpu.memory_space<vmem>>, %arg6: memref<81920xf32, #tpu.memory_space<vmem>>) attributes {dimension_semantics = [#tpu.dimension_semantics<core_parallel>, #tpu.dimension_semantics<subcore_parallel>], iteration_bounds = array<i64: 2, 16>, scalar_prefetch = 0 : i64, scratch_operands = 2 : i64, tpu.core_type = #tpu.core_type<sc_vector_subcore>, window_params = [{transform_indices = #map}, {transform_indices = #map}, {transform_indices = #map1}]} {
    %mul3A = arith.constant 16 : i32
    %mul3A_0 = arith.muli %arg0, %mul3A : i32
    %add3A = arith.addi %mul3A_0, %arg1 : i32
    "tpu.region"() ({
      %run_scoped3A = tpu.sem_alloc : memref<!tpu.dma_semaphore, #tpu.memory_space<semaphore_mem>>
      tpu.enqueue_dma source(%arg3 : memref<81920xf32, #tpu.memory_space<hbm>>) target(%arg6 : memref<81920xf32, #tpu.memory_space<vmem>>) target_semaphore(%run_scoped3A : memref<!tpu.dma_semaphore, #tpu.memory_space<semaphore_mem>>)
      tpu.wait_dma2 semaphore(%run_scoped3A : memref<!tpu.dma_semaphore, #tpu.memory_space<semaphore_mem>>) src(%arg3 : memref<81920xf32, #tpu.memory_space<hbm>>) dst(%arg6 : memref<81920xf32, #tpu.memory_space<vmem>>)
      tpu.yield
    }) : () -> ()
    %mul3A_1 = arith.constant 5008 : i32
    %mul3A_2 = arith.muli %add3A, %mul3A_1 : i32
    "tpu.region"() ({
      %run_scoped3A = tpu.sem_alloc : memref<!tpu.dma_semaphore, #tpu.memory_space<semaphore_mem>>
      %dma_start3A = tpu.memref_slice %arg2[%mul3A_2] : memref<160256xi32, #tpu.memory_space<hbm>> -> memref<5008xi32, #tpu.memory_space<hbm>>
      %dma_start3A_11 = tpu.memref_slice %arg2[%mul3A_2] : memref<160256xi32, #tpu.memory_space<hbm>> -> memref<5008xi32, #tpu.memory_space<hbm>>
      tpu.enqueue_dma source(%dma_start3A_11 : memref<5008xi32, #tpu.memory_space<hbm>>) target(%arg5 : memref<5008xi32, #tpu.memory_space<vmem>>) target_semaphore(%run_scoped3A : memref<!tpu.dma_semaphore, #tpu.memory_space<semaphore_mem>>)
      %dma_wait3A = tpu.memref_slice %arg2[%mul3A_2] : memref<160256xi32, #tpu.memory_space<hbm>> -> memref<5008xi32, #tpu.memory_space<hbm>>
      %dma_wait3A_12 = tpu.memref_slice %arg2[%mul3A_2] : memref<160256xi32, #tpu.memory_space<hbm>> -> memref<5008xi32, #tpu.memory_space<hbm>>
      tpu.wait_dma2 semaphore(%run_scoped3A : memref<!tpu.dma_semaphore, #tpu.memory_space<semaphore_mem>>) src(%dma_wait3A_12 : memref<5008xi32, #tpu.memory_space<hbm>>) dst(%arg5 : memref<5008xi32, #tpu.memory_space<vmem>>)
      tpu.yield
    }) : () -> ()
    %broadcast_in_dim3A = arith.constant 1.000000e+00 : f32
    %broadcast_in_dim3A_3 = vector.broadcast %broadcast_in_dim3A : f32 to vector<16xf32>
    %iota3A = tpu.iota {dimensions = array<i32: 0>} : vector<16xi32>
    %broadcast_in_dim3A_4 = arith.constant 0 : i32
    %broadcast_in_dim3A_5 = vector.broadcast %broadcast_in_dim3A_4 : i32 to vector<16xi32>
    %eq3A = arith.cmpi eq, %iota3A, %broadcast_in_dim3A_5 : vector<16xi32>
    %scan3A = arith.constant 0 : i32
    %scan3A_6 = arith.constant 0 : i32
    %scan3A_7 = arith.constant 5008 : i32
    %scan3A_8 = arith.addi %scan3A_6, %scan3A_7 : i32
    %scan3A_9 = arith.constant 1 : i32
    scf.for %scan3A_11 = %scan3A_6 to %scan3A_8 step %scan3A_9  : i32 {
      %broadcast_in_dim3A_12 = vector.broadcast %scan3A_11 : i32 to vector<16xi32>
      %gather3A = tpu.vector_load_idx %arg5[%broadcast_in_dim3A_12] : memref<5008xi32, #tpu.memory_space<vmem>>[vector<16xi32>], vector<16xi32>,
      tpu.vector_store_idx %arg6[%gather3A], %broadcast_in_dim3A_3 masked %eq3A {add = true} : memref<81920xf32, #tpu.memory_space<vmem>>[vector<16xi32>], vector<16xf32>, vector<16xi1>
    }
    %scan3A_10 = arith.constant 5008 : i32
    "tpu.region"() ({
      %run_scoped3A = tpu.sem_alloc : memref<!tpu.dma_semaphore, #tpu.memory_space<semaphore_mem>>
      %dma_start3A = arith.constant 0 : i32
      %dma_start3A_11 = tpu.memref_slice %arg4[%add3A, %dma_start3A] : memref<32x81920xf32, #tpu.memory_space<hbm>> -> memref<1x81920xf32, #tpu.memory_space<hbm>>
      %dma_start3A_12 = tpu.memref_squeeze %dma_start3A_11 : memref<1x81920xf32, #tpu.memory_space<hbm>> -> memref<81920xf32, #tpu.memory_space<hbm>>
      %dma_start3A_13 = arith.constant 0 : i32
      %dma_start3A_14 = tpu.memref_slice %arg4[%add3A, %dma_start3A_13] : memref<32x81920xf32, #tpu.memory_space<hbm>> -> memref<1x81920xf32, #tpu.memory_space<hbm>>
      %dma_start3A_15 = tpu.memref_squeeze %dma_start3A_14 : memref<1x81920xf32, #tpu.memory_space<hbm>> -> memref<81920xf32, #tpu.memory_space<hbm>>
      tpu.enqueue_dma source(%arg6 : memref<81920xf32, #tpu.memory_space<vmem>>) target(%dma_start3A_15 : memref<81920xf32, #tpu.memory_space<hbm>>) target_semaphore(%run_scoped3A : memref<!tpu.dma_semaphore, #tpu.memory_space<semaphore_mem>>)
      %dma_wait3A = arith.constant 0 : i32
      %dma_wait3A_16 = tpu.memref_slice %arg4[%add3A, %dma_wait3A] : memref<32x81920xf32, #tpu.memory_space<hbm>> -> memref<1x81920xf32, #tpu.memory_space<hbm>>
      %dma_wait3A_17 = tpu.memref_squeeze %dma_wait3A_16 : memref<1x81920xf32, #tpu.memory_space<hbm>> -> memref<81920xf32, #tpu.memory_space<hbm>>
      %dma_wait3A_18 = arith.constant 0 : i32
      %dma_wait3A_19 = tpu.memref_slice %arg4[%add3A, %dma_wait3A_18] : memref<32x81920xf32, #tpu.memory_space<hbm>> -> memref<1x81920xf32, #tpu.memory_space<hbm>>
      %dma_wait3A_20 = tpu.memref_squeeze %dma_wait3A_19 : memref<1x81920xf32, #tpu.memory_space<hbm>> -> memref<81920xf32, #tpu.memory_space<hbm>>
      tpu.wait_dma2 semaphore(%run_scoped3A : memref<!tpu.dma_semaphore, #tpu.memory_space<semaphore_mem>>) src(%arg6 : memref<81920xf32, #tpu.memory_space<vmem>>) dst(%dma_wait3A_20 : memref<81920xf32, #tpu.memory_space<hbm>>)
      tpu.yield
    }) : () -> ()
    return
  }
}

#map = affine_map<(d0, d1) -> (0)>
module attributes {stable_mosaic.version = 14 : i64} {
  func.func @_k_scale(%arg0: i32, %arg1: i32, %arg2: memref<81920xf32, #tpu.memory_space<hbm>>, %arg3: memref<160256xi32, #tpu.memory_space<hbm>>, %arg4: memref<160256xf32, #tpu.memory_space<hbm>>, %arg5: memref<81920xf32, #tpu.memory_space<vmem>>, %arg6: memref<5008xi32, #tpu.memory_space<vmem>>, %arg7: memref<5008xf32, #tpu.memory_space<vmem>>) attributes {dimension_semantics = [#tpu.dimension_semantics<core_parallel>, #tpu.dimension_semantics<subcore_parallel>], iteration_bounds = array<i64: 2, 16>, scalar_prefetch = 0 : i64, scratch_operands = 3 : i64, tpu.core_type = #tpu.core_type<sc_vector_subcore>, window_params = [{transform_indices = #map}, {transform_indices = #map}, {transform_indices = #map}]} {
    %mul3A = arith.constant 16 : i32
    %mul3A_0 = arith.muli %arg0, %mul3A : i32
    %add3A = arith.addi %mul3A_0, %arg1 : i32
    %mul3A_1 = arith.constant 5008 : i32
    %mul3A_2 = arith.muli %add3A, %mul3A_1 : i32
    "tpu.region"() ({
      %run_scoped3A = tpu.sem_alloc : memref<!tpu.dma_semaphore, #tpu.memory_space<semaphore_mem>>
      tpu.enqueue_dma source(%arg2 : memref<81920xf32, #tpu.memory_space<hbm>>) target(%arg5 : memref<81920xf32, #tpu.memory_space<vmem>>) target_semaphore(%run_scoped3A : memref<!tpu.dma_semaphore, #tpu.memory_space<semaphore_mem>>)
      tpu.wait_dma2 semaphore(%run_scoped3A : memref<!tpu.dma_semaphore, #tpu.memory_space<semaphore_mem>>) src(%arg2 : memref<81920xf32, #tpu.memory_space<hbm>>) dst(%arg5 : memref<81920xf32, #tpu.memory_space<vmem>>)
      tpu.yield
    }) : () -> ()
    "tpu.region"() ({
      %run_scoped3A = tpu.sem_alloc : memref<!tpu.dma_semaphore, #tpu.memory_space<semaphore_mem>>
      %dma_start3A = tpu.memref_slice %arg3[%mul3A_2] : memref<160256xi32, #tpu.memory_space<hbm>> -> memref<5008xi32, #tpu.memory_space<hbm>>
      %dma_start3A_8 = tpu.memref_slice %arg3[%mul3A_2] : memref<160256xi32, #tpu.memory_space<hbm>> -> memref<5008xi32, #tpu.memory_space<hbm>>
      tpu.enqueue_dma source(%dma_start3A_8 : memref<5008xi32, #tpu.memory_space<hbm>>) target(%arg6 : memref<5008xi32, #tpu.memory_space<vmem>>) target_semaphore(%run_scoped3A : memref<!tpu.dma_semaphore, #tpu.memory_space<semaphore_mem>>)
      %dma_wait3A = tpu.memref_slice %arg3[%mul3A_2] : memref<160256xi32, #tpu.memory_space<hbm>> -> memref<5008xi32, #tpu.memory_space<hbm>>
      %dma_wait3A_9 = tpu.memref_slice %arg3[%mul3A_2] : memref<160256xi32, #tpu.memory_space<hbm>> -> memref<5008xi32, #tpu.memory_space<hbm>>
      tpu.wait_dma2 semaphore(%run_scoped3A : memref<!tpu.dma_semaphore, #tpu.memory_space<semaphore_mem>>) src(%dma_wait3A_9 : memref<5008xi32, #tpu.memory_space<hbm>>) dst(%arg6 : memref<5008xi32, #tpu.memory_space<vmem>>)
      tpu.yield
    }) : () -> ()
    %scan3A = arith.constant 0 : i32
    %scan3A_3 = arith.constant 0 : i32
    %scan3A_4 = arith.constant 313 : i32
    %scan3A_5 = arith.addi %scan3A_3, %scan3A_4 : i32
    %scan3A_6 = arith.constant 1 : i32
    scf.for %scan3A_8 = %scan3A_3 to %scan3A_5 step %scan3A_6  : i32 {
      %mul3A_9 = arith.constant 16 : i32
      %mul3A_10 = arith.muli %scan3A_8, %mul3A_9 : i32
      %get3A = arith.index_cast %mul3A_10 : i32 to index
      %get3A_11 = tpu.vector_load %arg6[%get3A] {strides = array<i32>} : memref<5008xi32, #tpu.memory_space<vmem>>, vector<16xi32>,
      %gather3A = tpu.vector_load_idx %arg5[%get3A_11] : memref<81920xf32, #tpu.memory_space<vmem>>[vector<16xi32>], vector<16xf32>,
      %mul3A_12 = arith.constant 16 : i32
      %mul3A_13 = arith.muli %scan3A_8, %mul3A_12 : i32
      %swap3A = arith.index_cast %mul3A_13 : i32 to index
      %swap3A_14 = tpu.vector_load %arg7[%swap3A] {strides = array<i32>} : memref<5008xf32, #tpu.memory_space<vmem>>, vector<16xf32>,
      tpu.vector_store %arg7[%swap3A], %gather3A {strides = array<i32>} : memref<5008xf32, #tpu.memory_space<vmem>>, vector<16xf32>,
    }
    %scan3A_7 = arith.constant 313 : i32
    "tpu.region"() ({
      %run_scoped3A = tpu.sem_alloc : memref<!tpu.dma_semaphore, #tpu.memory_space<semaphore_mem>>
      %dma_start3A = tpu.memref_slice %arg4[%mul3A_2] : memref<160256xf32, #tpu.memory_space<hbm>> -> memref<5008xf32, #tpu.memory_space<hbm>>
      %dma_start3A_8 = tpu.memref_slice %arg4[%mul3A_2] : memref<160256xf32, #tpu.memory_space<hbm>> -> memref<5008xf32, #tpu.memory_space<hbm>>
      tpu.enqueue_dma source(%arg7 : memref<5008xf32, #tpu.memory_space<vmem>>) target(%dma_start3A_8 : memref<5008xf32, #tpu.memory_space<hbm>>) target_semaphore(%run_scoped3A : memref<!tpu.dma_semaphore, #tpu.memory_space<semaphore_mem>>)
      %dma_wait3A = tpu.memref_slice %arg4[%mul3A_2] : memref<160256xf32, #tpu.memory_space<hbm>> -> memref<5008xf32, #tpu.memory_space<hbm>>
      %dma_wait3A_9 = tpu.memref_slice %arg4[%mul3A_2] : memref<160256xf32, #tpu.memory_space<hbm>> -> memref<5008xf32, #tpu.memory_space<hbm>>
      tpu.wait_dma2 semaphore(%run_scoped3A : memref<!tpu.dma_semaphore, #tpu.memory_space<semaphore_mem>>) src(%arg7 : memref<5008xf32, #tpu.memory_space<vmem>>) dst(%dma_wait3A_9 : memref<5008xf32, #tpu.memory_space<hbm>>)
      tpu.yield
    }) : () -> ()
    return
  }
}

#map = affine_map<(d0, d1) -> (0, 0)>
module attributes {stable_mosaic.version = 14 : i64} {
  func.func @_k_edge(%arg0: i32, %arg1: i32, %arg2: memref<80000x256xf32, #tpu.memory_space<hbm>>, %arg3: memref<32x160000xi32, #tpu.memory_space<hbm>>, %arg4: memref<32x160000xi32, #tpu.memory_space<hbm>>, %arg5: memref<32x160000xf32, #tpu.memory_space<hbm>>, %arg6: memref<32x16xi32, #tpu.memory_space<hbm>>, %arg7: memref<320x256xf32, #tpu.memory_space<hbm>>, %arg8: memref<10240x256xf32, #tpu.memory_space<hbm>>, %arg9: memref<64xi32, #tpu.memory_space<vmem>>, %arg10: memref<64xi32, #tpu.memory_space<vmem>>, %arg11: memref<64xf32, #tpu.memory_space<vmem>>, %arg12: memref<64x256xf32, #tpu.memory_space<vmem>>, %arg13: memref<16xi32, #tpu.memory_space<vmem>>, %arg14: memref<320x256xf32, #tpu.memory_space<vmem>>, %arg15: memref<!tpu.dma_semaphore, #tpu.memory_space<semaphore_mem>>) attributes {dimension_semantics = [#tpu.dimension_semantics<core_parallel>, #tpu.dimension_semantics<subcore_parallel>], iteration_bounds = array<i64: 2, 16>, scalar_prefetch = 0 : i64, scratch_operands = 7 : i64, tpu.core_type = #tpu.core_type<sc_vector_subcore>, window_params = [{transform_indices = #map}, {transform_indices = #map}, {transform_indices = #map}, {transform_indices = #map}, {transform_indices = #map}, {transform_indices = #map}, {transform_indices = #map}]} {
    %mul3A = arith.constant 16 : i32
    %mul3A_0 = arith.muli %arg0, %mul3A : i32
    %add3A = arith.addi %mul3A_0, %arg1 : i32
    "tpu.region"() ({
      %run_scoped3A = tpu.sem_alloc : memref<!tpu.dma_semaphore, #tpu.memory_space<semaphore_mem>>
      tpu.enqueue_dma source(%arg7 : memref<320x256xf32, #tpu.memory_space<hbm>>) target(%arg14 : memref<320x256xf32, #tpu.memory_space<vmem>>) target_semaphore(%run_scoped3A : memref<!tpu.dma_semaphore, #tpu.memory_space<semaphore_mem>>)
      tpu.wait_dma2 semaphore(%run_scoped3A : memref<!tpu.dma_semaphore, #tpu.memory_space<semaphore_mem>>) src(%arg7 : memref<320x256xf32, #tpu.memory_space<hbm>>) dst(%arg14 : memref<320x256xf32, #tpu.memory_space<vmem>>)
      tpu.yield
    }) : () -> ()
    "tpu.region"() ({
      %run_scoped3A = tpu.sem_alloc : memref<!tpu.dma_semaphore, #tpu.memory_space<semaphore_mem>>
      %dma_start3A = arith.constant 0 : i32
      %dma_start3A_73 = tpu.memref_slice %arg6[%add3A, %dma_start3A] : memref<32x16xi32, #tpu.memory_space<hbm>> -> memref<1x16xi32, #tpu.memory_space<hbm>>
      %dma_start3A_74 = tpu.memref_squeeze %dma_start3A_73 : memref<1x16xi32, #tpu.memory_space<hbm>> -> memref<16xi32, #tpu.memory_space<hbm>>
      %dma_start3A_75 = arith.constant 0 : i32
      %dma_start3A_76 = tpu.memref_slice %arg6[%add3A, %dma_start3A_75] : memref<32x16xi32, #tpu.memory_space<hbm>> -> memref<1x16xi32, #tpu.memory_space<hbm>>
      %dma_start3A_77 = tpu.memref_squeeze %dma_start3A_76 : memref<1x16xi32, #tpu.memory_space<hbm>> -> memref<16xi32, #tpu.memory_space<hbm>>
      tpu.enqueue_dma source(%dma_start3A_77 : memref<16xi32, #tpu.memory_space<hbm>>) target(%arg13 : memref<16xi32, #tpu.memory_space<vmem>>) target_semaphore(%run_scoped3A : memref<!tpu.dma_semaphore, #tpu.memory_space<semaphore_mem>>)
      %dma_wait3A = arith.constant 0 : i32
      %dma_wait3A_78 = tpu.memref_slice %arg6[%add3A, %dma_wait3A] : memref<32x16xi32, #tpu.memory_space<hbm>> -> memref<1x16xi32, #tpu.memory_space<hbm>>
      %dma_wait3A_79 = tpu.memref_squeeze %dma_wait3A_78 : memref<1x16xi32, #tpu.memory_space<hbm>> -> memref<16xi32, #tpu.memory_space<hbm>>
      %dma_wait3A_80 = arith.constant 0 : i32
      %dma_wait3A_81 = tpu.memref_slice %arg6[%add3A, %dma_wait3A_80] : memref<32x16xi32, #tpu.memory_space<hbm>> -> memref<1x16xi32, #tpu.memory_space<hbm>>
      %dma_wait3A_82 = tpu.memref_squeeze %dma_wait3A_81 : memref<1x16xi32, #tpu.memory_space<hbm>> -> memref<16xi32, #tpu.memory_space<hbm>>
      tpu.wait_dma2 semaphore(%run_scoped3A : memref<!tpu.dma_semaphore, #tpu.memory_space<semaphore_mem>>) src(%dma_wait3A_82 : memref<16xi32, #tpu.memory_space<hbm>>) dst(%arg13 : memref<16xi32, #tpu.memory_space<vmem>>)
      tpu.yield
    }) : () -> ()
    %get3A = arith.constant 0 : index
    %get3A_1 = tpu.vector_load %arg13[%get3A] {strides = array<i32>} : memref<16xi32, #tpu.memory_space<vmem>>, vector<16xi32>,
    %slice3A = vector.extract_strided_slice %get3A_1 {offsets = [0], sizes = [1], strides = [1]} : vector<16xi32> to vector<1xi32>
    %squeeze3A = vector.extract %slice3A[0] : i32 from vector<1xi32>
    %iota3A = tpu.iota {dimensions = array<i32: 0>} : vector<16xi32>
    %iota3A_2 = tpu.iota {dimensions = array<i32: 0>} : vector<16xi32>
    %add3A_3 = arith.constant 16 : i32
    %add3A_4 = vector.broadcast %add3A_3 : i32 to vector<16xi32>
    %add3A_5 = arith.addi %add3A_4, %iota3A_2 : vector<16xi32>
    %iota3A_6 = tpu.iota {dimensions = array<i32: 0>} : vector<16xi32>
    %add3A_7 = arith.constant 32 : i32
    %add3A_8 = vector.broadcast %add3A_7 : i32 to vector<16xi32>
    %add3A_9 = arith.addi %add3A_8, %iota3A_6 : vector<16xi32>
    %iota3A_10 = tpu.iota {dimensions = array<i32: 0>} : vector<16xi32>
    %add3A_11 = arith.constant 48 : i32
    %add3A_12 = vector.broadcast %add3A_11 : i32 to vector<16xi32>
    %add3A_13 = arith.addi %add3A_12, %iota3A_10 : vector<16xi32>
    %iota3A_14 = tpu.iota {dimensions = array<i32: 0>} : vector<16xi32>
    %add3A_15 = arith.constant 64 : i32
    %add3A_16 = vector.broadcast %add3A_15 : i32 to vector<16xi32>
    %add3A_17 = arith.addi %add3A_16, %iota3A_14 : vector<16xi32>
    %iota3A_18 = tpu.iota {dimensions = array<i32: 0>} : vector<16xi32>
    %add3A_19 = arith.constant 80 : i32
    %add3A_20 = vector.broadcast %add3A_19 : i32 to vector<16xi32>
    %add3A_21 = arith.addi %add3A_20, %iota3A_18 : vector<16xi32>
    %iota3A_22 = tpu.iota {dimensions = array<i32: 0>} : vector<16xi32>
    %add3A_23 = arith.constant 96 : i32
    %add3A_24 = vector.broadcast %add3A_23 : i32 to vector<16xi32>
    %add3A_25 = arith.addi %add3A_24, %iota3A_22 : vector<16xi32>
    %iota3A_26 = tpu.iota {dimensions = array<i32: 0>} : vector<16xi32>
    %add3A_27 = arith.constant 112 : i32
    %add3A_28 = vector.broadcast %add3A_27 : i32 to vector<16xi32>
    %add3A_29 = arith.addi %add3A_28, %iota3A_26 : vector<16xi32>
    %iota3A_30 = tpu.iota {dimensions = array<i32: 0>} : vector<16xi32>
    %add3A_31 = arith.constant 128 : i32
    %add3A_32 = vector.broadcast %add3A_31 : i32 to vector<16xi32>
    %add3A_33 = arith.addi %add3A_32, %iota3A_30 : vector<16xi32>
    %iota3A_34 = tpu.iota {dimensions = array<i32: 0>} : vector<16xi32>
    %add3A_35 = arith.constant 144 : i32
    %add3A_36 = vector.broadcast %add3A_35 : i32 to vector<16xi32>
    %add3A_37 = arith.addi %add3A_36, %iota3A_34 : vector<16xi32>
    %iota3A_38 = tpu.iota {dimensions = array<i32: 0>} : vector<16xi32>
    %add3A_39 = arith.constant 160 : i32
    %add3A_40 = vector.broadcast %add3A_39 : i32 to vector<16xi32>
    %add3A_41 = arith.addi %add3A_40, %iota3A_38 : vector<16xi32>
    %iota3A_42 = tpu.iota {dimensions = array<i32: 0>} : vector<16xi32>
    %add3A_43 = arith.constant 176 : i32
    %add3A_44 = vector.broadcast %add3A_43 : i32 to vector<16xi32>
    %add3A_45 = arith.addi %add3A_44, %iota3A_42 : vector<16xi32>
    %iota3A_46 = tpu.iota {dimensions = array<i32: 0>} : vector<16xi32>
    %add3A_47 = arith.constant 192 : i32
    %add3A_48 = vector.broadcast %add3A_47 : i32 to vector<16xi32>
    %add3A_49 = arith.addi %add3A_48, %iota3A_46 : vector<16xi32>
    %iota3A_50 = tpu.iota {dimensions = array<i32: 0>} : vector<16xi32>
    %add3A_51 = arith.constant 208 : i32
    %add3A_52 = vector.broadcast %add3A_51 : i32 to vector<16xi32>
    %add3A_53 = arith.addi %add3A_52, %iota3A_50 : vector<16xi32>
    %iota3A_54 = tpu.iota {dimensions = array<i32: 0>} : vector<16xi32>
    %add3A_55 = arith.constant 224 : i32
    %add3A_56 = vector.broadcast %add3A_55 : i32 to vector<16xi32>
    %add3A_57 = arith.addi %add3A_56, %iota3A_54 : vector<16xi32>
    %iota3A_58 = tpu.iota {dimensions = array<i32: 0>} : vector<16xi32>
    %add3A_59 = arith.constant 240 : i32
    %add3A_60 = vector.broadcast %add3A_59 : i32 to vector<16xi32>
    %add3A_61 = arith.addi %add3A_60, %iota3A_58 : vector<16xi32>
    %while3A = arith.constant 0 : i32
    %while3A_62 = arith.constant 0 : i32
    %while3A_63 = arith.subi %squeeze3A, %while3A_62 : i32
    %while3A_64 = arith.addi %while3A_62, %while3A_63 : i32
    %while3A_65 = arith.constant 1 : i32
    %while3A_66 = arith.divsi %while3A_63, %while3A_65 : i32
    %while3A_67 = arith.muli %while3A_66, %while3A_65 : i32
    %while3A_68 = arith.addi %while3A_62, %while3A_67 : i32
    %while3A_69 = arith.constant 1 : i32
    scf.for %while3A_73 = %while3A_62 to %while3A_68 step %while3A_69  : i32 {
      %mul3A_74 = arith.constant 64 : i32
      %mul3A_75 = arith.muli %while3A_73, %mul3A_74 : i32
      "tpu.region"() ({
        %run_scoped3A = tpu.sem_alloc : memref<!tpu.dma_semaphore, #tpu.memory_space<semaphore_mem>>
        %dma_start3A_85 = tpu.memref_slice %arg3[%add3A, %mul3A_75] : memref<32x160000xi32, #tpu.memory_space<hbm>> -> memref<1x64xi32, #tpu.memory_space<hbm>>
        %dma_start3A_86 = tpu.memref_squeeze %dma_start3A_85 : memref<1x64xi32, #tpu.memory_space<hbm>> -> memref<64xi32, #tpu.memory_space<hbm>>
        %dma_start3A_87 = tpu.memref_slice %arg3[%add3A, %mul3A_75] : memref<32x160000xi32, #tpu.memory_space<hbm>> -> memref<1x64xi32, #tpu.memory_space<hbm>>
        %dma_start3A_88 = tpu.memref_squeeze %dma_start3A_87 : memref<1x64xi32, #tpu.memory_space<hbm>> -> memref<64xi32, #tpu.memory_space<hbm>>
        tpu.enqueue_dma source(%dma_start3A_88 : memref<64xi32, #tpu.memory_space<hbm>>) target(%arg9 : memref<64xi32, #tpu.memory_space<vmem>>) target_semaphore(%run_scoped3A : memref<!tpu.dma_semaphore, #tpu.memory_space<semaphore_mem>>)
        %dma_wait3A_89 = tpu.memref_slice %arg3[%add3A, %mul3A_75] : memref<32x160000xi32, #tpu.memory_space<hbm>> -> memref<1x64xi32, #tpu.memory_space<hbm>>
        %dma_wait3A_90 = tpu.memref_squeeze %dma_wait3A_89 : memref<1x64xi32, #tpu.memory_space<hbm>> -> memref<64xi32, #tpu.memory_space<hbm>>
        %dma_wait3A_91 = tpu.memref_slice %arg3[%add3A, %mul3A_75] : memref<32x160000xi32, #tpu.memory_space<hbm>> -> memref<1x64xi32, #tpu.memory_space<hbm>>
        %dma_wait3A_92 = tpu.memref_squeeze %dma_wait3A_91 : memref<1x64xi32, #tpu.memory_space<hbm>> -> memref<64xi32, #tpu.memory_space<hbm>>
        tpu.wait_dma2 semaphore(%run_scoped3A : memref<!tpu.dma_semaphore, #tpu.memory_space<semaphore_mem>>) src(%dma_wait3A_92 : memref<64xi32, #tpu.memory_space<hbm>>) dst(%arg9 : memref<64xi32, #tpu.memory_space<vmem>>)
        tpu.yield
      }) : () -> ()
      "tpu.region"() ({
        %run_scoped3A = tpu.sem_alloc : memref<!tpu.dma_semaphore, #tpu.memory_space<semaphore_mem>>
        %dma_start3A_85 = tpu.memref_slice %arg4[%add3A, %mul3A_75] : memref<32x160000xi32, #tpu.memory_space<hbm>> -> memref<1x64xi32, #tpu.memory_space<hbm>>
        %dma_start3A_86 = tpu.memref_squeeze %dma_start3A_85 : memref<1x64xi32, #tpu.memory_space<hbm>> -> memref<64xi32, #tpu.memory_space<hbm>>
        %dma_start3A_87 = tpu.memref_slice %arg4[%add3A, %mul3A_75] : memref<32x160000xi32, #tpu.memory_space<hbm>> -> memref<1x64xi32, #tpu.memory_space<hbm>>
        %dma_start3A_88 = tpu.memref_squeeze %dma_start3A_87 : memref<1x64xi32, #tpu.memory_space<hbm>> -> memref<64xi32, #tpu.memory_space<hbm>>
        tpu.enqueue_dma source(%dma_start3A_88 : memref<64xi32, #tpu.memory_space<hbm>>) target(%arg10 : memref<64xi32, #tpu.memory_space<vmem>>) target_semaphore(%run_scoped3A : memref<!tpu.dma_semaphore, #tpu.memory_space<semaphore_mem>>)
        %dma_wait3A_89 = tpu.memref_slice %arg4[%add3A, %mul3A_75] : memref<32x160000xi32, #tpu.memory_space<hbm>> -> memref<1x64xi32, #tpu.memory_space<hbm>>
        %dma_wait3A_90 = tpu.memref_squeeze %dma_wait3A_89 : memref<1x64xi32, #tpu.memory_space<hbm>> -> memref<64xi32, #tpu.memory_space<hbm>>
        %dma_wait3A_91 = tpu.memref_slice %arg4[%add3A, %mul3A_75] : memref<32x160000xi32, #tpu.memory_space<hbm>> -> memref<1x64xi32, #tpu.memory_space<hbm>>
        %dma_wait3A_92 = tpu.memref_squeeze %dma_wait3A_91 : memref<1x64xi32, #tpu.memory_space<hbm>> -> memref<64xi32, #tpu.memory_space<hbm>>
        tpu.wait_dma2 semaphore(%run_scoped3A : memref<!tpu.dma_semaphore, #tpu.memory_space<semaphore_mem>>) src(%dma_wait3A_92 : memref<64xi32, #tpu.memory_space<hbm>>) dst(%arg10 : memref<64xi32, #tpu.memory_space<vmem>>)
        tpu.yield
      }) : () -> ()
      "tpu.region"() ({
        %run_scoped3A = tpu.sem_alloc : memref<!tpu.dma_semaphore, #tpu.memory_space<semaphore_mem>>
        %dma_start3A_85 = tpu.memref_slice %arg5[%add3A, %mul3A_75] : memref<32x160000xf32, #tpu.memory_space<hbm>> -> memref<1x64xf32, #tpu.memory_space<hbm>>
        %dma_start3A_86 = tpu.memref_squeeze %dma_start3A_85 : memref<1x64xf32, #tpu.memory_space<hbm>> -> memref<64xf32, #tpu.memory_space<hbm>>
        %dma_start3A_87 = tpu.memref_slice %arg5[%add3A, %mul3A_75] : memref<32x160000xf32, #tpu.memory_space<hbm>> -> memref<1x64xf32, #tpu.memory_space<hbm>>
        %dma_start3A_88 = tpu.memref_squeeze %dma_start3A_87 : memref<1x64xf32, #tpu.memory_space<hbm>> -> memref<64xf32, #tpu.memory_space<hbm>>
        tpu.enqueue_dma source(%dma_start3A_88 : memref<64xf32, #tpu.memory_space<hbm>>) target(%arg11 : memref<64xf32, #tpu.memory_space<vmem>>) target_semaphore(%run_scoped3A : memref<!tpu.dma_semaphore, #tpu.memory_space<semaphore_mem>>)
        %dma_wait3A_89 = tpu.memref_slice %arg5[%add3A, %mul3A_75] : memref<32x160000xf32, #tpu.memory_space<hbm>> -> memref<1x64xf32, #tpu.memory_space<hbm>>
        %dma_wait3A_90 = tpu.memref_squeeze %dma_wait3A_89 : memref<1x64xf32, #tpu.memory_space<hbm>> -> memref<64xf32, #tpu.memory_space<hbm>>
        %dma_wait3A_91 = tpu.memref_slice %arg5[%add3A, %mul3A_75] : memref<32x160000xf32, #tpu.memory_space<hbm>> -> memref<1x64xf32, #tpu.memory_space<hbm>>
        %dma_wait3A_92 = tpu.memref_squeeze %dma_wait3A_91 : memref<1x64xf32, #tpu.memory_space<hbm>> -> memref<64xf32, #tpu.memory_space<hbm>>
        tpu.wait_dma2 semaphore(%run_scoped3A : memref<!tpu.dma_semaphore, #tpu.memory_space<semaphore_mem>>) src(%dma_wait3A_92 : memref<64xf32, #tpu.memory_space<hbm>>) dst(%arg11 : memref<64xf32, #tpu.memory_space<vmem>>)
        tpu.yield
      }) : () -> ()
      %dma_start3A = arith.constant 0 : i32
      %dma_start3A_76 = arith.constant 0 : i32
      %dma_start3A_77 = tpu.memref_slice %arg2[%dma_start3A, %dma_start3A_76] : memref<80000x256xf32, #tpu.memory_space<hbm>> -> memref<80000x256xf32, #tpu.memory_space<hbm>>
      tpu.enqueue_indirect_dma source(%dma_start3A_77 : memref<80000x256xf32, #tpu.memory_space<hbm>>) target(%arg12 : memref<64x256xf32, #tpu.memory_space<vmem>>) offsets(%arg9 : memref<64xi32, #tpu.memory_space<vmem>>) semaphore(%arg15 : memref<!tpu.dma_semaphore, #tpu.memory_space<semaphore_mem>>)
      %dma_wait3A = arith.constant 0 : i32
      %dma_wait3A_78 = arith.constant 0 : i32
      %dma_wait3A_79 = tpu.memref_slice %arg2[%dma_wait3A, %dma_wait3A_78] : memref<80000x256xf32, #tpu.memory_space<hbm>> -> memref<80000x256xf32, #tpu.memory_space<hbm>>
      tpu.wait_indirect_dma semaphore(%arg15 : memref<!tpu.dma_semaphore, #tpu.memory_space<semaphore_mem>>) src(%dma_wait3A_79 : memref<80000x256xf32, #tpu.memory_space<hbm>>) dst(%arg12 : memref<64x256xf32, #tpu.memory_space<vmem>>)
      %scan3A = arith.constant 0 : i32
      %scan3A_80 = arith.constant 0 : i32
      %scan3A_81 = arith.constant 64 : i32
      %scan3A_82 = arith.addi %scan3A_80, %scan3A_81 : i32
      %scan3A_83 = arith.constant 1 : i32
      scf.for %scan3A_85 = %scan3A_80 to %scan3A_82 step %scan3A_83  : i32 {
        %broadcast_in_dim3A = vector.broadcast %scan3A_85 : i32 to vector<16xi32>
        %gather3A = tpu.vector_load_idx %arg11[%broadcast_in_dim3A] : memref<64xf32, #tpu.memory_space<vmem>>[vector<16xi32>], vector<16xf32>,
        %gather3A_86 = tpu.vector_load_idx %arg10[%broadcast_in_dim3A] : memref<64xi32, #tpu.memory_space<vmem>>[vector<16xi32>], vector<16xi32>,
        %get3A_87 = arith.index_cast %scan3A_85 : i32 to index
        %get3A_88 = arith.constant 0 : index
        %get3A_89 = tpu.vector_load %arg12[%get3A_87, %get3A_88] {strides = array<i32>} : memref<64x256xf32, #tpu.memory_space<vmem>>, vector<16xf32>,
        %mul3A_90 = arith.mulf %get3A_89, %gather3A : vector<16xf32>
        tpu.vector_store_idx %arg14[%gather3A_86, %iota3A], %mul3A_90 {add = true} : memref<320x256xf32, #tpu.memory_space<vmem>>[vector<16xi32>, vector<16xi32>], vector<16xf32>,
        %get3A_91 = arith.index_cast %scan3A_85 : i32 to index
        %get3A_92 = arith.constant 16 : index
        %get3A_93 = tpu.vector_load %arg12[%get3A_91, %get3A_92] {strides = array<i32>} : memref<64x256xf32, #tpu.memory_space<vmem>>, vector<16xf32>,
        %mul3A_94 = arith.mulf %get3A_93, %gather3A : vector<16xf32>
        tpu.vector_store_idx %arg14[%gather3A_86, %add3A_5], %mul3A_94 {add = true} : memref<320x256xf32, #tpu.memory_space<vmem>>[vector<16xi32>, vector<16xi32>], vector<16xf32>,
        %get3A_95 = arith.index_cast %scan3A_85 : i32 to index
        %get3A_96 = arith.constant 32 : index
        %get3A_97 = tpu.vector_load %arg12[%get3A_95, %get3A_96] {strides = array<i32>} : memref<64x256xf32, #tpu.memory_space<vmem>>, vector<16xf32>,
        %mul3A_98 = arith.mulf %get3A_97, %gather3A : vector<16xf32>
        tpu.vector_store_idx %arg14[%gather3A_86, %add3A_9], %mul3A_98 {add = true} : memref<320x256xf32, #tpu.memory_space<vmem>>[vector<16xi32>, vector<16xi32>], vector<16xf32>,
        %get3A_99 = arith.index_cast %scan3A_85 : i32 to index
        %get3A_100 = arith.constant 48 : index
        %get3A_101 = tpu.vector_load %arg12[%get3A_99, %get3A_100] {strides = array<i32>} : memref<64x256xf32, #tpu.memory_space<vmem>>, vector<16xf32>,
        %mul3A_102 = arith.mulf %get3A_101, %gather3A : vector<16xf32>
        tpu.vector_store_idx %arg14[%gather3A_86, %add3A_13], %mul3A_102 {add = true} : memref<320x256xf32, #tpu.memory_space<vmem>>[vector<16xi32>, vector<16xi32>], vector<16xf32>,
        %get3A_103 = arith.index_cast %scan3A_85 : i32 to index
        %get3A_104 = arith.constant 64 : index
        %get3A_105 = tpu.vector_load %arg12[%get3A_103, %get3A_104] {strides = array<i32>} : memref<64x256xf32, #tpu.memory_space<vmem>>, vector<16xf32>,
        %mul3A_106 = arith.mulf %get3A_105, %gather3A : vector<16xf32>
        tpu.vector_store_idx %arg14[%gather3A_86, %add3A_17], %mul3A_106 {add = true} : memref<320x256xf32, #tpu.memory_space<vmem>>[vector<16xi32>, vector<16xi32>], vector<16xf32>,
        %get3A_107 = arith.index_cast %scan3A_85 : i32 to index
        %get3A_108 = arith.constant 80 : index
        %get3A_109 = tpu.vector_load %arg12[%get3A_107, %get3A_108] {strides = array<i32>} : memref<64x256xf32, #tpu.memory_space<vmem>>, vector<16xf32>,
        %mul3A_110 = arith.mulf %get3A_109, %gather3A : vector<16xf32>
        tpu.vector_store_idx %arg14[%gather3A_86, %add3A_21], %mul3A_110 {add = true} : memref<320x256xf32, #tpu.memory_space<vmem>>[vector<16xi32>, vector<16xi32>], vector<16xf32>,
        %get3A_111 = arith.index_cast %scan3A_85 : i32 to index
        %get3A_112 = arith.constant 96 : index
        %get3A_113 = tpu.vector_load %arg12[%get3A_111, %get3A_112] {strides = array<i32>} : memref<64x256xf32, #tpu.memory_space<vmem>>, vector<16xf32>,
        %mul3A_114 = arith.mulf %get3A_113, %gather3A : vector<16xf32>
        tpu.vector_store_idx %arg14[%gather3A_86, %add3A_25], %mul3A_114 {add = true} : memref<320x256xf32, #tpu.memory_space<vmem>>[vector<16xi32>, vector<16xi32>], vector<16xf32>,
        %get3A_115 = arith.index_cast %scan3A_85 : i32 to index
        %get3A_116 = arith.constant 112 : index
        %get3A_117 = tpu.vector_load %arg12[%get3A_115, %get3A_116] {strides = array<i32>} : memref<64x256xf32, #tpu.memory_space<vmem>>, vector<16xf32>,
        %mul3A_118 = arith.mulf %get3A_117, %gather3A : vector<16xf32>
        tpu.vector_store_idx %arg14[%gather3A_86, %add3A_29], %mul3A_118 {add = true} : memref<320x256xf32, #tpu.memory_space<vmem>>[vector<16xi32>, vector<16xi32>], vector<16xf32>,
        %get3A_119 = arith.index_cast %scan3A_85 : i32 to index
        %get3A_120 = arith.constant 128 : index
        %get3A_121 = tpu.vector_load %arg12[%get3A_119, %get3A_120] {strides = array<i32>} : memref<64x256xf32, #tpu.memory_space<vmem>>, vector<16xf32>,
        %mul3A_122 = arith.mulf %get3A_121, %gather3A : vector<16xf32>
        tpu.vector_store_idx %arg14[%gather3A_86, %add3A_33], %mul3A_122 {add = true} : memref<320x256xf32, #tpu.memory_space<vmem>>[vector<16xi32>, vector<16xi32>], vector<16xf32>,
        %get3A_123 = arith.index_cast %scan3A_85 : i32 to index
        %get3A_124 = arith.constant 144 : index
        %get3A_125 = tpu.vector_load %arg12[%get3A_123, %get3A_124] {strides = array<i32>} : memref<64x256xf32, #tpu.memory_space<vmem>>, vector<16xf32>,
        %mul3A_126 = arith.mulf %get3A_125, %gather3A : vector<16xf32>
        tpu.vector_store_idx %arg14[%gather3A_86, %add3A_37], %mul3A_126 {add = true} : memref<320x256xf32, #tpu.memory_space<vmem>>[vector<16xi32>, vector<16xi32>], vector<16xf32>,
        %get3A_127 = arith.index_cast %scan3A_85 : i32 to index
        %get3A_128 = arith.constant 160 : index
        %get3A_129 = tpu.vector_load %arg12[%get3A_127, %get3A_128] {strides = array<i32>} : memref<64x256xf32, #tpu.memory_space<vmem>>, vector<16xf32>,
        %mul3A_130 = arith.mulf %get3A_129, %gather3A : vector<16xf32>
        tpu.vector_store_idx %arg14[%gather3A_86, %add3A_41], %mul3A_130 {add = true} : memref<320x256xf32, #tpu.memory_space<vmem>>[vector<16xi32>, vector<16xi32>], vector<16xf32>,
        %get3A_131 = arith.index_cast %scan3A_85 : i32 to index
        %get3A_132 = arith.constant 176 : index
        %get3A_133 = tpu.vector_load %arg12[%get3A_131, %get3A_132] {strides = array<i32>} : memref<64x256xf32, #tpu.memory_space<vmem>>, vector<16xf32>,
        %mul3A_134 = arith.mulf %get3A_133, %gather3A : vector<16xf32>
        tpu.vector_store_idx %arg14[%gather3A_86, %add3A_45], %mul3A_134 {add = true} : memref<320x256xf32, #tpu.memory_space<vmem>>[vector<16xi32>, vector<16xi32>], vector<16xf32>,
        %get3A_135 = arith.index_cast %scan3A_85 : i32 to index
        %get3A_136 = arith.constant 192 : index
        %get3A_137 = tpu.vector_load %arg12[%get3A_135, %get3A_136] {strides = array<i32>} : memref<64x256xf32, #tpu.memory_space<vmem>>, vector<16xf32>,
        %mul3A_138 = arith.mulf %get3A_137, %gather3A : vector<16xf32>
        tpu.vector_store_idx %arg14[%gather3A_86, %add3A_49], %mul3A_138 {add = true} : memref<320x256xf32, #tpu.memory_space<vmem>>[vector<16xi32>, vector<16xi32>], vector<16xf32>,
        %get3A_139 = arith.index_cast %scan3A_85 : i32 to index
        %get3A_140 = arith.constant 208 : index
        %get3A_141 = tpu.vector_load %arg12[%get3A_139, %get3A_140] {strides = array<i32>} : memref<64x256xf32, #tpu.memory_space<vmem>>, vector<16xf32>,
        %mul3A_142 = arith.mulf %get3A_141, %gather3A : vector<16xf32>
        tpu.vector_store_idx %arg14[%gather3A_86, %add3A_53], %mul3A_142 {add = true} : memref<320x256xf32, #tpu.memory_space<vmem>>[vector<16xi32>, vector<16xi32>], vector<16xf32>,
        %get3A_143 = arith.index_cast %scan3A_85 : i32 to index
        %get3A_144 = arith.constant 224 : index
        %get3A_145 = tpu.vector_load %arg12[%get3A_143, %get3A_144] {strides = array<i32>} : memref<64x256xf32, #tpu.memory_space<vmem>>, vector<16xf32>,
        %mul3A_146 = arith.mulf %get3A_145, %gather3A : vector<16xf32>
        tpu.vector_store_idx %arg14[%gather3A_86, %add3A_57], %mul3A_146 {add = true} : memref<320x256xf32, #tpu.memory_space<vmem>>[vector<16xi32>, vector<16xi32>], vector<16xf32>,
        %get3A_147 = arith.index_cast %scan3A_85 : i32 to index
        %get3A_148 = arith.constant 240 : index
        %get3A_149 = tpu.vector_load %arg12[%get3A_147, %get3A_148] {strides = array<i32>} : memref<64x256xf32, #tpu.memory_space<vmem>>, vector<16xf32>,
        %mul3A_150 = arith.mulf %get3A_149, %gather3A : vector<16xf32>
        tpu.vector_store_idx %arg14[%gather3A_86, %add3A_61], %mul3A_150 {add = true} : memref<320x256xf32, #tpu.memory_space<vmem>>[vector<16xi32>, vector<16xi32>], vector<16xf32>,
      }
      %scan3A_84 = arith.constant 64 : i32
    }
    %while3A_70 = arith.constant 1 : i32
    scf.for %while3A_73 = %while3A_68 to %while3A_64 step %while3A_70  : i32 {
      %mul3A_74 = arith.constant 64 : i32
      %mul3A_75 = arith.muli %while3A_73, %mul3A_74 : i32
      "tpu.region"() ({
        %run_scoped3A = tpu.sem_alloc : memref<!tpu.dma_semaphore, #tpu.memory_space<semaphore_mem>>
        %dma_start3A_85 = tpu.memref_slice %arg3[%add3A, %mul3A_75] : memref<32x160000xi32, #tpu.memory_space<hbm>> -> memref<1x64xi32, #tpu.memory_space<hbm>>
        %dma_start3A_86 = tpu.memref_squeeze %dma_start3A_85 : memref<1x64xi32, #tpu.memory_space<hbm>> -> memref<64xi32, #tpu.memory_space<hbm>>
        %dma_start3A_87 = tpu.memref_slice %arg3[%add3A, %mul3A_75] : memref<32x160000xi32, #tpu.memory_space<hbm>> -> memref<1x64xi32, #tpu.memory_space<hbm>>
        %dma_start3A_88 = tpu.memref_squeeze %dma_start3A_87 : memref<1x64xi32, #tpu.memory_space<hbm>> -> memref<64xi32, #tpu.memory_space<hbm>>
        tpu.enqueue_dma source(%dma_start3A_88 : memref<64xi32, #tpu.memory_space<hbm>>) target(%arg9 : memref<64xi32, #tpu.memory_space<vmem>>) target_semaphore(%run_scoped3A : memref<!tpu.dma_semaphore, #tpu.memory_space<semaphore_mem>>)
        %dma_wait3A_89 = tpu.memref_slice %arg3[%add3A, %mul3A_75] : memref<32x160000xi32, #tpu.memory_space<hbm>> -> memref<1x64xi32, #tpu.memory_space<hbm>>
        %dma_wait3A_90 = tpu.memref_squeeze %dma_wait3A_89 : memref<1x64xi32, #tpu.memory_space<hbm>> -> memref<64xi32, #tpu.memory_space<hbm>>
        %dma_wait3A_91 = tpu.memref_slice %arg3[%add3A, %mul3A_75] : memref<32x160000xi32, #tpu.memory_space<hbm>> -> memref<1x64xi32, #tpu.memory_space<hbm>>
        %dma_wait3A_92 = tpu.memref_squeeze %dma_wait3A_91 : memref<1x64xi32, #tpu.memory_space<hbm>> -> memref<64xi32, #tpu.memory_space<hbm>>
        tpu.wait_dma2 semaphore(%run_scoped3A : memref<!tpu.dma_semaphore, #tpu.memory_space<semaphore_mem>>) src(%dma_wait3A_92 : memref<64xi32, #tpu.memory_space<hbm>>) dst(%arg9 : memref<64xi32, #tpu.memory_space<vmem>>)
        tpu.yield
      }) : () -> ()
      "tpu.region"() ({
        %run_scoped3A = tpu.sem_alloc : memref<!tpu.dma_semaphore, #tpu.memory_space<semaphore_mem>>
        %dma_start3A_85 = tpu.memref_slice %arg4[%add3A, %mul3A_75] : memref<32x160000xi32, #tpu.memory_space<hbm>> -> memref<1x64xi32, #tpu.memory_space<hbm>>
        %dma_start3A_86 = tpu.memref_squeeze %dma_start3A_85 : memref<1x64xi32, #tpu.memory_space<hbm>> -> memref<64xi32, #tpu.memory_space<hbm>>
        %dma_start3A_87 = tpu.memref_slice %arg4[%add3A, %mul3A_75] : memref<32x160000xi32, #tpu.memory_space<hbm>> -> memref<1x64xi32, #tpu.memory_space<hbm>>
        %dma_start3A_88 = tpu.memref_squeeze %dma_start3A_87 : memref<1x64xi32, #tpu.memory_space<hbm>> -> memref<64xi32, #tpu.memory_space<hbm>>
        tpu.enqueue_dma source(%dma_start3A_88 : memref<64xi32, #tpu.memory_space<hbm>>) target(%arg10 : memref<64xi32, #tpu.memory_space<vmem>>) target_semaphore(%run_scoped3A : memref<!tpu.dma_semaphore, #tpu.memory_space<semaphore_mem>>)
        %dma_wait3A_89 = tpu.memref_slice %arg4[%add3A, %mul3A_75] : memref<32x160000xi32, #tpu.memory_space<hbm>> -> memref<1x64xi32, #tpu.memory_space<hbm>>
        %dma_wait3A_90 = tpu.memref_squeeze %dma_wait3A_89 : memref<1x64xi32, #tpu.memory_space<hbm>> -> memref<64xi32, #tpu.memory_space<hbm>>
        %dma_wait3A_91 = tpu.memref_slice %arg4[%add3A, %mul3A_75] : memref<32x160000xi32, #tpu.memory_space<hbm>> -> memref<1x64xi32, #tpu.memory_space<hbm>>
        %dma_wait3A_92 = tpu.memref_squeeze %dma_wait3A_91 : memref<1x64xi32, #tpu.memory_space<hbm>> -> memref<64xi32, #tpu.memory_space<hbm>>
        tpu.wait_dma2 semaphore(%run_scoped3A : memref<!tpu.dma_semaphore, #tpu.memory_space<semaphore_mem>>) src(%dma_wait3A_92 : memref<64xi32, #tpu.memory_space<hbm>>) dst(%arg10 : memref<64xi32, #tpu.memory_space<vmem>>)
        tpu.yield
      }) : () -> ()
      "tpu.region"() ({
        %run_scoped3A = tpu.sem_alloc : memref<!tpu.dma_semaphore, #tpu.memory_space<semaphore_mem>>
        %dma_start3A_85 = tpu.memref_slice %arg5[%add3A, %mul3A_75] : memref<32x160000xf32, #tpu.memory_space<hbm>> -> memref<1x64xf32, #tpu.memory_space<hbm>>
        %dma_start3A_86 = tpu.memref_squeeze %dma_start3A_85 : memref<1x64xf32, #tpu.memory_space<hbm>> -> memref<64xf32, #tpu.memory_space<hbm>>
        %dma_start3A_87 = tpu.memref_slice %arg5[%add3A, %mul3A_75] : memref<32x160000xf32, #tpu.memory_space<hbm>> -> memref<1x64xf32, #tpu.memory_space<hbm>>
        %dma_start3A_88 = tpu.memref_squeeze %dma_start3A_87 : memref<1x64xf32, #tpu.memory_space<hbm>> -> memref<64xf32, #tpu.memory_space<hbm>>
        tpu.enqueue_dma source(%dma_start3A_88 : memref<64xf32, #tpu.memory_space<hbm>>) target(%arg11 : memref<64xf32, #tpu.memory_space<vmem>>) target_semaphore(%run_scoped3A : memref<!tpu.dma_semaphore, #tpu.memory_space<semaphore_mem>>)
        %dma_wait3A_89 = tpu.memref_slice %arg5[%add3A, %mul3A_75] : memref<32x160000xf32, #tpu.memory_space<hbm>> -> memref<1x64xf32, #tpu.memory_space<hbm>>
        %dma_wait3A_90 = tpu.memref_squeeze %dma_wait3A_89 : memref<1x64xf32, #tpu.memory_space<hbm>> -> memref<64xf32, #tpu.memory_space<hbm>>
        %dma_wait3A_91 = tpu.memref_slice %arg5[%add3A, %mul3A_75] : memref<32x160000xf32, #tpu.memory_space<hbm>> -> memref<1x64xf32, #tpu.memory_space<hbm>>
        %dma_wait3A_92 = tpu.memref_squeeze %dma_wait3A_91 : memref<1x64xf32, #tpu.memory_space<hbm>> -> memref<64xf32, #tpu.memory_space<hbm>>
        tpu.wait_dma2 semaphore(%run_scoped3A : memref<!tpu.dma_semaphore, #tpu.memory_space<semaphore_mem>>) src(%dma_wait3A_92 : memref<64xf32, #tpu.memory_space<hbm>>) dst(%arg11 : memref<64xf32, #tpu.memory_space<vmem>>)
        tpu.yield
      }) : () -> ()
      %dma_start3A = arith.constant 0 : i32
      %dma_start3A_76 = arith.constant 0 : i32
      %dma_start3A_77 = tpu.memref_slice %arg2[%dma_start3A, %dma_start3A_76] : memref<80000x256xf32, #tpu.memory_space<hbm>> -> memref<80000x256xf32, #tpu.memory_space<hbm>>
      tpu.enqueue_indirect_dma source(%dma_start3A_77 : memref<80000x256xf32, #tpu.memory_space<hbm>>) target(%arg12 : memref<64x256xf32, #tpu.memory_space<vmem>>) offsets(%arg9 : memref<64xi32, #tpu.memory_space<vmem>>) semaphore(%arg15 : memref<!tpu.dma_semaphore, #tpu.memory_space<semaphore_mem>>)
      %dma_wait3A = arith.constant 0 : i32
      %dma_wait3A_78 = arith.constant 0 : i32
      %dma_wait3A_79 = tpu.memref_slice %arg2[%dma_wait3A, %dma_wait3A_78] : memref<80000x256xf32, #tpu.memory_space<hbm>> -> memref<80000x256xf32, #tpu.memory_space<hbm>>
      tpu.wait_indirect_dma semaphore(%arg15 : memref<!tpu.dma_semaphore, #tpu.memory_space<semaphore_mem>>) src(%dma_wait3A_79 : memref<80000x256xf32, #tpu.memory_space<hbm>>) dst(%arg12 : memref<64x256xf32, #tpu.memory_space<vmem>>)
      %scan3A = arith.constant 0 : i32
      %scan3A_80 = arith.constant 0 : i32
      %scan3A_81 = arith.constant 64 : i32
      %scan3A_82 = arith.addi %scan3A_80, %scan3A_81 : i32
      %scan3A_83 = arith.constant 1 : i32
      scf.for %scan3A_85 = %scan3A_80 to %scan3A_82 step %scan3A_83  : i32 {
        %broadcast_in_dim3A = vector.broadcast %scan3A_85 : i32 to vector<16xi32>
        %gather3A = tpu.vector_load_idx %arg11[%broadcast_in_dim3A] : memref<64xf32, #tpu.memory_space<vmem>>[vector<16xi32>], vector<16xf32>,
        %gather3A_86 = tpu.vector_load_idx %arg10[%broadcast_in_dim3A] : memref<64xi32, #tpu.memory_space<vmem>>[vector<16xi32>], vector<16xi32>,
        %get3A_87 = arith.index_cast %scan3A_85 : i32 to index
        %get3A_88 = arith.constant 0 : index
        %get3A_89 = tpu.vector_load %arg12[%get3A_87, %get3A_88] {strides = array<i32>} : memref<64x256xf32, #tpu.memory_space<vmem>>, vector<16xf32>,
        %mul3A_90 = arith.mulf %get3A_89, %gather3A : vector<16xf32>
        tpu.vector_store_idx %arg14[%gather3A_86, %iota3A], %mul3A_90 {add = true} : memref<320x256xf32, #tpu.memory_space<vmem>>[vector<16xi32>, vector<16xi32>], vector<16xf32>,
        %get3A_91 = arith.index_cast %scan3A_85 : i32 to index
        %get3A_92 = arith.constant 16 : index
        %get3A_93 = tpu.vector_load %arg12[%get3A_91, %get3A_92] {strides = array<i32>} : memref<64x256xf32, #tpu.memory_space<vmem>>, vector<16xf32>,
        %mul3A_94 = arith.mulf %get3A_93, %gather3A : vector<16xf32>
        tpu.vector_store_idx %arg14[%gather3A_86, %add3A_5], %mul3A_94 {add = true} : memref<320x256xf32, #tpu.memory_space<vmem>>[vector<16xi32>, vector<16xi32>], vector<16xf32>,
        %get3A_95 = arith.index_cast %scan3A_85 : i32 to index
        %get3A_96 = arith.constant 32 : index
        %get3A_97 = tpu.vector_load %arg12[%get3A_95, %get3A_96] {strides = array<i32>} : memref<64x256xf32, #tpu.memory_space<vmem>>, vector<16xf32>,
        %mul3A_98 = arith.mulf %get3A_97, %gather3A : vector<16xf32>
        tpu.vector_store_idx %arg14[%gather3A_86, %add3A_9], %mul3A_98 {add = true} : memref<320x256xf32, #tpu.memory_space<vmem>>[vector<16xi32>, vector<16xi32>], vector<16xf32>,
        %get3A_99 = arith.index_cast %scan3A_85 : i32 to index
        %get3A_100 = arith.constant 48 : index
        %get3A_101 = tpu.vector_load %arg12[%get3A_99, %get3A_100] {strides = array<i32>} : memref<64x256xf32, #tpu.memory_space<vmem>>, vector<16xf32>,
        %mul3A_102 = arith.mulf %get3A_101, %gather3A : vector<16xf32>
        tpu.vector_store_idx %arg14[%gather3A_86, %add3A_13], %mul3A_102 {add = true} : memref<320x256xf32, #tpu.memory_space<vmem>>[vector<16xi32>, vector<16xi32>], vector<16xf32>,
        %get3A_103 = arith.index_cast %scan3A_85 : i32 to index
        %get3A_104 = arith.constant 64 : index
        %get3A_105 = tpu.vector_load %arg12[%get3A_103, %get3A_104] {strides = array<i32>} : memref<64x256xf32, #tpu.memory_space<vmem>>, vector<16xf32>,
        %mul3A_106 = arith.mulf %get3A_105, %gather3A : vector<16xf32>
        tpu.vector_store_idx %arg14[%gather3A_86, %add3A_17], %mul3A_106 {add = true} : memref<320x256xf32, #tpu.memory_space<vmem>>[vector<16xi32>, vector<16xi32>], vector<16xf32>,
        %get3A_107 = arith.index_cast %scan3A_85 : i32 to index
        %get3A_108 = arith.constant 80 : index
        %get3A_109 = tpu.vector_load %arg12[%get3A_107, %get3A_108] {strides = array<i32>} : memref<64x256xf32, #tpu.memory_space<vmem>>, vector<16xf32>,
        %mul3A_110 = arith.mulf %get3A_109, %gather3A : vector<16xf32>
        tpu.vector_store_idx %arg14[%gather3A_86, %add3A_21], %mul3A_110 {add = true} : memref<320x256xf32, #tpu.memory_space<vmem>>[vector<16xi32>, vector<16xi32>], vector<16xf32>,
        %get3A_111 = arith.index_cast %scan3A_85 : i32 to index
        %get3A_112 = arith.constant 96 : index
        %get3A_113 = tpu.vector_load %arg12[%get3A_111, %get3A_112] {strides = array<i32>} : memref<64x256xf32, #tpu.memory_space<vmem>>, vector<16xf32>,
        %mul3A_114 = arith.mulf %get3A_113, %gather3A : vector<16xf32>
        tpu.vector_store_idx %arg14[%gather3A_86, %add3A_25], %mul3A_114 {add = true} : memref<320x256xf32, #tpu.memory_space<vmem>>[vector<16xi32>, vector<16xi32>], vector<16xf32>,
        %get3A_115 = arith.index_cast %scan3A_85 : i32 to index
        %get3A_116 = arith.constant 112 : index
        %get3A_117 = tpu.vector_load %arg12[%get3A_115, %get3A_116] {strides = array<i32>} : memref<64x256xf32, #tpu.memory_space<vmem>>, vector<16xf32>,
        %mul3A_118 = arith.mulf %get3A_117, %gather3A : vector<16xf32>
        tpu.vector_store_idx %arg14[%gather3A_86, %add3A_29], %mul3A_118 {add = true} : memref<320x256xf32, #tpu.memory_space<vmem>>[vector<16xi32>, vector<16xi32>], vector<16xf32>,
        %get3A_119 = arith.index_cast %scan3A_85 : i32 to index
        %get3A_120 = arith.constant 128 : index
        %get3A_121 = tpu.vector_load %arg12[%get3A_119, %get3A_120] {strides = array<i32>} : memref<64x256xf32, #tpu.memory_space<vmem>>, vector<16xf32>,
        %mul3A_122 = arith.mulf %get3A_121, %gather3A : vector<16xf32>
        tpu.vector_store_idx %arg14[%gather3A_86, %add3A_33], %mul3A_122 {add = true} : memref<320x256xf32, #tpu.memory_space<vmem>>[vector<16xi32>, vector<16xi32>], vector<16xf32>,
        %get3A_123 = arith.index_cast %scan3A_85 : i32 to index
        %get3A_124 = arith.constant 144 : index
        %get3A_125 = tpu.vector_load %arg12[%get3A_123, %get3A_124] {strides = array<i32>} : memref<64x256xf32, #tpu.memory_space<vmem>>, vector<16xf32>,
        %mul3A_126 = arith.mulf %get3A_125, %gather3A : vector<16xf32>
        tpu.vector_store_idx %arg14[%gather3A_86, %add3A_37], %mul3A_126 {add = true} : memref<320x256xf32, #tpu.memory_space<vmem>>[vector<16xi32>, vector<16xi32>], vector<16xf32>,
        %get3A_127 = arith.index_cast %scan3A_85 : i32 to index
        %get3A_128 = arith.constant 160 : index
        %get3A_129 = tpu.vector_load %arg12[%get3A_127, %get3A_128] {strides = array<i32>} : memref<64x256xf32, #tpu.memory_space<vmem>>, vector<16xf32>,
        %mul3A_130 = arith.mulf %get3A_129, %gather3A : vector<16xf32>
        tpu.vector_store_idx %arg14[%gather3A_86, %add3A_41], %mul3A_130 {add = true} : memref<320x256xf32, #tpu.memory_space<vmem>>[vector<16xi32>, vector<16xi32>], vector<16xf32>,
        %get3A_131 = arith.index_cast %scan3A_85 : i32 to index
        %get3A_132 = arith.constant 176 : index
        %get3A_133 = tpu.vector_load %arg12[%get3A_131, %get3A_132] {strides = array<i32>} : memref<64x256xf32, #tpu.memory_space<vmem>>, vector<16xf32>,
        %mul3A_134 = arith.mulf %get3A_133, %gather3A : vector<16xf32>
        tpu.vector_store_idx %arg14[%gather3A_86, %add3A_45], %mul3A_134 {add = true} : memref<320x256xf32, #tpu.memory_space<vmem>>[vector<16xi32>, vector<16xi32>], vector<16xf32>,
        %get3A_135 = arith.index_cast %scan3A_85 : i32 to index
        %get3A_136 = arith.constant 192 : index
        %get3A_137 = tpu.vector_load %arg12[%get3A_135, %get3A_136] {strides = array<i32>} : memref<64x256xf32, #tpu.memory_space<vmem>>, vector<16xf32>,
        %mul3A_138 = arith.mulf %get3A_137, %gather3A : vector<16xf32>
        tpu.vector_store_idx %arg14[%gather3A_86, %add3A_49], %mul3A_138 {add = true} : memref<320x256xf32, #tpu.memory_space<vmem>>[vector<16xi32>, vector<16xi32>], vector<16xf32>,
        %get3A_139 = arith.index_cast %scan3A_85 : i32 to index
        %get3A_140 = arith.constant 208 : index
        %get3A_141 = tpu.vector_load %arg12[%get3A_139, %get3A_140] {strides = array<i32>} : memref<64x256xf32, #tpu.memory_space<vmem>>, vector<16xf32>,
        %mul3A_142 = arith.mulf %get3A_141, %gather3A : vector<16xf32>
        tpu.vector_store_idx %arg14[%gather3A_86, %add3A_53], %mul3A_142 {add = true} : memref<320x256xf32, #tpu.memory_space<vmem>>[vector<16xi32>, vector<16xi32>], vector<16xf32>,
        %get3A_143 = arith.index_cast %scan3A_85 : i32 to index
        %get3A_144 = arith.constant 224 : index
        %get3A_145 = tpu.vector_load %arg12[%get3A_143, %get3A_144] {strides = array<i32>} : memref<64x256xf32, #tpu.memory_space<vmem>>, vector<16xf32>,
        %mul3A_146 = arith.mulf %get3A_145, %gather3A : vector<16xf32>
        tpu.vector_store_idx %arg14[%gather3A_86, %add3A_57], %mul3A_146 {add = true} : memref<320x256xf32, #tpu.memory_space<vmem>>[vector<16xi32>, vector<16xi32>], vector<16xf32>,
        %get3A_147 = arith.index_cast %scan3A_85 : i32 to index
        %get3A_148 = arith.constant 240 : index
        %get3A_149 = tpu.vector_load %arg12[%get3A_147, %get3A_148] {strides = array<i32>} : memref<64x256xf32, #tpu.memory_space<vmem>>, vector<16xf32>,
        %mul3A_150 = arith.mulf %get3A_149, %gather3A : vector<16xf32>
        tpu.vector_store_idx %arg14[%gather3A_86, %add3A_61], %mul3A_150 {add = true} : memref<320x256xf32, #tpu.memory_space<vmem>>[vector<16xi32>, vector<16xi32>], vector<16xf32>,
      }
      %scan3A_84 = arith.constant 64 : i32
    }
    %mul3A_71 = arith.constant 320 : i32
    %mul3A_72 = arith.muli %add3A, %mul3A_71 : i32
    "tpu.region"() ({
      %run_scoped3A = tpu.sem_alloc : memref<!tpu.dma_semaphore, #tpu.memory_space<semaphore_mem>>
      %dma_start3A = arith.constant 0 : i32
      %dma_start3A_73 = tpu.memref_slice %arg8[%mul3A_72, %dma_start3A] : memref<10240x256xf32, #tpu.memory_space<hbm>> -> memref<320x256xf32, #tpu.memory_space<hbm>>
      %dma_start3A_74 = arith.constant 0 : i32
      %dma_start3A_75 = tpu.memref_slice %arg8[%mul3A_72, %dma_start3A_74] : memref<10240x256xf32, #tpu.memory_space<hbm>> -> memref<320x256xf32, #tpu.memory_space<hbm>>
      tpu.enqueue_dma source(%arg14 : memref<320x256xf32, #tpu.memory_space<vmem>>) target(%dma_start3A_75 : memref<320x256xf32, #tpu.memory_space<hbm>>) target_semaphore(%run_scoped3A : memref<!tpu.dma_semaphore, #tpu.memory_space<semaphore_mem>>)
      %dma_wait3A = arith.constant 0 : i32
      %dma_wait3A_76 = tpu.memref_slice %arg8[%mul3A_72, %dma_wait3A] : memref<10240x256xf32, #tpu.memory_space<hbm>> -> memref<320x256xf32, #tpu.memory_space<hbm>>
      %dma_wait3A_77 = arith.constant 0 : i32
      %dma_wait3A_78 = tpu.memref_slice %arg8[%mul3A_72, %dma_wait3A_77] : memref<10240x256xf32, #tpu.memory_space<hbm>> -> memref<320x256xf32, #tpu.memory_space<hbm>>
      tpu.wait_dma2 semaphore(%run_scoped3A : memref<!tpu.dma_semaphore, #tpu.memory_space<semaphore_mem>>) src(%arg14 : memref<320x256xf32, #tpu.memory_space<vmem>>) dst(%dma_wait3A_78 : memref<320x256xf32, #tpu.memory_space<hbm>>)
      tpu.yield
    }) : () -> ()
    return
  }
}

#map = affine_map<(d0, d1) -> (0, 0)>
module attributes {stable_mosaic.version = 14 : i64} {
  func.func @_k_edge(%arg0: i32, %arg1: i32, %arg2: memref<80000x256xf32, #tpu.memory_space<hbm>>, %arg3: memref<32x160000xi32, #tpu.memory_space<hbm>>, %arg4: memref<32x160000xi32, #tpu.memory_space<hbm>>, %arg5: memref<32x160000xf32, #tpu.memory_space<hbm>>, %arg6: memref<32x16xi32, #tpu.memory_space<hbm>>, %arg7: memref<320x256xf32, #tpu.memory_space<hbm>>, %arg8: memref<10240x256xf32, #tpu.memory_space<hbm>>, %arg9: memref<64xi32, #tpu.memory_space<vmem>>, %arg10: memref<64xi32, #tpu.memory_space<vmem>>, %arg11: memref<64xf32, #tpu.memory_space<vmem>>, %arg12: memref<64x256xf32, #tpu.memory_space<vmem>>, %arg13: memref<16xi32, #tpu.memory_space<vmem>>, %arg14: memref<320x256xf32, #tpu.memory_space<vmem>>, %arg15: memref<!tpu.dma_semaphore, #tpu.memory_space<semaphore_mem>>) attributes {dimension_semantics = [#tpu.dimension_semantics<core_parallel>, #tpu.dimension_semantics<subcore_parallel>], iteration_bounds = array<i64: 2, 16>, scalar_prefetch = 0 : i64, scratch_operands = 7 : i64, tpu.core_type = #tpu.core_type<sc_vector_subcore>, window_params = [{transform_indices = #map}, {transform_indices = #map}, {transform_indices = #map}, {transform_indices = #map}, {transform_indices = #map}, {transform_indices = #map}, {transform_indices = #map}]} {
    %mul3A = arith.constant 16 : i32
    %mul3A_0 = arith.muli %arg0, %mul3A : i32
    %add3A = arith.addi %mul3A_0, %arg1 : i32
    "tpu.region"() ({
      %run_scoped3A = tpu.sem_alloc : memref<!tpu.dma_semaphore, #tpu.memory_space<semaphore_mem>>
      tpu.enqueue_dma source(%arg7 : memref<320x256xf32, #tpu.memory_space<hbm>>) target(%arg14 : memref<320x256xf32, #tpu.memory_space<vmem>>) target_semaphore(%run_scoped3A : memref<!tpu.dma_semaphore, #tpu.memory_space<semaphore_mem>>)
      tpu.wait_dma2 semaphore(%run_scoped3A : memref<!tpu.dma_semaphore, #tpu.memory_space<semaphore_mem>>) src(%arg7 : memref<320x256xf32, #tpu.memory_space<hbm>>) dst(%arg14 : memref<320x256xf32, #tpu.memory_space<vmem>>)
      tpu.yield
    }) : () -> ()
    "tpu.region"() ({
      %run_scoped3A = tpu.sem_alloc : memref<!tpu.dma_semaphore, #tpu.memory_space<semaphore_mem>>
      %dma_start3A = arith.constant 0 : i32
      %dma_start3A_73 = tpu.memref_slice %arg6[%add3A, %dma_start3A] : memref<32x16xi32, #tpu.memory_space<hbm>> -> memref<1x16xi32, #tpu.memory_space<hbm>>
      %dma_start3A_74 = tpu.memref_squeeze %dma_start3A_73 : memref<1x16xi32, #tpu.memory_space<hbm>> -> memref<16xi32, #tpu.memory_space<hbm>>
      %dma_start3A_75 = arith.constant 0 : i32
      %dma_start3A_76 = tpu.memref_slice %arg6[%add3A, %dma_start3A_75] : memref<32x16xi32, #tpu.memory_space<hbm>> -> memref<1x16xi32, #tpu.memory_space<hbm>>
      %dma_start3A_77 = tpu.memref_squeeze %dma_start3A_76 : memref<1x16xi32, #tpu.memory_space<hbm>> -> memref<16xi32, #tpu.memory_space<hbm>>
      tpu.enqueue_dma source(%dma_start3A_77 : memref<16xi32, #tpu.memory_space<hbm>>) target(%arg13 : memref<16xi32, #tpu.memory_space<vmem>>) target_semaphore(%run_scoped3A : memref<!tpu.dma_semaphore, #tpu.memory_space<semaphore_mem>>)
      %dma_wait3A = arith.constant 0 : i32
      %dma_wait3A_78 = tpu.memref_slice %arg6[%add3A, %dma_wait3A] : memref<32x16xi32, #tpu.memory_space<hbm>> -> memref<1x16xi32, #tpu.memory_space<hbm>>
      %dma_wait3A_79 = tpu.memref_squeeze %dma_wait3A_78 : memref<1x16xi32, #tpu.memory_space<hbm>> -> memref<16xi32, #tpu.memory_space<hbm>>
      %dma_wait3A_80 = arith.constant 0 : i32
      %dma_wait3A_81 = tpu.memref_slice %arg6[%add3A, %dma_wait3A_80] : memref<32x16xi32, #tpu.memory_space<hbm>> -> memref<1x16xi32, #tpu.memory_space<hbm>>
      %dma_wait3A_82 = tpu.memref_squeeze %dma_wait3A_81 : memref<1x16xi32, #tpu.memory_space<hbm>> -> memref<16xi32, #tpu.memory_space<hbm>>
      tpu.wait_dma2 semaphore(%run_scoped3A : memref<!tpu.dma_semaphore, #tpu.memory_space<semaphore_mem>>) src(%dma_wait3A_82 : memref<16xi32, #tpu.memory_space<hbm>>) dst(%arg13 : memref<16xi32, #tpu.memory_space<vmem>>)
      tpu.yield
    }) : () -> ()
    %get3A = arith.constant 0 : index
    %get3A_1 = tpu.vector_load %arg13[%get3A] {strides = array<i32>} : memref<16xi32, #tpu.memory_space<vmem>>, vector<16xi32>,
    %slice3A = vector.extract_strided_slice %get3A_1 {offsets = [0], sizes = [1], strides = [1]} : vector<16xi32> to vector<1xi32>
    %squeeze3A = vector.extract %slice3A[0] : i32 from vector<1xi32>
    %iota3A = tpu.iota {dimensions = array<i32: 0>} : vector<16xi32>
    %iota3A_2 = tpu.iota {dimensions = array<i32: 0>} : vector<16xi32>
    %add3A_3 = arith.constant 16 : i32
    %add3A_4 = vector.broadcast %add3A_3 : i32 to vector<16xi32>
    %add3A_5 = arith.addi %add3A_4, %iota3A_2 : vector<16xi32>
    %iota3A_6 = tpu.iota {dimensions = array<i32: 0>} : vector<16xi32>
    %add3A_7 = arith.constant 32 : i32
    %add3A_8 = vector.broadcast %add3A_7 : i32 to vector<16xi32>
    %add3A_9 = arith.addi %add3A_8, %iota3A_6 : vector<16xi32>
    %iota3A_10 = tpu.iota {dimensions = array<i32: 0>} : vector<16xi32>
    %add3A_11 = arith.constant 48 : i32
    %add3A_12 = vector.broadcast %add3A_11 : i32 to vector<16xi32>
    %add3A_13 = arith.addi %add3A_12, %iota3A_10 : vector<16xi32>
    %iota3A_14 = tpu.iota {dimensions = array<i32: 0>} : vector<16xi32>
    %add3A_15 = arith.constant 64 : i32
    %add3A_16 = vector.broadcast %add3A_15 : i32 to vector<16xi32>
    %add3A_17 = arith.addi %add3A_16, %iota3A_14 : vector<16xi32>
    %iota3A_18 = tpu.iota {dimensions = array<i32: 0>} : vector<16xi32>
    %add3A_19 = arith.constant 80 : i32
    %add3A_20 = vector.broadcast %add3A_19 : i32 to vector<16xi32>
    %add3A_21 = arith.addi %add3A_20, %iota3A_18 : vector<16xi32>
    %iota3A_22 = tpu.iota {dimensions = array<i32: 0>} : vector<16xi32>
    %add3A_23 = arith.constant 96 : i32
    %add3A_24 = vector.broadcast %add3A_23 : i32 to vector<16xi32>
    %add3A_25 = arith.addi %add3A_24, %iota3A_22 : vector<16xi32>
    %iota3A_26 = tpu.iota {dimensions = array<i32: 0>} : vector<16xi32>
    %add3A_27 = arith.constant 112 : i32
    %add3A_28 = vector.broadcast %add3A_27 : i32 to vector<16xi32>
    %add3A_29 = arith.addi %add3A_28, %iota3A_26 : vector<16xi32>
    %iota3A_30 = tpu.iota {dimensions = array<i32: 0>} : vector<16xi32>
    %add3A_31 = arith.constant 128 : i32
    %add3A_32 = vector.broadcast %add3A_31 : i32 to vector<16xi32>
    %add3A_33 = arith.addi %add3A_32, %iota3A_30 : vector<16xi32>
    %iota3A_34 = tpu.iota {dimensions = array<i32: 0>} : vector<16xi32>
    %add3A_35 = arith.constant 144 : i32
    %add3A_36 = vector.broadcast %add3A_35 : i32 to vector<16xi32>
    %add3A_37 = arith.addi %add3A_36, %iota3A_34 : vector<16xi32>
    %iota3A_38 = tpu.iota {dimensions = array<i32: 0>} : vector<16xi32>
    %add3A_39 = arith.constant 160 : i32
    %add3A_40 = vector.broadcast %add3A_39 : i32 to vector<16xi32>
    %add3A_41 = arith.addi %add3A_40, %iota3A_38 : vector<16xi32>
    %iota3A_42 = tpu.iota {dimensions = array<i32: 0>} : vector<16xi32>
    %add3A_43 = arith.constant 176 : i32
    %add3A_44 = vector.broadcast %add3A_43 : i32 to vector<16xi32>
    %add3A_45 = arith.addi %add3A_44, %iota3A_42 : vector<16xi32>
    %iota3A_46 = tpu.iota {dimensions = array<i32: 0>} : vector<16xi32>
    %add3A_47 = arith.constant 192 : i32
    %add3A_48 = vector.broadcast %add3A_47 : i32 to vector<16xi32>
    %add3A_49 = arith.addi %add3A_48, %iota3A_46 : vector<16xi32>
    %iota3A_50 = tpu.iota {dimensions = array<i32: 0>} : vector<16xi32>
    %add3A_51 = arith.constant 208 : i32
    %add3A_52 = vector.broadcast %add3A_51 : i32 to vector<16xi32>
    %add3A_53 = arith.addi %add3A_52, %iota3A_50 : vector<16xi32>
    %iota3A_54 = tpu.iota {dimensions = array<i32: 0>} : vector<16xi32>
    %add3A_55 = arith.constant 224 : i32
    %add3A_56 = vector.broadcast %add3A_55 : i32 to vector<16xi32>
    %add3A_57 = arith.addi %add3A_56, %iota3A_54 : vector<16xi32>
    %iota3A_58 = tpu.iota {dimensions = array<i32: 0>} : vector<16xi32>
    %add3A_59 = arith.constant 240 : i32
    %add3A_60 = vector.broadcast %add3A_59 : i32 to vector<16xi32>
    %add3A_61 = arith.addi %add3A_60, %iota3A_58 : vector<16xi32>
    %while3A = arith.constant 0 : i32
    %while3A_62 = arith.constant 0 : i32
    %while3A_63 = arith.subi %squeeze3A, %while3A_62 : i32
    %while3A_64 = arith.addi %while3A_62, %while3A_63 : i32
    %while3A_65 = arith.constant 1 : i32
    %while3A_66 = arith.divsi %while3A_63, %while3A_65 : i32
    %while3A_67 = arith.muli %while3A_66, %while3A_65 : i32
    %while3A_68 = arith.addi %while3A_62, %while3A_67 : i32
    %while3A_69 = arith.constant 1 : i32
    scf.for %while3A_73 = %while3A_62 to %while3A_68 step %while3A_69  : i32 {
      %mul3A_74 = arith.constant 64 : i32
      %mul3A_75 = arith.muli %while3A_73, %mul3A_74 : i32
      "tpu.region"() ({
        %run_scoped3A = tpu.sem_alloc : memref<!tpu.dma_semaphore, #tpu.memory_space<semaphore_mem>>
        %dma_start3A_85 = tpu.memref_slice %arg3[%add3A, %mul3A_75] : memref<32x160000xi32, #tpu.memory_space<hbm>> -> memref<1x64xi32, #tpu.memory_space<hbm>>
        %dma_start3A_86 = tpu.memref_squeeze %dma_start3A_85 : memref<1x64xi32, #tpu.memory_space<hbm>> -> memref<64xi32, #tpu.memory_space<hbm>>
        %dma_start3A_87 = tpu.memref_slice %arg3[%add3A, %mul3A_75] : memref<32x160000xi32, #tpu.memory_space<hbm>> -> memref<1x64xi32, #tpu.memory_space<hbm>>
        %dma_start3A_88 = tpu.memref_squeeze %dma_start3A_87 : memref<1x64xi32, #tpu.memory_space<hbm>> -> memref<64xi32, #tpu.memory_space<hbm>>
        tpu.enqueue_dma source(%dma_start3A_88 : memref<64xi32, #tpu.memory_space<hbm>>) target(%arg9 : memref<64xi32, #tpu.memory_space<vmem>>) target_semaphore(%run_scoped3A : memref<!tpu.dma_semaphore, #tpu.memory_space<semaphore_mem>>)
        %dma_wait3A_89 = tpu.memref_slice %arg3[%add3A, %mul3A_75] : memref<32x160000xi32, #tpu.memory_space<hbm>> -> memref<1x64xi32, #tpu.memory_space<hbm>>
        %dma_wait3A_90 = tpu.memref_squeeze %dma_wait3A_89 : memref<1x64xi32, #tpu.memory_space<hbm>> -> memref<64xi32, #tpu.memory_space<hbm>>
        %dma_wait3A_91 = tpu.memref_slice %arg3[%add3A, %mul3A_75] : memref<32x160000xi32, #tpu.memory_space<hbm>> -> memref<1x64xi32, #tpu.memory_space<hbm>>
        %dma_wait3A_92 = tpu.memref_squeeze %dma_wait3A_91 : memref<1x64xi32, #tpu.memory_space<hbm>> -> memref<64xi32, #tpu.memory_space<hbm>>
        tpu.wait_dma2 semaphore(%run_scoped3A : memref<!tpu.dma_semaphore, #tpu.memory_space<semaphore_mem>>) src(%dma_wait3A_92 : memref<64xi32, #tpu.memory_space<hbm>>) dst(%arg9 : memref<64xi32, #tpu.memory_space<vmem>>)
        tpu.yield
      }) : () -> ()
      "tpu.region"() ({
        %run_scoped3A = tpu.sem_alloc : memref<!tpu.dma_semaphore, #tpu.memory_space<semaphore_mem>>
        %dma_start3A_85 = tpu.memref_slice %arg4[%add3A, %mul3A_75] : memref<32x160000xi32, #tpu.memory_space<hbm>> -> memref<1x64xi32, #tpu.memory_space<hbm>>
        %dma_start3A_86 = tpu.memref_squeeze %dma_start3A_85 : memref<1x64xi32, #tpu.memory_space<hbm>> -> memref<64xi32, #tpu.memory_space<hbm>>
        %dma_start3A_87 = tpu.memref_slice %arg4[%add3A, %mul3A_75] : memref<32x160000xi32, #tpu.memory_space<hbm>> -> memref<1x64xi32, #tpu.memory_space<hbm>>
        %dma_start3A_88 = tpu.memref_squeeze %dma_start3A_87 : memref<1x64xi32, #tpu.memory_space<hbm>> -> memref<64xi32, #tpu.memory_space<hbm>>
        tpu.enqueue_dma source(%dma_start3A_88 : memref<64xi32, #tpu.memory_space<hbm>>) target(%arg10 : memref<64xi32, #tpu.memory_space<vmem>>) target_semaphore(%run_scoped3A : memref<!tpu.dma_semaphore, #tpu.memory_space<semaphore_mem>>)
        %dma_wait3A_89 = tpu.memref_slice %arg4[%add3A, %mul3A_75] : memref<32x160000xi32, #tpu.memory_space<hbm>> -> memref<1x64xi32, #tpu.memory_space<hbm>>
        %dma_wait3A_90 = tpu.memref_squeeze %dma_wait3A_89 : memref<1x64xi32, #tpu.memory_space<hbm>> -> memref<64xi32, #tpu.memory_space<hbm>>
        %dma_wait3A_91 = tpu.memref_slice %arg4[%add3A, %mul3A_75] : memref<32x160000xi32, #tpu.memory_space<hbm>> -> memref<1x64xi32, #tpu.memory_space<hbm>>
        %dma_wait3A_92 = tpu.memref_squeeze %dma_wait3A_91 : memref<1x64xi32, #tpu.memory_space<hbm>> -> memref<64xi32, #tpu.memory_space<hbm>>
        tpu.wait_dma2 semaphore(%run_scoped3A : memref<!tpu.dma_semaphore, #tpu.memory_space<semaphore_mem>>) src(%dma_wait3A_92 : memref<64xi32, #tpu.memory_space<hbm>>) dst(%arg10 : memref<64xi32, #tpu.memory_space<vmem>>)
        tpu.yield
      }) : () -> ()
      "tpu.region"() ({
        %run_scoped3A = tpu.sem_alloc : memref<!tpu.dma_semaphore, #tpu.memory_space<semaphore_mem>>
        %dma_start3A_85 = tpu.memref_slice %arg5[%add3A, %mul3A_75] : memref<32x160000xf32, #tpu.memory_space<hbm>> -> memref<1x64xf32, #tpu.memory_space<hbm>>
        %dma_start3A_86 = tpu.memref_squeeze %dma_start3A_85 : memref<1x64xf32, #tpu.memory_space<hbm>> -> memref<64xf32, #tpu.memory_space<hbm>>
        %dma_start3A_87 = tpu.memref_slice %arg5[%add3A, %mul3A_75] : memref<32x160000xf32, #tpu.memory_space<hbm>> -> memref<1x64xf32, #tpu.memory_space<hbm>>
        %dma_start3A_88 = tpu.memref_squeeze %dma_start3A_87 : memref<1x64xf32, #tpu.memory_space<hbm>> -> memref<64xf32, #tpu.memory_space<hbm>>
        tpu.enqueue_dma source(%dma_start3A_88 : memref<64xf32, #tpu.memory_space<hbm>>) target(%arg11 : memref<64xf32, #tpu.memory_space<vmem>>) target_semaphore(%run_scoped3A : memref<!tpu.dma_semaphore, #tpu.memory_space<semaphore_mem>>)
        %dma_wait3A_89 = tpu.memref_slice %arg5[%add3A, %mul3A_75] : memref<32x160000xf32, #tpu.memory_space<hbm>> -> memref<1x64xf32, #tpu.memory_space<hbm>>
        %dma_wait3A_90 = tpu.memref_squeeze %dma_wait3A_89 : memref<1x64xf32, #tpu.memory_space<hbm>> -> memref<64xf32, #tpu.memory_space<hbm>>
        %dma_wait3A_91 = tpu.memref_slice %arg5[%add3A, %mul3A_75] : memref<32x160000xf32, #tpu.memory_space<hbm>> -> memref<1x64xf32, #tpu.memory_space<hbm>>
        %dma_wait3A_92 = tpu.memref_squeeze %dma_wait3A_91 : memref<1x64xf32, #tpu.memory_space<hbm>> -> memref<64xf32, #tpu.memory_space<hbm>>
        tpu.wait_dma2 semaphore(%run_scoped3A : memref<!tpu.dma_semaphore, #tpu.memory_space<semaphore_mem>>) src(%dma_wait3A_92 : memref<64xf32, #tpu.memory_space<hbm>>) dst(%arg11 : memref<64xf32, #tpu.memory_space<vmem>>)
        tpu.yield
      }) : () -> ()
      %dma_start3A = arith.constant 0 : i32
      %dma_start3A_76 = arith.constant 0 : i32
      %dma_start3A_77 = tpu.memref_slice %arg2[%dma_start3A, %dma_start3A_76] : memref<80000x256xf32, #tpu.memory_space<hbm>> -> memref<80000x256xf32, #tpu.memory_space<hbm>>
      tpu.enqueue_indirect_dma source(%dma_start3A_77 : memref<80000x256xf32, #tpu.memory_space<hbm>>) target(%arg12 : memref<64x256xf32, #tpu.memory_space<vmem>>) offsets(%arg9 : memref<64xi32, #tpu.memory_space<vmem>>) semaphore(%arg15 : memref<!tpu.dma_semaphore, #tpu.memory_space<semaphore_mem>>)
      %dma_wait3A = arith.constant 0 : i32
      %dma_wait3A_78 = arith.constant 0 : i32
      %dma_wait3A_79 = tpu.memref_slice %arg2[%dma_wait3A, %dma_wait3A_78] : memref<80000x256xf32, #tpu.memory_space<hbm>> -> memref<80000x256xf32, #tpu.memory_space<hbm>>
      tpu.wait_indirect_dma semaphore(%arg15 : memref<!tpu.dma_semaphore, #tpu.memory_space<semaphore_mem>>) src(%dma_wait3A_79 : memref<80000x256xf32, #tpu.memory_space<hbm>>) dst(%arg12 : memref<64x256xf32, #tpu.memory_space<vmem>>)
      %scan3A = arith.constant 0 : i32
      %scan3A_80 = arith.constant 0 : i32
      %scan3A_81 = arith.constant 64 : i32
      %scan3A_82 = arith.addi %scan3A_80, %scan3A_81 : i32
      %scan3A_83 = arith.constant 1 : i32
      scf.for %scan3A_85 = %scan3A_80 to %scan3A_82 step %scan3A_83  : i32 {
        %broadcast_in_dim3A = vector.broadcast %scan3A_85 : i32 to vector<16xi32>
        %gather3A = tpu.vector_load_idx %arg11[%broadcast_in_dim3A] : memref<64xf32, #tpu.memory_space<vmem>>[vector<16xi32>], vector<16xf32>,
        %gather3A_86 = tpu.vector_load_idx %arg10[%broadcast_in_dim3A] : memref<64xi32, #tpu.memory_space<vmem>>[vector<16xi32>], vector<16xi32>,
        %get3A_87 = arith.index_cast %scan3A_85 : i32 to index
        %get3A_88 = arith.constant 0 : index
        %get3A_89 = tpu.vector_load %arg12[%get3A_87, %get3A_88] {strides = array<i32>} : memref<64x256xf32, #tpu.memory_space<vmem>>, vector<16xf32>,
        %mul3A_90 = arith.mulf %get3A_89, %gather3A : vector<16xf32>
        tpu.vector_store_idx %arg14[%gather3A_86, %iota3A], %mul3A_90 {add = true} : memref<320x256xf32, #tpu.memory_space<vmem>>[vector<16xi32>, vector<16xi32>], vector<16xf32>,
        %get3A_91 = arith.index_cast %scan3A_85 : i32 to index
        %get3A_92 = arith.constant 16 : index
        %get3A_93 = tpu.vector_load %arg12[%get3A_91, %get3A_92] {strides = array<i32>} : memref<64x256xf32, #tpu.memory_space<vmem>>, vector<16xf32>,
        %mul3A_94 = arith.mulf %get3A_93, %gather3A : vector<16xf32>
        tpu.vector_store_idx %arg14[%gather3A_86, %add3A_5], %mul3A_94 {add = true} : memref<320x256xf32, #tpu.memory_space<vmem>>[vector<16xi32>, vector<16xi32>], vector<16xf32>,
        %get3A_95 = arith.index_cast %scan3A_85 : i32 to index
        %get3A_96 = arith.constant 32 : index
        %get3A_97 = tpu.vector_load %arg12[%get3A_95, %get3A_96] {strides = array<i32>} : memref<64x256xf32, #tpu.memory_space<vmem>>, vector<16xf32>,
        %mul3A_98 = arith.mulf %get3A_97, %gather3A : vector<16xf32>
        tpu.vector_store_idx %arg14[%gather3A_86, %add3A_9], %mul3A_98 {add = true} : memref<320x256xf32, #tpu.memory_space<vmem>>[vector<16xi32>, vector<16xi32>], vector<16xf32>,
        %get3A_99 = arith.index_cast %scan3A_85 : i32 to index
        %get3A_100 = arith.constant 48 : index
        %get3A_101 = tpu.vector_load %arg12[%get3A_99, %get3A_100] {strides = array<i32>} : memref<64x256xf32, #tpu.memory_space<vmem>>, vector<16xf32>,
        %mul3A_102 = arith.mulf %get3A_101, %gather3A : vector<16xf32>
        tpu.vector_store_idx %arg14[%gather3A_86, %add3A_13], %mul3A_102 {add = true} : memref<320x256xf32, #tpu.memory_space<vmem>>[vector<16xi32>, vector<16xi32>], vector<16xf32>,
        %get3A_103 = arith.index_cast %scan3A_85 : i32 to index
        %get3A_104 = arith.constant 64 : index
        %get3A_105 = tpu.vector_load %arg12[%get3A_103, %get3A_104] {strides = array<i32>} : memref<64x256xf32, #tpu.memory_space<vmem>>, vector<16xf32>,
        %mul3A_106 = arith.mulf %get3A_105, %gather3A : vector<16xf32>
        tpu.vector_store_idx %arg14[%gather3A_86, %add3A_17], %mul3A_106 {add = true} : memref<320x256xf32, #tpu.memory_space<vmem>>[vector<16xi32>, vector<16xi32>], vector<16xf32>,
        %get3A_107 = arith.index_cast %scan3A_85 : i32 to index
        %get3A_108 = arith.constant 80 : index
        %get3A_109 = tpu.vector_load %arg12[%get3A_107, %get3A_108] {strides = array<i32>} : memref<64x256xf32, #tpu.memory_space<vmem>>, vector<16xf32>,
        %mul3A_110 = arith.mulf %get3A_109, %gather3A : vector<16xf32>
        tpu.vector_store_idx %arg14[%gather3A_86, %add3A_21], %mul3A_110 {add = true} : memref<320x256xf32, #tpu.memory_space<vmem>>[vector<16xi32>, vector<16xi32>], vector<16xf32>,
        %get3A_111 = arith.index_cast %scan3A_85 : i32 to index
        %get3A_112 = arith.constant 96 : index
        %get3A_113 = tpu.vector_load %arg12[%get3A_111, %get3A_112] {strides = array<i32>} : memref<64x256xf32, #tpu.memory_space<vmem>>, vector<16xf32>,
        %mul3A_114 = arith.mulf %get3A_113, %gather3A : vector<16xf32>
        tpu.vector_store_idx %arg14[%gather3A_86, %add3A_25], %mul3A_114 {add = true} : memref<320x256xf32, #tpu.memory_space<vmem>>[vector<16xi32>, vector<16xi32>], vector<16xf32>,
        %get3A_115 = arith.index_cast %scan3A_85 : i32 to index
        %get3A_116 = arith.constant 112 : index
        %get3A_117 = tpu.vector_load %arg12[%get3A_115, %get3A_116] {strides = array<i32>} : memref<64x256xf32, #tpu.memory_space<vmem>>, vector<16xf32>,
        %mul3A_118 = arith.mulf %get3A_117, %gather3A : vector<16xf32>
        tpu.vector_store_idx %arg14[%gather3A_86, %add3A_29], %mul3A_118 {add = true} : memref<320x256xf32, #tpu.memory_space<vmem>>[vector<16xi32>, vector<16xi32>], vector<16xf32>,
        %get3A_119 = arith.index_cast %scan3A_85 : i32 to index
        %get3A_120 = arith.constant 128 : index
        %get3A_121 = tpu.vector_load %arg12[%get3A_119, %get3A_120] {strides = array<i32>} : memref<64x256xf32, #tpu.memory_space<vmem>>, vector<16xf32>,
        %mul3A_122 = arith.mulf %get3A_121, %gather3A : vector<16xf32>
        tpu.vector_store_idx %arg14[%gather3A_86, %add3A_33], %mul3A_122 {add = true} : memref<320x256xf32, #tpu.memory_space<vmem>>[vector<16xi32>, vector<16xi32>], vector<16xf32>,
        %get3A_123 = arith.index_cast %scan3A_85 : i32 to index
        %get3A_124 = arith.constant 144 : index
        %get3A_125 = tpu.vector_load %arg12[%get3A_123, %get3A_124] {strides = array<i32>} : memref<64x256xf32, #tpu.memory_space<vmem>>, vector<16xf32>,
        %mul3A_126 = arith.mulf %get3A_125, %gather3A : vector<16xf32>
        tpu.vector_store_idx %arg14[%gather3A_86, %add3A_37], %mul3A_126 {add = true} : memref<320x256xf32, #tpu.memory_space<vmem>>[vector<16xi32>, vector<16xi32>], vector<16xf32>,
        %get3A_127 = arith.index_cast %scan3A_85 : i32 to index
        %get3A_128 = arith.constant 160 : index
        %get3A_129 = tpu.vector_load %arg12[%get3A_127, %get3A_128] {strides = array<i32>} : memref<64x256xf32, #tpu.memory_space<vmem>>, vector<16xf32>,
        %mul3A_130 = arith.mulf %get3A_129, %gather3A : vector<16xf32>
        tpu.vector_store_idx %arg14[%gather3A_86, %add3A_41], %mul3A_130 {add = true} : memref<320x256xf32, #tpu.memory_space<vmem>>[vector<16xi32>, vector<16xi32>], vector<16xf32>,
        %get3A_131 = arith.index_cast %scan3A_85 : i32 to index
        %get3A_132 = arith.constant 176 : index
        %get3A_133 = tpu.vector_load %arg12[%get3A_131, %get3A_132] {strides = array<i32>} : memref<64x256xf32, #tpu.memory_space<vmem>>, vector<16xf32>,
        %mul3A_134 = arith.mulf %get3A_133, %gather3A : vector<16xf32>
        tpu.vector_store_idx %arg14[%gather3A_86, %add3A_45], %mul3A_134 {add = true} : memref<320x256xf32, #tpu.memory_space<vmem>>[vector<16xi32>, vector<16xi32>], vector<16xf32>,
        %get3A_135 = arith.index_cast %scan3A_85 : i32 to index
        %get3A_136 = arith.constant 192 : index
        %get3A_137 = tpu.vector_load %arg12[%get3A_135, %get3A_136] {strides = array<i32>} : memref<64x256xf32, #tpu.memory_space<vmem>>, vector<16xf32>,
        %mul3A_138 = arith.mulf %get3A_137, %gather3A : vector<16xf32>
        tpu.vector_store_idx %arg14[%gather3A_86, %add3A_49], %mul3A_138 {add = true} : memref<320x256xf32, #tpu.memory_space<vmem>>[vector<16xi32>, vector<16xi32>], vector<16xf32>,
        %get3A_139 = arith.index_cast %scan3A_85 : i32 to index
        %get3A_140 = arith.constant 208 : index
        %get3A_141 = tpu.vector_load %arg12[%get3A_139, %get3A_140] {strides = array<i32>} : memref<64x256xf32, #tpu.memory_space<vmem>>, vector<16xf32>,
        %mul3A_142 = arith.mulf %get3A_141, %gather3A : vector<16xf32>
        tpu.vector_store_idx %arg14[%gather3A_86, %add3A_53], %mul3A_142 {add = true} : memref<320x256xf32, #tpu.memory_space<vmem>>[vector<16xi32>, vector<16xi32>], vector<16xf32>,
        %get3A_143 = arith.index_cast %scan3A_85 : i32 to index
        %get3A_144 = arith.constant 224 : index
        %get3A_145 = tpu.vector_load %arg12[%get3A_143, %get3A_144] {strides = array<i32>} : memref<64x256xf32, #tpu.memory_space<vmem>>, vector<16xf32>,
        %mul3A_146 = arith.mulf %get3A_145, %gather3A : vector<16xf32>
        tpu.vector_store_idx %arg14[%gather3A_86, %add3A_57], %mul3A_146 {add = true} : memref<320x256xf32, #tpu.memory_space<vmem>>[vector<16xi32>, vector<16xi32>], vector<16xf32>,
        %get3A_147 = arith.index_cast %scan3A_85 : i32 to index
        %get3A_148 = arith.constant 240 : index
        %get3A_149 = tpu.vector_load %arg12[%get3A_147, %get3A_148] {strides = array<i32>} : memref<64x256xf32, #tpu.memory_space<vmem>>, vector<16xf32>,
        %mul3A_150 = arith.mulf %get3A_149, %gather3A : vector<16xf32>
        tpu.vector_store_idx %arg14[%gather3A_86, %add3A_61], %mul3A_150 {add = true} : memref<320x256xf32, #tpu.memory_space<vmem>>[vector<16xi32>, vector<16xi32>], vector<16xf32>,
      }
      %scan3A_84 = arith.constant 64 : i32
    }
    %while3A_70 = arith.constant 1 : i32
    scf.for %while3A_73 = %while3A_68 to %while3A_64 step %while3A_70  : i32 {
      %mul3A_74 = arith.constant 64 : i32
      %mul3A_75 = arith.muli %while3A_73, %mul3A_74 : i32
      "tpu.region"() ({
        %run_scoped3A = tpu.sem_alloc : memref<!tpu.dma_semaphore, #tpu.memory_space<semaphore_mem>>
        %dma_start3A_85 = tpu.memref_slice %arg3[%add3A, %mul3A_75] : memref<32x160000xi32, #tpu.memory_space<hbm>> -> memref<1x64xi32, #tpu.memory_space<hbm>>
        %dma_start3A_86 = tpu.memref_squeeze %dma_start3A_85 : memref<1x64xi32, #tpu.memory_space<hbm>> -> memref<64xi32, #tpu.memory_space<hbm>>
        %dma_start3A_87 = tpu.memref_slice %arg3[%add3A, %mul3A_75] : memref<32x160000xi32, #tpu.memory_space<hbm>> -> memref<1x64xi32, #tpu.memory_space<hbm>>
        %dma_start3A_88 = tpu.memref_squeeze %dma_start3A_87 : memref<1x64xi32, #tpu.memory_space<hbm>> -> memref<64xi32, #tpu.memory_space<hbm>>
        tpu.enqueue_dma source(%dma_start3A_88 : memref<64xi32, #tpu.memory_space<hbm>>) target(%arg9 : memref<64xi32, #tpu.memory_space<vmem>>) target_semaphore(%run_scoped3A : memref<!tpu.dma_semaphore, #tpu.memory_space<semaphore_mem>>)
        %dma_wait3A_89 = tpu.memref_slice %arg3[%add3A, %mul3A_75] : memref<32x160000xi32, #tpu.memory_space<hbm>> -> memref<1x64xi32, #tpu.memory_space<hbm>>
        %dma_wait3A_90 = tpu.memref_squeeze %dma_wait3A_89 : memref<1x64xi32, #tpu.memory_space<hbm>> -> memref<64xi32, #tpu.memory_space<hbm>>
        %dma_wait3A_91 = tpu.memref_slice %arg3[%add3A, %mul3A_75] : memref<32x160000xi32, #tpu.memory_space<hbm>> -> memref<1x64xi32, #tpu.memory_space<hbm>>
        %dma_wait3A_92 = tpu.memref_squeeze %dma_wait3A_91 : memref<1x64xi32, #tpu.memory_space<hbm>> -> memref<64xi32, #tpu.memory_space<hbm>>
        tpu.wait_dma2 semaphore(%run_scoped3A : memref<!tpu.dma_semaphore, #tpu.memory_space<semaphore_mem>>) src(%dma_wait3A_92 : memref<64xi32, #tpu.memory_space<hbm>>) dst(%arg9 : memref<64xi32, #tpu.memory_space<vmem>>)
        tpu.yield
      }) : () -> ()
      "tpu.region"() ({
        %run_scoped3A = tpu.sem_alloc : memref<!tpu.dma_semaphore, #tpu.memory_space<semaphore_mem>>
        %dma_start3A_85 = tpu.memref_slice %arg4[%add3A, %mul3A_75] : memref<32x160000xi32, #tpu.memory_space<hbm>> -> memref<1x64xi32, #tpu.memory_space<hbm>>
        %dma_start3A_86 = tpu.memref_squeeze %dma_start3A_85 : memref<1x64xi32, #tpu.memory_space<hbm>> -> memref<64xi32, #tpu.memory_space<hbm>>
        %dma_start3A_87 = tpu.memref_slice %arg4[%add3A, %mul3A_75] : memref<32x160000xi32, #tpu.memory_space<hbm>> -> memref<1x64xi32, #tpu.memory_space<hbm>>
        %dma_start3A_88 = tpu.memref_squeeze %dma_start3A_87 : memref<1x64xi32, #tpu.memory_space<hbm>> -> memref<64xi32, #tpu.memory_space<hbm>>
        tpu.enqueue_dma source(%dma_start3A_88 : memref<64xi32, #tpu.memory_space<hbm>>) target(%arg10 : memref<64xi32, #tpu.memory_space<vmem>>) target_semaphore(%run_scoped3A : memref<!tpu.dma_semaphore, #tpu.memory_space<semaphore_mem>>)
        %dma_wait3A_89 = tpu.memref_slice %arg4[%add3A, %mul3A_75] : memref<32x160000xi32, #tpu.memory_space<hbm>> -> memref<1x64xi32, #tpu.memory_space<hbm>>
        %dma_wait3A_90 = tpu.memref_squeeze %dma_wait3A_89 : memref<1x64xi32, #tpu.memory_space<hbm>> -> memref<64xi32, #tpu.memory_space<hbm>>
        %dma_wait3A_91 = tpu.memref_slice %arg4[%add3A, %mul3A_75] : memref<32x160000xi32, #tpu.memory_space<hbm>> -> memref<1x64xi32, #tpu.memory_space<hbm>>
        %dma_wait3A_92 = tpu.memref_squeeze %dma_wait3A_91 : memref<1x64xi32, #tpu.memory_space<hbm>> -> memref<64xi32, #tpu.memory_space<hbm>>
        tpu.wait_dma2 semaphore(%run_scoped3A : memref<!tpu.dma_semaphore, #tpu.memory_space<semaphore_mem>>) src(%dma_wait3A_92 : memref<64xi32, #tpu.memory_space<hbm>>) dst(%arg10 : memref<64xi32, #tpu.memory_space<vmem>>)
        tpu.yield
      }) : () -> ()
      "tpu.region"() ({
        %run_scoped3A = tpu.sem_alloc : memref<!tpu.dma_semaphore, #tpu.memory_space<semaphore_mem>>
        %dma_start3A_85 = tpu.memref_slice %arg5[%add3A, %mul3A_75] : memref<32x160000xf32, #tpu.memory_space<hbm>> -> memref<1x64xf32, #tpu.memory_space<hbm>>
        %dma_start3A_86 = tpu.memref_squeeze %dma_start3A_85 : memref<1x64xf32, #tpu.memory_space<hbm>> -> memref<64xf32, #tpu.memory_space<hbm>>
        %dma_start3A_87 = tpu.memref_slice %arg5[%add3A, %mul3A_75] : memref<32x160000xf32, #tpu.memory_space<hbm>> -> memref<1x64xf32, #tpu.memory_space<hbm>>
        %dma_start3A_88 = tpu.memref_squeeze %dma_start3A_87 : memref<1x64xf32, #tpu.memory_space<hbm>> -> memref<64xf32, #tpu.memory_space<hbm>>
        tpu.enqueue_dma source(%dma_start3A_88 : memref<64xf32, #tpu.memory_space<hbm>>) target(%arg11 : memref<64xf32, #tpu.memory_space<vmem>>) target_semaphore(%run_scoped3A : memref<!tpu.dma_semaphore, #tpu.memory_space<semaphore_mem>>)
        %dma_wait3A_89 = tpu.memref_slice %arg5[%add3A, %mul3A_75] : memref<32x160000xf32, #tpu.memory_space<hbm>> -> memref<1x64xf32, #tpu.memory_space<hbm>>
        %dma_wait3A_90 = tpu.memref_squeeze %dma_wait3A_89 : memref<1x64xf32, #tpu.memory_space<hbm>> -> memref<64xf32, #tpu.memory_space<hbm>>
        %dma_wait3A_91 = tpu.memref_slice %arg5[%add3A, %mul3A_75] : memref<32x160000xf32, #tpu.memory_space<hbm>> -> memref<1x64xf32, #tpu.memory_space<hbm>>
        %dma_wait3A_92 = tpu.memref_squeeze %dma_wait3A_91 : memref<1x64xf32, #tpu.memory_space<hbm>> -> memref<64xf32, #tpu.memory_space<hbm>>
        tpu.wait_dma2 semaphore(%run_scoped3A : memref<!tpu.dma_semaphore, #tpu.memory_space<semaphore_mem>>) src(%dma_wait3A_92 : memref<64xf32, #tpu.memory_space<hbm>>) dst(%arg11 : memref<64xf32, #tpu.memory_space<vmem>>)
        tpu.yield
      }) : () -> ()
      %dma_start3A = arith.constant 0 : i32
      %dma_start3A_76 = arith.constant 0 : i32
      %dma_start3A_77 = tpu.memref_slice %arg2[%dma_start3A, %dma_start3A_76] : memref<80000x256xf32, #tpu.memory_space<hbm>> -> memref<80000x256xf32, #tpu.memory_space<hbm>>
      tpu.enqueue_indirect_dma source(%dma_start3A_77 : memref<80000x256xf32, #tpu.memory_space<hbm>>) target(%arg12 : memref<64x256xf32, #tpu.memory_space<vmem>>) offsets(%arg9 : memref<64xi32, #tpu.memory_space<vmem>>) semaphore(%arg15 : memref<!tpu.dma_semaphore, #tpu.memory_space<semaphore_mem>>)
      %dma_wait3A = arith.constant 0 : i32
      %dma_wait3A_78 = arith.constant 0 : i32
      %dma_wait3A_79 = tpu.memref_slice %arg2[%dma_wait3A, %dma_wait3A_78] : memref<80000x256xf32, #tpu.memory_space<hbm>> -> memref<80000x256xf32, #tpu.memory_space<hbm>>
      tpu.wait_indirect_dma semaphore(%arg15 : memref<!tpu.dma_semaphore, #tpu.memory_space<semaphore_mem>>) src(%dma_wait3A_79 : memref<80000x256xf32, #tpu.memory_space<hbm>>) dst(%arg12 : memref<64x256xf32, #tpu.memory_space<vmem>>)
      %scan3A = arith.constant 0 : i32
      %scan3A_80 = arith.constant 0 : i32
      %scan3A_81 = arith.constant 64 : i32
      %scan3A_82 = arith.addi %scan3A_80, %scan3A_81 : i32
      %scan3A_83 = arith.constant 1 : i32
      scf.for %scan3A_85 = %scan3A_80 to %scan3A_82 step %scan3A_83  : i32 {
        %broadcast_in_dim3A = vector.broadcast %scan3A_85 : i32 to vector<16xi32>
        %gather3A = tpu.vector_load_idx %arg11[%broadcast_in_dim3A] : memref<64xf32, #tpu.memory_space<vmem>>[vector<16xi32>], vector<16xf32>,
        %gather3A_86 = tpu.vector_load_idx %arg10[%broadcast_in_dim3A] : memref<64xi32, #tpu.memory_space<vmem>>[vector<16xi32>], vector<16xi32>,
        %get3A_87 = arith.index_cast %scan3A_85 : i32 to index
        %get3A_88 = arith.constant 0 : index
        %get3A_89 = tpu.vector_load %arg12[%get3A_87, %get3A_88] {strides = array<i32>} : memref<64x256xf32, #tpu.memory_space<vmem>>, vector<16xf32>,
        %mul3A_90 = arith.mulf %get3A_89, %gather3A : vector<16xf32>
        tpu.vector_store_idx %arg14[%gather3A_86, %iota3A], %mul3A_90 {add = true} : memref<320x256xf32, #tpu.memory_space<vmem>>[vector<16xi32>, vector<16xi32>], vector<16xf32>,
        %get3A_91 = arith.index_cast %scan3A_85 : i32 to index
        %get3A_92 = arith.constant 16 : index
        %get3A_93 = tpu.vector_load %arg12[%get3A_91, %get3A_92] {strides = array<i32>} : memref<64x256xf32, #tpu.memory_space<vmem>>, vector<16xf32>,
        %mul3A_94 = arith.mulf %get3A_93, %gather3A : vector<16xf32>
        tpu.vector_store_idx %arg14[%gather3A_86, %add3A_5], %mul3A_94 {add = true} : memref<320x256xf32, #tpu.memory_space<vmem>>[vector<16xi32>, vector<16xi32>], vector<16xf32>,
        %get3A_95 = arith.index_cast %scan3A_85 : i32 to index
        %get3A_96 = arith.constant 32 : index
        %get3A_97 = tpu.vector_load %arg12[%get3A_95, %get3A_96] {strides = array<i32>} : memref<64x256xf32, #tpu.memory_space<vmem>>, vector<16xf32>,
        %mul3A_98 = arith.mulf %get3A_97, %gather3A : vector<16xf32>
        tpu.vector_store_idx %arg14[%gather3A_86, %add3A_9], %mul3A_98 {add = true} : memref<320x256xf32, #tpu.memory_space<vmem>>[vector<16xi32>, vector<16xi32>], vector<16xf32>,
        %get3A_99 = arith.index_cast %scan3A_85 : i32 to index
        %get3A_100 = arith.constant 48 : index
        %get3A_101 = tpu.vector_load %arg12[%get3A_99, %get3A_100] {strides = array<i32>} : memref<64x256xf32, #tpu.memory_space<vmem>>, vector<16xf32>,
        %mul3A_102 = arith.mulf %get3A_101, %gather3A : vector<16xf32>
        tpu.vector_store_idx %arg14[%gather3A_86, %add3A_13], %mul3A_102 {add = true} : memref<320x256xf32, #tpu.memory_space<vmem>>[vector<16xi32>, vector<16xi32>], vector<16xf32>,
        %get3A_103 = arith.index_cast %scan3A_85 : i32 to index
        %get3A_104 = arith.constant 64 : index
        %get3A_105 = tpu.vector_load %arg12[%get3A_103, %get3A_104] {strides = array<i32>} : memref<64x256xf32, #tpu.memory_space<vmem>>, vector<16xf32>,
        %mul3A_106 = arith.mulf %get3A_105, %gather3A : vector<16xf32>
        tpu.vector_store_idx %arg14[%gather3A_86, %add3A_17], %mul3A_106 {add = true} : memref<320x256xf32, #tpu.memory_space<vmem>>[vector<16xi32>, vector<16xi32>], vector<16xf32>,
        %get3A_107 = arith.index_cast %scan3A_85 : i32 to index
        %get3A_108 = arith.constant 80 : index
        %get3A_109 = tpu.vector_load %arg12[%get3A_107, %get3A_108] {strides = array<i32>} : memref<64x256xf32, #tpu.memory_space<vmem>>, vector<16xf32>,
        %mul3A_110 = arith.mulf %get3A_109, %gather3A : vector<16xf32>
        tpu.vector_store_idx %arg14[%gather3A_86, %add3A_21], %mul3A_110 {add = true} : memref<320x256xf32, #tpu.memory_space<vmem>>[vector<16xi32>, vector<16xi32>], vector<16xf32>,
        %get3A_111 = arith.index_cast %scan3A_85 : i32 to index
        %get3A_112 = arith.constant 96 : index
        %get3A_113 = tpu.vector_load %arg12[%get3A_111, %get3A_112] {strides = array<i32>} : memref<64x256xf32, #tpu.memory_space<vmem>>, vector<16xf32>,
        %mul3A_114 = arith.mulf %get3A_113, %gather3A : vector<16xf32>
        tpu.vector_store_idx %arg14[%gather3A_86, %add3A_25], %mul3A_114 {add = true} : memref<320x256xf32, #tpu.memory_space<vmem>>[vector<16xi32>, vector<16xi32>], vector<16xf32>,
        %get3A_115 = arith.index_cast %scan3A_85 : i32 to index
        %get3A_116 = arith.constant 112 : index
        %get3A_117 = tpu.vector_load %arg12[%get3A_115, %get3A_116] {strides = array<i32>} : memref<64x256xf32, #tpu.memory_space<vmem>>, vector<16xf32>,
        %mul3A_118 = arith.mulf %get3A_117, %gather3A : vector<16xf32>
        tpu.vector_store_idx %arg14[%gather3A_86, %add3A_29], %mul3A_118 {add = true} : memref<320x256xf32, #tpu.memory_space<vmem>>[vector<16xi32>, vector<16xi32>], vector<16xf32>,
        %get3A_119 = arith.index_cast %scan3A_85 : i32 to index
        %get3A_120 = arith.constant 128 : index
        %get3A_121 = tpu.vector_load %arg12[%get3A_119, %get3A_120] {strides = array<i32>} : memref<64x256xf32, #tpu.memory_space<vmem>>, vector<16xf32>,
        %mul3A_122 = arith.mulf %get3A_121, %gather3A : vector<16xf32>
        tpu.vector_store_idx %arg14[%gather3A_86, %add3A_33], %mul3A_122 {add = true} : memref<320x256xf32, #tpu.memory_space<vmem>>[vector<16xi32>, vector<16xi32>], vector<16xf32>,
        %get3A_123 = arith.index_cast %scan3A_85 : i32 to index
        %get3A_124 = arith.constant 144 : index
        %get3A_125 = tpu.vector_load %arg12[%get3A_123, %get3A_124] {strides = array<i32>} : memref<64x256xf32, #tpu.memory_space<vmem>>, vector<16xf32>,
        %mul3A_126 = arith.mulf %get3A_125, %gather3A : vector<16xf32>
        tpu.vector_store_idx %arg14[%gather3A_86, %add3A_37], %mul3A_126 {add = true} : memref<320x256xf32, #tpu.memory_space<vmem>>[vector<16xi32>, vector<16xi32>], vector<16xf32>,
        %get3A_127 = arith.index_cast %scan3A_85 : i32 to index
        %get3A_128 = arith.constant 160 : index
        %get3A_129 = tpu.vector_load %arg12[%get3A_127, %get3A_128] {strides = array<i32>} : memref<64x256xf32, #tpu.memory_space<vmem>>, vector<16xf32>,
        %mul3A_130 = arith.mulf %get3A_129, %gather3A : vector<16xf32>
        tpu.vector_store_idx %arg14[%gather3A_86, %add3A_41], %mul3A_130 {add = true} : memref<320x256xf32, #tpu.memory_space<vmem>>[vector<16xi32>, vector<16xi32>], vector<16xf32>,
        %get3A_131 = arith.index_cast %scan3A_85 : i32 to index
        %get3A_132 = arith.constant 176 : index
        %get3A_133 = tpu.vector_load %arg12[%get3A_131, %get3A_132] {strides = array<i32>} : memref<64x256xf32, #tpu.memory_space<vmem>>, vector<16xf32>,
        %mul3A_134 = arith.mulf %get3A_133, %gather3A : vector<16xf32>
        tpu.vector_store_idx %arg14[%gather3A_86, %add3A_45], %mul3A_134 {add = true} : memref<320x256xf32, #tpu.memory_space<vmem>>[vector<16xi32>, vector<16xi32>], vector<16xf32>,
        %get3A_135 = arith.index_cast %scan3A_85 : i32 to index
        %get3A_136 = arith.constant 192 : index
        %get3A_137 = tpu.vector_load %arg12[%get3A_135, %get3A_136] {strides = array<i32>} : memref<64x256xf32, #tpu.memory_space<vmem>>, vector<16xf32>,
        %mul3A_138 = arith.mulf %get3A_137, %gather3A : vector<16xf32>
        tpu.vector_store_idx %arg14[%gather3A_86, %add3A_49], %mul3A_138 {add = true} : memref<320x256xf32, #tpu.memory_space<vmem>>[vector<16xi32>, vector<16xi32>], vector<16xf32>,
        %get3A_139 = arith.index_cast %scan3A_85 : i32 to index
        %get3A_140 = arith.constant 208 : index
        %get3A_141 = tpu.vector_load %arg12[%get3A_139, %get3A_140] {strides = array<i32>} : memref<64x256xf32, #tpu.memory_space<vmem>>, vector<16xf32>,
        %mul3A_142 = arith.mulf %get3A_141, %gather3A : vector<16xf32>
        tpu.vector_store_idx %arg14[%gather3A_86, %add3A_53], %mul3A_142 {add = true} : memref<320x256xf32, #tpu.memory_space<vmem>>[vector<16xi32>, vector<16xi32>], vector<16xf32>,
        %get3A_143 = arith.index_cast %scan3A_85 : i32 to index
        %get3A_144 = arith.constant 224 : index
        %get3A_145 = tpu.vector_load %arg12[%get3A_143, %get3A_144] {strides = array<i32>} : memref<64x256xf32, #tpu.memory_space<vmem>>, vector<16xf32>,
        %mul3A_146 = arith.mulf %get3A_145, %gather3A : vector<16xf32>
        tpu.vector_store_idx %arg14[%gather3A_86, %add3A_57], %mul3A_146 {add = true} : memref<320x256xf32, #tpu.memory_space<vmem>>[vector<16xi32>, vector<16xi32>], vector<16xf32>,
        %get3A_147 = arith.index_cast %scan3A_85 : i32 to index
        %get3A_148 = arith.constant 240 : index
        %get3A_149 = tpu.vector_load %arg12[%get3A_147, %get3A_148] {strides = array<i32>} : memref<64x256xf32, #tpu.memory_space<vmem>>, vector<16xf32>,
        %mul3A_150 = arith.mulf %get3A_149, %gather3A : vector<16xf32>
        tpu.vector_store_idx %arg14[%gather3A_86, %add3A_61], %mul3A_150 {add = true} : memref<320x256xf32, #tpu.memory_space<vmem>>[vector<16xi32>, vector<16xi32>], vector<16xf32>,
      }
      %scan3A_84 = arith.constant 64 : i32
    }
    %mul3A_71 = arith.constant 320 : i32
    %mul3A_72 = arith.muli %add3A, %mul3A_71 : i32
    "tpu.region"() ({
      %run_scoped3A = tpu.sem_alloc : memref<!tpu.dma_semaphore, #tpu.memory_space<semaphore_mem>>
      %dma_start3A = arith.constant 0 : i32
      %dma_start3A_73 = tpu.memref_slice %arg8[%mul3A_72, %dma_start3A] : memref<10240x256xf32, #tpu.memory_space<hbm>> -> memref<320x256xf32, #tpu.memory_space<hbm>>
      %dma_start3A_74 = arith.constant 0 : i32
      %dma_start3A_75 = tpu.memref_slice %arg8[%mul3A_72, %dma_start3A_74] : memref<10240x256xf32, #tpu.memory_space<hbm>> -> memref<320x256xf32, #tpu.memory_space<hbm>>
      tpu.enqueue_dma source(%arg14 : memref<320x256xf32, #tpu.memory_space<vmem>>) target(%dma_start3A_75 : memref<320x256xf32, #tpu.memory_space<hbm>>) target_semaphore(%run_scoped3A : memref<!tpu.dma_semaphore, #tpu.memory_space<semaphore_mem>>)
      %dma_wait3A = arith.constant 0 : i32
      %dma_wait3A_76 = tpu.memref_slice %arg8[%mul3A_72, %dma_wait3A] : memref<10240x256xf32, #tpu.memory_space<hbm>> -> memref<320x256xf32, #tpu.memory_space<hbm>>
      %dma_wait3A_77 = arith.constant 0 : i32
      %dma_wait3A_78 = tpu.memref_slice %arg8[%mul3A_72, %dma_wait3A_77] : memref<10240x256xf32, #tpu.memory_space<hbm>> -> memref<320x256xf32, #tpu.memory_space<hbm>>
      tpu.wait_dma2 semaphore(%run_scoped3A : memref<!tpu.dma_semaphore, #tpu.memory_space<semaphore_mem>>) src(%arg14 : memref<320x256xf32, #tpu.memory_space<vmem>>) dst(%dma_wait3A_78 : memref<320x256xf32, #tpu.memory_space<hbm>>)
      tpu.yield
    }) : () -> ()
    return
  }
}

#map = affine_map<(d0, d1) -> (0, 0)>
module attributes {stable_mosaic.version = 14 : i64} {
  func.func @_k_edge(%arg0: i32, %arg1: i32, %arg2: memref<80000x256xf32, #tpu.memory_space<hbm>>, %arg3: memref<32x160000xi32, #tpu.memory_space<hbm>>, %arg4: memref<32x160000xi32, #tpu.memory_space<hbm>>, %arg5: memref<32x160000xf32, #tpu.memory_space<hbm>>, %arg6: memref<32x16xi32, #tpu.memory_space<hbm>>, %arg7: memref<320x256xf32, #tpu.memory_space<hbm>>, %arg8: memref<10240x256xf32, #tpu.memory_space<hbm>>, %arg9: memref<64xi32, #tpu.memory_space<vmem>>, %arg10: memref<64xi32, #tpu.memory_space<vmem>>, %arg11: memref<64xf32, #tpu.memory_space<vmem>>, %arg12: memref<64x256xf32, #tpu.memory_space<vmem>>, %arg13: memref<16xi32, #tpu.memory_space<vmem>>, %arg14: memref<320x256xf32, #tpu.memory_space<vmem>>, %arg15: memref<!tpu.dma_semaphore, #tpu.memory_space<semaphore_mem>>) attributes {dimension_semantics = [#tpu.dimension_semantics<core_parallel>, #tpu.dimension_semantics<subcore_parallel>], iteration_bounds = array<i64: 2, 16>, scalar_prefetch = 0 : i64, scratch_operands = 7 : i64, tpu.core_type = #tpu.core_type<sc_vector_subcore>, window_params = [{transform_indices = #map}, {transform_indices = #map}, {transform_indices = #map}, {transform_indices = #map}, {transform_indices = #map}, {transform_indices = #map}, {transform_indices = #map}]} {
    %mul3A = arith.constant 16 : i32
    %mul3A_0 = arith.muli %arg0, %mul3A : i32
    %add3A = arith.addi %mul3A_0, %arg1 : i32
    "tpu.region"() ({
      %run_scoped3A = tpu.sem_alloc : memref<!tpu.dma_semaphore, #tpu.memory_space<semaphore_mem>>
      tpu.enqueue_dma source(%arg7 : memref<320x256xf32, #tpu.memory_space<hbm>>) target(%arg14 : memref<320x256xf32, #tpu.memory_space<vmem>>) target_semaphore(%run_scoped3A : memref<!tpu.dma_semaphore, #tpu.memory_space<semaphore_mem>>)
      tpu.wait_dma2 semaphore(%run_scoped3A : memref<!tpu.dma_semaphore, #tpu.memory_space<semaphore_mem>>) src(%arg7 : memref<320x256xf32, #tpu.memory_space<hbm>>) dst(%arg14 : memref<320x256xf32, #tpu.memory_space<vmem>>)
      tpu.yield
    }) : () -> ()
    "tpu.region"() ({
      %run_scoped3A = tpu.sem_alloc : memref<!tpu.dma_semaphore, #tpu.memory_space<semaphore_mem>>
      %dma_start3A = arith.constant 0 : i32
      %dma_start3A_73 = tpu.memref_slice %arg6[%add3A, %dma_start3A] : memref<32x16xi32, #tpu.memory_space<hbm>> -> memref<1x16xi32, #tpu.memory_space<hbm>>
      %dma_start3A_74 = tpu.memref_squeeze %dma_start3A_73 : memref<1x16xi32, #tpu.memory_space<hbm>> -> memref<16xi32, #tpu.memory_space<hbm>>
      %dma_start3A_75 = arith.constant 0 : i32
      %dma_start3A_76 = tpu.memref_slice %arg6[%add3A, %dma_start3A_75] : memref<32x16xi32, #tpu.memory_space<hbm>> -> memref<1x16xi32, #tpu.memory_space<hbm>>
      %dma_start3A_77 = tpu.memref_squeeze %dma_start3A_76 : memref<1x16xi32, #tpu.memory_space<hbm>> -> memref<16xi32, #tpu.memory_space<hbm>>
      tpu.enqueue_dma source(%dma_start3A_77 : memref<16xi32, #tpu.memory_space<hbm>>) target(%arg13 : memref<16xi32, #tpu.memory_space<vmem>>) target_semaphore(%run_scoped3A : memref<!tpu.dma_semaphore, #tpu.memory_space<semaphore_mem>>)
      %dma_wait3A = arith.constant 0 : i32
      %dma_wait3A_78 = tpu.memref_slice %arg6[%add3A, %dma_wait3A] : memref<32x16xi32, #tpu.memory_space<hbm>> -> memref<1x16xi32, #tpu.memory_space<hbm>>
      %dma_wait3A_79 = tpu.memref_squeeze %dma_wait3A_78 : memref<1x16xi32, #tpu.memory_space<hbm>> -> memref<16xi32, #tpu.memory_space<hbm>>
      %dma_wait3A_80 = arith.constant 0 : i32
      %dma_wait3A_81 = tpu.memref_slice %arg6[%add3A, %dma_wait3A_80] : memref<32x16xi32, #tpu.memory_space<hbm>> -> memref<1x16xi32, #tpu.memory_space<hbm>>
      %dma_wait3A_82 = tpu.memref_squeeze %dma_wait3A_81 : memref<1x16xi32, #tpu.memory_space<hbm>> -> memref<16xi32, #tpu.memory_space<hbm>>
      tpu.wait_dma2 semaphore(%run_scoped3A : memref<!tpu.dma_semaphore, #tpu.memory_space<semaphore_mem>>) src(%dma_wait3A_82 : memref<16xi32, #tpu.memory_space<hbm>>) dst(%arg13 : memref<16xi32, #tpu.memory_space<vmem>>)
      tpu.yield
    }) : () -> ()
    %get3A = arith.constant 0 : index
    %get3A_1 = tpu.vector_load %arg13[%get3A] {strides = array<i32>} : memref<16xi32, #tpu.memory_space<vmem>>, vector<16xi32>,
    %slice3A = vector.extract_strided_slice %get3A_1 {offsets = [0], sizes = [1], strides = [1]} : vector<16xi32> to vector<1xi32>
    %squeeze3A = vector.extract %slice3A[0] : i32 from vector<1xi32>
    %iota3A = tpu.iota {dimensions = array<i32: 0>} : vector<16xi32>
    %iota3A_2 = tpu.iota {dimensions = array<i32: 0>} : vector<16xi32>
    %add3A_3 = arith.constant 16 : i32
    %add3A_4 = vector.broadcast %add3A_3 : i32 to vector<16xi32>
    %add3A_5 = arith.addi %add3A_4, %iota3A_2 : vector<16xi32>
    %iota3A_6 = tpu.iota {dimensions = array<i32: 0>} : vector<16xi32>
    %add3A_7 = arith.constant 32 : i32
    %add3A_8 = vector.broadcast %add3A_7 : i32 to vector<16xi32>
    %add3A_9 = arith.addi %add3A_8, %iota3A_6 : vector<16xi32>
    %iota3A_10 = tpu.iota {dimensions = array<i32: 0>} : vector<16xi32>
    %add3A_11 = arith.constant 48 : i32
    %add3A_12 = vector.broadcast %add3A_11 : i32 to vector<16xi32>
    %add3A_13 = arith.addi %add3A_12, %iota3A_10 : vector<16xi32>
    %iota3A_14 = tpu.iota {dimensions = array<i32: 0>} : vector<16xi32>
    %add3A_15 = arith.constant 64 : i32
    %add3A_16 = vector.broadcast %add3A_15 : i32 to vector<16xi32>
    %add3A_17 = arith.addi %add3A_16, %iota3A_14 : vector<16xi32>
    %iota3A_18 = tpu.iota {dimensions = array<i32: 0>} : vector<16xi32>
    %add3A_19 = arith.constant 80 : i32
    %add3A_20 = vector.broadcast %add3A_19 : i32 to vector<16xi32>
    %add3A_21 = arith.addi %add3A_20, %iota3A_18 : vector<16xi32>
    %iota3A_22 = tpu.iota {dimensions = array<i32: 0>} : vector<16xi32>
    %add3A_23 = arith.constant 96 : i32
    %add3A_24 = vector.broadcast %add3A_23 : i32 to vector<16xi32>
    %add3A_25 = arith.addi %add3A_24, %iota3A_22 : vector<16xi32>
    %iota3A_26 = tpu.iota {dimensions = array<i32: 0>} : vector<16xi32>
    %add3A_27 = arith.constant 112 : i32
    %add3A_28 = vector.broadcast %add3A_27 : i32 to vector<16xi32>
    %add3A_29 = arith.addi %add3A_28, %iota3A_26 : vector<16xi32>
    %iota3A_30 = tpu.iota {dimensions = array<i32: 0>} : vector<16xi32>
    %add3A_31 = arith.constant 128 : i32
    %add3A_32 = vector.broadcast %add3A_31 : i32 to vector<16xi32>
    %add3A_33 = arith.addi %add3A_32, %iota3A_30 : vector<16xi32>
    %iota3A_34 = tpu.iota {dimensions = array<i32: 0>} : vector<16xi32>
    %add3A_35 = arith.constant 144 : i32
    %add3A_36 = vector.broadcast %add3A_35 : i32 to vector<16xi32>
    %add3A_37 = arith.addi %add3A_36, %iota3A_34 : vector<16xi32>
    %iota3A_38 = tpu.iota {dimensions = array<i32: 0>} : vector<16xi32>
    %add3A_39 = arith.constant 160 : i32
    %add3A_40 = vector.broadcast %add3A_39 : i32 to vector<16xi32>
    %add3A_41 = arith.addi %add3A_40, %iota3A_38 : vector<16xi32>
    %iota3A_42 = tpu.iota {dimensions = array<i32: 0>} : vector<16xi32>
    %add3A_43 = arith.constant 176 : i32
    %add3A_44 = vector.broadcast %add3A_43 : i32 to vector<16xi32>
    %add3A_45 = arith.addi %add3A_44, %iota3A_42 : vector<16xi32>
    %iota3A_46 = tpu.iota {dimensions = array<i32: 0>} : vector<16xi32>
    %add3A_47 = arith.constant 192 : i32
    %add3A_48 = vector.broadcast %add3A_47 : i32 to vector<16xi32>
    %add3A_49 = arith.addi %add3A_48, %iota3A_46 : vector<16xi32>
    %iota3A_50 = tpu.iota {dimensions = array<i32: 0>} : vector<16xi32>
    %add3A_51 = arith.constant 208 : i32
    %add3A_52 = vector.broadcast %add3A_51 : i32 to vector<16xi32>
    %add3A_53 = arith.addi %add3A_52, %iota3A_50 : vector<16xi32>
    %iota3A_54 = tpu.iota {dimensions = array<i32: 0>} : vector<16xi32>
    %add3A_55 = arith.constant 224 : i32
    %add3A_56 = vector.broadcast %add3A_55 : i32 to vector<16xi32>
    %add3A_57 = arith.addi %add3A_56, %iota3A_54 : vector<16xi32>
    %iota3A_58 = tpu.iota {dimensions = array<i32: 0>} : vector<16xi32>
    %add3A_59 = arith.constant 240 : i32
    %add3A_60 = vector.broadcast %add3A_59 : i32 to vector<16xi32>
    %add3A_61 = arith.addi %add3A_60, %iota3A_58 : vector<16xi32>
    %while3A = arith.constant 0 : i32
    %while3A_62 = arith.constant 0 : i32
    %while3A_63 = arith.subi %squeeze3A, %while3A_62 : i32
    %while3A_64 = arith.addi %while3A_62, %while3A_63 : i32
    %while3A_65 = arith.constant 1 : i32
    %while3A_66 = arith.divsi %while3A_63, %while3A_65 : i32
    %while3A_67 = arith.muli %while3A_66, %while3A_65 : i32
    %while3A_68 = arith.addi %while3A_62, %while3A_67 : i32
    %while3A_69 = arith.constant 1 : i32
    scf.for %while3A_73 = %while3A_62 to %while3A_68 step %while3A_69  : i32 {
      %mul3A_74 = arith.constant 64 : i32
      %mul3A_75 = arith.muli %while3A_73, %mul3A_74 : i32
      "tpu.region"() ({
        %run_scoped3A = tpu.sem_alloc : memref<!tpu.dma_semaphore, #tpu.memory_space<semaphore_mem>>
        %dma_start3A_85 = tpu.memref_slice %arg3[%add3A, %mul3A_75] : memref<32x160000xi32, #tpu.memory_space<hbm>> -> memref<1x64xi32, #tpu.memory_space<hbm>>
        %dma_start3A_86 = tpu.memref_squeeze %dma_start3A_85 : memref<1x64xi32, #tpu.memory_space<hbm>> -> memref<64xi32, #tpu.memory_space<hbm>>
        %dma_start3A_87 = tpu.memref_slice %arg3[%add3A, %mul3A_75] : memref<32x160000xi32, #tpu.memory_space<hbm>> -> memref<1x64xi32, #tpu.memory_space<hbm>>
        %dma_start3A_88 = tpu.memref_squeeze %dma_start3A_87 : memref<1x64xi32, #tpu.memory_space<hbm>> -> memref<64xi32, #tpu.memory_space<hbm>>
        tpu.enqueue_dma source(%dma_start3A_88 : memref<64xi32, #tpu.memory_space<hbm>>) target(%arg9 : memref<64xi32, #tpu.memory_space<vmem>>) target_semaphore(%run_scoped3A : memref<!tpu.dma_semaphore, #tpu.memory_space<semaphore_mem>>)
        %dma_wait3A_89 = tpu.memref_slice %arg3[%add3A, %mul3A_75] : memref<32x160000xi32, #tpu.memory_space<hbm>> -> memref<1x64xi32, #tpu.memory_space<hbm>>
        %dma_wait3A_90 = tpu.memref_squeeze %dma_wait3A_89 : memref<1x64xi32, #tpu.memory_space<hbm>> -> memref<64xi32, #tpu.memory_space<hbm>>
        %dma_wait3A_91 = tpu.memref_slice %arg3[%add3A, %mul3A_75] : memref<32x160000xi32, #tpu.memory_space<hbm>> -> memref<1x64xi32, #tpu.memory_space<hbm>>
        %dma_wait3A_92 = tpu.memref_squeeze %dma_wait3A_91 : memref<1x64xi32, #tpu.memory_space<hbm>> -> memref<64xi32, #tpu.memory_space<hbm>>
        tpu.wait_dma2 semaphore(%run_scoped3A : memref<!tpu.dma_semaphore, #tpu.memory_space<semaphore_mem>>) src(%dma_wait3A_92 : memref<64xi32, #tpu.memory_space<hbm>>) dst(%arg9 : memref<64xi32, #tpu.memory_space<vmem>>)
        tpu.yield
      }) : () -> ()
      "tpu.region"() ({
        %run_scoped3A = tpu.sem_alloc : memref<!tpu.dma_semaphore, #tpu.memory_space<semaphore_mem>>
        %dma_start3A_85 = tpu.memref_slice %arg4[%add3A, %mul3A_75] : memref<32x160000xi32, #tpu.memory_space<hbm>> -> memref<1x64xi32, #tpu.memory_space<hbm>>
        %dma_start3A_86 = tpu.memref_squeeze %dma_start3A_85 : memref<1x64xi32, #tpu.memory_space<hbm>> -> memref<64xi32, #tpu.memory_space<hbm>>
        %dma_start3A_87 = tpu.memref_slice %arg4[%add3A, %mul3A_75] : memref<32x160000xi32, #tpu.memory_space<hbm>> -> memref<1x64xi32, #tpu.memory_space<hbm>>
        %dma_start3A_88 = tpu.memref_squeeze %dma_start3A_87 : memref<1x64xi32, #tpu.memory_space<hbm>> -> memref<64xi32, #tpu.memory_space<hbm>>
        tpu.enqueue_dma source(%dma_start3A_88 : memref<64xi32, #tpu.memory_space<hbm>>) target(%arg10 : memref<64xi32, #tpu.memory_space<vmem>>) target_semaphore(%run_scoped3A : memref<!tpu.dma_semaphore, #tpu.memory_space<semaphore_mem>>)
        %dma_wait3A_89 = tpu.memref_slice %arg4[%add3A, %mul3A_75] : memref<32x160000xi32, #tpu.memory_space<hbm>> -> memref<1x64xi32, #tpu.memory_space<hbm>>
        %dma_wait3A_90 = tpu.memref_squeeze %dma_wait3A_89 : memref<1x64xi32, #tpu.memory_space<hbm>> -> memref<64xi32, #tpu.memory_space<hbm>>
        %dma_wait3A_91 = tpu.memref_slice %arg4[%add3A, %mul3A_75] : memref<32x160000xi32, #tpu.memory_space<hbm>> -> memref<1x64xi32, #tpu.memory_space<hbm>>
        %dma_wait3A_92 = tpu.memref_squeeze %dma_wait3A_91 : memref<1x64xi32, #tpu.memory_space<hbm>> -> memref<64xi32, #tpu.memory_space<hbm>>
        tpu.wait_dma2 semaphore(%run_scoped3A : memref<!tpu.dma_semaphore, #tpu.memory_space<semaphore_mem>>) src(%dma_wait3A_92 : memref<64xi32, #tpu.memory_space<hbm>>) dst(%arg10 : memref<64xi32, #tpu.memory_space<vmem>>)
        tpu.yield
      }) : () -> ()
      "tpu.region"() ({
        %run_scoped3A = tpu.sem_alloc : memref<!tpu.dma_semaphore, #tpu.memory_space<semaphore_mem>>
        %dma_start3A_85 = tpu.memref_slice %arg5[%add3A, %mul3A_75] : memref<32x160000xf32, #tpu.memory_space<hbm>> -> memref<1x64xf32, #tpu.memory_space<hbm>>
        %dma_start3A_86 = tpu.memref_squeeze %dma_start3A_85 : memref<1x64xf32, #tpu.memory_space<hbm>> -> memref<64xf32, #tpu.memory_space<hbm>>
        %dma_start3A_87 = tpu.memref_slice %arg5[%add3A, %mul3A_75] : memref<32x160000xf32, #tpu.memory_space<hbm>> -> memref<1x64xf32, #tpu.memory_space<hbm>>
        %dma_start3A_88 = tpu.memref_squeeze %dma_start3A_87 : memref<1x64xf32, #tpu.memory_space<hbm>> -> memref<64xf32, #tpu.memory_space<hbm>>
        tpu.enqueue_dma source(%dma_start3A_88 : memref<64xf32, #tpu.memory_space<hbm>>) target(%arg11 : memref<64xf32, #tpu.memory_space<vmem>>) target_semaphore(%run_scoped3A : memref<!tpu.dma_semaphore, #tpu.memory_space<semaphore_mem>>)
        %dma_wait3A_89 = tpu.memref_slice %arg5[%add3A, %mul3A_75] : memref<32x160000xf32, #tpu.memory_space<hbm>> -> memref<1x64xf32, #tpu.memory_space<hbm>>
        %dma_wait3A_90 = tpu.memref_squeeze %dma_wait3A_89 : memref<1x64xf32, #tpu.memory_space<hbm>> -> memref<64xf32, #tpu.memory_space<hbm>>
        %dma_wait3A_91 = tpu.memref_slice %arg5[%add3A, %mul3A_75] : memref<32x160000xf32, #tpu.memory_space<hbm>> -> memref<1x64xf32, #tpu.memory_space<hbm>>
        %dma_wait3A_92 = tpu.memref_squeeze %dma_wait3A_91 : memref<1x64xf32, #tpu.memory_space<hbm>> -> memref<64xf32, #tpu.memory_space<hbm>>
        tpu.wait_dma2 semaphore(%run_scoped3A : memref<!tpu.dma_semaphore, #tpu.memory_space<semaphore_mem>>) src(%dma_wait3A_92 : memref<64xf32, #tpu.memory_space<hbm>>) dst(%arg11 : memref<64xf32, #tpu.memory_space<vmem>>)
        tpu.yield
      }) : () -> ()
      %dma_start3A = arith.constant 0 : i32
      %dma_start3A_76 = arith.constant 0 : i32
      %dma_start3A_77 = tpu.memref_slice %arg2[%dma_start3A, %dma_start3A_76] : memref<80000x256xf32, #tpu.memory_space<hbm>> -> memref<80000x256xf32, #tpu.memory_space<hbm>>
      tpu.enqueue_indirect_dma source(%dma_start3A_77 : memref<80000x256xf32, #tpu.memory_space<hbm>>) target(%arg12 : memref<64x256xf32, #tpu.memory_space<vmem>>) offsets(%arg9 : memref<64xi32, #tpu.memory_space<vmem>>) semaphore(%arg15 : memref<!tpu.dma_semaphore, #tpu.memory_space<semaphore_mem>>)
      %dma_wait3A = arith.constant 0 : i32
      %dma_wait3A_78 = arith.constant 0 : i32
      %dma_wait3A_79 = tpu.memref_slice %arg2[%dma_wait3A, %dma_wait3A_78] : memref<80000x256xf32, #tpu.memory_space<hbm>> -> memref<80000x256xf32, #tpu.memory_space<hbm>>
      tpu.wait_indirect_dma semaphore(%arg15 : memref<!tpu.dma_semaphore, #tpu.memory_space<semaphore_mem>>) src(%dma_wait3A_79 : memref<80000x256xf32, #tpu.memory_space<hbm>>) dst(%arg12 : memref<64x256xf32, #tpu.memory_space<vmem>>)
      %scan3A = arith.constant 0 : i32
      %scan3A_80 = arith.constant 0 : i32
      %scan3A_81 = arith.constant 64 : i32
      %scan3A_82 = arith.addi %scan3A_80, %scan3A_81 : i32
      %scan3A_83 = arith.constant 1 : i32
      scf.for %scan3A_85 = %scan3A_80 to %scan3A_82 step %scan3A_83  : i32 {
        %broadcast_in_dim3A = vector.broadcast %scan3A_85 : i32 to vector<16xi32>
        %gather3A = tpu.vector_load_idx %arg11[%broadcast_in_dim3A] : memref<64xf32, #tpu.memory_space<vmem>>[vector<16xi32>], vector<16xf32>,
        %gather3A_86 = tpu.vector_load_idx %arg10[%broadcast_in_dim3A] : memref<64xi32, #tpu.memory_space<vmem>>[vector<16xi32>], vector<16xi32>,
        %get3A_87 = arith.index_cast %scan3A_85 : i32 to index
        %get3A_88 = arith.constant 0 : index
        %get3A_89 = tpu.vector_load %arg12[%get3A_87, %get3A_88] {strides = array<i32>} : memref<64x256xf32, #tpu.memory_space<vmem>>, vector<16xf32>,
        %mul3A_90 = arith.mulf %get3A_89, %gather3A : vector<16xf32>
        tpu.vector_store_idx %arg14[%gather3A_86, %iota3A], %mul3A_90 {add = true} : memref<320x256xf32, #tpu.memory_space<vmem>>[vector<16xi32>, vector<16xi32>], vector<16xf32>,
        %get3A_91 = arith.index_cast %scan3A_85 : i32 to index
        %get3A_92 = arith.constant 16 : index
        %get3A_93 = tpu.vector_load %arg12[%get3A_91, %get3A_92] {strides = array<i32>} : memref<64x256xf32, #tpu.memory_space<vmem>>, vector<16xf32>,
        %mul3A_94 = arith.mulf %get3A_93, %gather3A : vector<16xf32>
        tpu.vector_store_idx %arg14[%gather3A_86, %add3A_5], %mul3A_94 {add = true} : memref<320x256xf32, #tpu.memory_space<vmem>>[vector<16xi32>, vector<16xi32>], vector<16xf32>,
        %get3A_95 = arith.index_cast %scan3A_85 : i32 to index
        %get3A_96 = arith.constant 32 : index
        %get3A_97 = tpu.vector_load %arg12[%get3A_95, %get3A_96] {strides = array<i32>} : memref<64x256xf32, #tpu.memory_space<vmem>>, vector<16xf32>,
        %mul3A_98 = arith.mulf %get3A_97, %gather3A : vector<16xf32>
        tpu.vector_store_idx %arg14[%gather3A_86, %add3A_9], %mul3A_98 {add = true} : memref<320x256xf32, #tpu.memory_space<vmem>>[vector<16xi32>, vector<16xi32>], vector<16xf32>,
        %get3A_99 = arith.index_cast %scan3A_85 : i32 to index
        %get3A_100 = arith.constant 48 : index
        %get3A_101 = tpu.vector_load %arg12[%get3A_99, %get3A_100] {strides = array<i32>} : memref<64x256xf32, #tpu.memory_space<vmem>>, vector<16xf32>,
        %mul3A_102 = arith.mulf %get3A_101, %gather3A : vector<16xf32>
        tpu.vector_store_idx %arg14[%gather3A_86, %add3A_13], %mul3A_102 {add = true} : memref<320x256xf32, #tpu.memory_space<vmem>>[vector<16xi32>, vector<16xi32>], vector<16xf32>,
        %get3A_103 = arith.index_cast %scan3A_85 : i32 to index
        %get3A_104 = arith.constant 64 : index
        %get3A_105 = tpu.vector_load %arg12[%get3A_103, %get3A_104] {strides = array<i32>} : memref<64x256xf32, #tpu.memory_space<vmem>>, vector<16xf32>,
        %mul3A_106 = arith.mulf %get3A_105, %gather3A : vector<16xf32>
        tpu.vector_store_idx %arg14[%gather3A_86, %add3A_17], %mul3A_106 {add = true} : memref<320x256xf32, #tpu.memory_space<vmem>>[vector<16xi32>, vector<16xi32>], vector<16xf32>,
        %get3A_107 = arith.index_cast %scan3A_85 : i32 to index
        %get3A_108 = arith.constant 80 : index
        %get3A_109 = tpu.vector_load %arg12[%get3A_107, %get3A_108] {strides = array<i32>} : memref<64x256xf32, #tpu.memory_space<vmem>>, vector<16xf32>,
        %mul3A_110 = arith.mulf %get3A_109, %gather3A : vector<16xf32>
        tpu.vector_store_idx %arg14[%gather3A_86, %add3A_21], %mul3A_110 {add = true} : memref<320x256xf32, #tpu.memory_space<vmem>>[vector<16xi32>, vector<16xi32>], vector<16xf32>,
        %get3A_111 = arith.index_cast %scan3A_85 : i32 to index
        %get3A_112 = arith.constant 96 : index
        %get3A_113 = tpu.vector_load %arg12[%get3A_111, %get3A_112] {strides = array<i32>} : memref<64x256xf32, #tpu.memory_space<vmem>>, vector<16xf32>,
        %mul3A_114 = arith.mulf %get3A_113, %gather3A : vector<16xf32>
        tpu.vector_store_idx %arg14[%gather3A_86, %add3A_25], %mul3A_114 {add = true} : memref<320x256xf32, #tpu.memory_space<vmem>>[vector<16xi32>, vector<16xi32>], vector<16xf32>,
        %get3A_115 = arith.index_cast %scan3A_85 : i32 to index
        %get3A_116 = arith.constant 112 : index
        %get3A_117 = tpu.vector_load %arg12[%get3A_115, %get3A_116] {strides = array<i32>} : memref<64x256xf32, #tpu.memory_space<vmem>>, vector<16xf32>,
        %mul3A_118 = arith.mulf %get3A_117, %gather3A : vector<16xf32>
        tpu.vector_store_idx %arg14[%gather3A_86, %add3A_29], %mul3A_118 {add = true} : memref<320x256xf32, #tpu.memory_space<vmem>>[vector<16xi32>, vector<16xi32>], vector<16xf32>,
        %get3A_119 = arith.index_cast %scan3A_85 : i32 to index
        %get3A_120 = arith.constant 128 : index
        %get3A_121 = tpu.vector_load %arg12[%get3A_119, %get3A_120] {strides = array<i32>} : memref<64x256xf32, #tpu.memory_space<vmem>>, vector<16xf32>,
        %mul3A_122 = arith.mulf %get3A_121, %gather3A : vector<16xf32>
        tpu.vector_store_idx %arg14[%gather3A_86, %add3A_33], %mul3A_122 {add = true} : memref<320x256xf32, #tpu.memory_space<vmem>>[vector<16xi32>, vector<16xi32>], vector<16xf32>,
        %get3A_123 = arith.index_cast %scan3A_85 : i32 to index
        %get3A_124 = arith.constant 144 : index
        %get3A_125 = tpu.vector_load %arg12[%get3A_123, %get3A_124] {strides = array<i32>} : memref<64x256xf32, #tpu.memory_space<vmem>>, vector<16xf32>,
        %mul3A_126 = arith.mulf %get3A_125, %gather3A : vector<16xf32>
        tpu.vector_store_idx %arg14[%gather3A_86, %add3A_37], %mul3A_126 {add = true} : memref<320x256xf32, #tpu.memory_space<vmem>>[vector<16xi32>, vector<16xi32>], vector<16xf32>,
        %get3A_127 = arith.index_cast %scan3A_85 : i32 to index
        %get3A_128 = arith.constant 160 : index
        %get3A_129 = tpu.vector_load %arg12[%get3A_127, %get3A_128] {strides = array<i32>} : memref<64x256xf32, #tpu.memory_space<vmem>>, vector<16xf32>,
        %mul3A_130 = arith.mulf %get3A_129, %gather3A : vector<16xf32>
        tpu.vector_store_idx %arg14[%gather3A_86, %add3A_41], %mul3A_130 {add = true} : memref<320x256xf32, #tpu.memory_space<vmem>>[vector<16xi32>, vector<16xi32>], vector<16xf32>,
        %get3A_131 = arith.index_cast %scan3A_85 : i32 to index
        %get3A_132 = arith.constant 176 : index
        %get3A_133 = tpu.vector_load %arg12[%get3A_131, %get3A_132] {strides = array<i32>} : memref<64x256xf32, #tpu.memory_space<vmem>>, vector<16xf32>,
        %mul3A_134 = arith.mulf %get3A_133, %gather3A : vector<16xf32>
        tpu.vector_store_idx %arg14[%gather3A_86, %add3A_45], %mul3A_134 {add = true} : memref<320x256xf32, #tpu.memory_space<vmem>>[vector<16xi32>, vector<16xi32>], vector<16xf32>,
        %get3A_135 = arith.index_cast %scan3A_85 : i32 to index
        %get3A_136 = arith.constant 192 : index
        %get3A_137 = tpu.vector_load %arg12[%get3A_135, %get3A_136] {strides = array<i32>} : memref<64x256xf32, #tpu.memory_space<vmem>>, vector<16xf32>,
        %mul3A_138 = arith.mulf %get3A_137, %gather3A : vector<16xf32>
        tpu.vector_store_idx %arg14[%gather3A_86, %add3A_49], %mul3A_138 {add = true} : memref<320x256xf32, #tpu.memory_space<vmem>>[vector<16xi32>, vector<16xi32>], vector<16xf32>,
        %get3A_139 = arith.index_cast %scan3A_85 : i32 to index
        %get3A_140 = arith.constant 208 : index
        %get3A_141 = tpu.vector_load %arg12[%get3A_139, %get3A_140] {strides = array<i32>} : memref<64x256xf32, #tpu.memory_space<vmem>>, vector<16xf32>,
        %mul3A_142 = arith.mulf %get3A_141, %gather3A : vector<16xf32>
        tpu.vector_store_idx %arg14[%gather3A_86, %add3A_53], %mul3A_142 {add = true} : memref<320x256xf32, #tpu.memory_space<vmem>>[vector<16xi32>, vector<16xi32>], vector<16xf32>,
        %get3A_143 = arith.index_cast %scan3A_85 : i32 to index
        %get3A_144 = arith.constant 224 : index
        %get3A_145 = tpu.vector_load %arg12[%get3A_143, %get3A_144] {strides = array<i32>} : memref<64x256xf32, #tpu.memory_space<vmem>>, vector<16xf32>,
        %mul3A_146 = arith.mulf %get3A_145, %gather3A : vector<16xf32>
        tpu.vector_store_idx %arg14[%gather3A_86, %add3A_57], %mul3A_146 {add = true} : memref<320x256xf32, #tpu.memory_space<vmem>>[vector<16xi32>, vector<16xi32>], vector<16xf32>,
        %get3A_147 = arith.index_cast %scan3A_85 : i32 to index
        %get3A_148 = arith.constant 240 : index
        %get3A_149 = tpu.vector_load %arg12[%get3A_147, %get3A_148] {strides = array<i32>} : memref<64x256xf32, #tpu.memory_space<vmem>>, vector<16xf32>,
        %mul3A_150 = arith.mulf %get3A_149, %gather3A : vector<16xf32>
        tpu.vector_store_idx %arg14[%gather3A_86, %add3A_61], %mul3A_150 {add = true} : memref<320x256xf32, #tpu.memory_space<vmem>>[vector<16xi32>, vector<16xi32>], vector<16xf32>,
      }
      %scan3A_84 = arith.constant 64 : i32
    }
    %while3A_70 = arith.constant 1 : i32
    scf.for %while3A_73 = %while3A_68 to %while3A_64 step %while3A_70  : i32 {
      %mul3A_74 = arith.constant 64 : i32
      %mul3A_75 = arith.muli %while3A_73, %mul3A_74 : i32
      "tpu.region"() ({
        %run_scoped3A = tpu.sem_alloc : memref<!tpu.dma_semaphore, #tpu.memory_space<semaphore_mem>>
        %dma_start3A_85 = tpu.memref_slice %arg3[%add3A, %mul3A_75] : memref<32x160000xi32, #tpu.memory_space<hbm>> -> memref<1x64xi32, #tpu.memory_space<hbm>>
        %dma_start3A_86 = tpu.memref_squeeze %dma_start3A_85 : memref<1x64xi32, #tpu.memory_space<hbm>> -> memref<64xi32, #tpu.memory_space<hbm>>
        %dma_start3A_87 = tpu.memref_slice %arg3[%add3A, %mul3A_75] : memref<32x160000xi32, #tpu.memory_space<hbm>> -> memref<1x64xi32, #tpu.memory_space<hbm>>
        %dma_start3A_88 = tpu.memref_squeeze %dma_start3A_87 : memref<1x64xi32, #tpu.memory_space<hbm>> -> memref<64xi32, #tpu.memory_space<hbm>>
        tpu.enqueue_dma source(%dma_start3A_88 : memref<64xi32, #tpu.memory_space<hbm>>) target(%arg9 : memref<64xi32, #tpu.memory_space<vmem>>) target_semaphore(%run_scoped3A : memref<!tpu.dma_semaphore, #tpu.memory_space<semaphore_mem>>)
        %dma_wait3A_89 = tpu.memref_slice %arg3[%add3A, %mul3A_75] : memref<32x160000xi32, #tpu.memory_space<hbm>> -> memref<1x64xi32, #tpu.memory_space<hbm>>
        %dma_wait3A_90 = tpu.memref_squeeze %dma_wait3A_89 : memref<1x64xi32, #tpu.memory_space<hbm>> -> memref<64xi32, #tpu.memory_space<hbm>>
        %dma_wait3A_91 = tpu.memref_slice %arg3[%add3A, %mul3A_75] : memref<32x160000xi32, #tpu.memory_space<hbm>> -> memref<1x64xi32, #tpu.memory_space<hbm>>
        %dma_wait3A_92 = tpu.memref_squeeze %dma_wait3A_91 : memref<1x64xi32, #tpu.memory_space<hbm>> -> memref<64xi32, #tpu.memory_space<hbm>>
        tpu.wait_dma2 semaphore(%run_scoped3A : memref<!tpu.dma_semaphore, #tpu.memory_space<semaphore_mem>>) src(%dma_wait3A_92 : memref<64xi32, #tpu.memory_space<hbm>>) dst(%arg9 : memref<64xi32, #tpu.memory_space<vmem>>)
        tpu.yield
      }) : () -> ()
      "tpu.region"() ({
        %run_scoped3A = tpu.sem_alloc : memref<!tpu.dma_semaphore, #tpu.memory_space<semaphore_mem>>
        %dma_start3A_85 = tpu.memref_slice %arg4[%add3A, %mul3A_75] : memref<32x160000xi32, #tpu.memory_space<hbm>> -> memref<1x64xi32, #tpu.memory_space<hbm>>
        %dma_start3A_86 = tpu.memref_squeeze %dma_start3A_85 : memref<1x64xi32, #tpu.memory_space<hbm>> -> memref<64xi32, #tpu.memory_space<hbm>>
        %dma_start3A_87 = tpu.memref_slice %arg4[%add3A, %mul3A_75] : memref<32x160000xi32, #tpu.memory_space<hbm>> -> memref<1x64xi32, #tpu.memory_space<hbm>>
        %dma_start3A_88 = tpu.memref_squeeze %dma_start3A_87 : memref<1x64xi32, #tpu.memory_space<hbm>> -> memref<64xi32, #tpu.memory_space<hbm>>
        tpu.enqueue_dma source(%dma_start3A_88 : memref<64xi32, #tpu.memory_space<hbm>>) target(%arg10 : memref<64xi32, #tpu.memory_space<vmem>>) target_semaphore(%run_scoped3A : memref<!tpu.dma_semaphore, #tpu.memory_space<semaphore_mem>>)
        %dma_wait3A_89 = tpu.memref_slice %arg4[%add3A, %mul3A_75] : memref<32x160000xi32, #tpu.memory_space<hbm>> -> memref<1x64xi32, #tpu.memory_space<hbm>>
        %dma_wait3A_90 = tpu.memref_squeeze %dma_wait3A_89 : memref<1x64xi32, #tpu.memory_space<hbm>> -> memref<64xi32, #tpu.memory_space<hbm>>
        %dma_wait3A_91 = tpu.memref_slice %arg4[%add3A, %mul3A_75] : memref<32x160000xi32, #tpu.memory_space<hbm>> -> memref<1x64xi32, #tpu.memory_space<hbm>>
        %dma_wait3A_92 = tpu.memref_squeeze %dma_wait3A_91 : memref<1x64xi32, #tpu.memory_space<hbm>> -> memref<64xi32, #tpu.memory_space<hbm>>
        tpu.wait_dma2 semaphore(%run_scoped3A : memref<!tpu.dma_semaphore, #tpu.memory_space<semaphore_mem>>) src(%dma_wait3A_92 : memref<64xi32, #tpu.memory_space<hbm>>) dst(%arg10 : memref<64xi32, #tpu.memory_space<vmem>>)
        tpu.yield
      }) : () -> ()
      "tpu.region"() ({
        %run_scoped3A = tpu.sem_alloc : memref<!tpu.dma_semaphore, #tpu.memory_space<semaphore_mem>>
        %dma_start3A_85 = tpu.memref_slice %arg5[%add3A, %mul3A_75] : memref<32x160000xf32, #tpu.memory_space<hbm>> -> memref<1x64xf32, #tpu.memory_space<hbm>>
        %dma_start3A_86 = tpu.memref_squeeze %dma_start3A_85 : memref<1x64xf32, #tpu.memory_space<hbm>> -> memref<64xf32, #tpu.memory_space<hbm>>
        %dma_start3A_87 = tpu.memref_slice %arg5[%add3A, %mul3A_75] : memref<32x160000xf32, #tpu.memory_space<hbm>> -> memref<1x64xf32, #tpu.memory_space<hbm>>
        %dma_start3A_88 = tpu.memref_squeeze %dma_start3A_87 : memref<1x64xf32, #tpu.memory_space<hbm>> -> memref<64xf32, #tpu.memory_space<hbm>>
        tpu.enqueue_dma source(%dma_start3A_88 : memref<64xf32, #tpu.memory_space<hbm>>) target(%arg11 : memref<64xf32, #tpu.memory_space<vmem>>) target_semaphore(%run_scoped3A : memref<!tpu.dma_semaphore, #tpu.memory_space<semaphore_mem>>)
        %dma_wait3A_89 = tpu.memref_slice %arg5[%add3A, %mul3A_75] : memref<32x160000xf32, #tpu.memory_space<hbm>> -> memref<1x64xf32, #tpu.memory_space<hbm>>
        %dma_wait3A_90 = tpu.memref_squeeze %dma_wait3A_89 : memref<1x64xf32, #tpu.memory_space<hbm>> -> memref<64xf32, #tpu.memory_space<hbm>>
        %dma_wait3A_91 = tpu.memref_slice %arg5[%add3A, %mul3A_75] : memref<32x160000xf32, #tpu.memory_space<hbm>> -> memref<1x64xf32, #tpu.memory_space<hbm>>
        %dma_wait3A_92 = tpu.memref_squeeze %dma_wait3A_91 : memref<1x64xf32, #tpu.memory_space<hbm>> -> memref<64xf32, #tpu.memory_space<hbm>>
        tpu.wait_dma2 semaphore(%run_scoped3A : memref<!tpu.dma_semaphore, #tpu.memory_space<semaphore_mem>>) src(%dma_wait3A_92 : memref<64xf32, #tpu.memory_space<hbm>>) dst(%arg11 : memref<64xf32, #tpu.memory_space<vmem>>)
        tpu.yield
      }) : () -> ()
      %dma_start3A = arith.constant 0 : i32
      %dma_start3A_76 = arith.constant 0 : i32
      %dma_start3A_77 = tpu.memref_slice %arg2[%dma_start3A, %dma_start3A_76] : memref<80000x256xf32, #tpu.memory_space<hbm>> -> memref<80000x256xf32, #tpu.memory_space<hbm>>
      tpu.enqueue_indirect_dma source(%dma_start3A_77 : memref<80000x256xf32, #tpu.memory_space<hbm>>) target(%arg12 : memref<64x256xf32, #tpu.memory_space<vmem>>) offsets(%arg9 : memref<64xi32, #tpu.memory_space<vmem>>) semaphore(%arg15 : memref<!tpu.dma_semaphore, #tpu.memory_space<semaphore_mem>>)
      %dma_wait3A = arith.constant 0 : i32
      %dma_wait3A_78 = arith.constant 0 : i32
      %dma_wait3A_79 = tpu.memref_slice %arg2[%dma_wait3A, %dma_wait3A_78] : memref<80000x256xf32, #tpu.memory_space<hbm>> -> memref<80000x256xf32, #tpu.memory_space<hbm>>
      tpu.wait_indirect_dma semaphore(%arg15 : memref<!tpu.dma_semaphore, #tpu.memory_space<semaphore_mem>>) src(%dma_wait3A_79 : memref<80000x256xf32, #tpu.memory_space<hbm>>) dst(%arg12 : memref<64x256xf32, #tpu.memory_space<vmem>>)
      %scan3A = arith.constant 0 : i32
      %scan3A_80 = arith.constant 0 : i32
      %scan3A_81 = arith.constant 64 : i32
      %scan3A_82 = arith.addi %scan3A_80, %scan3A_81 : i32
      %scan3A_83 = arith.constant 1 : i32
      scf.for %scan3A_85 = %scan3A_80 to %scan3A_82 step %scan3A_83  : i32 {
        %broadcast_in_dim3A = vector.broadcast %scan3A_85 : i32 to vector<16xi32>
        %gather3A = tpu.vector_load_idx %arg11[%broadcast_in_dim3A] : memref<64xf32, #tpu.memory_space<vmem>>[vector<16xi32>], vector<16xf32>,
        %gather3A_86 = tpu.vector_load_idx %arg10[%broadcast_in_dim3A] : memref<64xi32, #tpu.memory_space<vmem>>[vector<16xi32>], vector<16xi32>,
        %get3A_87 = arith.index_cast %scan3A_85 : i32 to index
        %get3A_88 = arith.constant 0 : index
        %get3A_89 = tpu.vector_load %arg12[%get3A_87, %get3A_88] {strides = array<i32>} : memref<64x256xf32, #tpu.memory_space<vmem>>, vector<16xf32>,
        %mul3A_90 = arith.mulf %get3A_89, %gather3A : vector<16xf32>
        tpu.vector_store_idx %arg14[%gather3A_86, %iota3A], %mul3A_90 {add = true} : memref<320x256xf32, #tpu.memory_space<vmem>>[vector<16xi32>, vector<16xi32>], vector<16xf32>,
        %get3A_91 = arith.index_cast %scan3A_85 : i32 to index
        %get3A_92 = arith.constant 16 : index
        %get3A_93 = tpu.vector_load %arg12[%get3A_91, %get3A_92] {strides = array<i32>} : memref<64x256xf32, #tpu.memory_space<vmem>>, vector<16xf32>,
        %mul3A_94 = arith.mulf %get3A_93, %gather3A : vector<16xf32>
        tpu.vector_store_idx %arg14[%gather3A_86, %add3A_5], %mul3A_94 {add = true} : memref<320x256xf32, #tpu.memory_space<vmem>>[vector<16xi32>, vector<16xi32>], vector<16xf32>,
        %get3A_95 = arith.index_cast %scan3A_85 : i32 to index
        %get3A_96 = arith.constant 32 : index
        %get3A_97 = tpu.vector_load %arg12[%get3A_95, %get3A_96] {strides = array<i32>} : memref<64x256xf32, #tpu.memory_space<vmem>>, vector<16xf32>,
        %mul3A_98 = arith.mulf %get3A_97, %gather3A : vector<16xf32>
        tpu.vector_store_idx %arg14[%gather3A_86, %add3A_9], %mul3A_98 {add = true} : memref<320x256xf32, #tpu.memory_space<vmem>>[vector<16xi32>, vector<16xi32>], vector<16xf32>,
        %get3A_99 = arith.index_cast %scan3A_85 : i32 to index
        %get3A_100 = arith.constant 48 : index
        %get3A_101 = tpu.vector_load %arg12[%get3A_99, %get3A_100] {strides = array<i32>} : memref<64x256xf32, #tpu.memory_space<vmem>>, vector<16xf32>,
        %mul3A_102 = arith.mulf %get3A_101, %gather3A : vector<16xf32>
        tpu.vector_store_idx %arg14[%gather3A_86, %add3A_13], %mul3A_102 {add = true} : memref<320x256xf32, #tpu.memory_space<vmem>>[vector<16xi32>, vector<16xi32>], vector<16xf32>,
        %get3A_103 = arith.index_cast %scan3A_85 : i32 to index
        %get3A_104 = arith.constant 64 : index
        %get3A_105 = tpu.vector_load %arg12[%get3A_103, %get3A_104] {strides = array<i32>} : memref<64x256xf32, #tpu.memory_space<vmem>>, vector<16xf32>,
        %mul3A_106 = arith.mulf %get3A_105, %gather3A : vector<16xf32>
        tpu.vector_store_idx %arg14[%gather3A_86, %add3A_17], %mul3A_106 {add = true} : memref<320x256xf32, #tpu.memory_space<vmem>>[vector<16xi32>, vector<16xi32>], vector<16xf32>,
        %get3A_107 = arith.index_cast %scan3A_85 : i32 to index
        %get3A_108 = arith.constant 80 : index
        %get3A_109 = tpu.vector_load %arg12[%get3A_107, %get3A_108] {strides = array<i32>} : memref<64x256xf32, #tpu.memory_space<vmem>>, vector<16xf32>,
        %mul3A_110 = arith.mulf %get3A_109, %gather3A : vector<16xf32>
        tpu.vector_store_idx %arg14[%gather3A_86, %add3A_21], %mul3A_110 {add = true} : memref<320x256xf32, #tpu.memory_space<vmem>>[vector<16xi32>, vector<16xi32>], vector<16xf32>,
        %get3A_111 = arith.index_cast %scan3A_85 : i32 to index
        %get3A_112 = arith.constant 96 : index
        %get3A_113 = tpu.vector_load %arg12[%get3A_111, %get3A_112] {strides = array<i32>} : memref<64x256xf32, #tpu.memory_space<vmem>>, vector<16xf32>,
        %mul3A_114 = arith.mulf %get3A_113, %gather3A : vector<16xf32>
        tpu.vector_store_idx %arg14[%gather3A_86, %add3A_25], %mul3A_114 {add = true} : memref<320x256xf32, #tpu.memory_space<vmem>>[vector<16xi32>, vector<16xi32>], vector<16xf32>,
        %get3A_115 = arith.index_cast %scan3A_85 : i32 to index
        %get3A_116 = arith.constant 112 : index
        %get3A_117 = tpu.vector_load %arg12[%get3A_115, %get3A_116] {strides = array<i32>} : memref<64x256xf32, #tpu.memory_space<vmem>>, vector<16xf32>,
        %mul3A_118 = arith.mulf %get3A_117, %gather3A : vector<16xf32>
        tpu.vector_store_idx %arg14[%gather3A_86, %add3A_29], %mul3A_118 {add = true} : memref<320x256xf32, #tpu.memory_space<vmem>>[vector<16xi32>, vector<16xi32>], vector<16xf32>,
        %get3A_119 = arith.index_cast %scan3A_85 : i32 to index
        %get3A_120 = arith.constant 128 : index
        %get3A_121 = tpu.vector_load %arg12[%get3A_119, %get3A_120] {strides = array<i32>} : memref<64x256xf32, #tpu.memory_space<vmem>>, vector<16xf32>,
        %mul3A_122 = arith.mulf %get3A_121, %gather3A : vector<16xf32>
        tpu.vector_store_idx %arg14[%gather3A_86, %add3A_33], %mul3A_122 {add = true} : memref<320x256xf32, #tpu.memory_space<vmem>>[vector<16xi32>, vector<16xi32>], vector<16xf32>,
        %get3A_123 = arith.index_cast %scan3A_85 : i32 to index
        %get3A_124 = arith.constant 144 : index
        %get3A_125 = tpu.vector_load %arg12[%get3A_123, %get3A_124] {strides = array<i32>} : memref<64x256xf32, #tpu.memory_space<vmem>>, vector<16xf32>,
        %mul3A_126 = arith.mulf %get3A_125, %gather3A : vector<16xf32>
        tpu.vector_store_idx %arg14[%gather3A_86, %add3A_37], %mul3A_126 {add = true} : memref<320x256xf32, #tpu.memory_space<vmem>>[vector<16xi32>, vector<16xi32>], vector<16xf32>,
        %get3A_127 = arith.index_cast %scan3A_85 : i32 to index
        %get3A_128 = arith.constant 160 : index
        %get3A_129 = tpu.vector_load %arg12[%get3A_127, %get3A_128] {strides = array<i32>} : memref<64x256xf32, #tpu.memory_space<vmem>>, vector<16xf32>,
        %mul3A_130 = arith.mulf %get3A_129, %gather3A : vector<16xf32>
        tpu.vector_store_idx %arg14[%gather3A_86, %add3A_41], %mul3A_130 {add = true} : memref<320x256xf32, #tpu.memory_space<vmem>>[vector<16xi32>, vector<16xi32>], vector<16xf32>,
        %get3A_131 = arith.index_cast %scan3A_85 : i32 to index
        %get3A_132 = arith.constant 176 : index
        %get3A_133 = tpu.vector_load %arg12[%get3A_131, %get3A_132] {strides = array<i32>} : memref<64x256xf32, #tpu.memory_space<vmem>>, vector<16xf32>,
        %mul3A_134 = arith.mulf %get3A_133, %gather3A : vector<16xf32>
        tpu.vector_store_idx %arg14[%gather3A_86, %add3A_45], %mul3A_134 {add = true} : memref<320x256xf32, #tpu.memory_space<vmem>>[vector<16xi32>, vector<16xi32>], vector<16xf32>,
        %get3A_135 = arith.index_cast %scan3A_85 : i32 to index
        %get3A_136 = arith.constant 192 : index
        %get3A_137 = tpu.vector_load %arg12[%get3A_135, %get3A_136] {strides = array<i32>} : memref<64x256xf32, #tpu.memory_space<vmem>>, vector<16xf32>,
        %mul3A_138 = arith.mulf %get3A_137, %gather3A : vector<16xf32>
        tpu.vector_store_idx %arg14[%gather3A_86, %add3A_49], %mul3A_138 {add = true} : memref<320x256xf32, #tpu.memory_space<vmem>>[vector<16xi32>, vector<16xi32>], vector<16xf32>,
        %get3A_139 = arith.index_cast %scan3A_85 : i32 to index
        %get3A_140 = arith.constant 208 : index
        %get3A_141 = tpu.vector_load %arg12[%get3A_139, %get3A_140] {strides = array<i32>} : memref<64x256xf32, #tpu.memory_space<vmem>>, vector<16xf32>,
        %mul3A_142 = arith.mulf %get3A_141, %gather3A : vector<16xf32>
        tpu.vector_store_idx %arg14[%gather3A_86, %add3A_53], %mul3A_142 {add = true} : memref<320x256xf32, #tpu.memory_space<vmem>>[vector<16xi32>, vector<16xi32>], vector<16xf32>,
        %get3A_143 = arith.index_cast %scan3A_85 : i32 to index
        %get3A_144 = arith.constant 224 : index
        %get3A_145 = tpu.vector_load %arg12[%get3A_143, %get3A_144] {strides = array<i32>} : memref<64x256xf32, #tpu.memory_space<vmem>>, vector<16xf32>,
        %mul3A_146 = arith.mulf %get3A_145, %gather3A : vector<16xf32>
        tpu.vector_store_idx %arg14[%gather3A_86, %add3A_57], %mul3A_146 {add = true} : memref<320x256xf32, #tpu.memory_space<vmem>>[vector<16xi32>, vector<16xi32>], vector<16xf32>,
        %get3A_147 = arith.index_cast %scan3A_85 : i32 to index
        %get3A_148 = arith.constant 240 : index
        %get3A_149 = tpu.vector_load %arg12[%get3A_147, %get3A_148] {strides = array<i32>} : memref<64x256xf32, #tpu.memory_space<vmem>>, vector<16xf32>,
        %mul3A_150 = arith.mulf %get3A_149, %gather3A : vector<16xf32>
        tpu.vector_store_idx %arg14[%gather3A_86, %add3A_61], %mul3A_150 {add = true} : memref<320x256xf32, #tpu.memory_space<vmem>>[vector<16xi32>, vector<16xi32>], vector<16xf32>,
      }
      %scan3A_84 = arith.constant 64 : i32
    }
    %mul3A_71 = arith.constant 320 : i32
    %mul3A_72 = arith.muli %add3A, %mul3A_71 : i32
    "tpu.region"() ({
      %run_scoped3A = tpu.sem_alloc : memref<!tpu.dma_semaphore, #tpu.memory_space<semaphore_mem>>
      %dma_start3A = arith.constant 0 : i32
      %dma_start3A_73 = tpu.memref_slice %arg8[%mul3A_72, %dma_start3A] : memref<10240x256xf32, #tpu.memory_space<hbm>> -> memref<320x256xf32, #tpu.memory_space<hbm>>
      %dma_start3A_74 = arith.constant 0 : i32
      %dma_start3A_75 = tpu.memref_slice %arg8[%mul3A_72, %dma_start3A_74] : memref<10240x256xf32, #tpu.memory_space<hbm>> -> memref<320x256xf32, #tpu.memory_space<hbm>>
      tpu.enqueue_dma source(%arg14 : memref<320x256xf32, #tpu.memory_space<vmem>>) target(%dma_start3A_75 : memref<320x256xf32, #tpu.memory_space<hbm>>) target_semaphore(%run_scoped3A : memref<!tpu.dma_semaphore, #tpu.memory_space<semaphore_mem>>)
      %dma_wait3A = arith.constant 0 : i32
      %dma_wait3A_76 = tpu.memref_slice %arg8[%mul3A_72, %dma_wait3A] : memref<10240x256xf32, #tpu.memory_space<hbm>> -> memref<320x256xf32, #tpu.memory_space<hbm>>
      %dma_wait3A_77 = arith.constant 0 : i32
      %dma_wait3A_78 = tpu.memref_slice %arg8[%mul3A_72, %dma_wait3A_77] : memref<10240x256xf32, #tpu.memory_space<hbm>> -> memref<320x256xf32, #tpu.memory_space<hbm>>
      tpu.wait_dma2 semaphore(%run_scoped3A : memref<!tpu.dma_semaphore, #tpu.memory_space<semaphore_mem>>) src(%arg14 : memref<320x256xf32, #tpu.memory_space<vmem>>) dst(%dma_wait3A_78 : memref<320x256xf32, #tpu.memory_space<hbm>>)
      tpu.yield
    }) : () -> ()
    return
  }
}

module attributes {stable_mosaic.version = 14 : i64} {
  func.func @_tc_first_body(%arg0: i32, %arg1: memref<200x256xf32, #tpu.memory_space<vmem>>, %arg2: memref<256x2048xf32, #tpu.memory_space<vmem>>, %arg3: memref<256x256xf32, #tpu.memory_space<vmem>>, %arg4: memref<256xf32, #tpu.memory_space<vmem>>, %arg5: memref<256x256xf32, #tpu.memory_space<vmem>>, %arg6: memref<256xf32, #tpu.memory_space<vmem>>, %arg7: memref<256xf32, #tpu.memory_space<vmem>>, %arg8: memref<256xf32, #tpu.memory_space<vmem>>, %arg9: memref<256x256xf32, #tpu.memory_space<vmem>>, %arg10: memref<256xf32, #tpu.memory_space<vmem>>, %arg11: memref<200x2048xf32, #tpu.memory_space<vmem>>, %arg12: memref<200x256xf32, #tpu.memory_space<vmem>>) attributes {dimension_semantics = [#tpu.dimension_semantics<arbitrary>], iteration_bounds = array<i64: 50>, scalar_prefetch = 0 : i64, scratch_operands = 0 : i64, tpu.core_type = #tpu.core_type<tc>, window_params = [{transform_indices = @transform_0, window_bounds = array<i64: 200, 256>}, {pipeline_mode = #tpu.pipeline_mode<synchronous>, transform_indices = @transform_1, window_bounds = array<i64: 256, 2048>}, {pipeline_mode = #tpu.pipeline_mode<synchronous>, transform_indices = @transform_2, window_bounds = array<i64: 256, 256>}, {pipeline_mode = #tpu.pipeline_mode<synchronous>, transform_indices = @transform_3, window_bounds = array<i64: 256>}, {pipeline_mode = #tpu.pipeline_mode<synchronous>, transform_indices = @transform_4, window_bounds = array<i64: 256, 256>}, {pipeline_mode = #tpu.pipeline_mode<synchronous>, transform_indices = @transform_5, window_bounds = array<i64: 256>}, {pipeline_mode = #tpu.pipeline_mode<synchronous>, transform_indices = @transform_6, window_bounds = array<i64: 256>}, {pipeline_mode = #tpu.pipeline_mode<synchronous>, transform_indices = @transform_7, window_bounds = array<i64: 256>}, {pipeline_mode = #tpu.pipeline_mode<synchronous>, transform_indices = @transform_8, window_bounds = array<i64: 256, 256>}, {pipeline_mode = #tpu.pipeline_mode<synchronous>, transform_indices = @transform_9, window_bounds = array<i64: 256>}, {transform_indices = @transform_10, window_bounds = array<i64: 200, 2048>}, {transform_indices = @transform_11, window_bounds = array<i64: 200, 256>}]} {
    %get3A = arith.constant 0 : index
    %get3A_0 = arith.constant 0 : index
    %get3A_1 = vector.load %arg1[%get3A, %get3A_0] : memref<200x256xf32, #tpu.memory_space<vmem>>, vector<200x256xf32>
    %get3A_2 = arith.constant 0 : index
    %get3A_3 = arith.constant 0 : index
    %get3A_4 = vector.load %arg2[%get3A_2, %get3A_3] : memref<256x2048xf32, #tpu.memory_space<vmem>>, vector<256x2048xf32>
    %dot_general3A = arith.constant dense<0.000000e+00> : vector<200x2048xf32>
    %dot_general3A_5 = tpu.matmul %get3A_1, %get3A_4, %dot_general3A {dimension_numbers = #tpu.dot_dimension_numbers<[1], [0], [0], [1], [0, 0, 1, 1], [], []>, transpose_lhs_hint = false} : vector<200x256xf32>, vector<256x2048xf32>, vector<200x2048xf32> -> vector<200x2048xf32>
    %swap3A = arith.constant 0 : index
    %swap3A_6 = arith.constant 0 : index
    %swap3A_7 = vector.load %arg11[%swap3A, %swap3A_6] : memref<200x2048xf32, #tpu.memory_space<vmem>>, vector<200x2048xf32>
    tpu.vector_store %arg11[%swap3A, %swap3A_6], %dot_general3A_5 {strides = array<i32>} : memref<200x2048xf32, #tpu.memory_space<vmem>>, vector<200x2048xf32>,
    %get3A_8 = arith.constant 0 : index
    %get3A_9 = arith.constant 0 : index
    %get3A_10 = vector.load %arg3[%get3A_8, %get3A_9] : memref<256x256xf32, #tpu.memory_space<vmem>>, vector<256x256xf32>
    %dot_general3A_11 = arith.constant dense<0.000000e+00> : vector<200x256xf32>
    %dot_general3A_12 = tpu.matmul %get3A_1, %get3A_10, %dot_general3A_11 {dimension_numbers = #tpu.dot_dimension_numbers<[1], [0], [0], [1], [0, 0, 1, 1], [], []>, transpose_lhs_hint = false} : vector<200x256xf32>, vector<256x256xf32>, vector<200x256xf32> -> vector<200x256xf32>
    %get3A_13 = arith.constant 0 : index
    %get3A_14 = vector.load %arg4[%get3A_13] : memref<256xf32, #tpu.memory_space<vmem>>, vector<256xf32>
    %broadcast_in_dim3A = vector.shape_cast %get3A_14 : vector<256xf32> to vector<1x256xf32>
    %add3A = vector.broadcast %broadcast_in_dim3A : vector<1x256xf32> to vector<200x256xf32>
    %add3A_15 = arith.addf %dot_general3A_12, %add3A : vector<200x256xf32>
    %get3A_16 = arith.constant 0 : index
    %get3A_17 = arith.constant 0 : index
    %get3A_18 = vector.load %arg5[%get3A_16, %get3A_17] : memref<256x256xf32, #tpu.memory_space<vmem>>, vector<256x256xf32>
    %dot_general3A_19 = arith.constant dense<0.000000e+00> : vector<200x256xf32>
    %dot_general3A_20 = tpu.matmul %get3A_1, %get3A_18, %dot_general3A_19 {dimension_numbers = #tpu.dot_dimension_numbers<[1], [0], [0], [1], [0, 0, 1, 1], [], []>, transpose_lhs_hint = false} : vector<200x256xf32>, vector<256x256xf32>, vector<200x256xf32> -> vector<200x256xf32>
    %get3A_21 = arith.constant 0 : index
    %get3A_22 = vector.load %arg6[%get3A_21] : memref<256xf32, #tpu.memory_space<vmem>>, vector<256xf32>
    %broadcast_in_dim3A_23 = vector.shape_cast %get3A_22 : vector<256xf32> to vector<1x256xf32>
    %add3A_24 = vector.broadcast %broadcast_in_dim3A_23 : vector<1x256xf32> to vector<200x256xf32>
    %add3A_25 = arith.addf %dot_general3A_20, %add3A_24 : vector<200x256xf32>
    %reduce_sum3A = arith.constant dense<0.000000e+00> : vector<200xf32>
    %reduce_sum3A_26 = vector.multi_reduction <add>, %add3A_25, %reduce_sum3A [1] : vector<200x256xf32> to vector<200xf32>
    %broadcast_in_dim3A_27 = vector.shape_cast %reduce_sum3A_26 : vector<200xf32> to vector<200x1xf32>
    %div3A = arith.constant 2.560000e+02 : f32
    %div3A_28 = vector.broadcast %div3A : f32 to vector<200x1xf32>
    %div3A_29 = arith.divf %broadcast_in_dim3A_27, %div3A_28 : vector<200x1xf32>
    %sub3A = vector.broadcast %div3A_29 : vector<200x1xf32> to vector<200x256xf32>
    %sub3A_30 = arith.subf %add3A_25, %sub3A : vector<200x256xf32>
    %integer_pow3A = arith.mulf %sub3A_30, %sub3A_30 : vector<200x256xf32>
    %reduce_sum3A_31 = arith.constant dense<0.000000e+00> : vector<200xf32>
    %reduce_sum3A_32 = vector.multi_reduction <add>, %integer_pow3A, %reduce_sum3A_31 [1] : vector<200x256xf32> to vector<200xf32>
    %broadcast_in_dim3A_33 = vector.shape_cast %reduce_sum3A_32 : vector<200xf32> to vector<200x1xf32>
    %div3A_34 = arith.constant 2.560000e+02 : f32
    %div3A_35 = vector.broadcast %div3A_34 : f32 to vector<200x1xf32>
    %div3A_36 = arith.divf %broadcast_in_dim3A_33, %div3A_35 : vector<200x1xf32>
    %sub3A_37 = vector.broadcast %div3A_29 : vector<200x1xf32> to vector<200x256xf32>
    %sub3A_38 = arith.subf %add3A_25, %sub3A_37 : vector<200x256xf32>
    %add3A_39 = arith.constant 9.99999974E-6 : f32
    %add3A_40 = vector.broadcast %add3A_39 : f32 to vector<200x1xf32>
    %add3A_41 = arith.addf %div3A_36, %add3A_40 : vector<200x1xf32>
    %rsqrt3A = math.rsqrt %add3A_41 : vector<200x1xf32>
    %mul3A = vector.broadcast %rsqrt3A : vector<200x1xf32> to vector<200x256xf32>
    %mul3A_42 = arith.mulf %sub3A_38, %mul3A : vector<200x256xf32>
    %get3A_43 = arith.constant 0 : index
    %get3A_44 = vector.load %arg7[%get3A_43] : memref<256xf32, #tpu.memory_space<vmem>>, vector<256xf32>
    %broadcast_in_dim3A_45 = vector.shape_cast %get3A_44 : vector<256xf32> to vector<1x256xf32>
    %mul3A_46 = vector.broadcast %broadcast_in_dim3A_45 : vector<1x256xf32> to vector<200x256xf32>
    %mul3A_47 = arith.mulf %mul3A_42, %mul3A_46 : vector<200x256xf32>
    %get3A_48 = arith.constant 0 : index
    %get3A_49 = vector.load %arg8[%get3A_48] : memref<256xf32, #tpu.memory_space<vmem>>, vector<256xf32>
    %broadcast_in_dim3A_50 = vector.shape_cast %get3A_49 : vector<256xf32> to vector<1x256xf32>
    %add3A_51 = vector.broadcast %broadcast_in_dim3A_50 : vector<1x256xf32> to vector<200x256xf32>
    %add3A_52 = arith.addf %mul3A_47, %add3A_51 : vector<200x256xf32>
    %max3A = arith.constant 0.000000e+00 : f32
    %max3A_53 = vector.broadcast %max3A : f32 to vector<200x256xf32>
    %max3A_54 = arith.maximumf %add3A_52, %max3A_53 : vector<200x256xf32>
    %get3A_55 = arith.constant 0 : index
    %get3A_56 = arith.constant 0 : index
    %get3A_57 = vector.load %arg9[%get3A_55, %get3A_56] : memref<256x256xf32, #tpu.memory_space<vmem>>, vector<256x256xf32>
    %dot_general3A_58 = arith.constant dense<0.000000e+00> : vector<200x256xf32>
    %dot_general3A_59 = tpu.matmul %max3A_54, %get3A_57, %dot_general3A_58 {dimension_numbers = #tpu.dot_dimension_numbers<[1], [0], [0], [1], [0, 0, 1, 1], [], []>, transpose_lhs_hint = false} : vector<200x256xf32>, vector<256x256xf32>, vector<200x256xf32> -> vector<200x256xf32>
    %add3A_60 = arith.addf %add3A_15, %dot_general3A_59 : vector<200x256xf32>
    %get3A_61 = arith.constant 0 : index
    %get3A_62 = vector.load %arg10[%get3A_61] : memref<256xf32, #tpu.memory_space<vmem>>, vector<256xf32>
    %broadcast_in_dim3A_63 = vector.shape_cast %get3A_62 : vector<256xf32> to vector<1x256xf32>
    %add3A_64 = vector.broadcast %broadcast_in_dim3A_63 : vector<1x256xf32> to vector<200x256xf32>
    %add3A_65 = arith.addf %add3A_60, %add3A_64 : vector<200x256xf32>
    %swap3A_66 = arith.constant 0 : index
    %swap3A_67 = arith.constant 0 : index
    %swap3A_68 = vector.load %arg12[%swap3A_66, %swap3A_67] : memref<200x256xf32, #tpu.memory_space<vmem>>, vector<200x256xf32>
    tpu.vector_store %arg12[%swap3A_66, %swap3A_67], %add3A_65 {strides = array<i32>} : memref<200x256xf32, #tpu.memory_space<vmem>>, vector<200x256xf32>,
    return
  }
  func.func @transform_0(%arg0: i32) -> (i32, i32) {
    %c0_i32 = arith.constant 0 : i32
    %c0_i32_0 = arith.constant 0 : i32
    return %arg0, %c0_i32 : i32, i32
  }
  func.func @transform_1(%arg0: i32) -> (i32, i32) {
    %c0_i32 = arith.constant 0 : i32
    %c0_i32_0 = arith.constant 0 : i32
    %c0_i32_1 = arith.constant 0 : i32
    return %c0_i32, %c0_i32_0 : i32, i32
  }
  func.func @transform_2(%arg0: i32) -> (i32, i32) {
    %c0_i32 = arith.constant 0 : i32
    %c0_i32_0 = arith.constant 0 : i32
    %c0_i32_1 = arith.constant 0 : i32
    return %c0_i32, %c0_i32_0 : i32, i32
  }
  func.func @transform_3(%arg0: i32) -> i32 {
    %c0_i32 = arith.constant 0 : i32
    %c0_i32_0 = arith.constant 0 : i32
    return %c0_i32 : i32
  }
  func.func @transform_4(%arg0: i32) -> (i32, i32) {
    %c0_i32 = arith.constant 0 : i32
    %c0_i32_0 = arith.constant 0 : i32
    %c0_i32_1 = arith.constant 0 : i32
    return %c0_i32, %c0_i32_0 : i32, i32
  }
  func.func @transform_5(%arg0: i32) -> i32 {
    %c0_i32 = arith.constant 0 : i32
    %c0_i32_0 = arith.constant 0 : i32
    return %c0_i32 : i32
  }
  func.func @transform_6(%arg0: i32) -> i32 {
    %c0_i32 = arith.constant 0 : i32
    %c0_i32_0 = arith.constant 0 : i32
    return %c0_i32 : i32
  }
  func.func @transform_7(%arg0: i32) -> i32 {
    %c0_i32 = arith.constant 0 : i32
    %c0_i32_0 = arith.constant 0 : i32
    return %c0_i32 : i32
  }
  func.func @transform_8(%arg0: i32) -> (i32, i32) {
    %c0_i32 = arith.constant 0 : i32
    %c0_i32_0 = arith.constant 0 : i32
    %c0_i32_1 = arith.constant 0 : i32
    return %c0_i32, %c0_i32_0 : i32, i32
  }
  func.func @transform_9(%arg0: i32) -> i32 {
    %c0_i32 = arith.constant 0 : i32
    %c0_i32_0 = arith.constant 0 : i32
    return %c0_i32 : i32
  }
  func.func @transform_10(%arg0: i32) -> (i32, i32) {
    %c0_i32 = arith.constant 0 : i32
    %c0_i32_0 = arith.constant 0 : i32
    return %arg0, %c0_i32 : i32, i32
  }
  func.func @transform_11(%arg0: i32) -> (i32, i32) {
    %c0_i32 = arith.constant 0 : i32
    %c0_i32_0 = arith.constant 0 : i32
    return %arg0, %c0_i32 : i32, i32
  }
}

module attributes {stable_mosaic.version = 14 : i64} {
  func.func @_tc_fused_body(%arg0: i32, %arg1: memref<200x256xf32, #tpu.memory_space<vmem>>, %arg2: memref<200x256xf32, #tpu.memory_space<vmem>>, %arg3: memref<256x2048xf32, #tpu.memory_space<vmem>>, %arg4: memref<256x256xf32, #tpu.memory_space<vmem>>, %arg5: memref<256xf32, #tpu.memory_space<vmem>>, %arg6: memref<256x256xf32, #tpu.memory_space<vmem>>, %arg7: memref<256xf32, #tpu.memory_space<vmem>>, %arg8: memref<256xf32, #tpu.memory_space<vmem>>, %arg9: memref<256xf32, #tpu.memory_space<vmem>>, %arg10: memref<256x256xf32, #tpu.memory_space<vmem>>, %arg11: memref<256xf32, #tpu.memory_space<vmem>>, %arg12: memref<200x2048xf32, #tpu.memory_space<vmem>>, %arg13: memref<200x256xf32, #tpu.memory_space<vmem>>) attributes {dimension_semantics = [#tpu.dimension_semantics<arbitrary>], iteration_bounds = array<i64: 50>, scalar_prefetch = 0 : i64, scratch_operands = 0 : i64, tpu.core_type = #tpu.core_type<tc>, window_params = [{transform_indices = @transform_0, window_bounds = array<i64: 200, 256>}, {transform_indices = @transform_1, window_bounds = array<i64: 200, 256>}, {pipeline_mode = #tpu.pipeline_mode<synchronous>, transform_indices = @transform_2, window_bounds = array<i64: 256, 2048>}, {pipeline_mode = #tpu.pipeline_mode<synchronous>, transform_indices = @transform_3, window_bounds = array<i64: 256, 256>}, {pipeline_mode = #tpu.pipeline_mode<synchronous>, transform_indices = @transform_4, window_bounds = array<i64: 256>}, {pipeline_mode = #tpu.pipeline_mode<synchronous>, transform_indices = @transform_5, window_bounds = array<i64: 256, 256>}, {pipeline_mode = #tpu.pipeline_mode<synchronous>, transform_indices = @transform_6, window_bounds = array<i64: 256>}, {pipeline_mode = #tpu.pipeline_mode<synchronous>, transform_indices = @transform_7, window_bounds = array<i64: 256>}, {pipeline_mode = #tpu.pipeline_mode<synchronous>, transform_indices = @transform_8, window_bounds = array<i64: 256>}, {pipeline_mode = #tpu.pipeline_mode<synchronous>, transform_indices = @transform_9, window_bounds = array<i64: 256, 256>}, {pipeline_mode = #tpu.pipeline_mode<synchronous>, transform_indices = @transform_10, window_bounds = array<i64: 256>}, {transform_indices = @transform_11, window_bounds = array<i64: 200, 2048>}, {transform_indices = @transform_12, window_bounds = array<i64: 200, 256>}]} {
    %get3A = arith.constant 0 : index
    %get3A_0 = arith.constant 0 : index
    %get3A_1 = vector.load %arg1[%get3A, %get3A_0] : memref<200x256xf32, #tpu.memory_space<vmem>>, vector<200x256xf32>
    %get3A_2 = arith.constant 0 : index
    %get3A_3 = arith.constant 0 : index
    %get3A_4 = vector.load %arg2[%get3A_2, %get3A_3] : memref<200x256xf32, #tpu.memory_space<vmem>>, vector<200x256xf32>
    %add3A = arith.addf %get3A_1, %get3A_4 : vector<200x256xf32>
    %max3A = arith.constant 0.000000e+00 : f32
    %max3A_5 = vector.broadcast %max3A : f32 to vector<200x256xf32>
    %max3A_6 = arith.maximumf %add3A, %max3A_5 : vector<200x256xf32>
    %get3A_7 = arith.constant 0 : index
    %get3A_8 = arith.constant 0 : index
    %get3A_9 = vector.load %arg3[%get3A_7, %get3A_8] : memref<256x2048xf32, #tpu.memory_space<vmem>>, vector<256x2048xf32>
    %dot_general3A = arith.constant dense<0.000000e+00> : vector<200x2048xf32>
    %dot_general3A_10 = tpu.matmul %max3A_6, %get3A_9, %dot_general3A {dimension_numbers = #tpu.dot_dimension_numbers<[1], [0], [0], [1], [0, 0, 1, 1], [], []>, transpose_lhs_hint = false} : vector<200x256xf32>, vector<256x2048xf32>, vector<200x2048xf32> -> vector<200x2048xf32>
    %swap3A = arith.constant 0 : index
    %swap3A_11 = arith.constant 0 : index
    %swap3A_12 = vector.load %arg12[%swap3A, %swap3A_11] : memref<200x2048xf32, #tpu.memory_space<vmem>>, vector<200x2048xf32>
    tpu.vector_store %arg12[%swap3A, %swap3A_11], %dot_general3A_10 {strides = array<i32>} : memref<200x2048xf32, #tpu.memory_space<vmem>>, vector<200x2048xf32>,
    %get3A_13 = arith.constant 0 : index
    %get3A_14 = arith.constant 0 : index
    %get3A_15 = vector.load %arg4[%get3A_13, %get3A_14] : memref<256x256xf32, #tpu.memory_space<vmem>>, vector<256x256xf32>
    %dot_general3A_16 = arith.constant dense<0.000000e+00> : vector<200x256xf32>
    %dot_general3A_17 = tpu.matmul %max3A_6, %get3A_15, %dot_general3A_16 {dimension_numbers = #tpu.dot_dimension_numbers<[1], [0], [0], [1], [0, 0, 1, 1], [], []>, transpose_lhs_hint = false} : vector<200x256xf32>, vector<256x256xf32>, vector<200x256xf32> -> vector<200x256xf32>
    %get3A_18 = arith.constant 0 : index
    %get3A_19 = vector.load %arg5[%get3A_18] : memref<256xf32, #tpu.memory_space<vmem>>, vector<256xf32>
    %broadcast_in_dim3A = vector.shape_cast %get3A_19 : vector<256xf32> to vector<1x256xf32>
    %add3A_20 = vector.broadcast %broadcast_in_dim3A : vector<1x256xf32> to vector<200x256xf32>
    %add3A_21 = arith.addf %dot_general3A_17, %add3A_20 : vector<200x256xf32>
    %get3A_22 = arith.constant 0 : index
    %get3A_23 = arith.constant 0 : index
    %get3A_24 = vector.load %arg6[%get3A_22, %get3A_23] : memref<256x256xf32, #tpu.memory_space<vmem>>, vector<256x256xf32>
    %dot_general3A_25 = arith.constant dense<0.000000e+00> : vector<200x256xf32>
    %dot_general3A_26 = tpu.matmul %max3A_6, %get3A_24, %dot_general3A_25 {dimension_numbers = #tpu.dot_dimension_numbers<[1], [0], [0], [1], [0, 0, 1, 1], [], []>, transpose_lhs_hint = false} : vector<200x256xf32>, vector<256x256xf32>, vector<200x256xf32> -> vector<200x256xf32>
    %get3A_27 = arith.constant 0 : index
    %get3A_28 = vector.load %arg7[%get3A_27] : memref<256xf32, #tpu.memory_space<vmem>>, vector<256xf32>
    %broadcast_in_dim3A_29 = vector.shape_cast %get3A_28 : vector<256xf32> to vector<1x256xf32>
    %add3A_30 = vector.broadcast %broadcast_in_dim3A_29 : vector<1x256xf32> to vector<200x256xf32>
    %add3A_31 = arith.addf %dot_general3A_26, %add3A_30 : vector<200x256xf32>
    %reduce_sum3A = arith.constant dense<0.000000e+00> : vector<200xf32>
    %reduce_sum3A_32 = vector.multi_reduction <add>, %add3A_31, %reduce_sum3A [1] : vector<200x256xf32> to vector<200xf32>
    %broadcast_in_dim3A_33 = vector.shape_cast %reduce_sum3A_32 : vector<200xf32> to vector<200x1xf32>
    %div3A = arith.constant 2.560000e+02 : f32
    %div3A_34 = vector.broadcast %div3A : f32 to vector<200x1xf32>
    %div3A_35 = arith.divf %broadcast_in_dim3A_33, %div3A_34 : vector<200x1xf32>
    %sub3A = vector.broadcast %div3A_35 : vector<200x1xf32> to vector<200x256xf32>
    %sub3A_36 = arith.subf %add3A_31, %sub3A : vector<200x256xf32>
    %integer_pow3A = arith.mulf %sub3A_36, %sub3A_36 : vector<200x256xf32>
    %reduce_sum3A_37 = arith.constant dense<0.000000e+00> : vector<200xf32>
    %reduce_sum3A_38 = vector.multi_reduction <add>, %integer_pow3A, %reduce_sum3A_37 [1] : vector<200x256xf32> to vector<200xf32>
    %broadcast_in_dim3A_39 = vector.shape_cast %reduce_sum3A_38 : vector<200xf32> to vector<200x1xf32>
    %div3A_40 = arith.constant 2.560000e+02 : f32
    %div3A_41 = vector.broadcast %div3A_40 : f32 to vector<200x1xf32>
    %div3A_42 = arith.divf %broadcast_in_dim3A_39, %div3A_41 : vector<200x1xf32>
    %sub3A_43 = vector.broadcast %div3A_35 : vector<200x1xf32> to vector<200x256xf32>
    %sub3A_44 = arith.subf %add3A_31, %sub3A_43 : vector<200x256xf32>
    %add3A_45 = arith.constant 9.99999974E-6 : f32
    %add3A_46 = vector.broadcast %add3A_45 : f32 to vector<200x1xf32>
    %add3A_47 = arith.addf %div3A_42, %add3A_46 : vector<200x1xf32>
    %rsqrt3A = math.rsqrt %add3A_47 : vector<200x1xf32>
    %mul3A = vector.broadcast %rsqrt3A : vector<200x1xf32> to vector<200x256xf32>
    %mul3A_48 = arith.mulf %sub3A_44, %mul3A : vector<200x256xf32>
    %get3A_49 = arith.constant 0 : index
    %get3A_50 = vector.load %arg8[%get3A_49] : memref<256xf32, #tpu.memory_space<vmem>>, vector<256xf32>
    %broadcast_in_dim3A_51 = vector.shape_cast %get3A_50 : vector<256xf32> to vector<1x256xf32>
    %mul3A_52 = vector.broadcast %broadcast_in_dim3A_51 : vector<1x256xf32> to vector<200x256xf32>
    %mul3A_53 = arith.mulf %mul3A_48, %mul3A_52 : vector<200x256xf32>
    %get3A_54 = arith.constant 0 : index
    %get3A_55 = vector.load %arg9[%get3A_54] : memref<256xf32, #tpu.memory_space<vmem>>, vector<256xf32>
    %broadcast_in_dim3A_56 = vector.shape_cast %get3A_55 : vector<256xf32> to vector<1x256xf32>
    %add3A_57 = vector.broadcast %broadcast_in_dim3A_56 : vector<1x256xf32> to vector<200x256xf32>
    %add3A_58 = arith.addf %mul3A_53, %add3A_57 : vector<200x256xf32>
    %max3A_59 = arith.constant 0.000000e+00 : f32
    %max3A_60 = vector.broadcast %max3A_59 : f32 to vector<200x256xf32>
    %max3A_61 = arith.maximumf %add3A_58, %max3A_60 : vector<200x256xf32>
    %get3A_62 = arith.constant 0 : index
    %get3A_63 = arith.constant 0 : index
    %get3A_64 = vector.load %arg10[%get3A_62, %get3A_63] : memref<256x256xf32, #tpu.memory_space<vmem>>, vector<256x256xf32>
    %dot_general3A_65 = arith.constant dense<0.000000e+00> : vector<200x256xf32>
    %dot_general3A_66 = tpu.matmul %max3A_61, %get3A_64, %dot_general3A_65 {dimension_numbers = #tpu.dot_dimension_numbers<[1], [0], [0], [1], [0, 0, 1, 1], [], []>, transpose_lhs_hint = false} : vector<200x256xf32>, vector<256x256xf32>, vector<200x256xf32> -> vector<200x256xf32>
    %add3A_67 = arith.addf %add3A_21, %dot_general3A_66 : vector<200x256xf32>
    %get3A_68 = arith.constant 0 : index
    %get3A_69 = vector.load %arg11[%get3A_68] : memref<256xf32, #tpu.memory_space<vmem>>, vector<256xf32>
    %broadcast_in_dim3A_70 = vector.shape_cast %get3A_69 : vector<256xf32> to vector<1x256xf32>
    %add3A_71 = vector.broadcast %broadcast_in_dim3A_70 : vector<1x256xf32> to vector<200x256xf32>
    %add3A_72 = arith.addf %add3A_67, %add3A_71 : vector<200x256xf32>
    %swap3A_73 = arith.constant 0 : index
    %swap3A_74 = arith.constant 0 : index
    %swap3A_75 = vector.load %arg13[%swap3A_73, %swap3A_74] : memref<200x256xf32, #tpu.memory_space<vmem>>, vector<200x256xf32>
    tpu.vector_store %arg13[%swap3A_73, %swap3A_74], %add3A_72 {strides = array<i32>} : memref<200x256xf32, #tpu.memory_space<vmem>>, vector<200x256xf32>,
    return
  }
  func.func @transform_0(%arg0: i32) -> (i32, i32) {
    %c0_i32 = arith.constant 0 : i32
    %c0_i32_0 = arith.constant 0 : i32
    return %arg0, %c0_i32 : i32, i32
  }
  func.func @transform_1(%arg0: i32) -> (i32, i32) {
    %c0_i32 = arith.constant 0 : i32
    %c0_i32_0 = arith.constant 0 : i32
    return %arg0, %c0_i32 : i32, i32
  }
  func.func @transform_2(%arg0: i32) -> (i32, i32) {
    %c0_i32 = arith.constant 0 : i32
    %c0_i32_0 = arith.constant 0 : i32
    %c0_i32_1 = arith.constant 0 : i32
    return %c0_i32, %c0_i32_0 : i32, i32
  }
  func.func @transform_3(%arg0: i32) -> (i32, i32) {
    %c0_i32 = arith.constant 0 : i32
    %c0_i32_0 = arith.constant 0 : i32
    %c0_i32_1 = arith.constant 0 : i32
    return %c0_i32, %c0_i32_0 : i32, i32
  }
  func.func @transform_4(%arg0: i32) -> i32 {
    %c0_i32 = arith.constant 0 : i32
    %c0_i32_0 = arith.constant 0 : i32
    return %c0_i32 : i32
  }
  func.func @transform_5(%arg0: i32) -> (i32, i32) {
    %c0_i32 = arith.constant 0 : i32
    %c0_i32_0 = arith.constant 0 : i32
    %c0_i32_1 = arith.constant 0 : i32
    return %c0_i32, %c0_i32_0 : i32, i32
  }
  func.func @transform_6(%arg0: i32) -> i32 {
    %c0_i32 = arith.constant 0 : i32
    %c0_i32_0 = arith.constant 0 : i32
    return %c0_i32 : i32
  }
  func.func @transform_7(%arg0: i32) -> i32 {
    %c0_i32 = arith.constant 0 : i32
    %c0_i32_0 = arith.constant 0 : i32
    return %c0_i32 : i32
  }
  func.func @transform_8(%arg0: i32) -> i32 {
    %c0_i32 = arith.constant 0 : i32
    %c0_i32_0 = arith.constant 0 : i32
    return %c0_i32 : i32
  }
  func.func @transform_9(%arg0: i32) -> (i32, i32) {
    %c0_i32 = arith.constant 0 : i32
    %c0_i32_0 = arith.constant 0 : i32
    %c0_i32_1 = arith.constant 0 : i32
    return %c0_i32, %c0_i32_0 : i32, i32
  }
  func.func @transform_10(%arg0: i32) -> i32 {
    %c0_i32 = arith.constant 0 : i32
    %c0_i32_0 = arith.constant 0 : i32
    return %c0_i32 : i32
  }
  func.func @transform_11(%arg0: i32) -> (i32, i32) {
    %c0_i32 = arith.constant 0 : i32
    %c0_i32_0 = arith.constant 0 : i32
    return %arg0, %c0_i32 : i32, i32
  }
  func.func @transform_12(%arg0: i32) -> (i32, i32) {
    %c0_i32 = arith.constant 0 : i32
    %c0_i32_0 = arith.constant 0 : i32
    return %arg0, %c0_i32 : i32, i32
  }
}

module attributes {stable_mosaic.version = 14 : i64} {
  func.func @_tc_final_body(%arg0: i32, %arg1: memref<200x256xf32, #tpu.memory_space<vmem>>, %arg2: memref<200x256xf32, #tpu.memory_space<vmem>>, %arg3: memref<200x256xf32, #tpu.memory_space<vmem>>) attributes {dimension_semantics = [#tpu.dimension_semantics<arbitrary>], iteration_bounds = array<i64: 50>, scalar_prefetch = 0 : i64, scratch_operands = 0 : i64, tpu.core_type = #tpu.core_type<tc>, window_params = [{transform_indices = @transform_0, window_bounds = array<i64: 200, 256>}, {transform_indices = @transform_1, window_bounds = array<i64: 200, 256>}, {transform_indices = @transform_2, window_bounds = array<i64: 200, 256>}]} {
    %get3A = arith.constant 0 : index
    %get3A_0 = arith.constant 0 : index
    %get3A_1 = vector.load %arg1[%get3A, %get3A_0] : memref<200x256xf32, #tpu.memory_space<vmem>>, vector<200x256xf32>
    %get3A_2 = arith.constant 0 : index
    %get3A_3 = arith.constant 0 : index
    %get3A_4 = vector.load %arg2[%get3A_2, %get3A_3] : memref<200x256xf32, #tpu.memory_space<vmem>>, vector<200x256xf32>
    %add3A = arith.addf %get3A_1, %get3A_4 : vector<200x256xf32>
    %swap3A = arith.constant 0 : index
    %swap3A_5 = arith.constant 0 : index
    %swap3A_6 = vector.load %arg3[%swap3A, %swap3A_5] : memref<200x256xf32, #tpu.memory_space<vmem>>, vector<200x256xf32>
    tpu.vector_store %arg3[%swap3A, %swap3A_5], %add3A {strides = array<i32>} : memref<200x256xf32, #tpu.memory_space<vmem>>, vector<200x256xf32>,
    return
  }
  func.func @transform_0(%arg0: i32) -> (i32, i32) {
    %c0_i32 = arith.constant 0 : i32
    %c0_i32_0 = arith.constant 0 : i32
    return %arg0, %c0_i32 : i32, i32
  }
  func.func @transform_1(%arg0: i32) -> (i32, i32) {
    %c0_i32 = arith.constant 0 : i32
    %c0_i32_0 = arith.constant 0 : i32
    return %arg0, %c0_i32 : i32, i32
  }
  func.func @transform_2(%arg0: i32) -> (i32, i32) {
    %c0_i32 = arith.constant 0 : i32
    %c0_i32_0 = arith.constant 0 : i32
    return %arg0, %c0_i32 : i32, i32
  }
}

</mosaic_0001>

<sc_bundles>
// kernel: kernel.12.cloned.1.call-start
scs
__scs_entry_jumppad:
0x0: {  	(pc) =	sbr.rel $0x88, $3  }
0x1: {  	(tag) =	ssettag $0x0;
	lr =	simm.s32 $0x1  }
0x2: {  	[smem:$0x3F7D] =	sst lr;
	_ =	strace $0xD0000000  }
0x3: {  	_ = 	snop  }
0x4: {  	_ = 	snop  }
0x5: {  	_ = 	snop  }
0x6: {  	_ = 	snop  }
0x7: {  	_ = 	snop  }
__scs_overlays_trampoline_lowered:
0x8: {  	[smem:$0x3F8C] =	sst s0  }
0x9: {  	[smem:$0x3F8D] =	sst s1  }
0xa: {  	[smem:$0x3F8E] =	sst s2  }
0xb: {  	[smem:$0x3F8F] =	sst s3  }
0xc: {  	[smem:$0x3F90] =	sst s4  }
0xd: {  	[smem:$0x3F91] =	sst s5  }
0xe: {  	[smem:$0x3F92] =	sst s6  }
0xf: {  	[smem:$0x3F93] =	sst s7  }
0x10: {  	[smem:$0x3F94] =	sst s8  }
0x11: {  	[smem:$0x3F95] =	sst s9;
	s0 =	simm.s32 @!p0 $0x0  }
0x12: {  	s1 =	sld [smem:$0x3F7B];
	s0 =	simm.s32 @p0 $0x1  }
0x13: {  	[smem:$0x3F96] =	sst s0;
	s0 =	simm.s32 @!p1 $0x0  }
0x14: {  	s2 =	sld [smem:$0x3F7A];
	s0 =	simm.s32 @p1 $0x1  }
0x15: {  	[smem:$0x3F97] =	sst s0;
	s0 =	simm.s32 @!p2 $0x0  }
0x16: {  	s3 =	sld [smem:$0x3FDB];
	s0 =	simm.s32 @p2 $0x1  }
0x17: {  	s4 =	simm.s32 $0x1BF5;
	[smem:$0x3F99] =	sst s0  }
0x18: {  	s0 =	sld [smem:$0x3F7C];
	_ =	swait.ge [sflag:s4], $0x0  }
0x19: {  	s7 =	sld [smem:$0x3F7D]  }
0x1a: {  	s8 =	sadd.s32 $0xFFFFE003, lr  }
0x1b: {  	s9 =	sadd.s32 $0xFFFFFEF7, lr;
	s5 =	simm.s32 $0xFFFFFFFF;
	p2 =	slt.u32 s8, $0xFFFFF086  }
0x1c: {  	p1 =	slt.u32 s9, $0xF7A;
	s5 =	simm.s32 @!p2 $0x0  }
0x1d: {  	s5 =	simm.s32 @p1 $0x1;
	p0 =	seq.s32 s7, s2  }
0x1e: {  	s7 =	smul.u32 @!p0 $0xF7A, s2;
	p2 =	seq.s32 @!p0 s5, $0x0  }
0x1f: {  	s9 =	smul.u32 $0xF7A, s1;
	s8 =	simm.s32 @!p0 $0x1BF5;
	p2 =	por !p2, p0  }
0x20: {  	[sflag:s8] =	ssyncset.s32 @!p0 $0xFFFFF086;
	s6 =	sadd.s32 @!p0 s3, s7;
	s7 =	simm.s32 @!p0 $0x108  }
0x21: {  	s3 =	sadd.s32 s3, s9;
	s6 =	sadd.s32 @!p0 $0x88, s6;
	s7 =	simm.s32 @p2 $0x1082  }
0x22: {  	[simem:s7], [sflag:s8] =	dma.local @!p0 [hbm:s6], $0xF7A  }
0x23: {  	s9 =	sor.u32 $0xD0000000, s2;
	s6 =	simm.s32 $0x108;
	_ =	swait.ge @!p0 [sflag:s8], $0x0  }
0x24: {  	s3 =	sadd.s32 $0x88, s3;
	s6 =	simm.s32 @!p1 $0x1082;
	[sflag:s4] =	ssyncset.s32 $0xFFFFF086  }
0x25: {  	[simem:s6], [sflag:s4] =	dma.local [hbm:s3], $0xF7A  }
0x26: {  	[smem:$0x3F7D] =	sst s1;
	(tag) =	ssettag s2;
	_ =	strace s9  }
0x27: {  	s1 =	sld [smem:$0x3F8D]  }
0x28: {  	s2 =	sld [smem:$0x3F8E]  }
0x29: {  	s4 =	sld [smem:$0x3F90]  }
0x2a: {  	p0 =	seq.s32 s5, $0x0;
	s5 =	sld [smem:$0x3F91]  }
0x2b: {  	s6 =	sld [smem:$0x3F92]  }
0x2c: {  	s7 =	sld [smem:$0x3F93]  }
0x2d: {  	s3 =	simm.s32 $0x108;
	s8 =	sld [smem:$0x3F94]  }
0x2e: {  	s3 =	simm.s32 @!p0 $0x1082;
	s9 =	sld [smem:$0x3F95]  }
0x2f: {  	lr =	sadd.s32 s0, s3;
	s0 =	sld [smem:$0x3F8C]  }
0x30: {  	s3 =	sld [smem:$0x3F8F]  }
0x31: {  	[smem:$0x3F98] =	sst s10  }
0x32: {  	s10 =	sld [smem:$0x3F96];
	_ =	sdelay $0x3  }
0x33: {  	p0 =	seq.s32 s10, $0x1;
	s10 =	sld [smem:$0x3F98];
	_ =	sdelay $0x3  }
0x34: {  	[smem:$0x3F98] =	sst s10  }
0x35: {  	s10 =	sld [smem:$0x3F97];
	_ =	sdelay $0x3  }
0x36: {  	p1 =	seq.s32 s10, $0x1;
	s10 =	sld [smem:$0x3F98];
	_ =	sdelay $0x3  }
0x37: {  	[smem:$0x3F98] =	sst s10  }
0x38: {  	s10 =	sld [smem:$0x3F99]  }
0x39: {  	_ = 	snop;
	(pc) =	sbr.ind lr, $3  }
0x3a: {  	_ = 	snop  }
0x3b: {  	_ = 	snop  }
0x3c: {  	p2 =	seq.s32 s10, $0x1;
	s10 =	sld [smem:$0x3F98]  }
0x3d: {  	_ =	shalt  }
0x3e: {  	_ =	shalt  }
0x3f: {  	_ =	shalt  }
0x40: {  	_ =	shalt  }
0x41: {  	_ =	shalt  }
0x42: {  	_ =	shalt  }
0x43: {  	_ =	shalt  }
0x44: {  	_ =	shalt  }
0x45: {  	_ =	shalt  }
0x46: {  	_ =	shalt  }
0x47: {  	_ =	shalt  }
0x48: {  	_ =	shalt  }
0x49: {  	_ =	shalt  }
0x4a: {  	_ =	shalt  }
0x4b: {  	_ =	shalt  }
0x4c: {  	_ =	shalt  }
0x4d: {  	_ =	shalt  }
0x4e: {  	_ =	shalt  }
0x4f: {  	_ =	shalt  }
0x50: {  	_ =	shalt  }
0x51: {  	_ =	shalt  }
0x52: {  	_ =	shalt  }
0x53: {  	_ =	shalt  }
0x54: {  	_ =	shalt  }
0x55: {  	_ =	shalt  }
0x56: {  	_ =	shalt  }
0x57: {  	_ =	shalt  }
0x58: {  	_ =	shalt  }
0x59: {  	_ =	shalt  }
0x5a: {  	_ =	shalt  }
0x5b: {  	_ =	shalt  }
0x5c: {  	_ =	shalt  }
0x5d: {  	_ =	shalt  }
0x5e: {  	_ =	shalt  }
0x5f: {  	_ =	shalt  }
0x60: {  	_ =	shalt  }
0x61: {  	_ =	shalt  }
0x62: {  	_ =	shalt  }
0x63: {  	_ =	shalt  }
0x64: {  	_ =	shalt  }
0x65: {  	_ =	shalt  }
0x66: {  	_ =	shalt  }
0x67: {  	_ =	shalt  }
0x68: {  	_ =	shalt  }
0x69: {  	_ =	shalt  }
0x6a: {  	_ =	shalt  }
0x6b: {  	_ =	shalt  }
0x6c: {  	_ =	shalt  }
0x6d: {  	_ =	shalt  }
0x6e: {  	_ =	shalt  }
0x6f: {  	_ =	shalt  }
0x70: {  	_ =	shalt  }
0x71: {  	_ =	shalt  }
0x72: {  	_ =	shalt  }
0x73: {  	_ =	shalt  }
0x74: {  	_ =	shalt  }
0x75: {  	_ =	shalt  }
0x76: {  	_ =	shalt  }
0x77: {  	_ =	shalt  }
0x78: {  	_ =	shalt  }
0x79: {  	_ =	shalt  }
0x7a: {  	_ =	shalt  }
0x7b: {  	_ =	shalt  }
0x7c: {  	_ =	shalt  }
0x7d: {  	_ =	shalt  }
0x7e: {  	_ =	shalt  }
0x7f: {  	_ =	shalt  }
0x80: {  	_ =	shalt  }
0x81: {  	_ =	shalt  }
0x82: {  	_ =	shalt  }
0x83: {  	_ =	shalt  }
0x84: {  	_ =	shalt  }
0x85: {  	_ =	shalt  }
0x86: {  	_ =	shalt  }
0x87: {  	_ =	shalt  }
.Lfunc_end0:
.L_simem_size_0:
called_computation_lowered:
.L_overlay_start_0:
0x88: {  	s2 =	sld [smem:$0x3FD9]  }
0x89: {  	s3 =	sld [smem:$0x3FFE];
	_ =	sdelay $0x1  }
0x8a: {  	s1 =	srdreg.scid  }
0x8b: {  	s0 =	sand.u32 $0x1, s1  }
0x8c: {  	s17 =	sshll.u32 s0, $0xA;
	s2 =	sadd.s32 s3, s2  }
0x8d: {  	s2 =	sadd.s32 s2, s17  }
0x8e: {  	[smem:$0x3FA4] =	sst s2  }
0x8f: {  	_ = 	snop  }
0x90: {  	s2 =	sld [smem:$0x3FD0];
	(tm) =	ssettm $0x1  }
0x91: {  	s18 =	sld [smem:$0x3FFB];
	_ =	sdelay $0x3  }
0x92: {  	_ =	strace s18  }
0x93: {  	s3 =	sld [smem:$0x3FFC];
	_ =	sdelay $0x3  }
0x94: {  	_ =	strace s3  }
0x95: {  	s3 =	sld [smem:$0x3FFD];
	_ =	sdelay $0x3  }
0x96: {  	_ =	strace s3  }
0x97: {  	_ =	strace $0x8FFFFFFF  }
0x98: {  	s19 =	sld [smem:$0x3FDB];
	_ =	sdelay $0x1  }
0x99: {  	s4 =	simm.s32 $_scs_section_size  }
0x9a: {  	s5 =	simm.s32 $_size__tile_overlayer_lowered;
	s6 =	simm.s32 $_tile_overlayer_lowered  }
0x9b: {  	s22 =	simm.s32 $0x1BFF;
	s21 =	sshll.u32 s6, $0x1;
	s3 =	sadd.s32 s4, s19  }
0x9c: {  	s7 =	simm.s32 $0x0;
	s20 =	sshll.u32 s5, $0x1;
	s5 =	sadd.s32 s21, s3  }
0x9d: {  	[timem:s7], [sflag:s22] =	dma.local [hbm:s5], s20  }
0x9e: {  	_ =	swait.ge [sflag:s22], s20  }
0x9f: {  	s4 =	ssub.s32 $0x0, s20;
	[sflag:s22] =	ssyncset.done $0x0  }
0xa0: {  	[sflag:s22] =	ssyncadd.s32 s4;
	_ =	sdelay $0x1  }
0xa1: {  	s23 =	simm.s32 $0x1B8B  }
0xa2: {  	_ =	swait.ge [sflag:s23], $0x1  }
0xa3: {  	[sflag:s23] =	ssyncset.done $0x0  }
0xa4: {  	s25 =	simm.s32 $0x1B8E;
	s24 =	sld [smem:$0x3FFE];
	[sflag:s23] =	ssyncadd.s32 $0xFFFFFFFF  }
0xa5: {  	s26 =	simm.s32 $execute0_lowered;
	[smem:$0x3FD2] =	sst s25  }
0xa6: {  	s5 =	sshll.u32 s26, $0x1;
	_ =	strace $0x80000046;
	[dreg:$0x1] =	wrdreg $0xFFFFFFFF  }
0xa7: {  	s28 =	simm.s32 $_size_execute0_lowered;
	s3 =	sadd.s32 s3, s5;
	[dreg:$0x0] =	wrdreg $0x0  }
0xa8: {  	s5 =	sshll.u32 s28, $0x1;
	[dreg:$0x2] =	wrdreg s3  }
0xa9: {  	[dreg:$0x3] =	wrdreg s5  }
0xaa: {  	[dreg:$0x4] =	wrdreg $0xC0  }
0xab: {  	_ =	task [dreg:s7], $0x5FFFF  }
0xac: {  	[dreg:$0x1] =	wrdreg $0xFFFFFFFF  }
0xad: {  	[dreg:$0x0] =	wrdreg $0x60  }
0xae: {  	[dreg:$0x2] =	wrdreg s24  }
0xaf: {  	[dreg:$0x3] =	wrdreg s2  }
0xb0: {  	[dreg:$0x4] =	wrdreg $0x9  }
0xb1: {  	_ =	task.clear_ibuf [dreg:s7], $0x5FFFF;
	_ =	strace $0x90000046  }
0xb2: {  	s29 =	simm.s32 $0x9;
	_ =	strace $0x80000048  }
0xb3: {  	_ =	swait.ge [sflag:s29], $0x1  }
0xb4: {  	[sflag:s29] =	ssyncadd.s32 $0xFFFFFFFF  }
0xb5: {  	_ =	strace $0x90000048  }
0xb6: {  	_ =	sfence  }
0xb7: {  	s30 =	sld [smem:$0x0];
	_ =	sdelay $0x2  }
0xb8: {  	s31 =	sshll.u32 s1, $0xD;
	s1 =	sshrl.u32 s1, $0x2  }
0xb9: {  	s3 =	sand.u32 $0x4000, s31;
	s1 =	sadd.s32 s1, s30  }
0xba: {  	s0 =	sor.u32 s3, s0;
	s1 =	sshll.u32 s1, $0x11  }
0xbb: {  	s0 =	sor.u32 s1, s0  }
0xbc: {  	s0 =	sadd.s32 $0x8F2B, s0  }
0xbd: {  	[sflag:s0] =	ssyncadd.remote.s32 $0x1  }
0xbe: {  	_ =	sfence.sel $0xFFFF  }
0xbf: {  	[dreg:$0x0] =	wrdreg $0xFFFFFFFF;
	(pc) =	sbr.abs _section_cstart, $3  }
0xc0: {  	[dreg:$0x1] =	wrdreg $0xFFFFFFFF  }
0xc1: {  	_ =	task.clear_ibuf [dreg:s7], $0x2FFFF;
	_ =	strace $0x9FFFFFFF  }
0xc2: {  	(tm) =	ssettm $0x7FFFFFFF  }
0xc3: {  	_ =	shalt  }
tec
execute0_lowered:
.L_overlay_start_1:
0x0: {  	(tag) =	ssettag $0x1  }
0x1: {  	s0 =	srdreg.scid  }
0x2: {  	s6 =	rddreg [dreg:$0x0];
	s4 =	sand.u32 $0x1, s0  }
0x3: {  	s2 =	rddreg [dreg:$0x1];
	s0 =	stileid.u32;
	s1 =	sshll.u32 s4, $0x4  }
0x4: {  	s3 =	simm.s32 $0x0;
	s9 =	simm.s32 $0x80;
	s5 =	sor.u32 s0, s1  }
0x5: {  	s10 =	simm.s32 $0x400;
	s11 =	simm.s32 $0x0;
	s1 =	sshrl.u32 s5, $0x3  }
0x6: {  	s8 =	sshll.u32 s0, $0x7;
	s4 =	ssub.s32 $0x2, s4;
	s7 =	smul.u32 $0xA0000, s1  }
0x7: {  	[smem:$0x7FF] =	sst s3;
	s8 =	sand.u32 $0x380, s8;
	s31 =	sshrl.u32 s4, $0x1  }
0x8: {  	s5 =	smul.u32 $0x272, s5;
	s1 =	rddreg [dreg:$0x2];
	s7 =	sor.u32 s8, s7  }
0x9: {  	_ =	strace $0x80000047;
	s8 =	ssub.s32 s4, s31;
	s7 =	sshrl.u32 s7, $0x3  }
0xa: {  	s4 =	sadd.s32 s6, s5;
	s7 =	sadd.s32 s7, s6;
	s6 =	smax.u32 s8, $0x1  }
0xb: {  	v0 =	vimm.f32 $1.000000000e+00;
	s8 =	simm.s32 $0x1;
	s5 =	sadd.s32 $0x5000, s7;
	s7 =	simm.s32 $0x1400  }
.LBB2_1:
0xc: {  	[tilespmem:s7], [sflag:$0x1] =	stream.linear.gather [hbm4b:s2+s3], $0x14000, $0x38;
	[tilespmem:$0x15400] =	vst v63  }
0xd: {  	_ =	swait.ge [sflag:s8], $0x14000  }
0xe: {  	[sflag:s8] =	ssyncset.done $0x0  }
0xf: {  	v1 =	vmov s3;
	[sflag:s8] =	ssyncadd.s32 $0xFFFEC000  }
0x10: {  	[tilespmem:s3], [sflag:$0x1] =	stream.linear.gather [hbm4b:s4+s3], $0x1390, $0x38;
	[tilespmem:$0x15400] =	vst v63  }
0x11: {  	_ =	swait.ge [sflag:s8], $0x1390  }
0x12: {  	[sflag:s8] =	ssyncset.done $0x0  }
0x13: {  	[sflag:s8] =	ssyncadd.s32 $0xFFFFEC70  }
0x14: {  	v1 =	vld.idx.msk [tilespmem:v1+s3+$0x0], $0xffff;
	_ =	sdelay $0x2  }
0x15: {  	s12 =	simm.s32 $0x1  }
0x16: {  	v2 =	vmov s12;
	s12 =	simm.s32 $0x2  }
.LBB2_2:
0x17: {  	p0 =	sne.s32 s12, $0x138F;
	_ =	sdelay $0x2  }
0x18: {  	[tilespmem:v1+s7+$0x0] =	vst.idx.add.f32.msk $0x1, v0  }
.Ltmp0:
0x19: {  	v1 =	vld.idx.msk [tilespmem:v2+s3+$0x0], $0xffff;
	(pc) =	sbr.rel @p0 .LBB2_2-.Ltmp0, $2  }
0x1a: {  	_ =	sdelay $0x2  }
0x1b: {  	v2 =	vmov s12;
	s12 =	sadd.s32 $0x1, s12  }
0x1c: {  	_ =	sdelay $0x3  }
0x1d: {  	[tilespmem:v1+s7+$0x0] =	vst.idx.add.f32.msk $0x1, v0  }
0x1e: {  	v1 =	vld.idx.msk [tilespmem:v2+s3+$0x0], $0xffff;
	_ =	sdelay $0x5  }
0x1f: {  	s11 =	sadd.s32 $0x1, s11  }
0x20: {  	p0 =	sne.s32 s11, s6  }
.Ltmp1:
0x21: {  	[tilespmem:v1+s7+$0x0] =	vst.idx.add.f32.msk $0x1, v0;
	(pc) =	sbr.rel @p0 .LBB2_1-.Ltmp1, $4  }
0x22: {  	[hbm4b:s5+s9] =	stream.strided.scatter [tilespmem:s7], [sflag:$0x1], $0x14000, s10, s9, $0x38;
	[tilespmem:$0x15400] =	vst v63  }
0x23: {  	_ =	swait.ge [sflag:s8], $0x14000  }
0x24: {  	[sflag:s8] =	ssyncset.done $0x0  }
0x25: {  	[sflag:s8] =	ssyncadd.s32 $0xFFFEC000  }
0x26: {  	_ =	sfence.sel $0x180000  }
0x27: {  	[bflag:$0x0] =	sbarrier.arrive $0xFFFF  }
0x28: {  	p0 =	sne.s32 s0, $0x0;
	_ =	strace $0x90000047  }
0x29: {  	s0 =	sadd.s32 @!p0 $0x100000, s1;
	[bflag:$0x2] =	sbarrier.arrive $0xFFFF  }
0x2a: {  	[sflag:s0] =	ssyncadd.tile.s32 @!p0 $0x1;
	_ =	shalt  }
.Lfunc_end2:
_tile_overlayer_lowered:
.L_overlay_start_2:
0x2b: {  	(tag) =	ssettag $0x2  }
0x2c: {  	s0 =	rddreg [dreg:$0x0];
	s2 =	stileid.u32  }
0x2d: {  	s1 =	rddreg [dreg:$0x1];
	p0 =	sne.s32 s2, $0x0  }
0x2e: {  	s3 =	rddreg [dreg:$0x2];
	[bflag:$0x3] =	sbarrier.arrive $0xFFFF;
	s2 =	simm.s32 @!p0 $0x1C01  }
0x2f: {  	[timem:s3], [sflag:s2] =	dma.local @!p0 [hbm:s0], s1  }
0x30: {  	s0 =	simm.s32 @!p0 $0x1  }
0x31: {  	_ =	swait.ge @!p0 [sflag:s0], s1  }
0x32: {  	s1 =	ssub.s32 @!p0 $0x0, s1;
	[sflag:s0] =	ssyncset.done @!p0 $0x0  }
0x33: {  	[sflag:s0] =	ssyncadd.s32 @!p0 s1  }
0x34: {  	[bflag:$0x3] =	sbarrier.arrive $0xFFFF  }
0x35: {  	_ =	shalt  }

// kernel: kernel.15.cloned.1.call-start
scs
__scs_entry_jumppad:
0x0: {  	(pc) =	sbr.rel $0x88, $3  }
0x1: {  	(tag) =	ssettag $0x0;
	lr =	simm.s32 $0x1  }
0x2: {  	[smem:$0x3F7D] =	sst lr;
	_ =	strace $0xD0000000  }
0x3: {  	_ = 	snop  }
0x4: {  	_ = 	snop  }
0x5: {  	_ = 	snop  }
0x6: {  	_ = 	snop  }
0x7: {  	_ = 	snop  }
__scs_overlays_trampoline_lowered:
0x8: {  	[smem:$0x3F8C] =	sst s0  }
0x9: {  	[smem:$0x3F8D] =	sst s1  }
0xa: {  	[smem:$0x3F8E] =	sst s2  }
0xb: {  	[smem:$0x3F8F] =	sst s3  }
0xc: {  	[smem:$0x3F90] =	sst s4  }
0xd: {  	[smem:$0x3F91] =	sst s5  }
0xe: {  	[smem:$0x3F92] =	sst s6  }
0xf: {  	[smem:$0x3F93] =	sst s7  }
0x10: {  	[smem:$0x3F94] =	sst s8  }
0x11: {  	[smem:$0x3F95] =	sst s9;
	s0 =	simm.s32 @!p0 $0x0  }
0x12: {  	s1 =	sld [smem:$0x3F7B];
	s0 =	simm.s32 @p0 $0x1  }
0x13: {  	[smem:$0x3F96] =	sst s0;
	s0 =	simm.s32 @!p1 $0x0  }
0x14: {  	s2 =	sld [smem:$0x3F7A];
	s0 =	simm.s32 @p1 $0x1  }
0x15: {  	[smem:$0x3F97] =	sst s0;
	s0 =	simm.s32 @!p2 $0x0  }
0x16: {  	s3 =	sld [smem:$0x3FDB];
	s0 =	simm.s32 @p2 $0x1  }
0x17: {  	s4 =	simm.s32 $0x1BF5;
	[smem:$0x3F99] =	sst s0  }
0x18: {  	s0 =	sld [smem:$0x3F7C];
	_ =	swait.ge [sflag:s4], $0x0  }
0x19: {  	s7 =	sld [smem:$0x3F7D]  }
0x1a: {  	s8 =	sadd.s32 $0xFFFFE003, lr  }
0x1b: {  	s9 =	sadd.s32 $0xFFFFFEF7, lr;
	s5 =	simm.s32 $0xFFFFFFFF;
	p2 =	slt.u32 s8, $0xFFFFF086  }
0x1c: {  	p1 =	slt.u32 s9, $0xF7A;
	s5 =	simm.s32 @!p2 $0x0  }
0x1d: {  	s5 =	simm.s32 @p1 $0x1;
	p0 =	seq.s32 s7, s2  }
0x1e: {  	s7 =	smul.u32 @!p0 $0xF7A, s2;
	p2 =	seq.s32 @!p0 s5, $0x0  }
0x1f: {  	s9 =	smul.u32 $0xF7A, s1;
	s8 =	simm.s32 @!p0 $0x1BF5;
	p2 =	por !p2, p0  }
0x20: {  	[sflag:s8] =	ssyncset.s32 @!p0 $0xFFFFF086;
	s6 =	sadd.s32 @!p0 s3, s7;
	s7 =	simm.s32 @!p0 $0x108  }
0x21: {  	s3 =	sadd.s32 s3, s9;
	s6 =	sadd.s32 @!p0 $0x88, s6;
	s7 =	simm.s32 @p2 $0x1082  }
0x22: {  	[simem:s7], [sflag:s8] =	dma.local @!p0 [hbm:s6], $0xF7A  }
0x23: {  	s9 =	sor.u32 $0xD0000000, s2;
	s6 =	simm.s32 $0x108;
	_ =	swait.ge @!p0 [sflag:s8], $0x0  }
0x24: {  	s3 =	sadd.s32 $0x88, s3;
	s6 =	simm.s32 @!p1 $0x1082;
	[sflag:s4] =	ssyncset.s32 $0xFFFFF086  }
0x25: {  	[simem:s6], [sflag:s4] =	dma.local [hbm:s3], $0xF7A  }
0x26: {  	[smem:$0x3F7D] =	sst s1;
	(tag) =	ssettag s2;
	_ =	strace s9  }
0x27: {  	s1 =	sld [smem:$0x3F8D]  }
0x28: {  	s2 =	sld [smem:$0x3F8E]  }
0x29: {  	s4 =	sld [smem:$0x3F90]  }
0x2a: {  	p0 =	seq.s32 s5, $0x0;
	s5 =	sld [smem:$0x3F91]  }
0x2b: {  	s6 =	sld [smem:$0x3F92]  }
0x2c: {  	s7 =	sld [smem:$0x3F93]  }
0x2d: {  	s3 =	simm.s32 $0x108;
	s8 =	sld [smem:$0x3F94]  }
0x2e: {  	s3 =	simm.s32 @!p0 $0x1082;
	s9 =	sld [smem:$0x3F95]  }
0x2f: {  	lr =	sadd.s32 s0, s3;
	s0 =	sld [smem:$0x3F8C]  }
0x30: {  	s3 =	sld [smem:$0x3F8F]  }
0x31: {  	[smem:$0x3F98] =	sst s10  }
0x32: {  	s10 =	sld [smem:$0x3F96];
	_ =	sdelay $0x3  }
0x33: {  	p0 =	seq.s32 s10, $0x1;
	s10 =	sld [smem:$0x3F98];
	_ =	sdelay $0x3  }
0x34: {  	[smem:$0x3F98] =	sst s10  }
0x35: {  	s10 =	sld [smem:$0x3F97];
	_ =	sdelay $0x3  }
0x36: {  	p1 =	seq.s32 s10, $0x1;
	s10 =	sld [smem:$0x3F98];
	_ =	sdelay $0x3  }
0x37: {  	[smem:$0x3F98] =	sst s10  }
0x38: {  	s10 =	sld [smem:$0x3F99]  }
0x39: {  	_ = 	snop;
	(pc) =	sbr.ind lr, $3  }
0x3a: {  	_ = 	snop  }
0x3b: {  	_ = 	snop  }
0x3c: {  	p2 =	seq.s32 s10, $0x1;
	s10 =	sld [smem:$0x3F98]  }
0x3d: {  	_ =	shalt  }
0x3e: {  	_ =	shalt  }
0x3f: {  	_ =	shalt  }
0x40: {  	_ =	shalt  }
0x41: {  	_ =	shalt  }
0x42: {  	_ =	shalt  }
0x43: {  	_ =	shalt  }
0x44: {  	_ =	shalt  }
0x45: {  	_ =	shalt  }
0x46: {  	_ =	shalt  }
0x47: {  	_ =	shalt  }
0x48: {  	_ =	shalt  }
0x49: {  	_ =	shalt  }
0x4a: {  	_ =	shalt  }
0x4b: {  	_ =	shalt  }
0x4c: {  	_ =	shalt  }
0x4d: {  	_ =	shalt  }
0x4e: {  	_ =	shalt  }
0x4f: {  	_ =	shalt  }
0x50: {  	_ =	shalt  }
0x51: {  	_ =	shalt  }
0x52: {  	_ =	shalt  }
0x53: {  	_ =	shalt  }
0x54: {  	_ =	shalt  }
0x55: {  	_ =	shalt  }
0x56: {  	_ =	shalt  }
0x57: {  	_ =	shalt  }
0x58: {  	_ =	shalt  }
0x59: {  	_ =	shalt  }
0x5a: {  	_ =	shalt  }
0x5b: {  	_ =	shalt  }
0x5c: {  	_ =	shalt  }
0x5d: {  	_ =	shalt  }
0x5e: {  	_ =	shalt  }
0x5f: {  	_ =	shalt  }
0x60: {  	_ =	shalt  }
0x61: {  	_ =	shalt  }
0x62: {  	_ =	shalt  }
0x63: {  	_ =	shalt  }
0x64: {  	_ =	shalt  }
0x65: {  	_ =	shalt  }
0x66: {  	_ =	shalt  }
0x67: {  	_ =	shalt  }
0x68: {  	_ =	shalt  }
0x69: {  	_ =	shalt  }
0x6a: {  	_ =	shalt  }
0x6b: {  	_ =	shalt  }
0x6c: {  	_ =	shalt  }
0x6d: {  	_ =	shalt  }
0x6e: {  	_ =	shalt  }
0x6f: {  	_ =	shalt  }
0x70: {  	_ =	shalt  }
0x71: {  	_ =	shalt  }
0x72: {  	_ =	shalt  }
0x73: {  	_ =	shalt  }
0x74: {  	_ =	shalt  }
0x75: {  	_ =	shalt  }
0x76: {  	_ =	shalt  }
0x77: {  	_ =	shalt  }
0x78: {  	_ =	shalt  }
0x79: {  	_ =	shalt  }
0x7a: {  	_ =	shalt  }
0x7b: {  	_ =	shalt  }
0x7c: {  	_ =	shalt  }
0x7d: {  	_ =	shalt  }
0x7e: {  	_ =	shalt  }
0x7f: {  	_ =	shalt  }
0x80: {  	_ =	shalt  }
0x81: {  	_ =	shalt  }
0x82: {  	_ =	shalt  }
0x83: {  	_ =	shalt  }
0x84: {  	_ =	shalt  }
0x85: {  	_ =	shalt  }
0x86: {  	_ =	shalt  }
0x87: {  	_ =	shalt  }
.Lfunc_end0:
.L_simem_size_0:
called_computation.1_lowered:
.L_overlay_start_0:
0x88: {  	s2 =	sld [smem:$0x3FD9]  }
0x89: {  	s3 =	sld [smem:$0x3FFE];
	_ =	sdelay $0x1  }
0x8a: {  	s1 =	srdreg.scid  }
0x8b: {  	s0 =	sand.u32 $0x1, s1  }
0x8c: {  	s16 =	sshll.u32 s0, $0xA;
	s2 =	sadd.s32 s3, s2  }
0x8d: {  	s2 =	sadd.s32 s2, s16  }
0x8e: {  	[smem:$0x3FA4] =	sst s2  }
0x8f: {  	_ = 	snop  }
0x90: {  	(tm) =	ssettm $0x1  }
0x91: {  	s17 =	sld [smem:$0x3FFB];
	_ =	sdelay $0x3  }
0x92: {  	_ =	strace s17  }
0x93: {  	s2 =	sld [smem:$0x3FFC];
	_ =	sdelay $0x3  }
0x94: {  	_ =	strace s2  }
0x95: {  	s2 =	sld [smem:$0x3FFD];
	_ =	sdelay $0x3  }
0x96: {  	_ =	strace s2  }
0x97: {  	_ =	strace $0x8FFFFFFF  }
0x98: {  	s18 =	sld [smem:$0x3FDB];
	_ =	sdelay $0x1  }
0x99: {  	s19 =	simm.s32 $_scs_section_size  }
0x9a: {  	s4 =	simm.s32 $_size__tile_overlayer_lowered;
	s5 =	simm.s32 $_tile_overlayer_lowered  }
0x9b: {  	s22 =	simm.s32 $0x1BFF;
	s21 =	sshll.u32 s5, $0x1;
	s2 =	sadd.s32 s19, s18  }
0x9c: {  	s6 =	simm.s32 $0x0;
	s20 =	sshll.u32 s4, $0x1;
	s4 =	sadd.s32 s21, s2  }
0x9d: {  	[timem:s6], [sflag:s22] =	dma.local [hbm:s4], s20  }
0x9e: {  	_ =	swait.ge [sflag:s22], s20  }
0x9f: {  	s3 =	ssub.s32 $0x0, s20;
	[sflag:s22] =	ssyncset.done $0x0  }
0xa0: {  	[sflag:s22] =	ssyncadd.s32 s3;
	_ =	sdelay $0x1  }
0xa1: {  	s23 =	simm.s32 $0x1B8B  }
0xa2: {  	_ =	swait.ge [sflag:s23], $0x1  }
0xa3: {  	[sflag:s23] =	ssyncset.done $0x0  }
0xa4: {  	s25 =	simm.s32 $0x1B8E;
	s24 =	sld [smem:$0x3FFE];
	[sflag:s23] =	ssyncadd.s32 $0xFFFFFFFF  }
0xa5: {  	s26 =	simm.s32 $execute0_lowered;
	[smem:$0x3FD2] =	sst s25  }
0xa6: {  	s4 =	sshll.u32 s26, $0x1;
	_ =	strace $0x80000049;
	[dreg:$0x1] =	wrdreg $0xFFFFFFFF  }
0xa7: {  	s28 =	simm.s32 $_size_execute0_lowered;
	s2 =	sadd.s32 s2, s4;
	[dreg:$0x0] =	wrdreg $0x0  }
0xa8: {  	s4 =	sshll.u32 s28, $0x1;
	[dreg:$0x2] =	wrdreg s2  }
0xa9: {  	[dreg:$0x3] =	wrdreg s4  }
0xaa: {  	[dreg:$0x4] =	wrdreg $0xC0  }
0xab: {  	_ =	task [dreg:s6], $0x5FFFF  }
0xac: {  	[dreg:$0x1] =	wrdreg $0xFFFFFFFF  }
0xad: {  	[dreg:$0x0] =	wrdreg $0x60  }
0xae: {  	[dreg:$0x2] =	wrdreg s24  }
0xaf: {  	[dreg:$0x3] =	wrdreg $0x9  }
0xb0: {  	_ =	task.clear_ibuf [dreg:s6], $0x4FFFF;
	_ =	strace $0x90000049  }
0xb1: {  	s29 =	simm.s32 $0x9;
	_ =	strace $0x8000004B  }
0xb2: {  	_ =	swait.ge [sflag:s29], $0x1  }
0xb3: {  	[sflag:s29] =	ssyncadd.s32 $0xFFFFFFFF  }
0xb4: {  	_ =	strace $0x9000004B  }
0xb5: {  	_ =	sfence  }
0xb6: {  	s30 =	sld [smem:$0x0];
	_ =	sdelay $0x2  }
0xb7: {  	s31 =	sshll.u32 s1, $0xD;
	s1 =	sshrl.u32 s1, $0x2  }
0xb8: {  	s3 =	sand.u32 $0x4000, s31;
	s1 =	sadd.s32 s1, s30  }
0xb9: {  	s0 =	sor.u32 s3, s0;
	s1 =	sshll.u32 s1, $0x11  }
0xba: {  	s0 =	sor.u32 s1, s0  }
0xbb: {  	s0 =	sadd.s32 $0x8F2B, s0  }
0xbc: {  	[sflag:s0] =	ssyncadd.remote.s32 $0x1  }
0xbd: {  	_ =	sfence.sel $0xFFFF  }
0xbe: {  	[dreg:$0x0] =	wrdreg $0xFFFFFFFF;
	(pc) =	sbr.abs _section_cstart, $3  }
0xbf: {  	[dreg:$0x1] =	wrdreg $0xFFFFFFFF  }
0xc0: {  	_ =	task.clear_ibuf [dreg:s6], $0x2FFFF;
	_ =	strace $0x9FFFFFFF  }
0xc1: {  	(tm) =	ssettm $0x7FFFFFFF  }
tec
execute0_lowered:
.L_overlay_start_1:
0x0: {  	(tag) =	ssettag $0x1  }
0x1: {  	s0 =	srdreg.scid  }
0x2: {  	s0 =	sand.u32 $0x1, s0  }
0x3: {  	s3 =	stileid.u32;
	s1 =	sshll.u32 s0, $0x4  }
0x4: {  	s1 =	sor.u32 s3, s1  }
0x5: {  	s2 =	rddreg [dreg:$0x0];
	s11 =	simm.s32 $0x0;
	s3 =	smul.u32 $0x5000, s1  }
0x6: {  	s7 =	simm.s32 $0x400;
	s8 =	simm.s32 $0x1;
	s9 =	simm.s32 $0xA00  }
0x7: {  	s10 =	simm.s32 $0x0;
	[smem:$0x7FF] =	sst s11;
	s3 =	sshrl.u32 s3, $0x3  }
0x8: {  	s0 =	ssub.s32 $0x2, s0;
	_ =	strace $0x8000004A;
	s3 =	sadd.s32 s3, s2  }
0x9: {  	s4 =	sshrl.u32 s0, $0x1;
	s1 =	smul.u32 $0x140, s1;
	s15 =	sadd.s32 $0x5000, s3  }
0xa: {  	s6 =	ssub.s32 s0, s4;
	s16 =	sadd.s32 $0x5010, s3;
	[dreg:$0x2] =	wrdreg s15  }
0xb: {  	s5 =	sadd.s32 s1, s2;
	s17 =	sadd.s32 $0x5020, s3;
	[dreg:$0x3] =	wrdreg s16  }
0xc: {  	s4 =	sadd.s32 $0x55000, s5;
	s18 =	sadd.s32 $0x5030, s3;
	[dreg:$0x4] =	wrdreg s17  }
0xd: {  	s5 =	smax.u32 s6, $0x1;
	s19 =	sadd.s32 $0x5040, s3;
	[dreg:$0x5] =	wrdreg s18  }
0xe: {  	s6 =	simm.s32 $0x80;
	s20 =	sadd.s32 $0x5050, s3;
	[dreg:$0x6] =	wrdreg s19  }
0xf: {  	s21 =	sadd.s32 $0x5060, s3;
	s22 =	sadd.s32 $0x5070, s3;
	[dreg:$0x7] =	wrdreg s20  }
0x10: {  	s23 =	sadd.s32 $0x19000, s3;
	s24 =	sadd.s32 $0x19010, s3;
	[dreg:$0x8] =	wrdreg s21  }
0x11: {  	s25 =	sadd.s32 $0x19020, s3;
	s26 =	sadd.s32 $0x19030, s3;
	[dreg:$0x9] =	wrdreg s22  }
0x12: {  	s28 =	sadd.s32 $0x41000, s3;
	s29 =	sadd.s32 $0x41010, s3;
	[dreg:$0xa] =	wrdreg s23  }
0x13: {  	s30 =	sadd.s32 $0x41020, s3;
	s31 =	sadd.s32 $0x41030, s3;
	[dreg:$0xb] =	wrdreg s24  }
0x14: {  	s1 =	sadd.s32 $0x41040, s3;
	s0 =	sadd.s32 $0x41050, s3;
	[dreg:$0xc] =	wrdreg s25  }
0x15: {  	s2 =	sadd.s32 $0x41060, s3;
	[dreg:$0xd] =	wrdreg s26;
	s15 =	sadd.s32 $0x19040, s3  }
0x16: {  	s16 =	sadd.s32 $0x19050, s3;
	s17 =	sadd.s32 $0x19060, s3;
	s18 =	sadd.s32 $0x19070, s3  }
0x17: {  	s19 =	sadd.s32 $0x2D000, s3;
	s20 =	sadd.s32 $0x2D010, s3;
	s21 =	sadd.s32 $0x2D020, s3  }
0x18: {  	s22 =	sadd.s32 $0x2D030, s3;
	s23 =	sadd.s32 $0x2D040, s3;
	s24 =	sadd.s32 $0x2D050, s3  }
0x19: {  	s25 =	sadd.s32 $0x2D060, s3;
	s26 =	sadd.s32 $0x2D070, s3;
	s3 =	sadd.s32 $0x41070, s3  }
.LBB2_1:
0x1a: {  	s12 =	rddreg [dreg:$0x2]  }
0x1b: {  	[tilespmem:s11], [sflag:$0x1] =	stream.strided.gather [hbm4b:s12+s6], $0xA00, s7, s6, $0x38;
	[tilespmem:$0x1E00] =	vst v63  }
0x1c: {  	_ =	swait.ge [sflag:s8], $0xA00  }
0x1d: {  	[sflag:s8] =	ssyncset.done $0x0  }
0x1e: {  	s14 =	rddreg [dreg:$0x3];
	[sflag:s8] =	ssyncadd.s32 $0xFFFFF600  }
0x1f: {  	[tilespmem:s9], [sflag:$0x1] =	stream.strided.gather [hbm4b:s14+s6], $0xA00, s7, s6, $0x38;
	[tilespmem:$0x1E00] =	vst v63  }
0x20: {  	_ =	swait.ge [sflag:s8], $0xA00  }
0x21: {  	[sflag:s8] =	ssyncset.done $0x0  }
0x22: {  	s11 =	simm.s32 $0x0;
	[sflag:s8] =	ssyncadd.s32 $0xFFFFF600  }
0x23: {  	s12 =	simm.s32 $0x40;
	v0 =	vld [tilespmem:s11+$0xA00]  }
.LBB2_2:
0x24: {  	p0 =	sne.s32 s12, $0x27C0;
	v1 =	vld [tilespmem:s11+$0x0];
	_ =	sdelay $0x2  }
.Ltmp0:
0x25: {  	(pc) =	sbr.rel @p0 .LBB2_2-.Ltmp0, $4  }
0x26: {  	_ = 	snop  }
0x27: {  	v1 =	vadd.f32 v0, v1  }
0x28: {  	s13 =	sshra.s32 s12, $0x2  }
0x29: {  	s12 =	sadd.s32 $0x40, s12;
	v0 =	vld [tilespmem:s13+$0xA00];
	[tilespmem:s11+$0x0] =	vst v1;
	s11 =	smov.u32 s13  }
0x2a: {  	v1 =	vld [tilespmem:s11+$0x0];
	_ =	sdelay $0x4  }
0x2b: {  	v0 =	vadd.f32 v0, v1;
	_ =	sdelay $0x1  }
0x2c: {  	s14 =	rddreg [dreg:$0x4];
	[tilespmem:s11+$0x0] =	vst v0  }
0x2d: {  	[tilespmem:s9], [sflag:$0x1] =	stream.strided.gather [hbm4b:s14+s6], $0xA00, s7, s6, $0x38;
	[tilespmem:$0x1E00] =	vst v63  }
0x2e: {  	_ =	swait.ge [sflag:s8], $0xA00  }
0x2f: {  	[sflag:s8] =	ssyncset.done $0x0  }
0x30: {  	s11 =	simm.s32 $0x0;
	[sflag:s8] =	ssyncadd.s32 $0xFFFFF600  }
0x31: {  	s12 =	simm.s32 $0x40;
	v0 =	vld [tilespmem:s11+$0xA00]  }
.LBB2_4:
0x32: {  	p0 =	sne.s32 s12, $0x27C0;
	v1 =	vld [tilespmem:s11+$0x0];
	_ =	sdelay $0x2  }
.Ltmp1:
0x33: {  	(pc) =	sbr.rel @p0 .LBB2_4-.Ltmp1, $4  }
0x34: {  	_ = 	snop  }
0x35: {  	v1 =	vadd.f32 v0, v1  }
0x36: {  	s13 =	sshra.s32 s12, $0x2  }
0x37: {  	s12 =	sadd.s32 $0x40, s12;
	v0 =	vld [tilespmem:s13+$0xA00];
	[tilespmem:s11+$0x0] =	vst v1;
	s11 =	smov.u32 s13  }
0x38: {  	v1 =	vld [tilespmem:s11+$0x0];
	_ =	sdelay $0x4  }
0x39: {  	v0 =	vadd.f32 v0, v1;
	_ =	sdelay $0x1  }
0x3a: {  	s14 =	rddreg [dreg:$0x5];
	[tilespmem:s11+$0x0] =	vst v0  }
0x3b: {  	[tilespmem:s9], [sflag:$0x1] =	stream.strided.gather [hbm4b:s14+s6], $0xA00, s7, s6, $0x38;
	[tilespmem:$0x1E00] =	vst v63  }
0x3c: {  	_ =	swait.ge [sflag:s8], $0xA00  }
0x3d: {  	[sflag:s8] =	ssyncset.done $0x0  }
0x3e: {  	s11 =	simm.s32 $0x0;
	[sflag:s8] =	ssyncadd.s32 $0xFFFFF600  }
0x3f: {  	s12 =	simm.s32 $0x40;
	v0 =	vld [tilespmem:s11+$0xA00]  }
.LBB2_6:
0x40: {  	p0 =	sne.s32 s12, $0x27C0;
	v1 =	vld [tilespmem:s11+$0x0];
	_ =	sdelay $0x2  }
.Ltmp2:
0x41: {  	(pc) =	sbr.rel @p0 .LBB2_6-.Ltmp2, $4  }
0x42: {  	_ = 	snop  }
0x43: {  	v1 =	vadd.f32 v0, v1  }
0x44: {  	s13 =	sshra.s32 s12, $0x2  }
0x45: {  	s12 =	sadd.s32 $0x40, s12;
	v0 =	vld [tilespmem:s13+$0xA00];
	[tilespmem:s11+$0x0] =	vst v1;
	s11 =	smov.u32 s13  }
0x46: {  	v1 =	vld [tilespmem:s11+$0x0];
	_ =	sdelay $0x4  }
0x47: {  	v0 =	vadd.f32 v0, v1;
	_ =	sdelay $0x1  }
0x48: {  	s14 =	rddreg [dreg:$0x6];
	[tilespmem:s11+$0x0] =	vst v0  }
0x49: {  	[tilespmem:s9], [sflag:$0x1] =	stream.strided.gather [hbm4b:s14+s6], $0xA00, s7, s6, $0x38;
	[tilespmem:$0x1E00] =	vst v63  }
0x4a: {  	_ =	swait.ge [sflag:s8], $0xA00  }
0x4b: {  	[sflag:s8] =	ssyncset.done $0x0  }
0x4c: {  	s11 =	simm.s32 $0x0;
	[sflag:s8] =	ssyncadd.s32 $0xFFFFF600  }
0x4d: {  	s12 =	simm.s32 $0x40;
	v0 =	vld [tilespmem:s11+$0xA00]  }
.LBB2_8:
0x4e: {  	p0 =	sne.s32 s12, $0x27C0;
	v1 =	vld [tilespmem:s11+$0x0];
	_ =	sdelay $0x2  }
.Ltmp3:
0x4f: {  	(pc) =	sbr.rel @p0 .LBB2_8-.Ltmp3, $4  }
0x50: {  	_ = 	snop  }
0x51: {  	v1 =	vadd.f32 v0, v1  }
0x52: {  	s13 =	sshra.s32 s12, $0x2  }
0x53: {  	s12 =	sadd.s32 $0x40, s12;
	v0 =	vld [tilespmem:s13+$0xA00];
	[tilespmem:s11+$0x0] =	vst v1;
	s11 =	smov.u32 s13  }
0x54: {  	v1 =	vld [tilespmem:s11+$0x0];
	_ =	sdelay $0x4  }
0x55: {  	v0 =	vadd.f32 v0, v1;
	_ =	sdelay $0x1  }
0x56: {  	s14 =	rddreg [dreg:$0x7];
	[tilespmem:s11+$0x0] =	vst v0  }
0x57: {  	[tilespmem:s9], [sflag:$0x1] =	stream.strided.gather [hbm4b:s14+s6], $0xA00, s7, s6, $0x38;
	[tilespmem:$0x1E00] =	vst v63  }
0x58: {  	_ =	swait.ge [sflag:s8], $0xA00  }
0x59: {  	[sflag:s8] =	ssyncset.done $0x0  }
0x5a: {  	s11 =	simm.s32 $0x0;
	[sflag:s8] =	ssyncadd.s32 $0xFFFFF600  }
0x5b: {  	s12 =	simm.s32 $0x40;
	v0 =	vld [tilespmem:s11+$0xA00]  }
.LBB2_10:
0x5c: {  	p0 =	sne.s32 s12, $0x27C0;
	v1 =	vld [tilespmem:s11+$0x0];
	_ =	sdelay $0x2  }
.Ltmp4:
0x5d: {  	(pc) =	sbr.rel @p0 .LBB2_10-.Ltmp4, $4  }
0x5e: {  	_ = 	snop  }
0x5f: {  	v1 =	vadd.f32 v0, v1  }
0x60: {  	s13 =	sshra.s32 s12, $0x2  }
0x61: {  	s12 =	sadd.s32 $0x40, s12;
	v0 =	vld [tilespmem:s13+$0xA00];
	[tilespmem:s11+$0x0] =	vst v1;
	s11 =	smov.u32 s13  }
0x62: {  	v1 =	vld [tilespmem:s11+$0x0];
	_ =	sdelay $0x4  }
0x63: {  	v0 =	vadd.f32 v0, v1;
	_ =	sdelay $0x1  }
0x64: {  	s14 =	rddreg [dreg:$0x8];
	[tilespmem:s11+$0x0] =	vst v0  }
0x65: {  	[tilespmem:s9], [sflag:$0x1] =	stream.strided.gather [hbm4b:s14+s6], $0xA00, s7, s6, $0x38;
	[tilespmem:$0x1E00] =	vst v63  }
0x66: {  	_ =	swait.ge [sflag:s8], $0xA00  }
0x67: {  	[sflag:s8] =	ssyncset.done $0x0  }
0x68: {  	s11 =	simm.s32 $0x0;
	[sflag:s8] =	ssyncadd.s32 $0xFFFFF600  }
0x69: {  	s12 =	simm.s32 $0x40;
	v0 =	vld [tilespmem:s11+$0xA00]  }
.LBB2_12:
0x6a: {  	p0 =	sne.s32 s12, $0x27C0;
	v1 =	vld [tilespmem:s11+$0x0];
	_ =	sdelay $0x2  }
.Ltmp5:
0x6b: {  	(pc) =	sbr.rel @p0 .LBB2_12-.Ltmp5, $4  }
0x6c: {  	_ = 	snop  }
0x6d: {  	v1 =	vadd.f32 v0, v1  }
0x6e: {  	s13 =	sshra.s32 s12, $0x2  }
0x6f: {  	s12 =	sadd.s32 $0x40, s12;
	v0 =	vld [tilespmem:s13+$0xA00];
	[tilespmem:s11+$0x0] =	vst v1;
	s11 =	smov.u32 s13  }
0x70: {  	v1 =	vld [tilespmem:s11+$0x0];
	_ =	sdelay $0x4  }
0x71: {  	v0 =	vadd.f32 v0, v1;
	_ =	sdelay $0x1  }
0x72: {  	s14 =	rddreg [dreg:$0x9];
	[tilespmem:s11+$0x0] =	vst v0  }
0x73: {  	[tilespmem:s9], [sflag:$0x1] =	stream.strided.gather [hbm4b:s14+s6], $0xA00, s7, s6, $0x38;
	[tilespmem:$0x1E00] =	vst v63  }
0x74: {  	_ =	swait.ge [sflag:s8], $0xA00  }
0x75: {  	[sflag:s8] =	ssyncset.done $0x0  }
0x76: {  	s11 =	simm.s32 $0x0;
	[sflag:s8] =	ssyncadd.s32 $0xFFFFF600  }
0x77: {  	s12 =	simm.s32 $0x40;
	v0 =	vld [tilespmem:s11+$0xA00]  }
.LBB2_14:
0x78: {  	p0 =	sne.s32 s12, $0x27C0;
	v1 =	vld [tilespmem:s11+$0x0];
	_ =	sdelay $0x2  }
.Ltmp6:
0x79: {  	(pc) =	sbr.rel @p0 .LBB2_14-.Ltmp6, $4  }
0x7a: {  	_ = 	snop  }
0x7b: {  	v1 =	vadd.f32 v0, v1  }
0x7c: {  	s13 =	sshra.s32 s12, $0x2  }
0x7d: {  	s12 =	sadd.s32 $0x40, s12;
	v0 =	vld [tilespmem:s13+$0xA00];
	[tilespmem:s11+$0x0] =	vst v1;
	s11 =	smov.u32 s13  }
0x7e: {  	v1 =	vld [tilespmem:s11+$0x0];
	_ =	sdelay $0x4  }
0x7f: {  	v0 =	vadd.f32 v0, v1;
	_ =	sdelay $0x1  }
0x80: {  	s14 =	rddreg [dreg:$0xa];
	[tilespmem:s11+$0x0] =	vst v0  }
0x81: {  	[tilespmem:s9], [sflag:$0x1] =	stream.strided.gather [hbm4b:s14+s6], $0xA00, s7, s6, $0x38;
	[tilespmem:$0x1E00] =	vst v63  }
0x82: {  	_ =	swait.ge [sflag:s8], $0xA00  }
0x83: {  	[sflag:s8] =	ssyncset.done $0x0  }
0x84: {  	s11 =	simm.s32 $0x0;
	[sflag:s8] =	ssyncadd.s32 $0xFFFFF600  }
0x85: {  	s12 =	simm.s32 $0x40;
	v0 =	vld [tilespmem:s11+$0xA00]  }
.LBB2_16:
0x86: {  	p0 =	sne.s32 s12, $0x27C0;
	v1 =	vld [tilespmem:s11+$0x0];
	_ =	sdelay $0x2  }
.Ltmp7:
0x87: {  	(pc) =	sbr.rel @p0 .LBB2_16-.Ltmp7, $4  }
0x88: {  	_ = 	snop  }
0x89: {  	v1 =	vadd.f32 v0, v1  }
0x8a: {  	s13 =	sshra.s32 s12, $0x2  }
0x8b: {  	s12 =	sadd.s32 $0x40, s12;
	v0 =	vld [tilespmem:s13+$0xA00];
	[tilespmem:s11+$0x0] =	vst v1;
	s11 =	smov.u32 s13  }
0x8c: {  	v1 =	vld [tilespmem:s11+$0x0];
	_ =	sdelay $0x4  }
0x8d: {  	v0 =	vadd.f32 v0, v1;
	_ =	sdelay $0x1  }
0x8e: {  	s14 =	rddreg [dreg:$0xb];
	[tilespmem:s11+$0x0] =	vst v0  }
0x8f: {  	[tilespmem:s9], [sflag:$0x1] =	stream.strided.gather [hbm4b:s14+s6], $0xA00, s7, s6, $0x38;
	[tilespmem:$0x1E00] =	vst v63  }
0x90: {  	_ =	swait.ge [sflag:s8], $0xA00  }
0x91: {  	[sflag:s8] =	ssyncset.done $0x0  }
0x92: {  	s11 =	simm.s32 $0x0;
	[sflag:s8] =	ssyncadd.s32 $0xFFFFF600  }
0x93: {  	s12 =	simm.s32 $0x40;
	v0 =	vld [tilespmem:s11+$0xA00]  }
.LBB2_18:
0x94: {  	p0 =	sne.s32 s12, $0x27C0;
	v1 =	vld [tilespmem:s11+$0x0];
	_ =	sdelay $0x2  }
.Ltmp8:
0x95: {  	(pc) =	sbr.rel @p0 .LBB2_18-.Ltmp8, $4  }
0x96: {  	_ = 	snop  }
0x97: {  	v1 =	vadd.f32 v0, v1  }
0x98: {  	s13 =	sshra.s32 s12, $0x2  }
0x99: {  	s12 =	sadd.s32 $0x40, s12;
	v0 =	vld [tilespmem:s13+$0xA00];
	[tilespmem:s11+$0x0] =	vst v1;
	s11 =	smov.u32 s13  }
0x9a: {  	v1 =	vld [tilespmem:s11+$0x0];
	_ =	sdelay $0x4  }
0x9b: {  	v0 =	vadd.f32 v0, v1;
	_ =	sdelay $0x1  }
0x9c: {  	s14 =	rddreg [dreg:$0xc];
	[tilespmem:s11+$0x0] =	vst v0  }
0x9d: {  	[tilespmem:s9], [sflag:$0x1] =	stream.strided.gather [hbm4b:s14+s6], $0xA00, s7, s6, $0x38;
	[tilespmem:$0x1E00] =	vst v63  }
0x9e: {  	_ =	swait.ge [sflag:s8], $0xA00  }
0x9f: {  	[sflag:s8] =	ssyncset.done $0x0  }
0xa0: {  	s11 =	simm.s32 $0x0;
	[sflag:s8] =	ssyncadd.s32 $0xFFFFF600  }
0xa1: {  	s12 =	simm.s32 $0x40;
	v0 =	vld [tilespmem:s11+$0xA00]  }
.LBB2_20:
0xa2: {  	p0 =	sne.s32 s12, $0x27C0;
	v1 =	vld [tilespmem:s11+$0x0];
	_ =	sdelay $0x2  }
.Ltmp9:
0xa3: {  	(pc) =	sbr.rel @p0 .LBB2_20-.Ltmp9, $4  }
0xa4: {  	_ = 	snop  }
0xa5: {  	v1 =	vadd.f32 v0, v1  }
0xa6: {  	s13 =	sshra.s32 s12, $0x2  }
0xa7: {  	s12 =	sadd.s32 $0x40, s12;
	v0 =	vld [tilespmem:s13+$0xA00];
	[tilespmem:s11+$0x0] =	vst v1;
	s11 =	smov.u32 s13  }
0xa8: {  	v1 =	vld [tilespmem:s11+$0x0];
	_ =	sdelay $0x4  }
0xa9: {  	v0 =	vadd.f32 v0, v1;
	_ =	sdelay $0x1  }
0xaa: {  	s14 =	rddreg [dreg:$0xd];
	[tilespmem:s11+$0x0] =	vst v0  }
0xab: {  	[tilespmem:s9], [sflag:$0x1] =	stream.strided.gather [hbm4b:s14+s6], $0xA00, s7, s6, $0x38;
	[tilespmem:$0x1E00] =	vst v63  }
0xac: {  	_ =	swait.ge [sflag:s8], $0xA00  }
0xad: {  	[sflag:s8] =	ssyncset.done $0x0  }
0xae: {  	s11 =	simm.s32 $0x0;
	[sflag:s8] =	ssyncadd.s32 $0xFFFFF600  }
0xaf: {  	s12 =	simm.s32 $0x40;
	v0 =	vld [tilespmem:s11+$0xA00]  }
.LBB2_22:
0xb0: {  	p0 =	sne.s32 s12, $0x27C0;
	v1 =	vld [tilespmem:s11+$0x0];
	_ =	sdelay $0x2  }
.Ltmp10:
0xb1: {  	(pc) =	sbr.rel @p0 .LBB2_22-.Ltmp10, $4  }
0xb2: {  	_ = 	snop  }
0xb3: {  	v1 =	vadd.f32 v0, v1  }
0xb4: {  	s13 =	sshra.s32 s12, $0x2  }
0xb5: {  	s12 =	sadd.s32 $0x40, s12;
	v0 =	vld [tilespmem:s13+$0xA00];
	[tilespmem:s11+$0x0] =	vst v1;
	s11 =	smov.u32 s13  }
0xb6: {  	v1 =	vld [tilespmem:s11+$0x0];
	_ =	sdelay $0x4  }
0xb7: {  	v0 =	vadd.f32 v0, v1;
	_ =	sdelay $0x1  }
0xb8: {  	[tilespmem:s11+$0x0] =	vst v0  }
0xb9: {  	[tilespmem:s9], [sflag:$0x1] =	stream.strided.gather [hbm4b:s15+s6], $0xA00, s7, s6, $0x38;
	[tilespmem:$0x1E00] =	vst v63  }
0xba: {  	_ =	swait.ge [sflag:s8], $0xA00  }
0xbb: {  	[sflag:s8] =	ssyncset.done $0x0  }
0xbc: {  	s11 =	simm.s32 $0x0;
	[sflag:s8] =	ssyncadd.s32 $0xFFFFF600  }
0xbd: {  	s12 =	simm.s32 $0x40;
	v0 =	vld [tilespmem:s11+$0xA00]  }
.LBB2_24:
0xbe: {  	p0 =	sne.s32 s12, $0x27C0;
	v1 =	vld [tilespmem:s11+$0x0];
	_ =	sdelay $0x2  }
.Ltmp11:
0xbf: {  	(pc) =	sbr.rel @p0 .LBB2_24-.Ltmp11, $4  }
0xc0: {  	_ = 	snop  }
0xc1: {  	v1 =	vadd.f32 v0, v1  }
0xc2: {  	s13 =	sshra.s32 s12, $0x2  }
0xc3: {  	s12 =	sadd.s32 $0x40, s12;
	v0 =	vld [tilespmem:s13+$0xA00];
	[tilespmem:s11+$0x0] =	vst v1;
	s11 =	smov.u32 s13  }
0xc4: {  	v1 =	vld [tilespmem:s11+$0x0];
	_ =	sdelay $0x4  }
0xc5: {  	v0 =	vadd.f32 v0, v1;
	_ =	sdelay $0x1  }
0xc6: {  	[tilespmem:s11+$0x0] =	vst v0  }
0xc7: {  	[tilespmem:s9], [sflag:$0x1] =	stream.strided.gather [hbm4b:s16+s6], $0xA00, s7, s6, $0x38;
	[tilespmem:$0x1E00] =	vst v63  }
0xc8: {  	_ =	swait.ge [sflag:s8], $0xA00  }
0xc9: {  	[sflag:s8] =	ssyncset.done $0x0  }
0xca: {  	s11 =	simm.s32 $0x0;
	[sflag:s8] =	ssyncadd.s32 $0xFFFFF600  }
0xcb: {  	s12 =	simm.s32 $0x40;
	v0 =	vld [tilespmem:s11+$0xA00]  }
.LBB2_26:
0xcc: {  	p0 =	sne.s32 s12, $0x27C0;
	v1 =	vld [tilespmem:s11+$0x0];
	_ =	sdelay $0x2  }
.Ltmp12:
0xcd: {  	(pc) =	sbr.rel @p0 .LBB2_26-.Ltmp12, $4  }
0xce: {  	_ = 	snop  }
0xcf: {  	v1 =	vadd.f32 v0, v1  }
0xd0: {  	s13 =	sshra.s32 s12, $0x2  }
0xd1: {  	s12 =	sadd.s32 $0x40, s12;
	v0 =	vld [tilespmem:s13+$0xA00];
	[tilespmem:s11+$0x0] =	vst v1;
	s11 =	smov.u32 s13  }
0xd2: {  	v1 =	vld [tilespmem:s11+$0x0];
	_ =	sdelay $0x4  }
0xd3: {  	v0 =	vadd.f32 v0, v1;
	_ =	sdelay $0x1  }
0xd4: {  	[tilespmem:s11+$0x0] =	vst v0  }
0xd5: {  	[tilespmem:s9], [sflag:$0x1] =	stream.strided.gather [hbm4b:s17+s6], $0xA00, s7, s6, $0x38;
	[tilespmem:$0x1E00] =	vst v63  }
0xd6: {  	_ =	swait.ge [sflag:s8], $0xA00  }
0xd7: {  	[sflag:s8] =	ssyncset.done $0x0  }
0xd8: {  	s11 =	simm.s32 $0x0;
	[sflag:s8] =	ssyncadd.s32 $0xFFFFF600  }
0xd9: {  	s12 =	simm.s32 $0x40;
	v0 =	vld [tilespmem:s11+$0xA00]  }
.LBB2_28:
0xda: {  	p0 =	sne.s32 s12, $0x27C0;
	v1 =	vld [tilespmem:s11+$0x0];
	_ =	sdelay $0x2  }
.Ltmp13:
0xdb: {  	(pc) =	sbr.rel @p0 .LBB2_28-.Ltmp13, $4  }
0xdc: {  	_ = 	snop  }
0xdd: {  	v1 =	vadd.f32 v0, v1  }
0xde: {  	s13 =	sshra.s32 s12, $0x2  }
0xdf: {  	s12 =	sadd.s32 $0x40, s12;
	v0 =	vld [tilespmem:s13+$0xA00];
	[tilespmem:s11+$0x0] =	vst v1;
	s11 =	smov.u32 s13  }
0xe0: {  	v1 =	vld [tilespmem:s11+$0x0];
	_ =	sdelay $0x4  }
0xe1: {  	v0 =	vadd.f32 v0, v1;
	_ =	sdelay $0x1  }
0xe2: {  	[tilespmem:s11+$0x0] =	vst v0  }
0xe3: {  	[tilespmem:s9], [sflag:$0x1] =	stream.strided.gather [hbm4b:s18+s6], $0xA00, s7, s6, $0x38;
	[tilespmem:$0x1E00] =	vst v63  }
0xe4: {  	_ =	swait.ge [sflag:s8], $0xA00  }
0xe5: {  	[sflag:s8] =	ssyncset.done $0x0  }
0xe6: {  	s11 =	simm.s32 $0x0;
	[sflag:s8] =	ssyncadd.s32 $0xFFFFF600  }
0xe7: {  	s12 =	simm.s32 $0x40;
	v0 =	vld [tilespmem:s11+$0xA00]  }
.LBB2_30:
0xe8: {  	p0 =	sne.s32 s12, $0x27C0;
	v1 =	vld [tilespmem:s11+$0x0];
	_ =	sdelay $0x2  }
.Ltmp14:
0xe9: {  	(pc) =	sbr.rel @p0 .LBB2_30-.Ltmp14, $4  }
0xea: {  	_ = 	snop  }
0xeb: {  	v1 =	vadd.f32 v0, v1  }
0xec: {  	s13 =	sshra.s32 s12, $0x2  }
0xed: {  	s12 =	sadd.s32 $0x40, s12;
	v0 =	vld [tilespmem:s13+$0xA00];
	[tilespmem:s11+$0x0] =	vst v1;
	s11 =	smov.u32 s13  }
0xee: {  	v1 =	vld [tilespmem:s11+$0x0];
	_ =	sdelay $0x4  }
0xef: {  	v0 =	vadd.f32 v0, v1;
	_ =	sdelay $0x1  }
0xf0: {  	[tilespmem:s11+$0x0] =	vst v0  }
0xf1: {  	[tilespmem:s9], [sflag:$0x1] =	stream.strided.gather [hbm4b:s19+s6], $0xA00, s7, s6, $0x38;
	[tilespmem:$0x1E00] =	vst v63  }
0xf2: {  	_ =	swait.ge [sflag:s8], $0xA00  }
0xf3: {  	[sflag:s8] =	ssyncset.done $0x0  }
0xf4: {  	s11 =	simm.s32 $0x0;
	[sflag:s8] =	ssyncadd.s32 $0xFFFFF600  }
0xf5: {  	s12 =	simm.s32 $0x40;
	v0 =	vld [tilespmem:s11+$0xA00]  }
.LBB2_32:
0xf6: {  	p0 =	sne.s32 s12, $0x27C0;
	v1 =	vld [tilespmem:s11+$0x0];
	_ =	sdelay $0x2  }
.Ltmp15:
0xf7: {  	(pc) =	sbr.rel @p0 .LBB2_32-.Ltmp15, $4  }
0xf8: {  	_ = 	snop  }
0xf9: {  	v1 =	vadd.f32 v0, v1  }
0xfa: {  	s13 =	sshra.s32 s12, $0x2  }
0xfb: {  	s12 =	sadd.s32 $0x40, s12;
	v0 =	vld [tilespmem:s13+$0xA00];
	[tilespmem:s11+$0x0] =	vst v1;
	s11 =	smov.u32 s13  }
0xfc: {  	v1 =	vld [tilespmem:s11+$0x0];
	_ =	sdelay $0x4  }
0xfd: {  	v0 =	vadd.f32 v0, v1;
	_ =	sdelay $0x1  }
0xfe: {  	[tilespmem:s11+$0x0] =	vst v0  }
0xff: {  	[tilespmem:s9], [sflag:$0x1] =	stream.strided.gather [hbm4b:s20+s6], $0xA00, s7, s6, $0x38;
	[tilespmem:$0x1E00] =	vst v63  }
0x100: {  	_ =	swait.ge [sflag:s8], $0xA00  }
0x101: {  	[sflag:s8] =	ssyncset.done $0x0  }
0x102: {  	s11 =	simm.s32 $0x0;
	[sflag:s8] =	ssyncadd.s32 $0xFFFFF600  }
0x103: {  	s12 =	simm.s32 $0x40;
	v0 =	vld [tilespmem:s11+$0xA00]  }
.LBB2_34:
0x104: {  	p0 =	sne.s32 s12, $0x27C0;
	v1 =	vld [tilespmem:s11+$0x0];
	_ =	sdelay $0x2  }
.Ltmp16:
0x105: {  	(pc) =	sbr.rel @p0 .LBB2_34-.Ltmp16, $4  }
0x106: {  	_ = 	snop  }
0x107: {  	v1 =	vadd.f32 v0, v1  }
0x108: {  	s13 =	sshra.s32 s12, $0x2  }
0x109: {  	s12 =	sadd.s32 $0x40, s12;
	v0 =	vld [tilespmem:s13+$0xA00];
	[tilespmem:s11+$0x0] =	vst v1;
	s11 =	smov.u32 s13  }
0x10a: {  	v1 =	vld [tilespmem:s11+$0x0];
	_ =	sdelay $0x4  }
0x10b: {  	v0 =	vadd.f32 v0, v1;
	_ =	sdelay $0x1  }
0x10c: {  	[tilespmem:s11+$0x0] =	vst v0  }
0x10d: {  	[tilespmem:s9], [sflag:$0x1] =	stream.strided.gather [hbm4b:s21+s6], $0xA00, s7, s6, $0x38;
	[tilespmem:$0x1E00] =	vst v63  }
0x10e: {  	_ =	swait.ge [sflag:s8], $0xA00  }
0x10f: {  	[sflag:s8] =	ssyncset.done $0x0  }
0x110: {  	s11 =	simm.s32 $0x0;
	[sflag:s8] =	ssyncadd.s32 $0xFFFFF600  }
0x111: {  	s12 =	simm.s32 $0x40;
	v0 =	vld [tilespmem:s11+$0xA00]  }
.LBB2_36:
0x112: {  	p0 =	sne.s32 s12, $0x27C0;
	v1 =	vld [tilespmem:s11+$0x0];
	_ =	sdelay $0x2  }
.Ltmp17:
0x113: {  	(pc) =	sbr.rel @p0 .LBB2_36-.Ltmp17, $4  }
0x114: {  	_ = 	snop  }
0x115: {  	v1 =	vadd.f32 v0, v1  }
0x116: {  	s13 =	sshra.s32 s12, $0x2  }
0x117: {  	s12 =	sadd.s32 $0x40, s12;
	v0 =	vld [tilespmem:s13+$0xA00];
	[tilespmem:s11+$0x0] =	vst v1;
	s11 =	smov.u32 s13  }
0x118: {  	v1 =	vld [tilespmem:s11+$0x0];
	_ =	sdelay $0x4  }
0x119: {  	v0 =	vadd.f32 v0, v1;
	_ =	sdelay $0x1  }
0x11a: {  	[tilespmem:s11+$0x0] =	vst v0  }
0x11b: {  	[tilespmem:s9], [sflag:$0x1] =	stream.strided.gather [hbm4b:s22+s6], $0xA00, s7, s6, $0x38;
	[tilespmem:$0x1E00] =	vst v63  }
0x11c: {  	_ =	swait.ge [sflag:s8], $0xA00  }
0x11d: {  	[sflag:s8] =	ssyncset.done $0x0  }
0x11e: {  	s11 =	simm.s32 $0x0;
	[sflag:s8] =	ssyncadd.s32 $0xFFFFF600  }
0x11f: {  	s12 =	simm.s32 $0x40;
	v0 =	vld [tilespmem:s11+$0xA00]  }
.LBB2_38:
0x120: {  	p0 =	sne.s32 s12, $0x27C0;
	v1 =	vld [tilespmem:s11+$0x0];
	_ =	sdelay $0x2  }
.Ltmp18:
0x121: {  	(pc) =	sbr.rel @p0 .LBB2_38-.Ltmp18, $4  }
0x122: {  	_ = 	snop  }
0x123: {  	v1 =	vadd.f32 v0, v1  }
0x124: {  	s13 =	sshra.s32 s12, $0x2  }
0x125: {  	s12 =	sadd.s32 $0x40, s12;
	v0 =	vld [tilespmem:s13+$0xA00];
	[tilespmem:s11+$0x0] =	vst v1;
	s11 =	smov.u32 s13  }
0x126: {  	v1 =	vld [tilespmem:s11+$0x0];
	_ =	sdelay $0x4  }
0x127: {  	v0 =	vadd.f32 v0, v1;
	_ =	sdelay $0x1  }
0x128: {  	[tilespmem:s11+$0x0] =	vst v0  }
0x129: {  	[tilespmem:s9], [sflag:$0x1] =	stream.strided.gather [hbm4b:s23+s6], $0xA00, s7, s6, $0x38;
	[tilespmem:$0x1E00] =	vst v63  }
0x12a: {  	_ =	swait.ge [sflag:s8], $0xA00  }
0x12b: {  	[sflag:s8] =	ssyncset.done $0x0  }
0x12c: {  	s11 =	simm.s32 $0x0;
	[sflag:s8] =	ssyncadd.s32 $0xFFFFF600  }
0x12d: {  	s12 =	simm.s32 $0x40;
	v0 =	vld [tilespmem:s11+$0xA00]  }
.LBB2_40:
0x12e: {  	p0 =	sne.s32 s12, $0x27C0;
	v1 =	vld [tilespmem:s11+$0x0];
	_ =	sdelay $0x2  }
.Ltmp19:
0x12f: {  	(pc) =	sbr.rel @p0 .LBB2_40-.Ltmp19, $4  }
0x130: {  	_ = 	snop  }
0x131: {  	v1 =	vadd.f32 v0, v1  }
0x132: {  	s13 =	sshra.s32 s12, $0x2  }
0x133: {  	s12 =	sadd.s32 $0x40, s12;
	v0 =	vld [tilespmem:s13+$0xA00];
	[tilespmem:s11+$0x0] =	vst v1;
	s11 =	smov.u32 s13  }
0x134: {  	v1 =	vld [tilespmem:s11+$0x0];
	_ =	sdelay $0x4  }
0x135: {  	v0 =	vadd.f32 v0, v1;
	_ =	sdelay $0x1  }
0x136: {  	[tilespmem:s11+$0x0] =	vst v0  }
0x137: {  	[tilespmem:s9], [sflag:$0x1] =	stream.strided.gather [hbm4b:s24+s6], $0xA00, s7, s6, $0x38;
	[tilespmem:$0x1E00] =	vst v63  }
0x138: {  	_ =	swait.ge [sflag:s8], $0xA00  }
0x139: {  	[sflag:s8] =	ssyncset.done $0x0  }
0x13a: {  	s11 =	simm.s32 $0x0;
	[sflag:s8] =	ssyncadd.s32 $0xFFFFF600  }
0x13b: {  	s12 =	simm.s32 $0x40;
	v0 =	vld [tilespmem:s11+$0xA00]  }
.LBB2_42:
0x13c: {  	p0 =	sne.s32 s12, $0x27C0;
	v1 =	vld [tilespmem:s11+$0x0];
	_ =	sdelay $0x2  }
.Ltmp20:
0x13d: {  	(pc) =	sbr.rel @p0 .LBB2_42-.Ltmp20, $4  }
0x13e: {  	_ = 	snop  }
0x13f: {  	v1 =	vadd.f32 v0, v1  }
0x140: {  	s13 =	sshra.s32 s12, $0x2  }
0x141: {  	s12 =	sadd.s32 $0x40, s12;
	v0 =	vld [tilespmem:s13+$0xA00];
	[tilespmem:s11+$0x0] =	vst v1;
	s11 =	smov.u32 s13  }
0x142: {  	v1 =	vld [tilespmem:s11+$0x0];
	_ =	sdelay $0x4  }
0x143: {  	v0 =	vadd.f32 v0, v1;
	_ =	sdelay $0x1  }
0x144: {  	[tilespmem:s11+$0x0] =	vst v0  }
0x145: {  	[tilespmem:s9], [sflag:$0x1] =	stream.strided.gather [hbm4b:s25+s6], $0xA00, s7, s6, $0x38;
	[tilespmem:$0x1E00] =	vst v63  }
0x146: {  	_ =	swait.ge [sflag:s8], $0xA00  }
0x147: {  	[sflag:s8] =	ssyncset.done $0x0  }
0x148: {  	s11 =	simm.s32 $0x0;
	[sflag:s8] =	ssyncadd.s32 $0xFFFFF600  }
0x149: {  	s12 =	simm.s32 $0x40;
	v0 =	vld [tilespmem:s11+$0xA00]  }
.LBB2_44:
0x14a: {  	p0 =	sne.s32 s12, $0x27C0;
	v1 =	vld [tilespmem:s11+$0x0];
	_ =	sdelay $0x2  }
.Ltmp21:
0x14b: {  	(pc) =	sbr.rel @p0 .LBB2_44-.Ltmp21, $4  }
0x14c: {  	_ = 	snop  }
0x14d: {  	v1 =	vadd.f32 v0, v1  }
0x14e: {  	s13 =	sshra.s32 s12, $0x2  }
0x14f: {  	s12 =	sadd.s32 $0x40, s12;
	v0 =	vld [tilespmem:s13+$0xA00];
	[tilespmem:s11+$0x0] =	vst v1;
	s11 =	smov.u32 s13  }
0x150: {  	v1 =	vld [tilespmem:s11+$0x0];
	_ =	sdelay $0x4  }
0x151: {  	v0 =	vadd.f32 v0, v1;
	_ =	sdelay $0x1  }
0x152: {  	[tilespmem:s11+$0x0] =	vst v0  }
0x153: {  	[tilespmem:s9], [sflag:$0x1] =	stream.strided.gather [hbm4b:s26+s6], $0xA00, s7, s6, $0x38;
	[tilespmem:$0x1E00] =	vst v63  }
0x154: {  	_ =	swait.ge [sflag:s8], $0xA00  }
0x155: {  	[sflag:s8] =	ssyncset.done $0x0  }
0x156: {  	s11 =	simm.s32 $0x0;
	[sflag:s8] =	ssyncadd.s32 $0xFFFFF600  }
0x157: {  	s12 =	simm.s32 $0x40;
	v0 =	vld [tilespmem:s11+$0xA00]  }
.LBB2_46:
0x158: {  	p0 =	sne.s32 s12, $0x27C0;
	v1 =	vld [tilespmem:s11+$0x0];
	_ =	sdelay $0x2  }
.Ltmp22:
0x159: {  	(pc) =	sbr.rel @p0 .LBB2_46-.Ltmp22, $4  }
0x15a: {  	_ = 	snop  }
0x15b: {  	v1 =	vadd.f32 v0, v1  }
0x15c: {  	s13 =	sshra.s32 s12, $0x2  }
0x15d: {  	s12 =	sadd.s32 $0x40, s12;
	v0 =	vld [tilespmem:s13+$0xA00];
	[tilespmem:s11+$0x0] =	vst v1;
	s11 =	smov.u32 s13  }
0x15e: {  	v1 =	vld [tilespmem:s11+$0x0];
	_ =	sdelay $0x4  }
0x15f: {  	v0 =	vadd.f32 v0, v1;
	_ =	sdelay $0x1  }
0x160: {  	[tilespmem:s11+$0x0] =	vst v0  }
0x161: {  	[tilespmem:s9], [sflag:$0x1] =	stream.strided.gather [hbm4b:s28+s6], $0xA00, s7, s6, $0x38;
	[tilespmem:$0x1E00] =	vst v63  }
0x162: {  	_ =	swait.ge [sflag:s8], $0xA00  }
0x163: {  	[sflag:s8] =	ssyncset.done $0x0  }
0x164: {  	s11 =	simm.s32 $0x0;
	[sflag:s8] =	ssyncadd.s32 $0xFFFFF600  }
0x165: {  	s12 =	simm.s32 $0x40;
	v0 =	vld [tilespmem:s11+$0xA00]  }
.LBB2_48:
0x166: {  	p0 =	sne.s32 s12, $0x27C0;
	v1 =	vld [tilespmem:s11+$0x0];
	_ =	sdelay $0x2  }
.Ltmp23:
0x167: {  	(pc) =	sbr.rel @p0 .LBB2_48-.Ltmp23, $4  }
0x168: {  	_ = 	snop  }
0x169: {  	v1 =	vadd.f32 v0, v1  }
0x16a: {  	s13 =	sshra.s32 s12, $0x2  }
0x16b: {  	s12 =	sadd.s32 $0x40, s12;
	v0 =	vld [tilespmem:s13+$0xA00];
	[tilespmem:s11+$0x0] =	vst v1;
	s11 =	smov.u32 s13  }
0x16c: {  	v1 =	vld [tilespmem:s11+$0x0];
	_ =	sdelay $0x4  }
0x16d: {  	v0 =	vadd.f32 v0, v1;
	_ =	sdelay $0x1  }
0x16e: {  	[tilespmem:s11+$0x0] =	vst v0  }
0x16f: {  	[tilespmem:s9], [sflag:$0x1] =	stream.strided.gather [hbm4b:s29+s6], $0xA00, s7, s6, $0x38;
	[tilespmem:$0x1E00] =	vst v63  }
0x170: {  	_ =	swait.ge [sflag:s8], $0xA00  }
0x171: {  	[sflag:s8] =	ssyncset.done $0x0  }
0x172: {  	s11 =	simm.s32 $0x0;
	[sflag:s8] =	ssyncadd.s32 $0xFFFFF600  }
0x173: {  	s12 =	simm.s32 $0x40;
	v0 =	vld [tilespmem:s11+$0xA00]  }
.LBB2_50:
0x174: {  	p0 =	sne.s32 s12, $0x27C0;
	v1 =	vld [tilespmem:s11+$0x0];
	_ =	sdelay $0x2  }
.Ltmp24:
0x175: {  	(pc) =	sbr.rel @p0 .LBB2_50-.Ltmp24, $4  }
0x176: {  	_ = 	snop  }
0x177: {  	v1 =	vadd.f32 v0, v1  }
0x178: {  	s13 =	sshra.s32 s12, $0x2  }
0x179: {  	s12 =	sadd.s32 $0x40, s12;
	v0 =	vld [tilespmem:s13+$0xA00];
	[tilespmem:s11+$0x0] =	vst v1;
	s11 =	smov.u32 s13  }
0x17a: {  	v1 =	vld [tilespmem:s11+$0x0];
	_ =	sdelay $0x4  }
0x17b: {  	v0 =	vadd.f32 v0, v1;
	_ =	sdelay $0x1  }
0x17c: {  	[tilespmem:s11+$0x0] =	vst v0  }
0x17d: {  	[tilespmem:s9], [sflag:$0x1] =	stream.strided.gather [hbm4b:s30+s6], $0xA00, s7, s6, $0x38;
	[tilespmem:$0x1E00] =	vst v63  }
0x17e: {  	_ =	swait.ge [sflag:s8], $0xA00  }
0x17f: {  	[sflag:s8] =	ssyncset.done $0x0  }
0x180: {  	s11 =	simm.s32 $0x0;
	[sflag:s8] =	ssyncadd.s32 $0xFFFFF600  }
0x181: {  	s12 =	simm.s32 $0x40;
	v0 =	vld [tilespmem:s11+$0xA00]  }
.LBB2_52:
0x182: {  	p0 =	sne.s32 s12, $0x27C0;
	v1 =	vld [tilespmem:s11+$0x0];
	_ =	sdelay $0x2  }
.Ltmp25:
0x183: {  	(pc) =	sbr.rel @p0 .LBB2_52-.Ltmp25, $4  }
0x184: {  	_ = 	snop  }
0x185: {  	v1 =	vadd.f32 v0, v1  }
0x186: {  	s13 =	sshra.s32 s12, $0x2  }
0x187: {  	s12 =	sadd.s32 $0x40, s12;
	v0 =	vld [tilespmem:s13+$0xA00];
	[tilespmem:s11+$0x0] =	vst v1;
	s11 =	smov.u32 s13  }
0x188: {  	v1 =	vld [tilespmem:s11+$0x0];
	_ =	sdelay $0x4  }
0x189: {  	v0 =	vadd.f32 v0, v1;
	_ =	sdelay $0x1  }
0x18a: {  	[tilespmem:s11+$0x0] =	vst v0  }
0x18b: {  	[tilespmem:s9], [sflag:$0x1] =	stream.strided.gather [hbm4b:s31+s6], $0xA00, s7, s6, $0x38;
	[tilespmem:$0x1E00] =	vst v63  }
0x18c: {  	_ =	swait.ge [sflag:s8], $0xA00  }
0x18d: {  	[sflag:s8] =	ssyncset.done $0x0  }
0x18e: {  	s11 =	simm.s32 $0x0;
	[sflag:s8] =	ssyncadd.s32 $0xFFFFF600  }
0x18f: {  	s12 =	simm.s32 $0x40;
	v0 =	vld [tilespmem:s11+$0xA00]  }
.LBB2_54:
0x190: {  	p0 =	sne.s32 s12, $0x27C0;
	v1 =	vld [tilespmem:s11+$0x0];
	_ =	sdelay $0x2  }
.Ltmp26:
0x191: {  	(pc) =	sbr.rel @p0 .LBB2_54-.Ltmp26, $4  }
0x192: {  	_ = 	snop  }
0x193: {  	v1 =	vadd.f32 v0, v1  }
0x194: {  	s13 =	sshra.s32 s12, $0x2  }
0x195: {  	s12 =	sadd.s32 $0x40, s12;
	v0 =	vld [tilespmem:s13+$0xA00];
	[tilespmem:s11+$0x0] =	vst v1;
	s11 =	smov.u32 s13  }
0x196: {  	v1 =	vld [tilespmem:s11+$0x0];
	_ =	sdelay $0x4  }
0x197: {  	v0 =	vadd.f32 v0, v1;
	_ =	sdelay $0x1  }
0x198: {  	[tilespmem:s11+$0x0] =	vst v0  }
0x199: {  	[tilespmem:s9], [sflag:$0x1] =	stream.strided.gather [hbm4b:s1+s6], $0xA00, s7, s6, $0x38;
	[tilespmem:$0x1E00] =	vst v63  }
0x19a: {  	_ =	swait.ge [sflag:s8], $0xA00  }
0x19b: {  	[sflag:s8] =	ssyncset.done $0x0  }
0x19c: {  	s11 =	simm.s32 $0x0;
	[sflag:s8] =	ssyncadd.s32 $0xFFFFF600  }
0x19d: {  	s12 =	simm.s32 $0x40;
	v0 =	vld [tilespmem:s11+$0xA00]  }
.LBB2_56:
0x19e: {  	p0 =	sne.s32 s12, $0x27C0;
	v1 =	vld [tilespmem:s11+$0x0];
	_ =	sdelay $0x2  }
.Ltmp27:
0x19f: {  	(pc) =	sbr.rel @p0 .LBB2_56-.Ltmp27, $4  }
0x1a0: {  	_ = 	snop  }
0x1a1: {  	v1 =	vadd.f32 v0, v1  }
0x1a2: {  	s13 =	sshra.s32 s12, $0x2  }
0x1a3: {  	s12 =	sadd.s32 $0x40, s12;
	v0 =	vld [tilespmem:s13+$0xA00];
	[tilespmem:s11+$0x0] =	vst v1;
	s11 =	smov.u32 s13  }
0x1a4: {  	v1 =	vld [tilespmem:s11+$0x0];
	_ =	sdelay $0x4  }
0x1a5: {  	v0 =	vadd.f32 v0, v1;
	_ =	sdelay $0x1  }
0x1a6: {  	[tilespmem:s11+$0x0] =	vst v0  }
0x1a7: {  	[tilespmem:s9], [sflag:$0x1] =	stream.strided.gather [hbm4b:s0+s6], $0xA00, s7, s6, $0x38;
	[tilespmem:$0x1E00] =	vst v63  }
0x1a8: {  	_ =	swait.ge [sflag:s8], $0xA00  }
0x1a9: {  	[sflag:s8] =	ssyncset.done $0x0  }
0x1aa: {  	s11 =	simm.s32 $0x0;
	[sflag:s8] =	ssyncadd.s32 $0xFFFFF600  }
0x1ab: {  	s12 =	simm.s32 $0x40;
	v0 =	vld [tilespmem:s11+$0xA00]  }
.LBB2_58:
0x1ac: {  	p0 =	sne.s32 s12, $0x27C0;
	v1 =	vld [tilespmem:s11+$0x0];
	_ =	sdelay $0x2  }
.Ltmp28:
0x1ad: {  	(pc) =	sbr.rel @p0 .LBB2_58-.Ltmp28, $4  }
0x1ae: {  	_ = 	snop  }
0x1af: {  	v1 =	vadd.f32 v0, v1  }
0x1b0: {  	s13 =	sshra.s32 s12, $0x2  }
0x1b1: {  	s12 =	sadd.s32 $0x40, s12;
	v0 =	vld [tilespmem:s13+$0xA00];
	[tilespmem:s11+$0x0] =	vst v1;
	s11 =	smov.u32 s13  }
0x1b2: {  	v1 =	vld [tilespmem:s11+$0x0];
	_ =	sdelay $0x4  }
0x1b3: {  	v0 =	vadd.f32 v0, v1;
	_ =	sdelay $0x1  }
0x1b4: {  	[tilespmem:s11+$0x0] =	vst v0  }
0x1b5: {  	[tilespmem:s9], [sflag:$0x1] =	stream.strided.gather [hbm4b:s2+s6], $0xA00, s7, s6, $0x38;
	[tilespmem:$0x1E00] =	vst v63  }
0x1b6: {  	_ =	swait.ge [sflag:s8], $0xA00  }
0x1b7: {  	[sflag:s8] =	ssyncset.done $0x0  }
0x1b8: {  	s11 =	simm.s32 $0x0;
	[sflag:s8] =	ssyncadd.s32 $0xFFFFF600  }
0x1b9: {  	s12 =	simm.s32 $0x40;
	v0 =	vld [tilespmem:s11+$0xA00]  }
.LBB2_60:
0x1ba: {  	p0 =	sne.s32 s12, $0x27C0;
	v1 =	vld [tilespmem:s11+$0x0];
	_ =	sdelay $0x2  }
.Ltmp29:
0x1bb: {  	(pc) =	sbr.rel @p0 .LBB2_60-.Ltmp29, $4  }
0x1bc: {  	_ = 	snop  }
0x1bd: {  	v1 =	vadd.f32 v0, v1  }
0x1be: {  	s13 =	sshra.s32 s12, $0x2  }
0x1bf: {  	s12 =	sadd.s32 $0x40, s12;
	v0 =	vld [tilespmem:s13+$0xA00];
	[tilespmem:s11+$0x0] =	vst v1;
	s11 =	smov.u32 s13  }
0x1c0: {  	v1 =	vld [tilespmem:s11+$0x0];
	_ =	sdelay $0x4  }
0x1c1: {  	v0 =	vadd.f32 v0, v1;
	_ =	sdelay $0x1  }
0x1c2: {  	[tilespmem:s11+$0x0] =	vst v0  }
0x1c3: {  	[tilespmem:s9], [sflag:$0x1] =	stream.strided.gather [hbm4b:s3+s6], $0xA00, s7, s6, $0x38;
	[tilespmem:$0x1E00] =	vst v63  }
0x1c4: {  	_ =	swait.ge [sflag:s8], $0xA00  }
0x1c5: {  	[sflag:s8] =	ssyncset.done $0x0  }
0x1c6: {  	s11 =	simm.s32 $0x0;
	[sflag:s8] =	ssyncadd.s32 $0xFFFFF600  }
0x1c7: {  	s13 =	simm.s32 $0x40;
	s12 =	simm.s32 $0x0;
	v0 =	vld [tilespmem:s11+$0xA00]  }
.LBB2_62:
0x1c8: {  	p0 =	sne.s32 s13, $0x27C0;
	v1 =	vld [tilespmem:s12+$0x0];
	_ =	sdelay $0x2  }
.Ltmp30:
0x1c9: {  	(pc) =	sbr.rel @p0 .LBB2_62-.Ltmp30, $4  }
0x1ca: {  	_ = 	snop  }
0x1cb: {  	v1 =	vadd.f32 v0, v1  }
0x1cc: {  	s14 =	sshra.s32 s13, $0x2  }
0x1cd: {  	s13 =	sadd.s32 $0x40, s13;
	v0 =	vld [tilespmem:s14+$0xA00];
	[tilespmem:s12+$0x0] =	vst v1;
	s12 =	smov.u32 s14  }
0x1ce: {  	v1 =	vld [tilespmem:s12+$0x0];
	_ =	sdelay $0x4  }
0x1cf: {  	v0 =	vadd.f32 v0, v1;
	_ =	sdelay $0x1  }
0x1d0: {  	[tilespmem:s12+$0x0] =	vst v0  }
0x1d1: {  	v0 =	vld [tilespmem:s11+$0x0];
	_ =	sdelay $0x4  }
0x1d2: {  	s12 =	simm.s32 $0x10;
	v1 =	vmax.f32 v0, $1.000000000e+00  }
0x1d3: {  	v0 =	vld [tilespmem:s12+$0x0];
	(erf) = vrcp.f32 v1;
	_ =	sdelay $0x3  }
0x1d4: {  	s13 =	simm.s32 $0x80  }
.LBB2_64:
0x1d5: {  	s14 =	sshra.s32 s13, $0x2;
	p0 =	sne.s32 s13, $0x27C0;
	s13 =	sadd.s32 $0x40, s13;
	v1 =	vmax.f32 v0, $1.000000000e+00  }
.Ltmp31:
0x1d6: {  	v0 =	vld [tilespmem:s14+$0x0];
	(erf) = vrcp.f32 v1;
	(pc) =	sbr.rel @p0 .LBB2_64-.Ltmp31, $3  }
0x1d7: {  	_ =	sdelay $0x1  }
0x1d8: {  	v1 =	vpop (erf)  }
0x1d9: {  	[tilespmem:s11+$0x1400] =	vst v1;
	s11 =	smov.u32 s12;
	s12 =	smov.u32 s14  }
0x1da: {  	v0 =	vmax.f32 v0, $1.000000000e+00  }
0x1db: {  	(erf) = vrcp.f32 v0;
	_ =	sdelay $0x7  }
0x1dc: {  	s10 =	sadd.s32 $0x1, s10;
	v62 =	vpop (erf)  }
0x1dd: {  	p0 =	sne.s32 s10, s5;
	[tilespmem:s11+$0x1400] =	vst v62;
	v63 =	vpop (erf)  }
.Ltmp32:
0x1de: {  	s14 =	simm.s32 $0x1400;
	s11 =	simm.s32 $0x0;
	[tilespmem:s12+$0x1400] =	vst v63;
	(pc) =	sbr.rel @p0 .LBB2_1-.Ltmp32, $4  }
0x1df: {  	[hbm4b:s4+s11] =	stream.linear.scatter [tilespmem:s14], [sflag:$0x1], $0xA00, $0x38;
	[tilespmem:$0x1E00] =	vst v63  }
0x1e0: {  	_ =	swait.ge [sflag:s8], $0xA00  }
0x1e1: {  	[sflag:s8] =	ssyncset.done $0x0  }
0x1e2: {  	[sflag:s8] =	ssyncadd.s32 $0xFFFFF600  }
0x1e3: {  	_ =	sfence.sel $0x180000  }
0x1e4: {  	[bflag:$0x0] =	sbarrier.arrive $0xFFFF  }
0x1e5: {  	_ =	strace $0x9000004A  }
0x1e6: {  	s0 =	stileid.u32;
	[bflag:$0x2] =	sbarrier.arrive $0xFFFF  }
0x1e7: {  	p0 =	sne.s32 s0, $0x0;
	s0 =	rddreg [dreg:$0x1]  }
0x1e8: {  	s0 =	sadd.s32 @!p0 $0x100000, s0  }
0x1e9: {  	[sflag:s0] =	ssyncadd.tile.s32 @!p0 $0x1;
	_ =	shalt  }
.Lfunc_end2:
_tile_overlayer_lowered:
.L_overlay_start_2:
0x1ea: {  	(tag) =	ssettag $0x2  }
0x1eb: {  	s0 =	rddreg [dreg:$0x0];
	s2 =	stileid.u32  }
0x1ec: {  	s1 =	rddreg [dreg:$0x1];
	p0 =	sne.s32 s2, $0x0  }
0x1ed: {  	s3 =	rddreg [dreg:$0x2];
	[bflag:$0x3] =	sbarrier.arrive $0xFFFF;
	s2 =	simm.s32 @!p0 $0x1C01  }
0x1ee: {  	[timem:s3], [sflag:s2] =	dma.local @!p0 [hbm:s0], s1  }
0x1ef: {  	s0 =	simm.s32 @!p0 $0x1  }
0x1f0: {  	_ =	swait.ge @!p0 [sflag:s0], s1  }
0x1f1: {  	s1 =	ssub.s32 @!p0 $0x0, s1;
	[sflag:s0] =	ssyncset.done @!p0 $0x0  }
0x1f2: {  	[sflag:s0] =	ssyncadd.s32 @!p0 s1  }
0x1f3: {  	[bflag:$0x3] =	sbarrier.arrive $0xFFFF  }
0x1f4: {  	_ =	shalt  }

// kernel: kernel.18.cloned.1.call-start
scs
__scs_entry_jumppad:
0x0: {  	(pc) =	sbr.rel $0x88, $3  }
0x1: {  	(tag) =	ssettag $0x0;
	lr =	simm.s32 $0x1  }
0x2: {  	[smem:$0x3F7D] =	sst lr;
	_ =	strace $0xD0000000  }
0x3: {  	_ = 	snop  }
0x4: {  	_ = 	snop  }
0x5: {  	_ = 	snop  }
0x6: {  	_ = 	snop  }
0x7: {  	_ = 	snop  }
__scs_overlays_trampoline_lowered:
0x8: {  	[smem:$0x3F8C] =	sst s0  }
0x9: {  	[smem:$0x3F8D] =	sst s1  }
0xa: {  	[smem:$0x3F8E] =	sst s2  }
0xb: {  	[smem:$0x3F8F] =	sst s3  }
0xc: {  	[smem:$0x3F90] =	sst s4  }
0xd: {  	[smem:$0x3F91] =	sst s5  }
0xe: {  	[smem:$0x3F92] =	sst s6  }
0xf: {  	[smem:$0x3F93] =	sst s7  }
0x10: {  	[smem:$0x3F94] =	sst s8  }
0x11: {  	[smem:$0x3F95] =	sst s9;
	s0 =	simm.s32 @!p0 $0x0  }
0x12: {  	s1 =	sld [smem:$0x3F7B];
	s0 =	simm.s32 @p0 $0x1  }
0x13: {  	[smem:$0x3F96] =	sst s0;
	s0 =	simm.s32 @!p1 $0x0  }
0x14: {  	s2 =	sld [smem:$0x3F7A];
	s0 =	simm.s32 @p1 $0x1  }
0x15: {  	[smem:$0x3F97] =	sst s0;
	s0 =	simm.s32 @!p2 $0x0  }
0x16: {  	s3 =	sld [smem:$0x3FDB];
	s0 =	simm.s32 @p2 $0x1  }
0x17: {  	s4 =	simm.s32 $0x1BF5;
	[smem:$0x3F99] =	sst s0  }
0x18: {  	s0 =	sld [smem:$0x3F7C];
	_ =	swait.ge [sflag:s4], $0x0  }
0x19: {  	s7 =	sld [smem:$0x3F7D]  }
0x1a: {  	s8 =	sadd.s32 $0xFFFFE003, lr  }
0x1b: {  	s9 =	sadd.s32 $0xFFFFFEF7, lr;
	s5 =	simm.s32 $0xFFFFFFFF;
	p2 =	slt.u32 s8, $0xFFFFF086  }
0x1c: {  	p1 =	slt.u32 s9, $0xF7A;
	s5 =	simm.s32 @!p2 $0x0  }
0x1d: {  	s5 =	simm.s32 @p1 $0x1;
	p0 =	seq.s32 s7, s2  }
0x1e: {  	s7 =	smul.u32 @!p0 $0xF7A, s2;
	p2 =	seq.s32 @!p0 s5, $0x0  }
0x1f: {  	s9 =	smul.u32 $0xF7A, s1;
	s8 =	simm.s32 @!p0 $0x1BF5;
	p2 =	por !p2, p0  }
0x20: {  	[sflag:s8] =	ssyncset.s32 @!p0 $0xFFFFF086;
	s6 =	sadd.s32 @!p0 s3, s7;
	s7 =	simm.s32 @!p0 $0x108  }
0x21: {  	s3 =	sadd.s32 s3, s9;
	s6 =	sadd.s32 @!p0 $0x88, s6;
	s7 =	simm.s32 @p2 $0x1082  }
0x22: {  	[simem:s7], [sflag:s8] =	dma.local @!p0 [hbm:s6], $0xF7A  }
0x23: {  	s9 =	sor.u32 $0xD0000000, s2;
	s6 =	simm.s32 $0x108;
	_ =	swait.ge @!p0 [sflag:s8], $0x0  }
0x24: {  	s3 =	sadd.s32 $0x88, s3;
	s6 =	simm.s32 @!p1 $0x1082;
	[sflag:s4] =	ssyncset.s32 $0xFFFFF086  }
0x25: {  	[simem:s6], [sflag:s4] =	dma.local [hbm:s3], $0xF7A  }
0x26: {  	[smem:$0x3F7D] =	sst s1;
	(tag) =	ssettag s2;
	_ =	strace s9  }
0x27: {  	s1 =	sld [smem:$0x3F8D]  }
0x28: {  	s2 =	sld [smem:$0x3F8E]  }
0x29: {  	s4 =	sld [smem:$0x3F90]  }
0x2a: {  	p0 =	seq.s32 s5, $0x0;
	s5 =	sld [smem:$0x3F91]  }
0x2b: {  	s6 =	sld [smem:$0x3F92]  }
0x2c: {  	s7 =	sld [smem:$0x3F93]  }
0x2d: {  	s3 =	simm.s32 $0x108;
	s8 =	sld [smem:$0x3F94]  }
0x2e: {  	s3 =	simm.s32 @!p0 $0x1082;
	s9 =	sld [smem:$0x3F95]  }
0x2f: {  	lr =	sadd.s32 s0, s3;
	s0 =	sld [smem:$0x3F8C]  }
0x30: {  	s3 =	sld [smem:$0x3F8F]  }
0x31: {  	[smem:$0x3F98] =	sst s10  }
0x32: {  	s10 =	sld [smem:$0x3F96];
	_ =	sdelay $0x3  }
0x33: {  	p0 =	seq.s32 s10, $0x1;
	s10 =	sld [smem:$0x3F98];
	_ =	sdelay $0x3  }
0x34: {  	[smem:$0x3F98] =	sst s10  }
0x35: {  	s10 =	sld [smem:$0x3F97];
	_ =	sdelay $0x3  }
0x36: {  	p1 =	seq.s32 s10, $0x1;
	s10 =	sld [smem:$0x3F98];
	_ =	sdelay $0x3  }
0x37: {  	[smem:$0x3F98] =	sst s10  }
0x38: {  	s10 =	sld [smem:$0x3F99]  }
0x39: {  	_ = 	snop;
	(pc) =	sbr.ind lr, $3  }
0x3a: {  	_ = 	snop  }
0x3b: {  	_ = 	snop  }
0x3c: {  	p2 =	seq.s32 s10, $0x1;
	s10 =	sld [smem:$0x3F98]  }
0x3d: {  	_ =	shalt  }
0x3e: {  	_ =	shalt  }
0x3f: {  	_ =	shalt  }
0x40: {  	_ =	shalt  }
0x41: {  	_ =	shalt  }
0x42: {  	_ =	shalt  }
0x43: {  	_ =	shalt  }
0x44: {  	_ =	shalt  }
0x45: {  	_ =	shalt  }
0x46: {  	_ =	shalt  }
0x47: {  	_ =	shalt  }
0x48: {  	_ =	shalt  }
0x49: {  	_ =	shalt  }
0x4a: {  	_ =	shalt  }
0x4b: {  	_ =	shalt  }
0x4c: {  	_ =	shalt  }
0x4d: {  	_ =	shalt  }
0x4e: {  	_ =	shalt  }
0x4f: {  	_ =	shalt  }
0x50: {  	_ =	shalt  }
0x51: {  	_ =	shalt  }
0x52: {  	_ =	shalt  }
0x53: {  	_ =	shalt  }
0x54: {  	_ =	shalt  }
0x55: {  	_ =	shalt  }
0x56: {  	_ =	shalt  }
0x57: {  	_ =	shalt  }
0x58: {  	_ =	shalt  }
0x59: {  	_ =	shalt  }
0x5a: {  	_ =	shalt  }
0x5b: {  	_ =	shalt  }
0x5c: {  	_ =	shalt  }
0x5d: {  	_ =	shalt  }
0x5e: {  	_ =	shalt  }
0x5f: {  	_ =	shalt  }
0x60: {  	_ =	shalt  }
0x61: {  	_ =	shalt  }
0x62: {  	_ =	shalt  }
0x63: {  	_ =	shalt  }
0x64: {  	_ =	shalt  }
0x65: {  	_ =	shalt  }
0x66: {  	_ =	shalt  }
0x67: {  	_ =	shalt  }
0x68: {  	_ =	shalt  }
0x69: {  	_ =	shalt  }
0x6a: {  	_ =	shalt  }
0x6b: {  	_ =	shalt  }
0x6c: {  	_ =	shalt  }
0x6d: {  	_ =	shalt  }
0x6e: {  	_ =	shalt  }
0x6f: {  	_ =	shalt  }
0x70: {  	_ =	shalt  }
0x71: {  	_ =	shalt  }
0x72: {  	_ =	shalt  }
0x73: {  	_ =	shalt  }
0x74: {  	_ =	shalt  }
0x75: {  	_ =	shalt  }
0x76: {  	_ =	shalt  }
0x77: {  	_ =	shalt  }
0x78: {  	_ =	shalt  }
0x79: {  	_ =	shalt  }
0x7a: {  	_ =	shalt  }
0x7b: {  	_ =	shalt  }
0x7c: {  	_ =	shalt  }
0x7d: {  	_ =	shalt  }
0x7e: {  	_ =	shalt  }
0x7f: {  	_ =	shalt  }
0x80: {  	_ =	shalt  }
0x81: {  	_ =	shalt  }
0x82: {  	_ =	shalt  }
0x83: {  	_ =	shalt  }
0x84: {  	_ =	shalt  }
0x85: {  	_ =	shalt  }
0x86: {  	_ =	shalt  }
0x87: {  	_ =	shalt  }
.Lfunc_end0:
.L_simem_size_0:
called_computation.2_lowered:
.L_overlay_start_0:
0x88: {  	s2 =	sld [smem:$0x3FD9]  }
0x89: {  	s3 =	sld [smem:$0x3FFE];
	_ =	sdelay $0x1  }
0x8a: {  	s1 =	srdreg.scid  }
0x8b: {  	s0 =	sand.u32 $0x1, s1  }
0x8c: {  	s16 =	sshll.u32 s0, $0xA;
	s2 =	sadd.s32 s3, s2  }
0x8d: {  	s2 =	sadd.s32 s2, s16  }
0x8e: {  	[smem:$0x3FA4] =	sst s2  }
0x8f: {  	_ = 	snop  }
0x90: {  	(tm) =	ssettm $0x1  }
0x91: {  	s17 =	sld [smem:$0x3FFB];
	_ =	sdelay $0x3  }
0x92: {  	_ =	strace s17  }
0x93: {  	s2 =	sld [smem:$0x3FFC];
	_ =	sdelay $0x3  }
0x94: {  	_ =	strace s2  }
0x95: {  	s2 =	sld [smem:$0x3FFD];
	_ =	sdelay $0x3  }
0x96: {  	_ =	strace s2  }
0x97: {  	_ =	strace $0x8FFFFFFF  }
0x98: {  	s18 =	sld [smem:$0x3FDB];
	_ =	sdelay $0x1  }
0x99: {  	s19 =	simm.s32 $_scs_section_size  }
0x9a: {  	s4 =	simm.s32 $_size__tile_overlayer_lowered;
	s5 =	simm.s32 $_tile_overlayer_lowered  }
0x9b: {  	s22 =	simm.s32 $0x1BFF;
	s21 =	sshll.u32 s5, $0x1;
	s2 =	sadd.s32 s19, s18  }
0x9c: {  	s6 =	simm.s32 $0x0;
	s20 =	sshll.u32 s4, $0x1;
	s4 =	sadd.s32 s21, s2  }
0x9d: {  	[timem:s6], [sflag:s22] =	dma.local [hbm:s4], s20  }
0x9e: {  	_ =	swait.ge [sflag:s22], s20  }
0x9f: {  	s3 =	ssub.s32 $0x0, s20;
	[sflag:s22] =	ssyncset.done $0x0  }
0xa0: {  	[sflag:s22] =	ssyncadd.s32 s3;
	_ =	sdelay $0x1  }
0xa1: {  	s23 =	simm.s32 $0x1B8B  }
0xa2: {  	_ =	swait.ge [sflag:s23], $0x1  }
0xa3: {  	[sflag:s23] =	ssyncset.done $0x0  }
0xa4: {  	s25 =	simm.s32 $0x1B8E;
	s24 =	sld [smem:$0x3FFE];
	[sflag:s23] =	ssyncadd.s32 $0xFFFFFFFF  }
0xa5: {  	s26 =	simm.s32 $execute0_lowered;
	[smem:$0x3FD2] =	sst s25  }
0xa6: {  	s4 =	sshll.u32 s26, $0x1;
	_ =	strace $0x8000004C;
	[dreg:$0x1] =	wrdreg $0xFFFFFFFF  }
0xa7: {  	s28 =	simm.s32 $_size_execute0_lowered;
	s2 =	sadd.s32 s2, s4;
	[dreg:$0x0] =	wrdreg $0x0  }
0xa8: {  	s4 =	sshll.u32 s28, $0x1;
	[dreg:$0x2] =	wrdreg s2  }
0xa9: {  	[dreg:$0x3] =	wrdreg s4  }
0xaa: {  	[dreg:$0x4] =	wrdreg $0xC0  }
0xab: {  	_ =	task [dreg:s6], $0x5FFFF  }
0xac: {  	[dreg:$0x1] =	wrdreg $0xFFFFFFFF  }
0xad: {  	[dreg:$0x0] =	wrdreg $0x60  }
0xae: {  	[dreg:$0x2] =	wrdreg s24  }
0xaf: {  	[dreg:$0x3] =	wrdreg $0x9  }
0xb0: {  	_ =	task.clear_ibuf [dreg:s6], $0x4FFFF;
	_ =	strace $0x9000004C  }
0xb1: {  	s29 =	simm.s32 $0x9;
	_ =	strace $0x8000004E  }
0xb2: {  	_ =	swait.ge [sflag:s29], $0x1  }
0xb3: {  	[sflag:s29] =	ssyncadd.s32 $0xFFFFFFFF  }
0xb4: {  	_ =	strace $0x9000004E  }
0xb5: {  	_ =	sfence  }
0xb6: {  	s30 =	sld [smem:$0x0];
	_ =	sdelay $0x2  }
0xb7: {  	s31 =	sshll.u32 s1, $0xD;
	s1 =	sshrl.u32 s1, $0x2  }
0xb8: {  	s3 =	sand.u32 $0x4000, s31;
	s1 =	sadd.s32 s1, s30  }
0xb9: {  	s0 =	sor.u32 s3, s0;
	s1 =	sshll.u32 s1, $0x11  }
0xba: {  	s0 =	sor.u32 s1, s0  }
0xbb: {  	s0 =	sadd.s32 $0x8F2B, s0  }
0xbc: {  	[sflag:s0] =	ssyncadd.remote.s32 $0x1  }
0xbd: {  	_ =	sfence.sel $0xFFFF  }
0xbe: {  	[dreg:$0x0] =	wrdreg $0xFFFFFFFF;
	(pc) =	sbr.abs _section_cstart, $3  }
0xbf: {  	[dreg:$0x1] =	wrdreg $0xFFFFFFFF  }
0xc0: {  	_ =	task.clear_ibuf [dreg:s6], $0x2FFFF;
	_ =	strace $0x9FFFFFFF  }
0xc1: {  	(tm) =	ssettm $0x7FFFFFFF  }
tec
execute0_lowered:
.L_overlay_start_1:
0x0: {  	(tag) =	ssettag $0x1  }
0x1: {  	s0 =	srdreg.scid  }
0x2: {  	s4 =	rddreg [dreg:$0x0];
	s1 =	stileid.u32;
	s3 =	sand.u32 $0x1, s0  }
0x3: {  	s2 =	simm.s32 $0x0;
	s8 =	simm.s32 $0x14000;
	s5 =	sshll.u32 s3, $0x4  }
0x4: {  	s9 =	simm.s32 $0x15400;
	s10 =	simm.s32 $0x0;
	s5 =	sor.u32 s1, s5  }
0x5: {  	[smem:$0x7FF] =	sst s2;
	s6 =	ssub.s32 $0x2, s3;
	s5 =	smul.u32 $0x272, s5  }
0x6: {  	s0 =	rddreg [dreg:$0x1];
	_ =	strace $0x8000004D;
	s7 =	sshrl.u32 s6, $0x1  }
0x7: {  	s3 =	sadd.s32 $0x55000, s4;
	s6 =	ssub.s32 s6, s7;
	s4 =	sadd.s32 s4, s5  }
0x8: {  	s7 =	simm.s32 $0x1;
	s6 =	smax.u32 s6, $0x1;
	s5 =	sadd.s32 $0x5000, s4  }
.LBB2_1:
0x9: {  	[tilespmem:s2], [sflag:$0x1] =	stream.linear.gather [hbm4b:s3+s2], $0x14000, $0x38;
	[tilespmem:$0x16800] =	vst v63  }
0xa: {  	_ =	swait.ge [sflag:s7], $0x14000  }
0xb: {  	[sflag:s7] =	ssyncset.done $0x0  }
0xc: {  	[sflag:s7] =	ssyncadd.s32 $0xFFFEC000  }
0xd: {  	[tilespmem:s8], [sflag:$0x1] =	stream.linear.gather [hbm4b:s4+s2], $0x1390, $0x38;
	[tilespmem:$0x16800] =	vst v63  }
0xe: {  	_ =	swait.ge [sflag:s7], $0x1390  }
0xf: {  	[sflag:s7] =	ssyncset.done $0x0  }
0x10: {  	s11 =	simm.s32 $0x0;
	[sflag:s7] =	ssyncadd.s32 $0xFFFFEC70  }
0x11: {  	v0 =	vld [tilespmem:s11+$0x14000];
	_ =	sdelay $0x7  }
0x12: {  	s12 =	simm.s32 $0x10;
	s13 =	simm.s32 $0x80;
	v0 =	vld.idx.msk [tilespmem:v0+s2+$0x0], $0xffff  }
.LBB2_2:
0x13: {  	p0 =	sne.s32 s13, $0x4E00;
	v1 =	vld [tilespmem:s12+$0x14000];
	_ =	sdelay $0x3  }
.Ltmp0:
0x14: {  	(pc) =	sbr.rel @p0 .LBB2_2-.Ltmp0, $2  }
0x15: {  	[tilespmem:s11+$0x15400] =	vst v0;
	s11 =	smov.u32 s12;
	_ =	sdelay $0x2  }
0x16: {  	s12 =	sshra.s32 s13, $0x2;
	s13 =	sadd.s32 $0x40, s13;
	v0 =	vld.idx.msk [tilespmem:v1+s2+$0x0], $0xffff  }
0x17: {  	v1 =	vld [tilespmem:s12+$0x14000];
	_ =	sdelay $0x6  }
0x18: {  	[tilespmem:s11+$0x15400] =	vst v0  }
0x19: {  	v0 =	vld.idx.msk [tilespmem:v1+s2+$0x0], $0xffff;
	_ =	sdelay $0x2  }
0x1a: {  	s10 =	sadd.s32 $0x1, s10  }
0x1b: {  	p0 =	sne.s32 s10, s6  }
.Ltmp1:
0x1c: {  	[tilespmem:s12+$0x15400] =	vst v0;
	(pc) =	sbr.rel @p0 .LBB2_1-.Ltmp1, $4  }
0x1d: {  	[hbm4b:s5+s2] =	stream.linear.scatter [tilespmem:s9], [sflag:$0x1], $0x1390, $0x38;
	[tilespmem:$0x16800] =	vst v63  }
0x1e: {  	_ =	swait.ge [sflag:s7], $0x1390  }
0x1f: {  	[sflag:s7] =	ssyncset.done $0x0  }
0x20: {  	[sflag:s7] =	ssyncadd.s32 $0xFFFFEC70  }
0x21: {  	_ =	sfence.sel $0x180000  }
0x22: {  	[bflag:$0x0] =	sbarrier.arrive $0xFFFF  }
0x23: {  	p0 =	sne.s32 s1, $0x0;
	_ =	strace $0x9000004D  }
0x24: {  	s0 =	sadd.s32 @!p0 $0x100000, s0;
	[bflag:$0x2] =	sbarrier.arrive $0xFFFF  }
0x25: {  	[sflag:s0] =	ssyncadd.tile.s32 @!p0 $0x1;
	_ =	shalt  }
.Lfunc_end2:
_tile_overlayer_lowered:
.L_overlay_start_2:
0x26: {  	(tag) =	ssettag $0x2  }
0x27: {  	s0 =	rddreg [dreg:$0x0];
	s2 =	stileid.u32  }
0x28: {  	s1 =	rddreg [dreg:$0x1];
	p0 =	sne.s32 s2, $0x0  }
0x29: {  	s3 =	rddreg [dreg:$0x2];
	[bflag:$0x3] =	sbarrier.arrive $0xFFFF;
	s2 =	simm.s32 @!p0 $0x1C01  }
0x2a: {  	[timem:s3], [sflag:s2] =	dma.local @!p0 [hbm:s0], s1  }
0x2b: {  	s0 =	simm.s32 @!p0 $0x1  }
0x2c: {  	_ =	swait.ge @!p0 [sflag:s0], s1  }
0x2d: {  	s1 =	ssub.s32 @!p0 $0x0, s1;
	[sflag:s0] =	ssyncset.done @!p0 $0x0  }
0x2e: {  	[sflag:s0] =	ssyncadd.s32 @!p0 s1  }
0x2f: {  	[bflag:$0x3] =	sbarrier.arrive $0xFFFF  }
0x30: {  	_ =	shalt  }

// kernel: kernel.21.cloned.1.call-start
scs
__scs_entry_jumppad:
0x0: {  	(pc) =	sbr.rel $0x88, $3  }
0x1: {  	(tag) =	ssettag $0x0;
	lr =	simm.s32 $0x1  }
0x2: {  	[smem:$0x3F7D] =	sst lr;
	_ =	strace $0xD0000000  }
0x3: {  	_ = 	snop  }
0x4: {  	_ = 	snop  }
0x5: {  	_ = 	snop  }
0x6: {  	_ = 	snop  }
0x7: {  	_ = 	snop  }
__scs_overlays_trampoline_lowered:
0x8: {  	[smem:$0x3F8C] =	sst s0  }
0x9: {  	[smem:$0x3F8D] =	sst s1  }
0xa: {  	[smem:$0x3F8E] =	sst s2  }
0xb: {  	[smem:$0x3F8F] =	sst s3  }
0xc: {  	[smem:$0x3F90] =	sst s4  }
0xd: {  	[smem:$0x3F91] =	sst s5  }
0xe: {  	[smem:$0x3F92] =	sst s6  }
0xf: {  	[smem:$0x3F93] =	sst s7  }
0x10: {  	[smem:$0x3F94] =	sst s8  }
0x11: {  	[smem:$0x3F95] =	sst s9;
	s0 =	simm.s32 @!p0 $0x0  }
0x12: {  	s1 =	sld [smem:$0x3F7B];
	s0 =	simm.s32 @p0 $0x1  }
0x13: {  	[smem:$0x3F96] =	sst s0;
	s0 =	simm.s32 @!p1 $0x0  }
0x14: {  	s2 =	sld [smem:$0x3F7A];
	s0 =	simm.s32 @p1 $0x1  }
0x15: {  	[smem:$0x3F97] =	sst s0;
	s0 =	simm.s32 @!p2 $0x0  }
0x16: {  	s3 =	sld [smem:$0x3FDB];
	s0 =	simm.s32 @p2 $0x1  }
0x17: {  	s4 =	simm.s32 $0x1BF5;
	[smem:$0x3F99] =	sst s0  }
0x18: {  	s0 =	sld [smem:$0x3F7C];
	_ =	swait.ge [sflag:s4], $0x0  }
0x19: {  	s7 =	sld [smem:$0x3F7D]  }
0x1a: {  	s8 =	sadd.s32 $0xFFFFE003, lr  }
0x1b: {  	s9 =	sadd.s32 $0xFFFFFEF7, lr;
	s5 =	simm.s32 $0xFFFFFFFF;
	p2 =	slt.u32 s8, $0xFFFFF086  }
0x1c: {  	p1 =	slt.u32 s9, $0xF7A;
	s5 =	simm.s32 @!p2 $0x0  }
0x1d: {  	s5 =	simm.s32 @p1 $0x1;
	p0 =	seq.s32 s7, s2  }
0x1e: {  	s7 =	smul.u32 @!p0 $0xF7A, s2;
	p2 =	seq.s32 @!p0 s5, $0x0  }
0x1f: {  	s9 =	smul.u32 $0xF7A, s1;
	s8 =	simm.s32 @!p0 $0x1BF5;
	p2 =	por !p2, p0  }
0x20: {  	[sflag:s8] =	ssyncset.s32 @!p0 $0xFFFFF086;
	s6 =	sadd.s32 @!p0 s3, s7;
	s7 =	simm.s32 @!p0 $0x108  }
0x21: {  	s3 =	sadd.s32 s3, s9;
	s6 =	sadd.s32 @!p0 $0x88, s6;
	s7 =	simm.s32 @p2 $0x1082  }
0x22: {  	[simem:s7], [sflag:s8] =	dma.local @!p0 [hbm:s6], $0xF7A  }
0x23: {  	s9 =	sor.u32 $0xD0000000, s2;
	s6 =	simm.s32 $0x108;
	_ =	swait.ge @!p0 [sflag:s8], $0x0  }
0x24: {  	s3 =	sadd.s32 $0x88, s3;
	s6 =	simm.s32 @!p1 $0x1082;
	[sflag:s4] =	ssyncset.s32 $0xFFFFF086  }
0x25: {  	[simem:s6], [sflag:s4] =	dma.local [hbm:s3], $0xF7A  }
0x26: {  	[smem:$0x3F7D] =	sst s1;
	(tag) =	ssettag s2;
	_ =	strace s9  }
0x27: {  	s1 =	sld [smem:$0x3F8D]  }
0x28: {  	s2 =	sld [smem:$0x3F8E]  }
0x29: {  	s4 =	sld [smem:$0x3F90]  }
0x2a: {  	p0 =	seq.s32 s5, $0x0;
	s5 =	sld [smem:$0x3F91]  }
0x2b: {  	s6 =	sld [smem:$0x3F92]  }
0x2c: {  	s7 =	sld [smem:$0x3F93]  }
0x2d: {  	s3 =	simm.s32 $0x108;
	s8 =	sld [smem:$0x3F94]  }
0x2e: {  	s3 =	simm.s32 @!p0 $0x1082;
	s9 =	sld [smem:$0x3F95]  }
0x2f: {  	lr =	sadd.s32 s0, s3;
	s0 =	sld [smem:$0x3F8C]  }
0x30: {  	s3 =	sld [smem:$0x3F8F]  }
0x31: {  	[smem:$0x3F98] =	sst s10  }
0x32: {  	s10 =	sld [smem:$0x3F96];
	_ =	sdelay $0x3  }
0x33: {  	p0 =	seq.s32 s10, $0x1;
	s10 =	sld [smem:$0x3F98];
	_ =	sdelay $0x3  }
0x34: {  	[smem:$0x3F98] =	sst s10  }
0x35: {  	s10 =	sld [smem:$0x3F97];
	_ =	sdelay $0x3  }
0x36: {  	p1 =	seq.s32 s10, $0x1;
	s10 =	sld [smem:$0x3F98];
	_ =	sdelay $0x3  }
0x37: {  	[smem:$0x3F98] =	sst s10  }
0x38: {  	s10 =	sld [smem:$0x3F99]  }
0x39: {  	_ = 	snop;
	(pc) =	sbr.ind lr, $3  }
0x3a: {  	_ = 	snop  }
0x3b: {  	_ = 	snop  }
0x3c: {  	p2 =	seq.s32 s10, $0x1;
	s10 =	sld [smem:$0x3F98]  }
0x3d: {  	_ =	shalt  }
0x3e: {  	_ =	shalt  }
0x3f: {  	_ =	shalt  }
0x40: {  	_ =	shalt  }
0x41: {  	_ =	shalt  }
0x42: {  	_ =	shalt  }
0x43: {  	_ =	shalt  }
0x44: {  	_ =	shalt  }
0x45: {  	_ =	shalt  }
0x46: {  	_ =	shalt  }
0x47: {  	_ =	shalt  }
0x48: {  	_ =	shalt  }
0x49: {  	_ =	shalt  }
0x4a: {  	_ =	shalt  }
0x4b: {  	_ =	shalt  }
0x4c: {  	_ =	shalt  }
0x4d: {  	_ =	shalt  }
0x4e: {  	_ =	shalt  }
0x4f: {  	_ =	shalt  }
0x50: {  	_ =	shalt  }
0x51: {  	_ =	shalt  }
0x52: {  	_ =	shalt  }
0x53: {  	_ =	shalt  }
0x54: {  	_ =	shalt  }
0x55: {  	_ =	shalt  }
0x56: {  	_ =	shalt  }
0x57: {  	_ =	shalt  }
0x58: {  	_ =	shalt  }
0x59: {  	_ =	shalt  }
0x5a: {  	_ =	shalt  }
0x5b: {  	_ =	shalt  }
0x5c: {  	_ =	shalt  }
0x5d: {  	_ =	shalt  }
0x5e: {  	_ =	shalt  }
0x5f: {  	_ =	shalt  }
0x60: {  	_ =	shalt  }
0x61: {  	_ =	shalt  }
0x62: {  	_ =	shalt  }
0x63: {  	_ =	shalt  }
0x64: {  	_ =	shalt  }
0x65: {  	_ =	shalt  }
0x66: {  	_ =	shalt  }
0x67: {  	_ =	shalt  }
0x68: {  	_ =	shalt  }
0x69: {  	_ =	shalt  }
0x6a: {  	_ =	shalt  }
0x6b: {  	_ =	shalt  }
0x6c: {  	_ =	shalt  }
0x6d: {  	_ =	shalt  }
0x6e: {  	_ =	shalt  }
0x6f: {  	_ =	shalt  }
0x70: {  	_ =	shalt  }
0x71: {  	_ =	shalt  }
0x72: {  	_ =	shalt  }
0x73: {  	_ =	shalt  }
0x74: {  	_ =	shalt  }
0x75: {  	_ =	shalt  }
0x76: {  	_ =	shalt  }
0x77: {  	_ =	shalt  }
0x78: {  	_ =	shalt  }
0x79: {  	_ =	shalt  }
0x7a: {  	_ =	shalt  }
0x7b: {  	_ =	shalt  }
0x7c: {  	_ =	shalt  }
0x7d: {  	_ =	shalt  }
0x7e: {  	_ =	shalt  }
0x7f: {  	_ =	shalt  }
0x80: {  	_ =	shalt  }
0x81: {  	_ =	shalt  }
0x82: {  	_ =	shalt  }
0x83: {  	_ =	shalt  }
0x84: {  	_ =	shalt  }
0x85: {  	_ =	shalt  }
0x86: {  	_ =	shalt  }
0x87: {  	_ =	shalt  }
.Lfunc_end0:
.L_simem_size_0:
called_computation.3_lowered:
.L_overlay_start_0:
0x88: {  	s2 =	sld [smem:$0x3FD9]  }
0x89: {  	s3 =	sld [smem:$0x3FFE];
	_ =	sdelay $0x1  }
0x8a: {  	s1 =	srdreg.scid  }
0x8b: {  	s0 =	sand.u32 $0x1, s1  }
0x8c: {  	s16 =	sshll.u32 s0, $0xA;
	s2 =	sadd.s32 s3, s2  }
0x8d: {  	s2 =	sadd.s32 s2, s16  }
0x8e: {  	[smem:$0x3FA4] =	sst s2  }
0x8f: {  	_ = 	snop  }
0x90: {  	(tm) =	ssettm $0x1  }
0x91: {  	s17 =	sld [smem:$0x3FFB];
	_ =	sdelay $0x3  }
0x92: {  	_ =	strace s17  }
0x93: {  	s2 =	sld [smem:$0x3FFC];
	_ =	sdelay $0x3  }
0x94: {  	_ =	strace s2  }
0x95: {  	s2 =	sld [smem:$0x3FFD];
	_ =	sdelay $0x3  }
0x96: {  	_ =	strace s2  }
0x97: {  	_ =	strace $0x8FFFFFFF  }
0x98: {  	s18 =	sld [smem:$0x3FDB];
	_ =	sdelay $0x1  }
0x99: {  	s19 =	simm.s32 $_scs_section_size  }
0x9a: {  	s4 =	simm.s32 $_size__tile_overlayer_lowered;
	s5 =	simm.s32 $_tile_overlayer_lowered  }
0x9b: {  	s22 =	simm.s32 $0x1BFF;
	s21 =	sshll.u32 s5, $0x1;
	s2 =	sadd.s32 s19, s18  }
0x9c: {  	s6 =	simm.s32 $0x0;
	s20 =	sshll.u32 s4, $0x1;
	s4 =	sadd.s32 s21, s2  }
0x9d: {  	[timem:s6], [sflag:s22] =	dma.local [hbm:s4], s20  }
0x9e: {  	_ =	swait.ge [sflag:s22], s20  }
0x9f: {  	s3 =	ssub.s32 $0x0, s20;
	[sflag:s22] =	ssyncset.done $0x0  }
0xa0: {  	[sflag:s22] =	ssyncadd.s32 s3;
	_ =	sdelay $0x1  }
0xa1: {  	s23 =	simm.s32 $0x1B8B  }
0xa2: {  	_ =	swait.ge [sflag:s23], $0x1  }
0xa3: {  	[sflag:s23] =	ssyncset.done $0x0  }
0xa4: {  	s25 =	simm.s32 $0x1B8E;
	s24 =	sld [smem:$0x3FFE];
	[sflag:s23] =	ssyncadd.s32 $0xFFFFFFFF  }
0xa5: {  	s26 =	simm.s32 $execute0_lowered;
	[smem:$0x3FD2] =	sst s25  }
0xa6: {  	s4 =	sshll.u32 s26, $0x1;
	_ =	strace $0x8000004F;
	[dreg:$0x1] =	wrdreg $0xFFFFFFFF  }
0xa7: {  	s28 =	simm.s32 $_size_execute0_lowered;
	s2 =	sadd.s32 s2, s4;
	[dreg:$0x0] =	wrdreg $0x0  }
0xa8: {  	s4 =	sshll.u32 s28, $0x1;
	[dreg:$0x2] =	wrdreg s2  }
0xa9: {  	[dreg:$0x3] =	wrdreg s4  }
0xaa: {  	[dreg:$0x4] =	wrdreg $0xC0  }
0xab: {  	_ =	task [dreg:s6], $0x5FFFF  }
0xac: {  	[dreg:$0x1] =	wrdreg $0xFFFFFFFF  }
0xad: {  	[dreg:$0x0] =	wrdreg $0x60  }
0xae: {  	[dreg:$0x2] =	wrdreg s24  }
0xaf: {  	[dreg:$0x3] =	wrdreg $0x9  }
0xb0: {  	_ =	task.clear_ibuf [dreg:s6], $0x4FFFF;
	_ =	strace $0x9000004F  }
0xb1: {  	s29 =	simm.s32 $0x9;
	_ =	strace $0x80000051  }
0xb2: {  	_ =	swait.ge [sflag:s29], $0x1  }
0xb3: {  	[sflag:s29] =	ssyncadd.s32 $0xFFFFFFFF  }
0xb4: {  	_ =	strace $0x90000051  }
0xb5: {  	_ =	sfence  }
0xb6: {  	s30 =	sld [smem:$0x0];
	_ =	sdelay $0x2  }
0xb7: {  	s31 =	sshll.u32 s1, $0xD;
	s1 =	sshrl.u32 s1, $0x2  }
0xb8: {  	s3 =	sand.u32 $0x4000, s31;
	s1 =	sadd.s32 s1, s30  }
0xb9: {  	s0 =	sor.u32 s3, s0;
	s1 =	sshll.u32 s1, $0x11  }
0xba: {  	s0 =	sor.u32 s1, s0  }
0xbb: {  	s0 =	sadd.s32 $0x8F2B, s0  }
0xbc: {  	[sflag:s0] =	ssyncadd.remote.s32 $0x1  }
0xbd: {  	_ =	sfence.sel $0xFFFF  }
0xbe: {  	[dreg:$0x0] =	wrdreg $0xFFFFFFFF;
	(pc) =	sbr.abs _section_cstart, $3  }
0xbf: {  	[dreg:$0x1] =	wrdreg $0xFFFFFFFF  }
0xc0: {  	_ =	task.clear_ibuf [dreg:s6], $0x2FFFF;
	_ =	strace $0x9FFFFFFF  }
0xc1: {  	(tm) =	ssettm $0x7FFFFFFF  }
tec
execute0_lowered:
.L_overlay_start_1:
0x0: {  	(tag) =	ssettag $0x1  }
0x1: {  	s0 =	rddreg [dreg:$0x0]  }
0x2: {  	s1 =	simm.s32 $0x0;
	s2 =	srdreg.scid;
	s6 =	stileid.u32  }
0x3: {  	s13 =	simm.s32 $0x4200;
	s14 =	simm.s32 $0x2;
	s16 =	simm.s32 $0x80  }
0x4: {  	s17 =	simm.s32 $0x100;
	s18 =	simm.s32 $0x180;
	s19 =	simm.s32 $0x980  }
0x5: {  	s20 =	simm.s32 $0x1180;
	s21 =	simm.s32 $0x1980;
	s22 =	simm.s32 $0x2180  }
0x6: {  	s23 =	simm.s32 $0x2980;
	s24 =	simm.s32 $0x3180;
	s25 =	simm.s32 $0x3980  }
0x7: {  	s26 =	simm.s32 $0x1;
	s28 =	simm.s32 $0x0;
	[smem:$0x7FF] =	sst s1  }
0x8: {  	s2 =	sand.u32 $0x1, s2;
	s3 =	sadd.s32 $0x403800, s0;
	s4 =	sadd.s32 $0xF6400, s0  }
0x9: {  	v0 =	vlaneseq.u32;
	s7 =	sshll.u32 s6, $0x7;
	s11 =	sadd.s32 $0x200, s0;
	s5 =	sshll.u32 s2, $0x4  }
0xa: {  	vm0 =	vmmov $0xffff;
	v1 =	vand.u32 $0x7, v0;
	_ =	strace $0x80000050;
	s7 =	sand.u32 $0x380, s7;
	s8 =	sor.u32 s6, s5  }
0xb: {  	v2 =	vshrl.u32 v0, $0x3;
	v3 =	vor.u32 $0x8, v0;
	v4 =	vor.u32 $0x10, v0;
	s2 =	ssub.s32 $0x2, s2;
	[dreg:$0x2] =	wrdreg s11;
	s10 =	sshrl.u32 s8, $0x3  }
.Ltmp0:
0xc: {  	v5 =	vor.u32 $0x20, v0;
	v6 =	vor.u32 $0x30, v0;
	v7 =	vor.u32 $0x40, v0;
	s5 =	sadd.s32 $0x5A000, s0;
	s9 =	sshll.u32 s10, $0xA;
	(pc) =	sbr.rel .LBB2_1-.Ltmp0, $4  }
0xd: {  	v8 =	vor.u32 $0x50, v0;
	v9 =	vor.u32 $0x60, v0;
	v10 =	vor.u32 $0x70, v0;
	s31 =	sshrl.u32 s2, $0x1;
	s8 =	smul.u32 $0x2800, s8;
	s9 =	sor.u32 s7, s9  }
0xe: {  	v11 =	vor.u32 $0x400, v0;
	v12 =	vor.u32 $0x410, v0;
	v13 =	vor.u32 $0x420, v0;
	s6 =	sadd.s32 $0x192800, s0;
	s2 =	ssub.s32 s2, s31;
	s9 =	sshrl.u32 s9, $0x3  }
0xf: {  	v14 =	vor.u32 $0x430, v0;
	v15 =	vor.u32 $0x440, v0;
	v16 =	vor.u32 $0x450, v0;
	s10 =	smul.u32 $0x138800, s10;
	s8 =	sadd.s32 s8, s0;
	s0 =	sadd.s32 s0, s9  }
0x10: {  	v17 =	vor.u32 $0x460, v0;
	v18 =	vor.u32 $0x470, v0;
	v2 =	vmul.u32 $0x8, v2;
	s12 =	smax.u32 s2, $0x1;
	s11 =	sadd.s32 $0x2A00, s8;
	[dreg:$0x3] =	wrdreg s0  }
.LBB2_5:
0x11: {  	s28 =	sadd.s32 $0x1, s28  }
0x12: {  	p0 =	sne.s32 s28, s12  }
.Ltmp1:
0x13: {  	_ = 	snop;
	(pc) =	sbr.rel @!p0 .LBB2_6-.Ltmp1, $4  }
0x14: {  	[hbm4b:s11+s1] =	stream.linear.scatter [tilespmem:s13], [sflag:$0x2], $0x14000, $0x38;
	[tilespmem:$0x18200] =	vst v63  }
0x15: {  	_ =	swait.ge [sflag:s14], $0x14000  }
0x16: {  	[sflag:s14] =	ssyncset.done $0x0  }
0x17: {  	[sflag:s14] =	ssyncadd.s32 $0xFFFEC000  }
.LBB2_1:
0x18: {  	s0 =	rddreg [dreg:$0x2]  }
0x19: {  	[tilespmem:s13], [sflag:$0x2] =	stream.linear.gather [hbm4b:s0+s1], $0x14000, $0x38;
	[tilespmem:$0x18200] =	vst v63  }
0x1a: {  	_ =	swait.ge [sflag:s14], $0x14000  }
0x1b: {  	[sflag:s14] =	ssyncset.done $0x0  }
0x1c: {  	s2 =	simm.s32 $0x4180;
	s31 =	rddreg [dreg:$0x3];
	[sflag:s14] =	ssyncadd.s32 $0xFFFEC000  }
0x1d: {  	[tilespmem:s2], [sflag:$0x2] =	stream.linear.gather [hbm4b:s31+s1], $0x80, $0x38;
	[tilespmem:$0x18200] =	vst v63  }
0x1e: {  	_ =	swait.ge [sflag:s14], $0x80  }
0x1f: {  	[sflag:s14] =	ssyncset.done $0x0  }
0x20: {  	[sflag:s14] =	ssyncadd.s32 $0xFFFFFF80  }
0x21: {  	v19 =	vld [tilespmem:$0x4180];
	_ =	sdelay $0x4  }
0x22: {  	(v2sf) =	vpush v19, $0x0;
	_ =	sdelay $0xe  }
0x23: {  	s29 =	spop (v2sf)  }
0x24: {  	p0 =	slt.s32 s29, $0x1  }
.Ltmp2:
0x25: {  	_ = 	snop;
	(pc) =	sbr.rel @p0 .LBB2_5-.Ltmp2, $2  }
0x26: {  	_ =	sdelay $0x2  }
0x27: {  	s30 =	simm.s32 $0x0  }
.LBB2_2:
0x28: {  	s0 =	sshll.u32 s30, $0x9  }
0x29: {  	s2 =	sshll.u32 s30, $0x6;
	s0 =	sand.u32 $0xFFFFFC00, s0  }
0x2a: {  	s2 =	sand.u32 $0x40, s2;
	s0 =	sadd.s32 s10, s0  }
0x2b: {  	s0 =	sor.u32 s2, s0  }
0x2c: {  	s0 =	sor.u32 s7, s0  }
0x2d: {  	s0 =	sshrl.u32 s0, $0x3  }
0x2e: {  	s31 =	simm.s32 $0x0;
	s9 =	sadd.s32 s4, s0  }
0x2f: {  	[tilespmem:s31], [sflag:$0x2] =	stream.linear.gather [hbm4b:s9+s31], $0x40, $0x38;
	[tilespmem:$0x18200] =	vst v63  }
0x30: {  	_ =	swait.ge [sflag:s14], $0x40  }
0x31: {  	[sflag:s14] =	ssyncset.done $0x0  }
0x32: {  	s15 =	sadd.s32 s5, s0;
	[sflag:s14] =	ssyncadd.s32 $0xFFFFFFC0  }
0x33: {  	[tilespmem:s16], [sflag:$0x2] =	stream.linear.gather [hbm4b:s15+s31], $0x40, $0x38;
	[tilespmem:$0x18200] =	vst v63  }
0x34: {  	_ =	swait.ge [sflag:s14], $0x40  }
0x35: {  	[sflag:s14] =	ssyncset.done $0x0  }
0x36: {  	s0 =	sadd.s32 s6, s0;
	[sflag:s14] =	ssyncadd.s32 $0xFFFFFFC0  }
0x37: {  	[tilespmem:s17], [sflag:$0x2] =	stream.linear.gather [hbm4b:s0+s31], $0x40, $0x38;
	[tilespmem:$0x18200] =	vst v63  }
0x38: {  	_ =	swait.ge [sflag:s14], $0x40  }
0x39: {  	[sflag:s14] =	ssyncset.done $0x0  }
0x3a: {  	[sflag:s14] =	ssyncadd.s32 $0xFFFFFFC0  }
0x3b: {  	v19 =	vld [tilespmem:$0x0];
	_ =	sdelay $0x4  }
0x3c: {  	v20 =	vshll.u32 v19, $0x1  }
0x3d: {  	v19 =	vand.u32 $0x7, v19;
	v20 =	vand.u32 $0xFFFFFFF0, v20  }
0x3e: {  	v19 =	vor.u32 v19, v20  }
0x3f: {  	v20 =	vperm.xlane v19, v1;
	_ =	sdelay $0x1  }
0x40: {  	v19 =	vperm.xlane v19, v3;
	v20 =	vadd.s32 v2, v20;
	_ =	sdelay $0x1  }
0x41: {  	v19 =	vadd.s32 v2, v19;
	_ =	sdelay $0x2  }
0x42: {  	[tilespmem:s18], [sflag:$0x1] =	stream.indirect_vreg.gather [hbm4b:s3+s31], $0x80, v20, vm0, $0xb8;
	[tilespmem:$0x18200] =	vst v63  }
0x43: {  	_ = 	snop  }
0x44: {  	[tilespmem:s19], [sflag:$0x1] =	stream.indirect_vreg.gather [hbm4b:s3+s31], $0x80, v19, vm0, $0xb8;
	[tilespmem:$0x18200] =	vst v63  }
0x45: {  	v19 =	vld [tilespmem:$0x10];
	_ =	sdelay $0x4  }
0x46: {  	v20 =	vshll.u32 v19, $0x1  }
0x47: {  	v19 =	vand.u32 $0x7, v19;
	v20 =	vand.u32 $0xFFFFFFF0, v20  }
0x48: {  	v19 =	vor.u32 v19, v20  }
0x49: {  	v20 =	vperm.xlane v19, v1;
	_ =	sdelay $0x1  }
0x4a: {  	v19 =	vperm.xlane v19, v3;
	v20 =	vadd.s32 v2, v20;
	_ =	sdelay $0x1  }
0x4b: {  	v19 =	vadd.s32 v2, v19;
	_ =	sdelay $0x2  }
0x4c: {  	[tilespmem:s20], [sflag:$0x1] =	stream.indirect_vreg.gather [hbm4b:s3+s31], $0x80, v20, vm0, $0xb8;
	[tilespmem:$0x18200] =	vst v63  }
0x4d: {  	_ = 	snop  }
0x4e: {  	[tilespmem:s21], [sflag:$0x1] =	stream.indirect_vreg.gather [hbm4b:s3+s31], $0x80, v19, vm0, $0xb8;
	[tilespmem:$0x18200] =	vst v63  }
0x4f: {  	v19 =	vld [tilespmem:$0x20];
	_ =	sdelay $0x4  }
0x50: {  	v20 =	vshll.u32 v19, $0x1  }
0x51: {  	v19 =	vand.u32 $0x7, v19;
	v20 =	vand.u32 $0xFFFFFFF0, v20  }
0x52: {  	v19 =	vor.u32 v19, v20  }
0x53: {  	v20 =	vperm.xlane v19, v1;
	_ =	sdelay $0x1  }
0x54: {  	v19 =	vperm.xlane v19, v3;
	v20 =	vadd.s32 v2, v20;
	_ =	sdelay $0x1  }
0x55: {  	v19 =	vadd.s32 v2, v19;
	_ =	sdelay $0x2  }
0x56: {  	[tilespmem:s22], [sflag:$0x1] =	stream.indirect_vreg.gather [hbm4b:s3+s31], $0x80, v20, vm0, $0xb8;
	[tilespmem:$0x18200] =	vst v63  }
0x57: {  	_ = 	snop  }
0x58: {  	[tilespmem:s23], [sflag:$0x1] =	stream.indirect_vreg.gather [hbm4b:s3+s31], $0x80, v19, vm0, $0xb8;
	[tilespmem:$0x18200] =	vst v63  }
0x59: {  	v19 =	vld [tilespmem:$0x30];
	_ =	sdelay $0x4  }
0x5a: {  	v20 =	vshll.u32 v19, $0x1  }
0x5b: {  	v19 =	vand.u32 $0x7, v19;
	v20 =	vand.u32 $0xFFFFFFF0, v20  }
0x5c: {  	v19 =	vor.u32 v19, v20  }
0x5d: {  	v20 =	vperm.xlane v19, v1;
	_ =	sdelay $0x1  }
0x5e: {  	v19 =	vperm.xlane v19, v3;
	v20 =	vadd.s32 v2, v20;
	_ =	sdelay $0x1  }
0x5f: {  	v19 =	vadd.s32 v2, v19;
	_ =	sdelay $0x2  }
0x60: {  	[tilespmem:s24], [sflag:$0x1] =	stream.indirect_vreg.gather [hbm4b:s3+s31], $0x80, v20, vm0, $0xb8;
	[tilespmem:$0x18200] =	vst v63  }
0x61: {  	v20 =	vmov s31  }
0x62: {  	[tilespmem:s25], [sflag:$0x1] =	stream.indirect_vreg.gather [hbm4b:s3+s31], $0x80, v19, vm0, $0xb8;
	[tilespmem:$0x18200] =	vst v63  }
0x63: {  	_ =	swait.ge [sflag:s26], $0x4000  }
0x64: {  	[sflag:s26] =	ssyncset.done $0x0  }
0x65: {  	[sflag:s26] =	ssyncadd.s32 $0xFFFFC000  }
0x66: {  	v19 =	vld.idx.msk [tilespmem:v20+s16+$0x0], $0xffff;
	_ =	sdelay $0x3  }
0x67: {  	s8 =	sand.u32 $0x3800, s31;
	s9 =	sand.u32 $0x380, s31  }
0x68: {  	s0 =	sor.u32 s9, s8;
	v22 =	vld.idx.msk [tilespmem:v20+s17+$0x0], $0xffff;
	v20 =	vshll.u32 v19, $0x8;
	v19 =	vshll.u32 v19, $0x7  }
0x69: {  	v21 =	vld [tilespmem:s0+$0x180];
	v20 =	vand.u32 $0xFFFFF800, v20;
	v19 =	vand.u32 $0x380, v19  }
0x6a: {  	v19 =	vor.u32 v19, v20  }
0x6b: {  	v20 =	vor.u32 v0, v19;
	_ =	sdelay $0x2  }
0x6c: {  	v21 =	vmul.f32 v21, v22;
	_ =	sdelay $0x1  }
0x6d: {  	[tilespmem:v20+s13+$0x0] =	vst.idx.add.f32.msk $0xffff, v21  }
0x6e: {  	v20 =	vld [tilespmem:s0+$0x190];
	_ =	sdelay $0x1  }
0x6f: {  	v21 =	vor.u32 v4, v19;
	_ =	sdelay $0x2  }
0x70: {  	v20 =	vmul.f32 v20, v22;
	_ =	sdelay $0x1  }
0x71: {  	[tilespmem:v21+s13+$0x0] =	vst.idx.add.f32.msk $0xffff, v20  }
0x72: {  	v20 =	vld [tilespmem:s0+$0x1A0];
	_ =	sdelay $0x1  }
0x73: {  	v21 =	vor.u32 v5, v19;
	_ =	sdelay $0x2  }
0x74: {  	v20 =	vmul.f32 v20, v22;
	_ =	sdelay $0x1  }
0x75: {  	[tilespmem:v21+s13+$0x0] =	vst.idx.add.f32.msk $0xffff, v20  }
0x76: {  	v20 =	vld [tilespmem:s0+$0x1B0];
	_ =	sdelay $0x1  }
0x77: {  	v21 =	vor.u32 v6, v19;
	_ =	sdelay $0x2  }
0x78: {  	v20 =	vmul.f32 v20, v22;
	_ =	sdelay $0x1  }
0x79: {  	[tilespmem:v21+s13+$0x0] =	vst.idx.add.f32.msk $0xffff, v20  }
0x7a: {  	v20 =	vld [tilespmem:s0+$0x1C0];
	_ =	sdelay $0x1  }
0x7b: {  	v21 =	vor.u32 v7, v19;
	_ =	sdelay $0x2  }
0x7c: {  	v20 =	vmul.f32 v20, v22;
	_ =	sdelay $0x1  }
0x7d: {  	[tilespmem:v21+s13+$0x0] =	vst.idx.add.f32.msk $0xffff, v20  }
0x7e: {  	v20 =	vld [tilespmem:s0+$0x1D0];
	_ =	sdelay $0x1  }
0x7f: {  	v21 =	vor.u32 v8, v19;
	_ =	sdelay $0x2  }
0x80: {  	v20 =	vmul.f32 v20, v22;
	_ =	sdelay $0x1  }
0x81: {  	[tilespmem:v21+s13+$0x0] =	vst.idx.add.f32.msk $0xffff, v20  }
0x82: {  	v20 =	vld [tilespmem:s0+$0x1E0];
	_ =	sdelay $0x1  }
0x83: {  	v21 =	vor.u32 v9, v19;
	_ =	sdelay $0x2  }
0x84: {  	v20 =	vmul.f32 v20, v22;
	_ =	sdelay $0x1  }
0x85: {  	[tilespmem:v21+s13+$0x0] =	vst.idx.add.f32.msk $0xffff, v20  }
0x86: {  	v20 =	vld [tilespmem:s0+$0x1F0];
	_ =	sdelay $0x1  }
0x87: {  	v21 =	vor.u32 v10, v19;
	_ =	sdelay $0x2  }
0x88: {  	v20 =	vmul.f32 v20, v22;
	_ =	sdelay $0x1  }
0x89: {  	[tilespmem:v21+s13+$0x0] =	vst.idx.add.f32.msk $0xffff, v20  }
0x8a: {  	v20 =	vld [tilespmem:s0+$0x580];
	_ =	sdelay $0x1  }
0x8b: {  	v21 =	vor.u32 v11, v19;
	_ =	sdelay $0x2  }
0x8c: {  	v20 =	vmul.f32 v20, v22;
	_ =	sdelay $0x1  }
0x8d: {  	[tilespmem:v21+s13+$0x0] =	vst.idx.add.f32.msk $0xffff, v20  }
0x8e: {  	v20 =	vld [tilespmem:s0+$0x590];
	_ =	sdelay $0x1  }
0x8f: {  	v21 =	vor.u32 v12, v19;
	_ =	sdelay $0x2  }
0x90: {  	v20 =	vmul.f32 v20, v22;
	_ =	sdelay $0x1  }
0x91: {  	[tilespmem:v21+s13+$0x0] =	vst.idx.add.f32.msk $0xffff, v20  }
0x92: {  	v20 =	vld [tilespmem:s0+$0x5A0];
	_ =	sdelay $0x1  }
0x93: {  	v21 =	vor.u32 v13, v19;
	_ =	sdelay $0x2  }
0x94: {  	v20 =	vmul.f32 v20, v22;
	_ =	sdelay $0x1  }
0x95: {  	[tilespmem:v21+s13+$0x0] =	vst.idx.add.f32.msk $0xffff, v20  }
0x96: {  	v20 =	vld [tilespmem:s0+$0x5B0];
	_ =	sdelay $0x1  }
0x97: {  	v21 =	vor.u32 v14, v19;
	_ =	sdelay $0x2  }
0x98: {  	v20 =	vmul.f32 v20, v22;
	_ =	sdelay $0x1  }
0x99: {  	[tilespmem:v21+s13+$0x0] =	vst.idx.add.f32.msk $0xffff, v20  }
0x9a: {  	v20 =	vld [tilespmem:s0+$0x5C0];
	_ =	sdelay $0x1  }
0x9b: {  	v21 =	vor.u32 v15, v19;
	_ =	sdelay $0x2  }
0x9c: {  	v20 =	vmul.f32 v20, v22;
	_ =	sdelay $0x1  }
0x9d: {  	[tilespmem:v21+s13+$0x0] =	vst.idx.add.f32.msk $0xffff, v20  }
0x9e: {  	v20 =	vld [tilespmem:s0+$0x5D0];
	_ =	sdelay $0x1  }
0x9f: {  	v21 =	vor.u32 v16, v19;
	_ =	sdelay $0x2  }
0xa0: {  	v20 =	vmul.f32 v20, v22;
	_ =	sdelay $0x1  }
0xa1: {  	[tilespmem:v21+s13+$0x0] =	vst.idx.add.f32.msk $0xffff, v20  }
0xa2: {  	v20 =	vld [tilespmem:s0+$0x5E0];
	_ =	sdelay $0x1  }
0xa3: {  	v21 =	vor.u32 v17, v19;
	_ =	sdelay $0x2  }
0xa4: {  	v20 =	vmul.f32 v20, v22;
	_ =	sdelay $0x1  }
0xa5: {  	[tilespmem:v21+s13+$0x0] =	vst.idx.add.f32.msk $0xffff, v20  }
0xa6: {  	v23 =	vld [tilespmem:s0+$0x5F0];
	_ =	sdelay $0x1  }
0xa7: {  	s15 =	simm.s32 $0x1;
	v21 =	vor.u32 v18, v19  }
0xa8: {  	v20 =	vmov s15;
	_ =	sdelay $0x1  }
0xa9: {  	s8 =	simm.s32 $0x2;
	s0 =	simm.s32 $0x0;
	v19 =	vmul.f32 v23, v22  }
.LBB2_3:
0xaa: {  	s31 =	sadd.s32 $0x80, s31  }
0xab: {  	s0 =	sadd.s32 $0x100, s0;
	s15 =	smov.u32 s8;
	s2 =	sadd.s32 $0x1, s8;
	[tilespmem:v21+s13+$0x0] =	vst.idx.add.f32.msk $0xffff, v19  }
0xac: {  	p0 =	sne.s32 s8, $0x3F;
	v21 =	vld.idx.msk [tilespmem:v20+s16+$0x0], $0xffff;
	_ =	sdelay $0x4  }
0xad: {  	s8 =	sand.u32 $0x3800, s0;
	s9 =	sand.u32 $0x380, s31  }
0xae: {  	s8 =	sor.u32 s9, s8;
	v19 =	vld.idx.msk [tilespmem:v20+s17+$0x0], $0xffff;
	v20 =	vshll.u32 v21, $0x8;
	v21 =	vshll.u32 v21, $0x7  }
0xaf: {  	v22 =	vld [tilespmem:s8+$0x180];
	v20 =	vand.u32 $0xFFFFF800, v20;
	v21 =	vand.u32 $0x380, v21  }
0xb0: {  	v20 =	vor.u32 v21, v20  }
0xb1: {  	v21 =	vor.u32 v0, v20;
	_ =	sdelay $0x2  }
0xb2: {  	v22 =	vmul.f32 v22, v19;
	_ =	sdelay $0x1  }
0xb3: {  	[tilespmem:v21+s13+$0x0] =	vst.idx.add.f32.msk $0xffff, v22  }
0xb4: {  	v21 =	vld [tilespmem:s8+$0x190];
	_ =	sdelay $0x1  }
0xb5: {  	v22 =	vor.u32 v4, v20;
	_ =	sdelay $0x2  }
0xb6: {  	v21 =	vmul.f32 v21, v19;
	_ =	sdelay $0x1  }
0xb7: {  	[tilespmem:v22+s13+$0x0] =	vst.idx.add.f32.msk $0xffff, v21  }
0xb8: {  	v21 =	vld [tilespmem:s8+$0x1A0];
	_ =	sdelay $0x1  }
0xb9: {  	v22 =	vor.u32 v5, v20;
	_ =	sdelay $0x2  }
0xba: {  	v21 =	vmul.f32 v21, v19;
	_ =	sdelay $0x1  }
0xbb: {  	[tilespmem:v22+s13+$0x0] =	vst.idx.add.f32.msk $0xffff, v21  }
0xbc: {  	v21 =	vld [tilespmem:s8+$0x1B0];
	_ =	sdelay $0x1  }
0xbd: {  	v22 =	vor.u32 v6, v20;
	_ =	sdelay $0x2  }
0xbe: {  	v21 =	vmul.f32 v21, v19;
	_ =	sdelay $0x1  }
0xbf: {  	[tilespmem:v22+s13+$0x0] =	vst.idx.add.f32.msk $0xffff, v21  }
0xc0: {  	v21 =	vld [tilespmem:s8+$0x1C0];
	_ =	sdelay $0x1  }
0xc1: {  	v22 =	vor.u32 v7, v20;
	_ =	sdelay $0x2  }
0xc2: {  	v21 =	vmul.f32 v21, v19;
	_ =	sdelay $0x1  }
0xc3: {  	[tilespmem:v22+s13+$0x0] =	vst.idx.add.f32.msk $0xffff, v21  }
0xc4: {  	v21 =	vld [tilespmem:s8+$0x1D0];
	_ =	sdelay $0x1  }
0xc5: {  	v22 =	vor.u32 v8, v20;
	_ =	sdelay $0x2  }
0xc6: {  	v21 =	vmul.f32 v21, v19;
	_ =	sdelay $0x1  }
0xc7: {  	[tilespmem:v22+s13+$0x0] =	vst.idx.add.f32.msk $0xffff, v21  }
0xc8: {  	v21 =	vld [tilespmem:s8+$0x1E0];
	_ =	sdelay $0x1  }
0xc9: {  	v22 =	vor.u32 v9, v20;
	_ =	sdelay $0x2  }
0xca: {  	v21 =	vmul.f32 v21, v19;
	_ =	sdelay $0x1  }
0xcb: {  	[tilespmem:v22+s13+$0x0] =	vst.idx.add.f32.msk $0xffff, v21  }
0xcc: {  	v21 =	vld [tilespmem:s8+$0x1F0];
	_ =	sdelay $0x1  }
0xcd: {  	v22 =	vor.u32 v10, v20;
	_ =	sdelay $0x2  }
0xce: {  	v21 =	vmul.f32 v21, v19;
	_ =	sdelay $0x1  }
0xcf: {  	[tilespmem:v22+s13+$0x0] =	vst.idx.add.f32.msk $0xffff, v21  }
0xd0: {  	v21 =	vld [tilespmem:s8+$0x580];
	_ =	sdelay $0x1  }
0xd1: {  	v22 =	vor.u32 v11, v20;
	_ =	sdelay $0x2  }
0xd2: {  	v21 =	vmul.f32 v21, v19;
	_ =	sdelay $0x1  }
0xd3: {  	[tilespmem:v22+s13+$0x0] =	vst.idx.add.f32.msk $0xffff, v21  }
0xd4: {  	v21 =	vld [tilespmem:s8+$0x590];
	_ =	sdelay $0x1  }
0xd5: {  	v22 =	vor.u32 v12, v20;
	_ =	sdelay $0x2  }
0xd6: {  	v21 =	vmul.f32 v21, v19;
	_ =	sdelay $0x1  }
0xd7: {  	[tilespmem:v22+s13+$0x0] =	vst.idx.add.f32.msk $0xffff, v21  }
0xd8: {  	v21 =	vld [tilespmem:s8+$0x5A0];
	_ =	sdelay $0x1  }
0xd9: {  	v22 =	vor.u32 v13, v20;
	_ =	sdelay $0x2  }
0xda: {  	v21 =	vmul.f32 v21, v19;
	_ =	sdelay $0x1  }
0xdb: {  	[tilespmem:v22+s13+$0x0] =	vst.idx.add.f32.msk $0xffff, v21  }
0xdc: {  	v21 =	vld [tilespmem:s8+$0x5B0];
	_ =	sdelay $0x1  }
0xdd: {  	v22 =	vor.u32 v14, v20;
	_ =	sdelay $0x2  }
0xde: {  	v21 =	vmul.f32 v21, v19;
	_ =	sdelay $0x1  }
0xdf: {  	[tilespmem:v22+s13+$0x0] =	vst.idx.add.f32.msk $0xffff, v21  }
0xe0: {  	v21 =	vld [tilespmem:s8+$0x5C0];
	_ =	sdelay $0x1  }
0xe1: {  	v22 =	vor.u32 v15, v20;
	_ =	sdelay $0x2  }
0xe2: {  	v21 =	vmul.f32 v21, v19;
	_ =	sdelay $0x1  }
0xe3: {  	[tilespmem:v22+s13+$0x0] =	vst.idx.add.f32.msk $0xffff, v21  }
0xe4: {  	v21 =	vld [tilespmem:s8+$0x5D0];
	_ =	sdelay $0x1  }
0xe5: {  	v22 =	vor.u32 v16, v20;
	_ =	sdelay $0x2  }
0xe6: {  	v21 =	vmul.f32 v21, v19;
	_ =	sdelay $0x1  }
0xe7: {  	[tilespmem:v22+s13+$0x0] =	vst.idx.add.f32.msk $0xffff, v21  }
0xe8: {  	v21 =	vld [tilespmem:s8+$0x5E0];
	_ =	sdelay $0x1  }
0xe9: {  	v22 =	vor.u32 v17, v20;
	_ =	sdelay $0x2  }
0xea: {  	v21 =	vmul.f32 v21, v19;
	_ =	sdelay $0x1  }
0xeb: {  	[tilespmem:v22+s13+$0x0] =	vst.idx.add.f32.msk $0xffff, v21  }
0xec: {  	v22 =	vld [tilespmem:s8+$0x5F0]  }
.Ltmp3:
0xed: {  	(pc) =	sbr.rel @p0 .LBB2_3-.Ltmp3, $3  }
0xee: {  	v21 =	vor.u32 v18, v20  }
0xef: {  	v20 =	vmov s15;
	_ =	sdelay $0x1  }
0xf0: {  	s8 =	smov.u32 s2;
	v19 =	vmul.f32 v22, v19  }
0xf1: {  	_ =	sdelay $0x3  }
0xf2: {  	[tilespmem:v21+s13+$0x0] =	vst.idx.add.f32.msk $0xffff, v19  }
0xf3: {  	v19 =	vld.idx.msk [tilespmem:v20+s16+$0x0], $0xffff;
	_ =	sdelay $0x2  }
0xf4: {  	s2 =	sadd.s32 $0x80, s31;
	s0 =	sadd.s32 $0x100, s0  }
0xf5: {  	s0 =	sand.u32 $0x3800, s0;
	s2 =	sand.u32 $0x380, s2  }
0xf6: {  	v20 =	vld.idx.msk [tilespmem:v20+s17+$0x0], $0xffff;
	s0 =	sor.u32 s2, s0;
	v49 =	vshll.u32 v19, $0x8;
	v19 =	vshll.u32 v19, $0x7  }
0xf7: {  	v22 =	vld [tilespmem:s0+$0x180];
	v21 =	vand.u32 $0xFFFFF800, v49;
	v19 =	vand.u32 $0x380, v19  }
0xf8: {  	v19 =	vor.u32 v19, v21  }
0xf9: {  	v21 =	vor.u32 v0, v19;
	_ =	sdelay $0x2  }
0xfa: {  	v22 =	vmul.f32 v22, v20;
	_ =	sdelay $0x1  }
0xfb: {  	[tilespmem:v21+s13+$0x0] =	vst.idx.add.f32.msk $0xffff, v22  }
0xfc: {  	v21 =	vld [tilespmem:s0+$0x190];
	_ =	sdelay $0x1  }
0xfd: {  	v50 =	vor.u32 v4, v19;
	_ =	sdelay $0x2  }
0xfe: {  	v21 =	vmul.f32 v21, v20;
	_ =	sdelay $0x1  }
0xff: {  	[tilespmem:v50+s13+$0x0] =	vst.idx.add.f32.msk $0xffff, v21  }
0x100: {  	v21 =	vld [tilespmem:s0+$0x1A0];
	_ =	sdelay $0x1  }
0x101: {  	v51 =	vor.u32 v5, v19;
	_ =	sdelay $0x2  }
0x102: {  	v21 =	vmul.f32 v21, v20;
	_ =	sdelay $0x1  }
0x103: {  	[tilespmem:v51+s13+$0x0] =	vst.idx.add.f32.msk $0xffff, v21  }
0x104: {  	v21 =	vld [tilespmem:s0+$0x1B0];
	_ =	sdelay $0x1  }
0x105: {  	v52 =	vor.u32 v6, v19;
	_ =	sdelay $0x2  }
0x106: {  	v21 =	vmul.f32 v21, v20;
	_ =	sdelay $0x1  }
0x107: {  	[tilespmem:v52+s13+$0x0] =	vst.idx.add.f32.msk $0xffff, v21  }
0x108: {  	v21 =	vld [tilespmem:s0+$0x1C0];
	_ =	sdelay $0x1  }
0x109: {  	v53 =	vor.u32 v7, v19;
	_ =	sdelay $0x2  }
0x10a: {  	v21 =	vmul.f32 v21, v20;
	_ =	sdelay $0x1  }
0x10b: {  	[tilespmem:v53+s13+$0x0] =	vst.idx.add.f32.msk $0xffff, v21  }
0x10c: {  	v21 =	vld [tilespmem:s0+$0x1D0];
	_ =	sdelay $0x1  }
0x10d: {  	v54 =	vor.u32 v8, v19;
	_ =	sdelay $0x2  }
0x10e: {  	v21 =	vmul.f32 v21, v20;
	_ =	sdelay $0x1  }
0x10f: {  	[tilespmem:v54+s13+$0x0] =	vst.idx.add.f32.msk $0xffff, v21  }
0x110: {  	v21 =	vld [tilespmem:s0+$0x1E0];
	_ =	sdelay $0x1  }
0x111: {  	v55 =	vor.u32 v9, v19;
	_ =	sdelay $0x2  }
0x112: {  	v21 =	vmul.f32 v21, v20;
	_ =	sdelay $0x1  }
0x113: {  	[tilespmem:v55+s13+$0x0] =	vst.idx.add.f32.msk $0xffff, v21  }
0x114: {  	v21 =	vld [tilespmem:s0+$0x1F0];
	_ =	sdelay $0x1  }
0x115: {  	v56 =	vor.u32 v10, v19;
	_ =	sdelay $0x2  }
0x116: {  	v21 =	vmul.f32 v21, v20;
	_ =	sdelay $0x1  }
0x117: {  	[tilespmem:v56+s13+$0x0] =	vst.idx.add.f32.msk $0xffff, v21  }
0x118: {  	v21 =	vld [tilespmem:s0+$0x580];
	_ =	sdelay $0x1  }
0x119: {  	v57 =	vor.u32 v11, v19;
	_ =	sdelay $0x2  }
0x11a: {  	v21 =	vmul.f32 v21, v20;
	_ =	sdelay $0x1  }
0x11b: {  	[tilespmem:v57+s13+$0x0] =	vst.idx.add.f32.msk $0xffff, v21  }
0x11c: {  	v21 =	vld [tilespmem:s0+$0x590];
	_ =	sdelay $0x1  }
0x11d: {  	v58 =	vor.u32 v12, v19;
	_ =	sdelay $0x2  }
0x11e: {  	v21 =	vmul.f32 v21, v20;
	_ =	sdelay $0x1  }
0x11f: {  	[tilespmem:v58+s13+$0x0] =	vst.idx.add.f32.msk $0xffff, v21  }
0x120: {  	v21 =	vld [tilespmem:s0+$0x5A0];
	_ =	sdelay $0x1  }
0x121: {  	v59 =	vor.u32 v13, v19;
	_ =	sdelay $0x2  }
0x122: {  	v21 =	vmul.f32 v21, v20;
	_ =	sdelay $0x1  }
0x123: {  	[tilespmem:v59+s13+$0x0] =	vst.idx.add.f32.msk $0xffff, v21  }
0x124: {  	v21 =	vld [tilespmem:s0+$0x5B0];
	_ =	sdelay $0x1  }
0x125: {  	v60 =	vor.u32 v14, v19;
	_ =	sdelay $0x2  }
0x126: {  	v21 =	vmul.f32 v21, v20;
	_ =	sdelay $0x1  }
0x127: {  	[tilespmem:v60+s13+$0x0] =	vst.idx.add.f32.msk $0xffff, v21  }
0x128: {  	v21 =	vld [tilespmem:s0+$0x5C0];
	_ =	sdelay $0x1  }
0x129: {  	v61 =	vor.u32 v15, v19;
	_ =	sdelay $0x2  }
0x12a: {  	v21 =	vmul.f32 v21, v20;
	_ =	sdelay $0x1  }
0x12b: {  	[tilespmem:v61+s13+$0x0] =	vst.idx.add.f32.msk $0xffff, v21  }
0x12c: {  	v21 =	vld [tilespmem:s0+$0x5D0];
	_ =	sdelay $0x1  }
0x12d: {  	v62 =	vor.u32 v16, v19;
	_ =	sdelay $0x2  }
0x12e: {  	v21 =	vmul.f32 v21, v20;
	_ =	sdelay $0x1  }
0x12f: {  	[tilespmem:v62+s13+$0x0] =	vst.idx.add.f32.msk $0xffff, v21  }
0x130: {  	v21 =	vld [tilespmem:s0+$0x5E0];
	_ =	sdelay $0x1  }
0x131: {  	v63 =	vor.u32 v17, v19;
	_ =	sdelay $0x2  }
0x132: {  	v21 =	vmul.f32 v21, v20;
	_ =	sdelay $0x1  }
0x133: {  	[tilespmem:v63+s13+$0x0] =	vst.idx.add.f32.msk $0xffff, v21  }
0x134: {  	v21 =	vld [tilespmem:s0+$0x5F0]  }
0x135: {  	s30 =	sadd.s32 $0x1, s30  }
0x136: {  	p0 =	sne.s32 s30, s29;
	v19 =	vor.u32 v18, v19  }
.Ltmp4:
0x137: {  	_ = 	snop;
	(pc) =	sbr.rel @p0 .LBB2_2-.Ltmp4, $4  }
.Ltmp5:
0x138: {  	_ = 	snop;
	(pc) =	sbr.rel @!p0 .LBB2_5-.Ltmp5, $4  }
0x139: {  	v20 =	vmul.f32 v21, v20  }
0x13a: {  	_ = 	snop  }
0x13b: {  	[tilespmem:v19+s13+$0x0] =	vst.idx.add.f32.msk $0xffff, v20  }
0x13c: {  	_ = 	snop  }
.LBB2_6:
0x13d: {  	_ =	sfence.sel $0x180000  }
0x13e: {  	[bflag:$0x0] =	sbarrier.arrive $0xFFFF  }
0x13f: {  	_ =	strace $0x90000050  }
0x140: {  	s0 =	stileid.u32;
	[bflag:$0x2] =	sbarrier.arrive $0xFFFF  }
0x141: {  	p0 =	sne.s32 s0, $0x0;
	s0 =	rddreg [dreg:$0x1]  }
0x142: {  	s0 =	sadd.s32 @!p0 $0x100000, s0  }
0x143: {  	[sflag:s0] =	ssyncadd.tile.s32 @!p0 $0x1;
	_ =	shalt  }
.Lfunc_end2:
_tile_overlayer_lowered:
.L_overlay_start_2:
0x144: {  	(tag) =	ssettag $0x2  }
0x145: {  	s0 =	rddreg [dreg:$0x0];
	s2 =	stileid.u32  }
0x146: {  	s1 =	rddreg [dreg:$0x1];
	p0 =	sne.s32 s2, $0x0  }
0x147: {  	s3 =	rddreg [dreg:$0x2];
	[bflag:$0x3] =	sbarrier.arrive $0xFFFF;
	s2 =	simm.s32 @!p0 $0x1C02  }
0x148: {  	[timem:s3], [sflag:s2] =	dma.local @!p0 [hbm:s0], s1  }
0x149: {  	s0 =	simm.s32 @!p0 $0x2  }
0x14a: {  	_ =	swait.ge @!p0 [sflag:s0], s1  }
0x14b: {  	s1 =	ssub.s32 @!p0 $0x0, s1;
	[sflag:s0] =	ssyncset.done @!p0 $0x0  }
0x14c: {  	[sflag:s0] =	ssyncadd.s32 @!p0 s1  }
0x14d: {  	[bflag:$0x3] =	sbarrier.arrive $0xFFFF  }
0x14e: {  	_ =	shalt  }

// kernel: kernel.24.cloned.1.call-start
scs
__scs_entry_jumppad:
0x0: {  	(pc) =	sbr.rel $0x88, $3  }
0x1: {  	(tag) =	ssettag $0x0;
	lr =	simm.s32 $0x1  }
0x2: {  	[smem:$0x3F7D] =	sst lr;
	_ =	strace $0xD0000000  }
0x3: {  	_ = 	snop  }
0x4: {  	_ = 	snop  }
0x5: {  	_ = 	snop  }
0x6: {  	_ = 	snop  }
0x7: {  	_ = 	snop  }
__scs_overlays_trampoline_lowered:
0x8: {  	[smem:$0x3F8C] =	sst s0  }
0x9: {  	[smem:$0x3F8D] =	sst s1  }
0xa: {  	[smem:$0x3F8E] =	sst s2  }
0xb: {  	[smem:$0x3F8F] =	sst s3  }
0xc: {  	[smem:$0x3F90] =	sst s4  }
0xd: {  	[smem:$0x3F91] =	sst s5  }
0xe: {  	[smem:$0x3F92] =	sst s6  }
0xf: {  	[smem:$0x3F93] =	sst s7  }
0x10: {  	[smem:$0x3F94] =	sst s8  }
0x11: {  	[smem:$0x3F95] =	sst s9;
	s0 =	simm.s32 @!p0 $0x0  }
0x12: {  	s1 =	sld [smem:$0x3F7B];
	s0 =	simm.s32 @p0 $0x1  }
0x13: {  	[smem:$0x3F96] =	sst s0;
	s0 =	simm.s32 @!p1 $0x0  }
0x14: {  	s2 =	sld [smem:$0x3F7A];
	s0 =	simm.s32 @p1 $0x1  }
0x15: {  	[smem:$0x3F97] =	sst s0;
	s0 =	simm.s32 @!p2 $0x0  }
0x16: {  	s3 =	sld [smem:$0x3FDB];
	s0 =	simm.s32 @p2 $0x1  }
0x17: {  	s4 =	simm.s32 $0x1BF5;
	[smem:$0x3F99] =	sst s0  }
0x18: {  	s0 =	sld [smem:$0x3F7C];
	_ =	swait.ge [sflag:s4], $0x0  }
0x19: {  	s7 =	sld [smem:$0x3F7D]  }
0x1a: {  	s8 =	sadd.s32 $0xFFFFE003, lr  }
0x1b: {  	s9 =	sadd.s32 $0xFFFFFEF7, lr;
	s5 =	simm.s32 $0xFFFFFFFF;
	p2 =	slt.u32 s8, $0xFFFFF086  }
0x1c: {  	p1 =	slt.u32 s9, $0xF7A;
	s5 =	simm.s32 @!p2 $0x0  }
0x1d: {  	s5 =	simm.s32 @p1 $0x1;
	p0 =	seq.s32 s7, s2  }
0x1e: {  	s7 =	smul.u32 @!p0 $0xF7A, s2;
	p2 =	seq.s32 @!p0 s5, $0x0  }
0x1f: {  	s9 =	smul.u32 $0xF7A, s1;
	s8 =	simm.s32 @!p0 $0x1BF5;
	p2 =	por !p2, p0  }
0x20: {  	[sflag:s8] =	ssyncset.s32 @!p0 $0xFFFFF086;
	s6 =	sadd.s32 @!p0 s3, s7;
	s7 =	simm.s32 @!p0 $0x108  }
0x21: {  	s3 =	sadd.s32 s3, s9;
	s6 =	sadd.s32 @!p0 $0x88, s6;
	s7 =	simm.s32 @p2 $0x1082  }
0x22: {  	[simem:s7], [sflag:s8] =	dma.local @!p0 [hbm:s6], $0xF7A  }
0x23: {  	s9 =	sor.u32 $0xD0000000, s2;
	s6 =	simm.s32 $0x108;
	_ =	swait.ge @!p0 [sflag:s8], $0x0  }
0x24: {  	s3 =	sadd.s32 $0x88, s3;
	s6 =	simm.s32 @!p1 $0x1082;
	[sflag:s4] =	ssyncset.s32 $0xFFFFF086  }
0x25: {  	[simem:s6], [sflag:s4] =	dma.local [hbm:s3], $0xF7A  }
0x26: {  	[smem:$0x3F7D] =	sst s1;
	(tag) =	ssettag s2;
	_ =	strace s9  }
0x27: {  	s1 =	sld [smem:$0x3F8D]  }
0x28: {  	s2 =	sld [smem:$0x3F8E]  }
0x29: {  	s4 =	sld [smem:$0x3F90]  }
0x2a: {  	p0 =	seq.s32 s5, $0x0;
	s5 =	sld [smem:$0x3F91]  }
0x2b: {  	s6 =	sld [smem:$0x3F92]  }
0x2c: {  	s7 =	sld [smem:$0x3F93]  }
0x2d: {  	s3 =	simm.s32 $0x108;
	s8 =	sld [smem:$0x3F94]  }
0x2e: {  	s3 =	simm.s32 @!p0 $0x1082;
	s9 =	sld [smem:$0x3F95]  }
0x2f: {  	lr =	sadd.s32 s0, s3;
	s0 =	sld [smem:$0x3F8C]  }
0x30: {  	s3 =	sld [smem:$0x3F8F]  }
0x31: {  	[smem:$0x3F98] =	sst s10  }
0x32: {  	s10 =	sld [smem:$0x3F96];
	_ =	sdelay $0x3  }
0x33: {  	p0 =	seq.s32 s10, $0x1;
	s10 =	sld [smem:$0x3F98];
	_ =	sdelay $0x3  }
0x34: {  	[smem:$0x3F98] =	sst s10  }
0x35: {  	s10 =	sld [smem:$0x3F97];
	_ =	sdelay $0x3  }
0x36: {  	p1 =	seq.s32 s10, $0x1;
	s10 =	sld [smem:$0x3F98];
	_ =	sdelay $0x3  }
0x37: {  	[smem:$0x3F98] =	sst s10  }
0x38: {  	s10 =	sld [smem:$0x3F99]  }
0x39: {  	_ = 	snop;
	(pc) =	sbr.ind lr, $3  }
0x3a: {  	_ = 	snop  }
0x3b: {  	_ = 	snop  }
0x3c: {  	p2 =	seq.s32 s10, $0x1;
	s10 =	sld [smem:$0x3F98]  }
0x3d: {  	_ =	shalt  }
0x3e: {  	_ =	shalt  }
0x3f: {  	_ =	shalt  }
0x40: {  	_ =	shalt  }
0x41: {  	_ =	shalt  }
0x42: {  	_ =	shalt  }
0x43: {  	_ =	shalt  }
0x44: {  	_ =	shalt  }
0x45: {  	_ =	shalt  }
0x46: {  	_ =	shalt  }
0x47: {  	_ =	shalt  }
0x48: {  	_ =	shalt  }
0x49: {  	_ =	shalt  }
0x4a: {  	_ =	shalt  }
0x4b: {  	_ =	shalt  }
0x4c: {  	_ =	shalt  }
0x4d: {  	_ =	shalt  }
0x4e: {  	_ =	shalt  }
0x4f: {  	_ =	shalt  }
0x50: {  	_ =	shalt  }
0x51: {  	_ =	shalt  }
0x52: {  	_ =	shalt  }
0x53: {  	_ =	shalt  }
0x54: {  	_ =	shalt  }
0x55: {  	_ =	shalt  }
0x56: {  	_ =	shalt  }
0x57: {  	_ =	shalt  }
0x58: {  	_ =	shalt  }
0x59: {  	_ =	shalt  }
0x5a: {  	_ =	shalt  }
0x5b: {  	_ =	shalt  }
0x5c: {  	_ =	shalt  }
0x5d: {  	_ =	shalt  }
0x5e: {  	_ =	shalt  }
0x5f: {  	_ =	shalt  }
0x60: {  	_ =	shalt  }
0x61: {  	_ =	shalt  }
0x62: {  	_ =	shalt  }
0x63: {  	_ =	shalt  }
0x64: {  	_ =	shalt  }
0x65: {  	_ =	shalt  }
0x66: {  	_ =	shalt  }
0x67: {  	_ =	shalt  }
0x68: {  	_ =	shalt  }
0x69: {  	_ =	shalt  }
0x6a: {  	_ =	shalt  }
0x6b: {  	_ =	shalt  }
0x6c: {  	_ =	shalt  }
0x6d: {  	_ =	shalt  }
0x6e: {  	_ =	shalt  }
0x6f: {  	_ =	shalt  }
0x70: {  	_ =	shalt  }
0x71: {  	_ =	shalt  }
0x72: {  	_ =	shalt  }
0x73: {  	_ =	shalt  }
0x74: {  	_ =	shalt  }
0x75: {  	_ =	shalt  }
0x76: {  	_ =	shalt  }
0x77: {  	_ =	shalt  }
0x78: {  	_ =	shalt  }
0x79: {  	_ =	shalt  }
0x7a: {  	_ =	shalt  }
0x7b: {  	_ =	shalt  }
0x7c: {  	_ =	shalt  }
0x7d: {  	_ =	shalt  }
0x7e: {  	_ =	shalt  }
0x7f: {  	_ =	shalt  }
0x80: {  	_ =	shalt  }
0x81: {  	_ =	shalt  }
0x82: {  	_ =	shalt  }
0x83: {  	_ =	shalt  }
0x84: {  	_ =	shalt  }
0x85: {  	_ =	shalt  }
0x86: {  	_ =	shalt  }
0x87: {  	_ =	shalt  }
.Lfunc_end0:
.L_simem_size_0:
called_computation.4_lowered:
.L_overlay_start_0:
0x88: {  	s2 =	sld [smem:$0x3FD9]  }
0x89: {  	s3 =	sld [smem:$0x3FFE];
	_ =	sdelay $0x1  }
0x8a: {  	s1 =	srdreg.scid  }
0x8b: {  	s0 =	sand.u32 $0x1, s1  }
0x8c: {  	s16 =	sshll.u32 s0, $0xA;
	s2 =	sadd.s32 s3, s2  }
0x8d: {  	s2 =	sadd.s32 s2, s16  }
0x8e: {  	[smem:$0x3FA4] =	sst s2  }
0x8f: {  	_ = 	snop  }
0x90: {  	(tm) =	ssettm $0x1  }
0x91: {  	s17 =	sld [smem:$0x3FFB];
	_ =	sdelay $0x3  }
0x92: {  	_ =	strace s17  }
0x93: {  	s2 =	sld [smem:$0x3FFC];
	_ =	sdelay $0x3  }
0x94: {  	_ =	strace s2  }
0x95: {  	s2 =	sld [smem:$0x3FFD];
	_ =	sdelay $0x3  }
0x96: {  	_ =	strace s2  }
0x97: {  	_ =	strace $0x8FFFFFFF  }
0x98: {  	s18 =	sld [smem:$0x3FDB];
	_ =	sdelay $0x1  }
0x99: {  	s19 =	simm.s32 $_scs_section_size  }
0x9a: {  	s4 =	simm.s32 $_size__tile_overlayer_lowered;
	s5 =	simm.s32 $_tile_overlayer_lowered  }
0x9b: {  	s22 =	simm.s32 $0x1BFF;
	s21 =	sshll.u32 s5, $0x1;
	s2 =	sadd.s32 s19, s18  }
0x9c: {  	s6 =	simm.s32 $0x0;
	s20 =	sshll.u32 s4, $0x1;
	s4 =	sadd.s32 s21, s2  }
0x9d: {  	[timem:s6], [sflag:s22] =	dma.local [hbm:s4], s20  }
0x9e: {  	_ =	swait.ge [sflag:s22], s20  }
0x9f: {  	s3 =	ssub.s32 $0x0, s20;
	[sflag:s22] =	ssyncset.done $0x0  }
0xa0: {  	[sflag:s22] =	ssyncadd.s32 s3;
	_ =	sdelay $0x1  }
0xa1: {  	s23 =	simm.s32 $0x1B8B  }
0xa2: {  	_ =	swait.ge [sflag:s23], $0x1  }
0xa3: {  	[sflag:s23] =	ssyncset.done $0x0  }
0xa4: {  	s25 =	simm.s32 $0x1B8E;
	s24 =	sld [smem:$0x3FFE];
	[sflag:s23] =	ssyncadd.s32 $0xFFFFFFFF  }
0xa5: {  	s26 =	simm.s32 $execute0_lowered;
	[smem:$0x3FD2] =	sst s25  }
0xa6: {  	s4 =	sshll.u32 s26, $0x1;
	_ =	strace $0x80000052;
	[dreg:$0x1] =	wrdreg $0xFFFFFFFF  }
0xa7: {  	s28 =	simm.s32 $_size_execute0_lowered;
	s2 =	sadd.s32 s2, s4;
	[dreg:$0x0] =	wrdreg $0x0  }
0xa8: {  	s4 =	sshll.u32 s28, $0x1;
	[dreg:$0x2] =	wrdreg s2  }
0xa9: {  	[dreg:$0x3] =	wrdreg s4  }
0xaa: {  	[dreg:$0x4] =	wrdreg $0xC0  }
0xab: {  	_ =	task [dreg:s6], $0x5FFFF  }
0xac: {  	[dreg:$0x1] =	wrdreg $0xFFFFFFFF  }
0xad: {  	[dreg:$0x0] =	wrdreg $0x60  }
0xae: {  	[dreg:$0x2] =	wrdreg s24  }
0xaf: {  	[dreg:$0x3] =	wrdreg $0x9  }
0xb0: {  	_ =	task.clear_ibuf [dreg:s6], $0x4FFFF;
	_ =	strace $0x90000052  }
0xb1: {  	s29 =	simm.s32 $0x9;
	_ =	strace $0x80000054  }
0xb2: {  	_ =	swait.ge [sflag:s29], $0x1  }
0xb3: {  	[sflag:s29] =	ssyncadd.s32 $0xFFFFFFFF  }
0xb4: {  	_ =	strace $0x90000054  }
0xb5: {  	_ =	sfence  }
0xb6: {  	s30 =	sld [smem:$0x0];
	_ =	sdelay $0x2  }
0xb7: {  	s31 =	sshll.u32 s1, $0xD;
	s1 =	sshrl.u32 s1, $0x2  }
0xb8: {  	s3 =	sand.u32 $0x4000, s31;
	s1 =	sadd.s32 s1, s30  }
0xb9: {  	s0 =	sor.u32 s3, s0;
	s1 =	sshll.u32 s1, $0x11  }
0xba: {  	s0 =	sor.u32 s1, s0  }
0xbb: {  	s0 =	sadd.s32 $0x8F2B, s0  }
0xbc: {  	[sflag:s0] =	ssyncadd.remote.s32 $0x1  }
0xbd: {  	_ =	sfence.sel $0xFFFF  }
0xbe: {  	[dreg:$0x0] =	wrdreg $0xFFFFFFFF;
	(pc) =	sbr.abs _section_cstart, $3  }
0xbf: {  	[dreg:$0x1] =	wrdreg $0xFFFFFFFF  }
0xc0: {  	_ =	task.clear_ibuf [dreg:s6], $0x2FFFF;
	_ =	strace $0x9FFFFFFF  }
0xc1: {  	(tm) =	ssettm $0x7FFFFFFF  }
tec
execute0_lowered:
.L_overlay_start_1:
0x0: {  	(tag) =	ssettag $0x1  }
0x1: {  	s0 =	rddreg [dreg:$0x0]  }
0x2: {  	s1 =	simm.s32 $0x0;
	s2 =	srdreg.scid;
	s6 =	stileid.u32  }
0x3: {  	s13 =	simm.s32 $0x4200;
	s14 =	simm.s32 $0x2;
	s16 =	simm.s32 $0x80  }
0x4: {  	s17 =	simm.s32 $0x100;
	s18 =	simm.s32 $0x180;
	s19 =	simm.s32 $0x980  }
0x5: {  	s20 =	simm.s32 $0x1180;
	s21 =	simm.s32 $0x1980;
	s22 =	simm.s32 $0x2180  }
0x6: {  	s23 =	simm.s32 $0x2980;
	s24 =	simm.s32 $0x3180;
	s25 =	simm.s32 $0x3980  }
0x7: {  	s26 =	simm.s32 $0x1;
	s28 =	simm.s32 $0x0;
	[smem:$0x7FF] =	sst s1  }
0x8: {  	s2 =	sand.u32 $0x1, s2;
	s3 =	sadd.s32 $0x49FC00, s0;
	s4 =	sadd.s32 $0xF6400, s0  }
0x9: {  	v0 =	vlaneseq.u32;
	s7 =	sshll.u32 s6, $0x7;
	s11 =	sadd.s32 $0x200, s0;
	s5 =	sshll.u32 s2, $0x4  }
0xa: {  	vm0 =	vmmov $0xffff;
	v1 =	vand.u32 $0x7, v0;
	_ =	strace $0x80000053;
	s7 =	sand.u32 $0x380, s7;
	s8 =	sor.u32 s6, s5  }
0xb: {  	v2 =	vshrl.u32 v0, $0x3;
	v3 =	vor.u32 $0x8, v0;
	v4 =	vor.u32 $0x10, v0;
	s2 =	ssub.s32 $0x2, s2;
	[dreg:$0x2] =	wrdreg s11;
	s10 =	sshrl.u32 s8, $0x3  }
.Ltmp0:
0xc: {  	v5 =	vor.u32 $0x20, v0;
	v6 =	vor.u32 $0x30, v0;
	v7 =	vor.u32 $0x40, v0;
	s5 =	sadd.s32 $0x5A000, s0;
	s9 =	sshll.u32 s10, $0xA;
	(pc) =	sbr.rel .LBB2_1-.Ltmp0, $4  }
0xd: {  	v8 =	vor.u32 $0x50, v0;
	v9 =	vor.u32 $0x60, v0;
	v10 =	vor.u32 $0x70, v0;
	s31 =	sshrl.u32 s2, $0x1;
	s8 =	smul.u32 $0x2800, s8;
	s9 =	sor.u32 s7, s9  }
0xe: {  	v11 =	vor.u32 $0x400, v0;
	v12 =	vor.u32 $0x410, v0;
	v13 =	vor.u32 $0x420, v0;
	s6 =	sadd.s32 $0x192800, s0;
	s2 =	ssub.s32 s2, s31;
	s9 =	sshrl.u32 s9, $0x3  }
0xf: {  	v14 =	vor.u32 $0x430, v0;
	v15 =	vor.u32 $0x440, v0;
	v16 =	vor.u32 $0x450, v0;
	s10 =	smul.u32 $0x138800, s10;
	s8 =	sadd.s32 s8, s0;
	s0 =	sadd.s32 s0, s9  }
0x10: {  	v17 =	vor.u32 $0x460, v0;
	v18 =	vor.u32 $0x470, v0;
	v2 =	vmul.u32 $0x8, v2;
	s12 =	smax.u32 s2, $0x1;
	s11 =	sadd.s32 $0x2A00, s8;
	[dreg:$0x3] =	wrdreg s0  }
.LBB2_5:
0x11: {  	s28 =	sadd.s32 $0x1, s28  }
0x12: {  	p0 =	sne.s32 s28, s12  }
.Ltmp1:
0x13: {  	_ = 	snop;
	(pc) =	sbr.rel @!p0 .LBB2_6-.Ltmp1, $4  }
0x14: {  	[hbm4b:s11+s1] =	stream.linear.scatter [tilespmem:s13], [sflag:$0x2], $0x14000, $0x38;
	[tilespmem:$0x18200] =	vst v63  }
0x15: {  	_ =	swait.ge [sflag:s14], $0x14000  }
0x16: {  	[sflag:s14] =	ssyncset.done $0x0  }
0x17: {  	[sflag:s14] =	ssyncadd.s32 $0xFFFEC000  }
.LBB2_1:
0x18: {  	s0 =	rddreg [dreg:$0x2]  }
0x19: {  	[tilespmem:s13], [sflag:$0x2] =	stream.linear.gather [hbm4b:s0+s1], $0x14000, $0x38;
	[tilespmem:$0x18200] =	vst v63  }
0x1a: {  	_ =	swait.ge [sflag:s14], $0x14000  }
0x1b: {  	[sflag:s14] =	ssyncset.done $0x0  }
0x1c: {  	s2 =	simm.s32 $0x4180;
	s31 =	rddreg [dreg:$0x3];
	[sflag:s14] =	ssyncadd.s32 $0xFFFEC000  }
0x1d: {  	[tilespmem:s2], [sflag:$0x2] =	stream.linear.gather [hbm4b:s31+s1], $0x80, $0x38;
	[tilespmem:$0x18200] =	vst v63  }
0x1e: {  	_ =	swait.ge [sflag:s14], $0x80  }
0x1f: {  	[sflag:s14] =	ssyncset.done $0x0  }
0x20: {  	[sflag:s14] =	ssyncadd.s32 $0xFFFFFF80  }
0x21: {  	v19 =	vld [tilespmem:$0x4180];
	_ =	sdelay $0x4  }
0x22: {  	(v2sf) =	vpush v19, $0x0;
	_ =	sdelay $0xe  }
0x23: {  	s29 =	spop (v2sf)  }
0x24: {  	p0 =	slt.s32 s29, $0x1  }
.Ltmp2:
0x25: {  	_ = 	snop;
	(pc) =	sbr.rel @p0 .LBB2_5-.Ltmp2, $2  }
0x26: {  	_ =	sdelay $0x2  }
0x27: {  	s30 =	simm.s32 $0x0  }
.LBB2_2:
0x28: {  	s0 =	sshll.u32 s30, $0x9  }
0x29: {  	s2 =	sshll.u32 s30, $0x6;
	s0 =	sand.u32 $0xFFFFFC00, s0  }
0x2a: {  	s2 =	sand.u32 $0x40, s2;
	s0 =	sadd.s32 s10, s0  }
0x2b: {  	s0 =	sor.u32 s2, s0  }
0x2c: {  	s0 =	sor.u32 s7, s0  }
0x2d: {  	s0 =	sshrl.u32 s0, $0x3  }
0x2e: {  	s31 =	simm.s32 $0x0;
	s9 =	sadd.s32 s4, s0  }
0x2f: {  	[tilespmem:s31], [sflag:$0x2] =	stream.linear.gather [hbm4b:s9+s31], $0x40, $0x38;
	[tilespmem:$0x18200] =	vst v63  }
0x30: {  	_ =	swait.ge [sflag:s14], $0x40  }
0x31: {  	[sflag:s14] =	ssyncset.done $0x0  }
0x32: {  	s15 =	sadd.s32 s5, s0;
	[sflag:s14] =	ssyncadd.s32 $0xFFFFFFC0  }
0x33: {  	[tilespmem:s16], [sflag:$0x2] =	stream.linear.gather [hbm4b:s15+s31], $0x40, $0x38;
	[tilespmem:$0x18200] =	vst v63  }
0x34: {  	_ =	swait.ge [sflag:s14], $0x40  }
0x35: {  	[sflag:s14] =	ssyncset.done $0x0  }
0x36: {  	s0 =	sadd.s32 s6, s0;
	[sflag:s14] =	ssyncadd.s32 $0xFFFFFFC0  }
0x37: {  	[tilespmem:s17], [sflag:$0x2] =	stream.linear.gather [hbm4b:s0+s31], $0x40, $0x38;
	[tilespmem:$0x18200] =	vst v63  }
0x38: {  	_ =	swait.ge [sflag:s14], $0x40  }
0x39: {  	[sflag:s14] =	ssyncset.done $0x0  }
0x3a: {  	[sflag:s14] =	ssyncadd.s32 $0xFFFFFFC0  }
0x3b: {  	v19 =	vld [tilespmem:$0x0];
	_ =	sdelay $0x4  }
0x3c: {  	v20 =	vshll.u32 v19, $0x1  }
0x3d: {  	v19 =	vand.u32 $0x7, v19;
	v20 =	vand.u32 $0xFFFFFFF0, v20  }
0x3e: {  	v19 =	vor.u32 v19, v20  }
0x3f: {  	v20 =	vperm.xlane v19, v1;
	_ =	sdelay $0x1  }
0x40: {  	v19 =	vperm.xlane v19, v3;
	v20 =	vadd.s32 v2, v20;
	_ =	sdelay $0x1  }
0x41: {  	v19 =	vadd.s32 v2, v19;
	_ =	sdelay $0x2  }
0x42: {  	[tilespmem:s18], [sflag:$0x1] =	stream.indirect_vreg.gather [hbm4b:s3+s31], $0x80, v20, vm0, $0xb8;
	[tilespmem:$0x18200] =	vst v63  }
0x43: {  	_ = 	snop  }
0x44: {  	[tilespmem:s19], [sflag:$0x1] =	stream.indirect_vreg.gather [hbm4b:s3+s31], $0x80, v19, vm0, $0xb8;
	[tilespmem:$0x18200] =	vst v63  }
0x45: {  	v19 =	vld [tilespmem:$0x10];
	_ =	sdelay $0x4  }
0x46: {  	v20 =	vshll.u32 v19, $0x1  }
0x47: {  	v19 =	vand.u32 $0x7, v19;
	v20 =	vand.u32 $0xFFFFFFF0, v20  }
0x48: {  	v19 =	vor.u32 v19, v20  }
0x49: {  	v20 =	vperm.xlane v19, v1;
	_ =	sdelay $0x1  }
0x4a: {  	v19 =	vperm.xlane v19, v3;
	v20 =	vadd.s32 v2, v20;
	_ =	sdelay $0x1  }
0x4b: {  	v19 =	vadd.s32 v2, v19;
	_ =	sdelay $0x2  }
0x4c: {  	[tilespmem:s20], [sflag:$0x1] =	stream.indirect_vreg.gather [hbm4b:s3+s31], $0x80, v20, vm0, $0xb8;
	[tilespmem:$0x18200] =	vst v63  }
0x4d: {  	_ = 	snop  }
0x4e: {  	[tilespmem:s21], [sflag:$0x1] =	stream.indirect_vreg.gather [hbm4b:s3+s31], $0x80, v19, vm0, $0xb8;
	[tilespmem:$0x18200] =	vst v63  }
0x4f: {  	v19 =	vld [tilespmem:$0x20];
	_ =	sdelay $0x4  }
0x50: {  	v20 =	vshll.u32 v19, $0x1  }
0x51: {  	v19 =	vand.u32 $0x7, v19;
	v20 =	vand.u32 $0xFFFFFFF0, v20  }
0x52: {  	v19 =	vor.u32 v19, v20  }
0x53: {  	v20 =	vperm.xlane v19, v1;
	_ =	sdelay $0x1  }
0x54: {  	v19 =	vperm.xlane v19, v3;
	v20 =	vadd.s32 v2, v20;
	_ =	sdelay $0x1  }
0x55: {  	v19 =	vadd.s32 v2, v19;
	_ =	sdelay $0x2  }
0x56: {  	[tilespmem:s22], [sflag:$0x1] =	stream.indirect_vreg.gather [hbm4b:s3+s31], $0x80, v20, vm0, $0xb8;
	[tilespmem:$0x18200] =	vst v63  }
0x57: {  	_ = 	snop  }
0x58: {  	[tilespmem:s23], [sflag:$0x1] =	stream.indirect_vreg.gather [hbm4b:s3+s31], $0x80, v19, vm0, $0xb8;
	[tilespmem:$0x18200] =	vst v63  }
0x59: {  	v19 =	vld [tilespmem:$0x30];
	_ =	sdelay $0x4  }
0x5a: {  	v20 =	vshll.u32 v19, $0x1  }
0x5b: {  	v19 =	vand.u32 $0x7, v19;
	v20 =	vand.u32 $0xFFFFFFF0, v20  }
0x5c: {  	v19 =	vor.u32 v19, v20  }
0x5d: {  	v20 =	vperm.xlane v19, v1;
	_ =	sdelay $0x1  }
0x5e: {  	v19 =	vperm.xlane v19, v3;
	v20 =	vadd.s32 v2, v20;
	_ =	sdelay $0x1  }
0x5f: {  	v19 =	vadd.s32 v2, v19;
	_ =	sdelay $0x2  }
0x60: {  	[tilespmem:s24], [sflag:$0x1] =	stream.indirect_vreg.gather [hbm4b:s3+s31], $0x80, v20, vm0, $0xb8;
	[tilespmem:$0x18200] =	vst v63  }
0x61: {  	v20 =	vmov s31  }
0x62: {  	[tilespmem:s25], [sflag:$0x1] =	stream.indirect_vreg.gather [hbm4b:s3+s31], $0x80, v19, vm0, $0xb8;
	[tilespmem:$0x18200] =	vst v63  }
0x63: {  	_ =	swait.ge [sflag:s26], $0x4000  }
0x64: {  	[sflag:s26] =	ssyncset.done $0x0  }
0x65: {  	[sflag:s26] =	ssyncadd.s32 $0xFFFFC000  }
0x66: {  	v19 =	vld.idx.msk [tilespmem:v20+s16+$0x0], $0xffff;
	_ =	sdelay $0x3  }
0x67: {  	s8 =	sand.u32 $0x3800, s31;
	s9 =	sand.u32 $0x380, s31  }
0x68: {  	s0 =	sor.u32 s9, s8;
	v22 =	vld.idx.msk [tilespmem:v20+s17+$0x0], $0xffff;
	v20 =	vshll.u32 v19, $0x8;
	v19 =	vshll.u32 v19, $0x7  }
0x69: {  	v21 =	vld [tilespmem:s0+$0x180];
	v20 =	vand.u32 $0xFFFFF800, v20;
	v19 =	vand.u32 $0x380, v19  }
0x6a: {  	v19 =	vor.u32 v19, v20  }
0x6b: {  	v20 =	vor.u32 v0, v19;
	_ =	sdelay $0x2  }
0x6c: {  	v21 =	vmul.f32 v21, v22;
	_ =	sdelay $0x1  }
0x6d: {  	[tilespmem:v20+s13+$0x0] =	vst.idx.add.f32.msk $0xffff, v21  }
0x6e: {  	v20 =	vld [tilespmem:s0+$0x190];
	_ =	sdelay $0x1  }
0x6f: {  	v21 =	vor.u32 v4, v19;
	_ =	sdelay $0x2  }
0x70: {  	v20 =	vmul.f32 v20, v22;
	_ =	sdelay $0x1  }
0x71: {  	[tilespmem:v21+s13+$0x0] =	vst.idx.add.f32.msk $0xffff, v20  }
0x72: {  	v20 =	vld [tilespmem:s0+$0x1A0];
	_ =	sdelay $0x1  }
0x73: {  	v21 =	vor.u32 v5, v19;
	_ =	sdelay $0x2  }
0x74: {  	v20 =	vmul.f32 v20, v22;
	_ =	sdelay $0x1  }
0x75: {  	[tilespmem:v21+s13+$0x0] =	vst.idx.add.f32.msk $0xffff, v20  }
0x76: {  	v20 =	vld [tilespmem:s0+$0x1B0];
	_ =	sdelay $0x1  }
0x77: {  	v21 =	vor.u32 v6, v19;
	_ =	sdelay $0x2  }
0x78: {  	v20 =	vmul.f32 v20, v22;
	_ =	sdelay $0x1  }
0x79: {  	[tilespmem:v21+s13+$0x0] =	vst.idx.add.f32.msk $0xffff, v20  }
0x7a: {  	v20 =	vld [tilespmem:s0+$0x1C0];
	_ =	sdelay $0x1  }
0x7b: {  	v21 =	vor.u32 v7, v19;
	_ =	sdelay $0x2  }
0x7c: {  	v20 =	vmul.f32 v20, v22;
	_ =	sdelay $0x1  }
0x7d: {  	[tilespmem:v21+s13+$0x0] =	vst.idx.add.f32.msk $0xffff, v20  }
0x7e: {  	v20 =	vld [tilespmem:s0+$0x1D0];
	_ =	sdelay $0x1  }
0x7f: {  	v21 =	vor.u32 v8, v19;
	_ =	sdelay $0x2  }
0x80: {  	v20 =	vmul.f32 v20, v22;
	_ =	sdelay $0x1  }
0x81: {  	[tilespmem:v21+s13+$0x0] =	vst.idx.add.f32.msk $0xffff, v20  }
0x82: {  	v20 =	vld [tilespmem:s0+$0x1E0];
	_ =	sdelay $0x1  }
0x83: {  	v21 =	vor.u32 v9, v19;
	_ =	sdelay $0x2  }
0x84: {  	v20 =	vmul.f32 v20, v22;
	_ =	sdelay $0x1  }
0x85: {  	[tilespmem:v21+s13+$0x0] =	vst.idx.add.f32.msk $0xffff, v20  }
0x86: {  	v20 =	vld [tilespmem:s0+$0x1F0];
	_ =	sdelay $0x1  }
0x87: {  	v21 =	vor.u32 v10, v19;
	_ =	sdelay $0x2  }
0x88: {  	v20 =	vmul.f32 v20, v22;
	_ =	sdelay $0x1  }
0x89: {  	[tilespmem:v21+s13+$0x0] =	vst.idx.add.f32.msk $0xffff, v20  }
0x8a: {  	v20 =	vld [tilespmem:s0+$0x580];
	_ =	sdelay $0x1  }
0x8b: {  	v21 =	vor.u32 v11, v19;
	_ =	sdelay $0x2  }
0x8c: {  	v20 =	vmul.f32 v20, v22;
	_ =	sdelay $0x1  }
0x8d: {  	[tilespmem:v21+s13+$0x0] =	vst.idx.add.f32.msk $0xffff, v20  }
0x8e: {  	v20 =	vld [tilespmem:s0+$0x590];
	_ =	sdelay $0x1  }
0x8f: {  	v21 =	vor.u32 v12, v19;
	_ =	sdelay $0x2  }
0x90: {  	v20 =	vmul.f32 v20, v22;
	_ =	sdelay $0x1  }
0x91: {  	[tilespmem:v21+s13+$0x0] =	vst.idx.add.f32.msk $0xffff, v20  }
0x92: {  	v20 =	vld [tilespmem:s0+$0x5A0];
	_ =	sdelay $0x1  }
0x93: {  	v21 =	vor.u32 v13, v19;
	_ =	sdelay $0x2  }
0x94: {  	v20 =	vmul.f32 v20, v22;
	_ =	sdelay $0x1  }
0x95: {  	[tilespmem:v21+s13+$0x0] =	vst.idx.add.f32.msk $0xffff, v20  }
0x96: {  	v20 =	vld [tilespmem:s0+$0x5B0];
	_ =	sdelay $0x1  }
0x97: {  	v21 =	vor.u32 v14, v19;
	_ =	sdelay $0x2  }
0x98: {  	v20 =	vmul.f32 v20, v22;
	_ =	sdelay $0x1  }
0x99: {  	[tilespmem:v21+s13+$0x0] =	vst.idx.add.f32.msk $0xffff, v20  }
0x9a: {  	v20 =	vld [tilespmem:s0+$0x5C0];
	_ =	sdelay $0x1  }
0x9b: {  	v21 =	vor.u32 v15, v19;
	_ =	sdelay $0x2  }
0x9c: {  	v20 =	vmul.f32 v20, v22;
	_ =	sdelay $0x1  }
0x9d: {  	[tilespmem:v21+s13+$0x0] =	vst.idx.add.f32.msk $0xffff, v20  }
0x9e: {  	v20 =	vld [tilespmem:s0+$0x5D0];
	_ =	sdelay $0x1  }
0x9f: {  	v21 =	vor.u32 v16, v19;
	_ =	sdelay $0x2  }
0xa0: {  	v20 =	vmul.f32 v20, v22;
	_ =	sdelay $0x1  }
0xa1: {  	[tilespmem:v21+s13+$0x0] =	vst.idx.add.f32.msk $0xffff, v20  }
0xa2: {  	v20 =	vld [tilespmem:s0+$0x5E0];
	_ =	sdelay $0x1  }
0xa3: {  	v21 =	vor.u32 v17, v19;
	_ =	sdelay $0x2  }
0xa4: {  	v20 =	vmul.f32 v20, v22;
	_ =	sdelay $0x1  }
0xa5: {  	[tilespmem:v21+s13+$0x0] =	vst.idx.add.f32.msk $0xffff, v20  }
0xa6: {  	v23 =	vld [tilespmem:s0+$0x5F0];
	_ =	sdelay $0x1  }
0xa7: {  	s15 =	simm.s32 $0x1;
	v21 =	vor.u32 v18, v19  }
0xa8: {  	v20 =	vmov s15;
	_ =	sdelay $0x1  }
0xa9: {  	s8 =	simm.s32 $0x2;
	s0 =	simm.s32 $0x0;
	v19 =	vmul.f32 v23, v22  }
.LBB2_3:
0xaa: {  	s31 =	sadd.s32 $0x80, s31  }
0xab: {  	s0 =	sadd.s32 $0x100, s0;
	s15 =	smov.u32 s8;
	s2 =	sadd.s32 $0x1, s8;
	[tilespmem:v21+s13+$0x0] =	vst.idx.add.f32.msk $0xffff, v19  }
0xac: {  	p0 =	sne.s32 s8, $0x3F;
	v21 =	vld.idx.msk [tilespmem:v20+s16+$0x0], $0xffff;
	_ =	sdelay $0x4  }
0xad: {  	s8 =	sand.u32 $0x3800, s0;
	s9 =	sand.u32 $0x380, s31  }
0xae: {  	s8 =	sor.u32 s9, s8;
	v19 =	vld.idx.msk [tilespmem:v20+s17+$0x0], $0xffff;
	v20 =	vshll.u32 v21, $0x8;
	v21 =	vshll.u32 v21, $0x7  }
0xaf: {  	v22 =	vld [tilespmem:s8+$0x180];
	v20 =	vand.u32 $0xFFFFF800, v20;
	v21 =	vand.u32 $0x380, v21  }
0xb0: {  	v20 =	vor.u32 v21, v20  }
0xb1: {  	v21 =	vor.u32 v0, v20;
	_ =	sdelay $0x2  }
0xb2: {  	v22 =	vmul.f32 v22, v19;
	_ =	sdelay $0x1  }
0xb3: {  	[tilespmem:v21+s13+$0x0] =	vst.idx.add.f32.msk $0xffff, v22  }
0xb4: {  	v21 =	vld [tilespmem:s8+$0x190];
	_ =	sdelay $0x1  }
0xb5: {  	v22 =	vor.u32 v4, v20;
	_ =	sdelay $0x2  }
0xb6: {  	v21 =	vmul.f32 v21, v19;
	_ =	sdelay $0x1  }
0xb7: {  	[tilespmem:v22+s13+$0x0] =	vst.idx.add.f32.msk $0xffff, v21  }
0xb8: {  	v21 =	vld [tilespmem:s8+$0x1A0];
	_ =	sdelay $0x1  }
0xb9: {  	v22 =	vor.u32 v5, v20;
	_ =	sdelay $0x2  }
0xba: {  	v21 =	vmul.f32 v21, v19;
	_ =	sdelay $0x1  }
0xbb: {  	[tilespmem:v22+s13+$0x0] =	vst.idx.add.f32.msk $0xffff, v21  }
0xbc: {  	v21 =	vld [tilespmem:s8+$0x1B0];
	_ =	sdelay $0x1  }
0xbd: {  	v22 =	vor.u32 v6, v20;
	_ =	sdelay $0x2  }
0xbe: {  	v21 =	vmul.f32 v21, v19;
	_ =	sdelay $0x1  }
0xbf: {  	[tilespmem:v22+s13+$0x0] =	vst.idx.add.f32.msk $0xffff, v21  }
0xc0: {  	v21 =	vld [tilespmem:s8+$0x1C0];
	_ =	sdelay $0x1  }
0xc1: {  	v22 =	vor.u32 v7, v20;
	_ =	sdelay $0x2  }
0xc2: {  	v21 =	vmul.f32 v21, v19;
	_ =	sdelay $0x1  }
0xc3: {  	[tilespmem:v22+s13+$0x0] =	vst.idx.add.f32.msk $0xffff, v21  }
0xc4: {  	v21 =	vld [tilespmem:s8+$0x1D0];
	_ =	sdelay $0x1  }
0xc5: {  	v22 =	vor.u32 v8, v20;
	_ =	sdelay $0x2  }
0xc6: {  	v21 =	vmul.f32 v21, v19;
	_ =	sdelay $0x1  }
0xc7: {  	[tilespmem:v22+s13+$0x0] =	vst.idx.add.f32.msk $0xffff, v21  }
0xc8: {  	v21 =	vld [tilespmem:s8+$0x1E0];
	_ =	sdelay $0x1  }
0xc9: {  	v22 =	vor.u32 v9, v20;
	_ =	sdelay $0x2  }
0xca: {  	v21 =	vmul.f32 v21, v19;
	_ =	sdelay $0x1  }
0xcb: {  	[tilespmem:v22+s13+$0x0] =	vst.idx.add.f32.msk $0xffff, v21  }
0xcc: {  	v21 =	vld [tilespmem:s8+$0x1F0];
	_ =	sdelay $0x1  }
0xcd: {  	v22 =	vor.u32 v10, v20;
	_ =	sdelay $0x2  }
0xce: {  	v21 =	vmul.f32 v21, v19;
	_ =	sdelay $0x1  }
0xcf: {  	[tilespmem:v22+s13+$0x0] =	vst.idx.add.f32.msk $0xffff, v21  }
0xd0: {  	v21 =	vld [tilespmem:s8+$0x580];
	_ =	sdelay $0x1  }
0xd1: {  	v22 =	vor.u32 v11, v20;
	_ =	sdelay $0x2  }
0xd2: {  	v21 =	vmul.f32 v21, v19;
	_ =	sdelay $0x1  }
0xd3: {  	[tilespmem:v22+s13+$0x0] =	vst.idx.add.f32.msk $0xffff, v21  }
0xd4: {  	v21 =	vld [tilespmem:s8+$0x590];
	_ =	sdelay $0x1  }
0xd5: {  	v22 =	vor.u32 v12, v20;
	_ =	sdelay $0x2  }
0xd6: {  	v21 =	vmul.f32 v21, v19;
	_ =	sdelay $0x1  }
0xd7: {  	[tilespmem:v22+s13+$0x0] =	vst.idx.add.f32.msk $0xffff, v21  }
0xd8: {  	v21 =	vld [tilespmem:s8+$0x5A0];
	_ =	sdelay $0x1  }
0xd9: {  	v22 =	vor.u32 v13, v20;
	_ =	sdelay $0x2  }
0xda: {  	v21 =	vmul.f32 v21, v19;
	_ =	sdelay $0x1  }
0xdb: {  	[tilespmem:v22+s13+$0x0] =	vst.idx.add.f32.msk $0xffff, v21  }
0xdc: {  	v21 =	vld [tilespmem:s8+$0x5B0];
	_ =	sdelay $0x1  }
0xdd: {  	v22 =	vor.u32 v14, v20;
	_ =	sdelay $0x2  }
0xde: {  	v21 =	vmul.f32 v21, v19;
	_ =	sdelay $0x1  }
0xdf: {  	[tilespmem:v22+s13+$0x0] =	vst.idx.add.f32.msk $0xffff, v21  }
0xe0: {  	v21 =	vld [tilespmem:s8+$0x5C0];
	_ =	sdelay $0x1  }
0xe1: {  	v22 =	vor.u32 v15, v20;
	_ =	sdelay $0x2  }
0xe2: {  	v21 =	vmul.f32 v21, v19;
	_ =	sdelay $0x1  }
0xe3: {  	[tilespmem:v22+s13+$0x0] =	vst.idx.add.f32.msk $0xffff, v21  }
0xe4: {  	v21 =	vld [tilespmem:s8+$0x5D0];
	_ =	sdelay $0x1  }
0xe5: {  	v22 =	vor.u32 v16, v20;
	_ =	sdelay $0x2  }
0xe6: {  	v21 =	vmul.f32 v21, v19;
	_ =	sdelay $0x1  }
0xe7: {  	[tilespmem:v22+s13+$0x0] =	vst.idx.add.f32.msk $0xffff, v21  }
0xe8: {  	v21 =	vld [tilespmem:s8+$0x5E0];
	_ =	sdelay $0x1  }
0xe9: {  	v22 =	vor.u32 v17, v20;
	_ =	sdelay $0x2  }
0xea: {  	v21 =	vmul.f32 v21, v19;
	_ =	sdelay $0x1  }
0xeb: {  	[tilespmem:v22+s13+$0x0] =	vst.idx.add.f32.msk $0xffff, v21  }
0xec: {  	v22 =	vld [tilespmem:s8+$0x5F0]  }
.Ltmp3:
0xed: {  	(pc) =	sbr.rel @p0 .LBB2_3-.Ltmp3, $3  }
0xee: {  	v21 =	vor.u32 v18, v20  }
0xef: {  	v20 =	vmov s15;
	_ =	sdelay $0x1  }
0xf0: {  	s8 =	smov.u32 s2;
	v19 =	vmul.f32 v22, v19  }
0xf1: {  	_ =	sdelay $0x3  }
0xf2: {  	[tilespmem:v21+s13+$0x0] =	vst.idx.add.f32.msk $0xffff, v19  }
0xf3: {  	v19 =	vld.idx.msk [tilespmem:v20+s16+$0x0], $0xffff;
	_ =	sdelay $0x2  }
0xf4: {  	s2 =	sadd.s32 $0x80, s31;
	s0 =	sadd.s32 $0x100, s0  }
0xf5: {  	s0 =	sand.u32 $0x3800, s0;
	s2 =	sand.u32 $0x380, s2  }
0xf6: {  	v20 =	vld.idx.msk [tilespmem:v20+s17+$0x0], $0xffff;
	s0 =	sor.u32 s2, s0;
	v49 =	vshll.u32 v19, $0x8;
	v19 =	vshll.u32 v19, $0x7  }
0xf7: {  	v22 =	vld [tilespmem:s0+$0x180];
	v21 =	vand.u32 $0xFFFFF800, v49;
	v19 =	vand.u32 $0x380, v19  }
0xf8: {  	v19 =	vor.u32 v19, v21  }
0xf9: {  	v21 =	vor.u32 v0, v19;
	_ =	sdelay $0x2  }
0xfa: {  	v22 =	vmul.f32 v22, v20;
	_ =	sdelay $0x1  }
0xfb: {  	[tilespmem:v21+s13+$0x0] =	vst.idx.add.f32.msk $0xffff, v22  }
0xfc: {  	v21 =	vld [tilespmem:s0+$0x190];
	_ =	sdelay $0x1  }
0xfd: {  	v50 =	vor.u32 v4, v19;
	_ =	sdelay $0x2  }
0xfe: {  	v21 =	vmul.f32 v21, v20;
	_ =	sdelay $0x1  }
0xff: {  	[tilespmem:v50+s13+$0x0] =	vst.idx.add.f32.msk $0xffff, v21  }
0x100: {  	v21 =	vld [tilespmem:s0+$0x1A0];
	_ =	sdelay $0x1  }
0x101: {  	v51 =	vor.u32 v5, v19;
	_ =	sdelay $0x2  }
0x102: {  	v21 =	vmul.f32 v21, v20;
	_ =	sdelay $0x1  }
0x103: {  	[tilespmem:v51+s13+$0x0] =	vst.idx.add.f32.msk $0xffff, v21  }
0x104: {  	v21 =	vld [tilespmem:s0+$0x1B0];
	_ =	sdelay $0x1  }
0x105: {  	v52 =	vor.u32 v6, v19;
	_ =	sdelay $0x2  }
0x106: {  	v21 =	vmul.f32 v21, v20;
	_ =	sdelay $0x1  }
0x107: {  	[tilespmem:v52+s13+$0x0] =	vst.idx.add.f32.msk $0xffff, v21  }
0x108: {  	v21 =	vld [tilespmem:s0+$0x1C0];
	_ =	sdelay $0x1  }
0x109: {  	v53 =	vor.u32 v7, v19;
	_ =	sdelay $0x2  }
0x10a: {  	v21 =	vmul.f32 v21, v20;
	_ =	sdelay $0x1  }
0x10b: {  	[tilespmem:v53+s13+$0x0] =	vst.idx.add.f32.msk $0xffff, v21  }
0x10c: {  	v21 =	vld [tilespmem:s0+$0x1D0];
	_ =	sdelay $0x1  }
0x10d: {  	v54 =	vor.u32 v8, v19;
	_ =	sdelay $0x2  }
0x10e: {  	v21 =	vmul.f32 v21, v20;
	_ =	sdelay $0x1  }
0x10f: {  	[tilespmem:v54+s13+$0x0] =	vst.idx.add.f32.msk $0xffff, v21  }
0x110: {  	v21 =	vld [tilespmem:s0+$0x1E0];
	_ =	sdelay $0x1  }
0x111: {  	v55 =	vor.u32 v9, v19;
	_ =	sdelay $0x2  }
0x112: {  	v21 =	vmul.f32 v21, v20;
	_ =	sdelay $0x1  }
0x113: {  	[tilespmem:v55+s13+$0x0] =	vst.idx.add.f32.msk $0xffff, v21  }
0x114: {  	v21 =	vld [tilespmem:s0+$0x1F0];
	_ =	sdelay $0x1  }
0x115: {  	v56 =	vor.u32 v10, v19;
	_ =	sdelay $0x2  }
0x116: {  	v21 =	vmul.f32 v21, v20;
	_ =	sdelay $0x1  }
0x117: {  	[tilespmem:v56+s13+$0x0] =	vst.idx.add.f32.msk $0xffff, v21  }
0x118: {  	v21 =	vld [tilespmem:s0+$0x580];
	_ =	sdelay $0x1  }
0x119: {  	v57 =	vor.u32 v11, v19;
	_ =	sdelay $0x2  }
0x11a: {  	v21 =	vmul.f32 v21, v20;
	_ =	sdelay $0x1  }
0x11b: {  	[tilespmem:v57+s13+$0x0] =	vst.idx.add.f32.msk $0xffff, v21  }
0x11c: {  	v21 =	vld [tilespmem:s0+$0x590];
	_ =	sdelay $0x1  }
0x11d: {  	v58 =	vor.u32 v12, v19;
	_ =	sdelay $0x2  }
0x11e: {  	v21 =	vmul.f32 v21, v20;
	_ =	sdelay $0x1  }
0x11f: {  	[tilespmem:v58+s13+$0x0] =	vst.idx.add.f32.msk $0xffff, v21  }
0x120: {  	v21 =	vld [tilespmem:s0+$0x5A0];
	_ =	sdelay $0x1  }
0x121: {  	v59 =	vor.u32 v13, v19;
	_ =	sdelay $0x2  }
0x122: {  	v21 =	vmul.f32 v21, v20;
	_ =	sdelay $0x1  }
0x123: {  	[tilespmem:v59+s13+$0x0] =	vst.idx.add.f32.msk $0xffff, v21  }
0x124: {  	v21 =	vld [tilespmem:s0+$0x5B0];
	_ =	sdelay $0x1  }
0x125: {  	v60 =	vor.u32 v14, v19;
	_ =	sdelay $0x2  }
0x126: {  	v21 =	vmul.f32 v21, v20;
	_ =	sdelay $0x1  }
0x127: {  	[tilespmem:v60+s13+$0x0] =	vst.idx.add.f32.msk $0xffff, v21  }
0x128: {  	v21 =	vld [tilespmem:s0+$0x5C0];
	_ =	sdelay $0x1  }
0x129: {  	v61 =	vor.u32 v15, v19;
	_ =	sdelay $0x2  }
0x12a: {  	v21 =	vmul.f32 v21, v20;
	_ =	sdelay $0x1  }
0x12b: {  	[tilespmem:v61+s13+$0x0] =	vst.idx.add.f32.msk $0xffff, v21  }
0x12c: {  	v21 =	vld [tilespmem:s0+$0x5D0];
	_ =	sdelay $0x1  }
0x12d: {  	v62 =	vor.u32 v16, v19;
	_ =	sdelay $0x2  }
0x12e: {  	v21 =	vmul.f32 v21, v20;
	_ =	sdelay $0x1  }
0x12f: {  	[tilespmem:v62+s13+$0x0] =	vst.idx.add.f32.msk $0xffff, v21  }
0x130: {  	v21 =	vld [tilespmem:s0+$0x5E0];
	_ =	sdelay $0x1  }
0x131: {  	v63 =	vor.u32 v17, v19;
	_ =	sdelay $0x2  }
0x132: {  	v21 =	vmul.f32 v21, v20;
	_ =	sdelay $0x1  }
0x133: {  	[tilespmem:v63+s13+$0x0] =	vst.idx.add.f32.msk $0xffff, v21  }
0x134: {  	v21 =	vld [tilespmem:s0+$0x5F0]  }
0x135: {  	s30 =	sadd.s32 $0x1, s30  }
0x136: {  	p0 =	sne.s32 s30, s29;
	v19 =	vor.u32 v18, v19  }
.Ltmp4:
0x137: {  	_ = 	snop;
	(pc) =	sbr.rel @p0 .LBB2_2-.Ltmp4, $4  }
.Ltmp5:
0x138: {  	_ = 	snop;
	(pc) =	sbr.rel @!p0 .LBB2_5-.Ltmp5, $4  }
0x139: {  	v20 =	vmul.f32 v21, v20  }
0x13a: {  	_ = 	snop  }
0x13b: {  	[tilespmem:v19+s13+$0x0] =	vst.idx.add.f32.msk $0xffff, v20  }
0x13c: {  	_ = 	snop  }
.LBB2_6:
0x13d: {  	_ =	sfence.sel $0x180000  }
0x13e: {  	[bflag:$0x0] =	sbarrier.arrive $0xFFFF  }
0x13f: {  	_ =	strace $0x90000053  }
0x140: {  	s0 =	stileid.u32;
	[bflag:$0x2] =	sbarrier.arrive $0xFFFF  }
0x141: {  	p0 =	sne.s32 s0, $0x0;
	s0 =	rddreg [dreg:$0x1]  }
0x142: {  	s0 =	sadd.s32 @!p0 $0x100000, s0  }
0x143: {  	[sflag:s0] =	ssyncadd.tile.s32 @!p0 $0x1;
	_ =	shalt  }
.Lfunc_end2:
_tile_overlayer_lowered:
.L_overlay_start_2:
0x144: {  	(tag) =	ssettag $0x2  }
0x145: {  	s0 =	rddreg [dreg:$0x0];
	s2 =	stileid.u32  }
0x146: {  	s1 =	rddreg [dreg:$0x1];
	p0 =	sne.s32 s2, $0x0  }
0x147: {  	s3 =	rddreg [dreg:$0x2];
	[bflag:$0x3] =	sbarrier.arrive $0xFFFF;
	s2 =	simm.s32 @!p0 $0x1C02  }
0x148: {  	[timem:s3], [sflag:s2] =	dma.local @!p0 [hbm:s0], s1  }
0x149: {  	s0 =	simm.s32 @!p0 $0x2  }
0x14a: {  	_ =	swait.ge @!p0 [sflag:s0], s1  }
0x14b: {  	s1 =	ssub.s32 @!p0 $0x0, s1;
	[sflag:s0] =	ssyncset.done @!p0 $0x0  }
0x14c: {  	[sflag:s0] =	ssyncadd.s32 @!p0 s1  }
0x14d: {  	[bflag:$0x3] =	sbarrier.arrive $0xFFFF  }
0x14e: {  	_ =	shalt  }

// kernel: kernel.27.cloned.1.call-start
scs
__scs_entry_jumppad:
0x0: {  	(pc) =	sbr.rel $0x88, $3  }
0x1: {  	(tag) =	ssettag $0x0;
	lr =	simm.s32 $0x1  }
0x2: {  	[smem:$0x3F7D] =	sst lr;
	_ =	strace $0xD0000000  }
0x3: {  	_ = 	snop  }
0x4: {  	_ = 	snop  }
0x5: {  	_ = 	snop  }
0x6: {  	_ = 	snop  }
0x7: {  	_ = 	snop  }
__scs_overlays_trampoline_lowered:
0x8: {  	[smem:$0x3F8C] =	sst s0  }
0x9: {  	[smem:$0x3F8D] =	sst s1  }
0xa: {  	[smem:$0x3F8E] =	sst s2  }
0xb: {  	[smem:$0x3F8F] =	sst s3  }
0xc: {  	[smem:$0x3F90] =	sst s4  }
0xd: {  	[smem:$0x3F91] =	sst s5  }
0xe: {  	[smem:$0x3F92] =	sst s6  }
0xf: {  	[smem:$0x3F93] =	sst s7  }
0x10: {  	[smem:$0x3F94] =	sst s8  }
0x11: {  	[smem:$0x3F95] =	sst s9;
	s0 =	simm.s32 @!p0 $0x0  }
0x12: {  	s1 =	sld [smem:$0x3F7B];
	s0 =	simm.s32 @p0 $0x1  }
0x13: {  	[smem:$0x3F96] =	sst s0;
	s0 =	simm.s32 @!p1 $0x0  }
0x14: {  	s2 =	sld [smem:$0x3F7A];
	s0 =	simm.s32 @p1 $0x1  }
0x15: {  	[smem:$0x3F97] =	sst s0;
	s0 =	simm.s32 @!p2 $0x0  }
0x16: {  	s3 =	sld [smem:$0x3FDB];
	s0 =	simm.s32 @p2 $0x1  }
0x17: {  	s4 =	simm.s32 $0x1BF5;
	[smem:$0x3F99] =	sst s0  }
0x18: {  	s0 =	sld [smem:$0x3F7C];
	_ =	swait.ge [sflag:s4], $0x0  }
0x19: {  	s7 =	sld [smem:$0x3F7D]  }
0x1a: {  	s8 =	sadd.s32 $0xFFFFE003, lr  }
0x1b: {  	s9 =	sadd.s32 $0xFFFFFEF7, lr;
	s5 =	simm.s32 $0xFFFFFFFF;
	p2 =	slt.u32 s8, $0xFFFFF086  }
0x1c: {  	p1 =	slt.u32 s9, $0xF7A;
	s5 =	simm.s32 @!p2 $0x0  }
0x1d: {  	s5 =	simm.s32 @p1 $0x1;
	p0 =	seq.s32 s7, s2  }
0x1e: {  	s7 =	smul.u32 @!p0 $0xF7A, s2;
	p2 =	seq.s32 @!p0 s5, $0x0  }
0x1f: {  	s9 =	smul.u32 $0xF7A, s1;
	s8 =	simm.s32 @!p0 $0x1BF5;
	p2 =	por !p2, p0  }
0x20: {  	[sflag:s8] =	ssyncset.s32 @!p0 $0xFFFFF086;
	s6 =	sadd.s32 @!p0 s3, s7;
	s7 =	simm.s32 @!p0 $0x108  }
0x21: {  	s3 =	sadd.s32 s3, s9;
	s6 =	sadd.s32 @!p0 $0x88, s6;
	s7 =	simm.s32 @p2 $0x1082  }
0x22: {  	[simem:s7], [sflag:s8] =	dma.local @!p0 [hbm:s6], $0xF7A  }
0x23: {  	s9 =	sor.u32 $0xD0000000, s2;
	s6 =	simm.s32 $0x108;
	_ =	swait.ge @!p0 [sflag:s8], $0x0  }
0x24: {  	s3 =	sadd.s32 $0x88, s3;
	s6 =	simm.s32 @!p1 $0x1082;
	[sflag:s4] =	ssyncset.s32 $0xFFFFF086  }
0x25: {  	[simem:s6], [sflag:s4] =	dma.local [hbm:s3], $0xF7A  }
0x26: {  	[smem:$0x3F7D] =	sst s1;
	(tag) =	ssettag s2;
	_ =	strace s9  }
0x27: {  	s1 =	sld [smem:$0x3F8D]  }
0x28: {  	s2 =	sld [smem:$0x3F8E]  }
0x29: {  	s4 =	sld [smem:$0x3F90]  }
0x2a: {  	p0 =	seq.s32 s5, $0x0;
	s5 =	sld [smem:$0x3F91]  }
0x2b: {  	s6 =	sld [smem:$0x3F92]  }
0x2c: {  	s7 =	sld [smem:$0x3F93]  }
0x2d: {  	s3 =	simm.s32 $0x108;
	s8 =	sld [smem:$0x3F94]  }
0x2e: {  	s3 =	simm.s32 @!p0 $0x1082;
	s9 =	sld [smem:$0x3F95]  }
0x2f: {  	lr =	sadd.s32 s0, s3;
	s0 =	sld [smem:$0x3F8C]  }
0x30: {  	s3 =	sld [smem:$0x3F8F]  }
0x31: {  	[smem:$0x3F98] =	sst s10  }
0x32: {  	s10 =	sld [smem:$0x3F96];
	_ =	sdelay $0x3  }
0x33: {  	p0 =	seq.s32 s10, $0x1;
	s10 =	sld [smem:$0x3F98];
	_ =	sdelay $0x3  }
0x34: {  	[smem:$0x3F98] =	sst s10  }
0x35: {  	s10 =	sld [smem:$0x3F97];
	_ =	sdelay $0x3  }
0x36: {  	p1 =	seq.s32 s10, $0x1;
	s10 =	sld [smem:$0x3F98];
	_ =	sdelay $0x3  }
0x37: {  	[smem:$0x3F98] =	sst s10  }
0x38: {  	s10 =	sld [smem:$0x3F99]  }
0x39: {  	_ = 	snop;
	(pc) =	sbr.ind lr, $3  }
0x3a: {  	_ = 	snop  }
0x3b: {  	_ = 	snop  }
0x3c: {  	p2 =	seq.s32 s10, $0x1;
	s10 =	sld [smem:$0x3F98]  }
0x3d: {  	_ =	shalt  }
0x3e: {  	_ =	shalt  }
0x3f: {  	_ =	shalt  }
0x40: {  	_ =	shalt  }
0x41: {  	_ =	shalt  }
0x42: {  	_ =	shalt  }
0x43: {  	_ =	shalt  }
0x44: {  	_ =	shalt  }
0x45: {  	_ =	shalt  }
0x46: {  	_ =	shalt  }
0x47: {  	_ =	shalt  }
0x48: {  	_ =	shalt  }
0x49: {  	_ =	shalt  }
0x4a: {  	_ =	shalt  }
0x4b: {  	_ =	shalt  }
0x4c: {  	_ =	shalt  }
0x4d: {  	_ =	shalt  }
0x4e: {  	_ =	shalt  }
0x4f: {  	_ =	shalt  }
0x50: {  	_ =	shalt  }
0x51: {  	_ =	shalt  }
0x52: {  	_ =	shalt  }
0x53: {  	_ =	shalt  }
0x54: {  	_ =	shalt  }
0x55: {  	_ =	shalt  }
0x56: {  	_ =	shalt  }
0x57: {  	_ =	shalt  }
0x58: {  	_ =	shalt  }
0x59: {  	_ =	shalt  }
0x5a: {  	_ =	shalt  }
0x5b: {  	_ =	shalt  }
0x5c: {  	_ =	shalt  }
0x5d: {  	_ =	shalt  }
0x5e: {  	_ =	shalt  }
0x5f: {  	_ =	shalt  }
0x60: {  	_ =	shalt  }
0x61: {  	_ =	shalt  }
0x62: {  	_ =	shalt  }
0x63: {  	_ =	shalt  }
0x64: {  	_ =	shalt  }
0x65: {  	_ =	shalt  }
0x66: {  	_ =	shalt  }
0x67: {  	_ =	shalt  }
0x68: {  	_ =	shalt  }
0x69: {  	_ =	shalt  }
0x6a: {  	_ =	shalt  }
0x6b: {  	_ =	shalt  }
0x6c: {  	_ =	shalt  }
0x6d: {  	_ =	shalt  }
0x6e: {  	_ =	shalt  }
0x6f: {  	_ =	shalt  }
0x70: {  	_ =	shalt  }
0x71: {  	_ =	shalt  }
0x72: {  	_ =	shalt  }
0x73: {  	_ =	shalt  }
0x74: {  	_ =	shalt  }
0x75: {  	_ =	shalt  }
0x76: {  	_ =	shalt  }
0x77: {  	_ =	shalt  }
0x78: {  	_ =	shalt  }
0x79: {  	_ =	shalt  }
0x7a: {  	_ =	shalt  }
0x7b: {  	_ =	shalt  }
0x7c: {  	_ =	shalt  }
0x7d: {  	_ =	shalt  }
0x7e: {  	_ =	shalt  }
0x7f: {  	_ =	shalt  }
0x80: {  	_ =	shalt  }
0x81: {  	_ =	shalt  }
0x82: {  	_ =	shalt  }
0x83: {  	_ =	shalt  }
0x84: {  	_ =	shalt  }
0x85: {  	_ =	shalt  }
0x86: {  	_ =	shalt  }
0x87: {  	_ =	shalt  }
.Lfunc_end0:
.L_simem_size_0:
called_computation.5_lowered:
.L_overlay_start_0:
0x88: {  	s2 =	sld [smem:$0x3FD9]  }
0x89: {  	s3 =	sld [smem:$0x3FFE];
	_ =	sdelay $0x1  }
0x8a: {  	s1 =	srdreg.scid  }
0x8b: {  	s0 =	sand.u32 $0x1, s1  }
0x8c: {  	s16 =	sshll.u32 s0, $0xA;
	s2 =	sadd.s32 s3, s2  }
0x8d: {  	s2 =	sadd.s32 s2, s16  }
0x8e: {  	[smem:$0x3FA4] =	sst s2  }
0x8f: {  	_ = 	snop  }
0x90: {  	(tm) =	ssettm $0x1  }
0x91: {  	s17 =	sld [smem:$0x3FFB];
	_ =	sdelay $0x3  }
0x92: {  	_ =	strace s17  }
0x93: {  	s2 =	sld [smem:$0x3FFC];
	_ =	sdelay $0x3  }
0x94: {  	_ =	strace s2  }
0x95: {  	s2 =	sld [smem:$0x3FFD];
	_ =	sdelay $0x3  }
0x96: {  	_ =	strace s2  }
0x97: {  	_ =	strace $0x8FFFFFFF  }
0x98: {  	s18 =	sld [smem:$0x3FDB];
	_ =	sdelay $0x1  }
0x99: {  	s19 =	simm.s32 $_scs_section_size  }
0x9a: {  	s4 =	simm.s32 $_size__tile_overlayer_lowered;
	s5 =	simm.s32 $_tile_overlayer_lowered  }
0x9b: {  	s22 =	simm.s32 $0x1BFF;
	s21 =	sshll.u32 s5, $0x1;
	s2 =	sadd.s32 s19, s18  }
0x9c: {  	s6 =	simm.s32 $0x0;
	s20 =	sshll.u32 s4, $0x1;
	s4 =	sadd.s32 s21, s2  }
0x9d: {  	[timem:s6], [sflag:s22] =	dma.local [hbm:s4], s20  }
0x9e: {  	_ =	swait.ge [sflag:s22], s20  }
0x9f: {  	s3 =	ssub.s32 $0x0, s20;
	[sflag:s22] =	ssyncset.done $0x0  }
0xa0: {  	[sflag:s22] =	ssyncadd.s32 s3;
	_ =	sdelay $0x1  }
0xa1: {  	s23 =	simm.s32 $0x1B8B  }
0xa2: {  	_ =	swait.ge [sflag:s23], $0x1  }
0xa3: {  	[sflag:s23] =	ssyncset.done $0x0  }
0xa4: {  	s25 =	simm.s32 $0x1B8E;
	s24 =	sld [smem:$0x3FFE];
	[sflag:s23] =	ssyncadd.s32 $0xFFFFFFFF  }
0xa5: {  	s26 =	simm.s32 $execute0_lowered;
	[smem:$0x3FD2] =	sst s25  }
0xa6: {  	s4 =	sshll.u32 s26, $0x1;
	_ =	strace $0x80000055;
	[dreg:$0x1] =	wrdreg $0xFFFFFFFF  }
0xa7: {  	s28 =	simm.s32 $_size_execute0_lowered;
	s2 =	sadd.s32 s2, s4;
	[dreg:$0x0] =	wrdreg $0x0  }
0xa8: {  	s4 =	sshll.u32 s28, $0x1;
	[dreg:$0x2] =	wrdreg s2  }
0xa9: {  	[dreg:$0x3] =	wrdreg s4  }
0xaa: {  	[dreg:$0x4] =	wrdreg $0xC0  }
0xab: {  	_ =	task [dreg:s6], $0x5FFFF  }
0xac: {  	[dreg:$0x1] =	wrdreg $0xFFFFFFFF  }
0xad: {  	[dreg:$0x0] =	wrdreg $0x60  }
0xae: {  	[dreg:$0x2] =	wrdreg s24  }
0xaf: {  	[dreg:$0x3] =	wrdreg $0x9  }
0xb0: {  	_ =	task.clear_ibuf [dreg:s6], $0x4FFFF;
	_ =	strace $0x90000055  }
0xb1: {  	s29 =	simm.s32 $0x9;
	_ =	strace $0x80000057  }
0xb2: {  	_ =	swait.ge [sflag:s29], $0x1  }
0xb3: {  	[sflag:s29] =	ssyncadd.s32 $0xFFFFFFFF  }
0xb4: {  	_ =	strace $0x90000057  }
0xb5: {  	_ =	sfence  }
0xb6: {  	s30 =	sld [smem:$0x0];
	_ =	sdelay $0x2  }
0xb7: {  	s31 =	sshll.u32 s1, $0xD;
	s1 =	sshrl.u32 s1, $0x2  }
0xb8: {  	s3 =	sand.u32 $0x4000, s31;
	s1 =	sadd.s32 s1, s30  }
0xb9: {  	s0 =	sor.u32 s3, s0;
	s1 =	sshll.u32 s1, $0x11  }
0xba: {  	s0 =	sor.u32 s1, s0  }
0xbb: {  	s0 =	sadd.s32 $0x8F2B, s0  }
0xbc: {  	[sflag:s0] =	ssyncadd.remote.s32 $0x1  }
0xbd: {  	_ =	sfence.sel $0xFFFF  }
0xbe: {  	[dreg:$0x0] =	wrdreg $0xFFFFFFFF;
	(pc) =	sbr.abs _section_cstart, $3  }
0xbf: {  	[dreg:$0x1] =	wrdreg $0xFFFFFFFF  }
0xc0: {  	_ =	task.clear_ibuf [dreg:s6], $0x2FFFF;
	_ =	strace $0x9FFFFFFF  }
0xc1: {  	(tm) =	ssettm $0x7FFFFFFF  }
tec
execute0_lowered:
.L_overlay_start_1:
0x0: {  	(tag) =	ssettag $0x1  }
0x1: {  	s0 =	rddreg [dreg:$0x0]  }
0x2: {  	s1 =	simm.s32 $0x0;
	s2 =	srdreg.scid;
	s6 =	stileid.u32  }
0x3: {  	s13 =	simm.s32 $0x4200;
	s14 =	simm.s32 $0x2;
	s16 =	simm.s32 $0x80  }
0x4: {  	s17 =	simm.s32 $0x100;
	s18 =	simm.s32 $0x180;
	s19 =	simm.s32 $0x980  }
0x5: {  	s20 =	simm.s32 $0x1180;
	s21 =	simm.s32 $0x1980;
	s22 =	simm.s32 $0x2180  }
0x6: {  	s23 =	simm.s32 $0x2980;
	s24 =	simm.s32 $0x3180;
	s25 =	simm.s32 $0x3980  }
0x7: {  	s26 =	simm.s32 $0x1;
	s28 =	simm.s32 $0x0;
	[smem:$0x7FF] =	sst s1  }
0x8: {  	s2 =	sand.u32 $0x1, s2;
	s3 =	sadd.s32 $0x49FC00, s0;
	s4 =	sadd.s32 $0xF6400, s0  }
0x9: {  	v0 =	vlaneseq.u32;
	s7 =	sshll.u32 s6, $0x7;
	s11 =	sadd.s32 $0x200, s0;
	s5 =	sshll.u32 s2, $0x4  }
0xa: {  	vm0 =	vmmov $0xffff;
	v1 =	vand.u32 $0x7, v0;
	_ =	strace $0x80000056;
	s7 =	sand.u32 $0x380, s7;
	s8 =	sor.u32 s6, s5  }
0xb: {  	v2 =	vshrl.u32 v0, $0x3;
	v3 =	vor.u32 $0x8, v0;
	v4 =	vor.u32 $0x10, v0;
	s2 =	ssub.s32 $0x2, s2;
	[dreg:$0x2] =	wrdreg s11;
	s10 =	sshrl.u32 s8, $0x3  }
.Ltmp0:
0xc: {  	v5 =	vor.u32 $0x20, v0;
	v6 =	vor.u32 $0x30, v0;
	v7 =	vor.u32 $0x40, v0;
	s5 =	sadd.s32 $0x5A000, s0;
	s9 =	sshll.u32 s10, $0xA;
	(pc) =	sbr.rel .LBB2_1-.Ltmp0, $4  }
0xd: {  	v8 =	vor.u32 $0x50, v0;
	v9 =	vor.u32 $0x60, v0;
	v10 =	vor.u32 $0x70, v0;
	s31 =	sshrl.u32 s2, $0x1;
	s8 =	smul.u32 $0x2800, s8;
	s9 =	sor.u32 s7, s9  }
0xe: {  	v11 =	vor.u32 $0x400, v0;
	v12 =	vor.u32 $0x410, v0;
	v13 =	vor.u32 $0x420, v0;
	s6 =	sadd.s32 $0x192800, s0;
	s2 =	ssub.s32 s2, s31;
	s9 =	sshrl.u32 s9, $0x3  }
0xf: {  	v14 =	vor.u32 $0x430, v0;
	v15 =	vor.u32 $0x440, v0;
	v16 =	vor.u32 $0x450, v0;
	s10 =	smul.u32 $0x138800, s10;
	s8 =	sadd.s32 s8, s0;
	s0 =	sadd.s32 s0, s9  }
0x10: {  	v17 =	vor.u32 $0x460, v0;
	v18 =	vor.u32 $0x470, v0;
	v2 =	vmul.u32 $0x8, v2;
	s12 =	smax.u32 s2, $0x1;
	s11 =	sadd.s32 $0x2A00, s8;
	[dreg:$0x3] =	wrdreg s0  }
.LBB2_5:
0x11: {  	s28 =	sadd.s32 $0x1, s28  }
0x12: {  	p0 =	sne.s32 s28, s12  }
.Ltmp1:
0x13: {  	_ = 	snop;
	(pc) =	sbr.rel @!p0 .LBB2_6-.Ltmp1, $4  }
0x14: {  	[hbm4b:s11+s1] =	stream.linear.scatter [tilespmem:s13], [sflag:$0x2], $0x14000, $0x38;
	[tilespmem:$0x18200] =	vst v63  }
0x15: {  	_ =	swait.ge [sflag:s14], $0x14000  }
0x16: {  	[sflag:s14] =	ssyncset.done $0x0  }
0x17: {  	[sflag:s14] =	ssyncadd.s32 $0xFFFEC000  }
.LBB2_1:
0x18: {  	s0 =	rddreg [dreg:$0x2]  }
0x19: {  	[tilespmem:s13], [sflag:$0x2] =	stream.linear.gather [hbm4b:s0+s1], $0x14000, $0x38;
	[tilespmem:$0x18200] =	vst v63  }
0x1a: {  	_ =	swait.ge [sflag:s14], $0x14000  }
0x1b: {  	[sflag:s14] =	ssyncset.done $0x0  }
0x1c: {  	s2 =	simm.s32 $0x4180;
	s31 =	rddreg [dreg:$0x3];
	[sflag:s14] =	ssyncadd.s32 $0xFFFEC000  }
0x1d: {  	[tilespmem:s2], [sflag:$0x2] =	stream.linear.gather [hbm4b:s31+s1], $0x80, $0x38;
	[tilespmem:$0x18200] =	vst v63  }
0x1e: {  	_ =	swait.ge [sflag:s14], $0x80  }
0x1f: {  	[sflag:s14] =	ssyncset.done $0x0  }
0x20: {  	[sflag:s14] =	ssyncadd.s32 $0xFFFFFF80  }
0x21: {  	v19 =	vld [tilespmem:$0x4180];
	_ =	sdelay $0x4  }
0x22: {  	(v2sf) =	vpush v19, $0x0;
	_ =	sdelay $0xe  }
0x23: {  	s29 =	spop (v2sf)  }
0x24: {  	p0 =	slt.s32 s29, $0x1  }
.Ltmp2:
0x25: {  	_ = 	snop;
	(pc) =	sbr.rel @p0 .LBB2_5-.Ltmp2, $2  }
0x26: {  	_ =	sdelay $0x2  }
0x27: {  	s30 =	simm.s32 $0x0  }
.LBB2_2:
0x28: {  	s0 =	sshll.u32 s30, $0x9  }
0x29: {  	s2 =	sshll.u32 s30, $0x6;
	s0 =	sand.u32 $0xFFFFFC00, s0  }
0x2a: {  	s2 =	sand.u32 $0x40, s2;
	s0 =	sadd.s32 s10, s0  }
0x2b: {  	s0 =	sor.u32 s2, s0  }
0x2c: {  	s0 =	sor.u32 s7, s0  }
0x2d: {  	s0 =	sshrl.u32 s0, $0x3  }
0x2e: {  	s31 =	simm.s32 $0x0;
	s9 =	sadd.s32 s4, s0  }
0x2f: {  	[tilespmem:s31], [sflag:$0x2] =	stream.linear.gather [hbm4b:s9+s31], $0x40, $0x38;
	[tilespmem:$0x18200] =	vst v63  }
0x30: {  	_ =	swait.ge [sflag:s14], $0x40  }
0x31: {  	[sflag:s14] =	ssyncset.done $0x0  }
0x32: {  	s15 =	sadd.s32 s5, s0;
	[sflag:s14] =	ssyncadd.s32 $0xFFFFFFC0  }
0x33: {  	[tilespmem:s16], [sflag:$0x2] =	stream.linear.gather [hbm4b:s15+s31], $0x40, $0x38;
	[tilespmem:$0x18200] =	vst v63  }
0x34: {  	_ =	swait.ge [sflag:s14], $0x40  }
0x35: {  	[sflag:s14] =	ssyncset.done $0x0  }
0x36: {  	s0 =	sadd.s32 s6, s0;
	[sflag:s14] =	ssyncadd.s32 $0xFFFFFFC0  }
0x37: {  	[tilespmem:s17], [sflag:$0x2] =	stream.linear.gather [hbm4b:s0+s31], $0x40, $0x38;
	[tilespmem:$0x18200] =	vst v63  }
0x38: {  	_ =	swait.ge [sflag:s14], $0x40  }
0x39: {  	[sflag:s14] =	ssyncset.done $0x0  }
0x3a: {  	[sflag:s14] =	ssyncadd.s32 $0xFFFFFFC0  }
0x3b: {  	v19 =	vld [tilespmem:$0x0];
	_ =	sdelay $0x4  }
0x3c: {  	v20 =	vshll.u32 v19, $0x1  }
0x3d: {  	v19 =	vand.u32 $0x7, v19;
	v20 =	vand.u32 $0xFFFFFFF0, v20  }
0x3e: {  	v19 =	vor.u32 v19, v20  }
0x3f: {  	v20 =	vperm.xlane v19, v1;
	_ =	sdelay $0x1  }
0x40: {  	v19 =	vperm.xlane v19, v3;
	v20 =	vadd.s32 v2, v20;
	_ =	sdelay $0x1  }
0x41: {  	v19 =	vadd.s32 v2, v19;
	_ =	sdelay $0x2  }
0x42: {  	[tilespmem:s18], [sflag:$0x1] =	stream.indirect_vreg.gather [hbm4b:s3+s31], $0x80, v20, vm0, $0xb8;
	[tilespmem:$0x18200] =	vst v63  }
0x43: {  	_ = 	snop  }
0x44: {  	[tilespmem:s19], [sflag:$0x1] =	stream.indirect_vreg.gather [hbm4b:s3+s31], $0x80, v19, vm0, $0xb8;
	[tilespmem:$0x18200] =	vst v63  }
0x45: {  	v19 =	vld [tilespmem:$0x10];
	_ =	sdelay $0x4  }
0x46: {  	v20 =	vshll.u32 v19, $0x1  }
0x47: {  	v19 =	vand.u32 $0x7, v19;
	v20 =	vand.u32 $0xFFFFFFF0, v20  }
0x48: {  	v19 =	vor.u32 v19, v20  }
0x49: {  	v20 =	vperm.xlane v19, v1;
	_ =	sdelay $0x1  }
0x4a: {  	v19 =	vperm.xlane v19, v3;
	v20 =	vadd.s32 v2, v20;
	_ =	sdelay $0x1  }
0x4b: {  	v19 =	vadd.s32 v2, v19;
	_ =	sdelay $0x2  }
0x4c: {  	[tilespmem:s20], [sflag:$0x1] =	stream.indirect_vreg.gather [hbm4b:s3+s31], $0x80, v20, vm0, $0xb8;
	[tilespmem:$0x18200] =	vst v63  }
0x4d: {  	_ = 	snop  }
0x4e: {  	[tilespmem:s21], [sflag:$0x1] =	stream.indirect_vreg.gather [hbm4b:s3+s31], $0x80, v19, vm0, $0xb8;
	[tilespmem:$0x18200] =	vst v63  }
0x4f: {  	v19 =	vld [tilespmem:$0x20];
	_ =	sdelay $0x4  }
0x50: {  	v20 =	vshll.u32 v19, $0x1  }
0x51: {  	v19 =	vand.u32 $0x7, v19;
	v20 =	vand.u32 $0xFFFFFFF0, v20  }
0x52: {  	v19 =	vor.u32 v19, v20  }
0x53: {  	v20 =	vperm.xlane v19, v1;
	_ =	sdelay $0x1  }
0x54: {  	v19 =	vperm.xlane v19, v3;
	v20 =	vadd.s32 v2, v20;
	_ =	sdelay $0x1  }
0x55: {  	v19 =	vadd.s32 v2, v19;
	_ =	sdelay $0x2  }
0x56: {  	[tilespmem:s22], [sflag:$0x1] =	stream.indirect_vreg.gather [hbm4b:s3+s31], $0x80, v20, vm0, $0xb8;
	[tilespmem:$0x18200] =	vst v63  }
0x57: {  	_ = 	snop  }
0x58: {  	[tilespmem:s23], [sflag:$0x1] =	stream.indirect_vreg.gather [hbm4b:s3+s31], $0x80, v19, vm0, $0xb8;
	[tilespmem:$0x18200] =	vst v63  }
0x59: {  	v19 =	vld [tilespmem:$0x30];
	_ =	sdelay $0x4  }
0x5a: {  	v20 =	vshll.u32 v19, $0x1  }
0x5b: {  	v19 =	vand.u32 $0x7, v19;
	v20 =	vand.u32 $0xFFFFFFF0, v20  }
0x5c: {  	v19 =	vor.u32 v19, v20  }
0x5d: {  	v20 =	vperm.xlane v19, v1;
	_ =	sdelay $0x1  }
0x5e: {  	v19 =	vperm.xlane v19, v3;
	v20 =	vadd.s32 v2, v20;
	_ =	sdelay $0x1  }
0x5f: {  	v19 =	vadd.s32 v2, v19;
	_ =	sdelay $0x2  }
0x60: {  	[tilespmem:s24], [sflag:$0x1] =	stream.indirect_vreg.gather [hbm4b:s3+s31], $0x80, v20, vm0, $0xb8;
	[tilespmem:$0x18200] =	vst v63  }
0x61: {  	v20 =	vmov s31  }
0x62: {  	[tilespmem:s25], [sflag:$0x1] =	stream.indirect_vreg.gather [hbm4b:s3+s31], $0x80, v19, vm0, $0xb8;
	[tilespmem:$0x18200] =	vst v63  }
0x63: {  	_ =	swait.ge [sflag:s26], $0x4000  }
0x64: {  	[sflag:s26] =	ssyncset.done $0x0  }
0x65: {  	[sflag:s26] =	ssyncadd.s32 $0xFFFFC000  }
0x66: {  	v19 =	vld.idx.msk [tilespmem:v20+s16+$0x0], $0xffff;
	_ =	sdelay $0x3  }
0x67: {  	s8 =	sand.u32 $0x3800, s31;
	s9 =	sand.u32 $0x380, s31  }
0x68: {  	s0 =	sor.u32 s9, s8;
	v22 =	vld.idx.msk [tilespmem:v20+s17+$0x0], $0xffff;
	v20 =	vshll.u32 v19, $0x8;
	v19 =	vshll.u32 v19, $0x7  }
0x69: {  	v21 =	vld [tilespmem:s0+$0x180];
	v20 =	vand.u32 $0xFFFFF800, v20;
	v19 =	vand.u32 $0x380, v19  }
0x6a: {  	v19 =	vor.u32 v19, v20  }
0x6b: {  	v20 =	vor.u32 v0, v19;
	_ =	sdelay $0x2  }
0x6c: {  	v21 =	vmul.f32 v21, v22;
	_ =	sdelay $0x1  }
0x6d: {  	[tilespmem:v20+s13+$0x0] =	vst.idx.add.f32.msk $0xffff, v21  }
0x6e: {  	v20 =	vld [tilespmem:s0+$0x190];
	_ =	sdelay $0x1  }
0x6f: {  	v21 =	vor.u32 v4, v19;
	_ =	sdelay $0x2  }
0x70: {  	v20 =	vmul.f32 v20, v22;
	_ =	sdelay $0x1  }
0x71: {  	[tilespmem:v21+s13+$0x0] =	vst.idx.add.f32.msk $0xffff, v20  }
0x72: {  	v20 =	vld [tilespmem:s0+$0x1A0];
	_ =	sdelay $0x1  }
0x73: {  	v21 =	vor.u32 v5, v19;
	_ =	sdelay $0x2  }
0x74: {  	v20 =	vmul.f32 v20, v22;
	_ =	sdelay $0x1  }
0x75: {  	[tilespmem:v21+s13+$0x0] =	vst.idx.add.f32.msk $0xffff, v20  }
0x76: {  	v20 =	vld [tilespmem:s0+$0x1B0];
	_ =	sdelay $0x1  }
0x77: {  	v21 =	vor.u32 v6, v19;
	_ =	sdelay $0x2  }
0x78: {  	v20 =	vmul.f32 v20, v22;
	_ =	sdelay $0x1  }
0x79: {  	[tilespmem:v21+s13+$0x0] =	vst.idx.add.f32.msk $0xffff, v20  }
0x7a: {  	v20 =	vld [tilespmem:s0+$0x1C0];
	_ =	sdelay $0x1  }
0x7b: {  	v21 =	vor.u32 v7, v19;
	_ =	sdelay $0x2  }
0x7c: {  	v20 =	vmul.f32 v20, v22;
	_ =	sdelay $0x1  }
0x7d: {  	[tilespmem:v21+s13+$0x0] =	vst.idx.add.f32.msk $0xffff, v20  }
0x7e: {  	v20 =	vld [tilespmem:s0+$0x1D0];
	_ =	sdelay $0x1  }
0x7f: {  	v21 =	vor.u32 v8, v19;
	_ =	sdelay $0x2  }
0x80: {  	v20 =	vmul.f32 v20, v22;
	_ =	sdelay $0x1  }
0x81: {  	[tilespmem:v21+s13+$0x0] =	vst.idx.add.f32.msk $0xffff, v20  }
0x82: {  	v20 =	vld [tilespmem:s0+$0x1E0];
	_ =	sdelay $0x1  }
0x83: {  	v21 =	vor.u32 v9, v19;
	_ =	sdelay $0x2  }
0x84: {  	v20 =	vmul.f32 v20, v22;
	_ =	sdelay $0x1  }
0x85: {  	[tilespmem:v21+s13+$0x0] =	vst.idx.add.f32.msk $0xffff, v20  }
0x86: {  	v20 =	vld [tilespmem:s0+$0x1F0];
	_ =	sdelay $0x1  }
0x87: {  	v21 =	vor.u32 v10, v19;
	_ =	sdelay $0x2  }
0x88: {  	v20 =	vmul.f32 v20, v22;
	_ =	sdelay $0x1  }
0x89: {  	[tilespmem:v21+s13+$0x0] =	vst.idx.add.f32.msk $0xffff, v20  }
0x8a: {  	v20 =	vld [tilespmem:s0+$0x580];
	_ =	sdelay $0x1  }
0x8b: {  	v21 =	vor.u32 v11, v19;
	_ =	sdelay $0x2  }
0x8c: {  	v20 =	vmul.f32 v20, v22;
	_ =	sdelay $0x1  }
0x8d: {  	[tilespmem:v21+s13+$0x0] =	vst.idx.add.f32.msk $0xffff, v20  }
0x8e: {  	v20 =	vld [tilespmem:s0+$0x590];
	_ =	sdelay $0x1  }
0x8f: {  	v21 =	vor.u32 v12, v19;
	_ =	sdelay $0x2  }
0x90: {  	v20 =	vmul.f32 v20, v22;
	_ =	sdelay $0x1  }
0x91: {  	[tilespmem:v21+s13+$0x0] =	vst.idx.add.f32.msk $0xffff, v20  }
0x92: {  	v20 =	vld [tilespmem:s0+$0x5A0];
	_ =	sdelay $0x1  }
0x93: {  	v21 =	vor.u32 v13, v19;
	_ =	sdelay $0x2  }
0x94: {  	v20 =	vmul.f32 v20, v22;
	_ =	sdelay $0x1  }
0x95: {  	[tilespmem:v21+s13+$0x0] =	vst.idx.add.f32.msk $0xffff, v20  }
0x96: {  	v20 =	vld [tilespmem:s0+$0x5B0];
	_ =	sdelay $0x1  }
0x97: {  	v21 =	vor.u32 v14, v19;
	_ =	sdelay $0x2  }
0x98: {  	v20 =	vmul.f32 v20, v22;
	_ =	sdelay $0x1  }
0x99: {  	[tilespmem:v21+s13+$0x0] =	vst.idx.add.f32.msk $0xffff, v20  }
0x9a: {  	v20 =	vld [tilespmem:s0+$0x5C0];
	_ =	sdelay $0x1  }
0x9b: {  	v21 =	vor.u32 v15, v19;
	_ =	sdelay $0x2  }
0x9c: {  	v20 =	vmul.f32 v20, v22;
	_ =	sdelay $0x1  }
0x9d: {  	[tilespmem:v21+s13+$0x0] =	vst.idx.add.f32.msk $0xffff, v20  }
0x9e: {  	v20 =	vld [tilespmem:s0+$0x5D0];
	_ =	sdelay $0x1  }
0x9f: {  	v21 =	vor.u32 v16, v19;
	_ =	sdelay $0x2  }
0xa0: {  	v20 =	vmul.f32 v20, v22;
	_ =	sdelay $0x1  }
0xa1: {  	[tilespmem:v21+s13+$0x0] =	vst.idx.add.f32.msk $0xffff, v20  }
0xa2: {  	v20 =	vld [tilespmem:s0+$0x5E0];
	_ =	sdelay $0x1  }
0xa3: {  	v21 =	vor.u32 v17, v19;
	_ =	sdelay $0x2  }
0xa4: {  	v20 =	vmul.f32 v20, v22;
	_ =	sdelay $0x1  }
0xa5: {  	[tilespmem:v21+s13+$0x0] =	vst.idx.add.f32.msk $0xffff, v20  }
0xa6: {  	v23 =	vld [tilespmem:s0+$0x5F0];
	_ =	sdelay $0x1  }
0xa7: {  	s15 =	simm.s32 $0x1;
	v21 =	vor.u32 v18, v19  }
0xa8: {  	v20 =	vmov s15;
	_ =	sdelay $0x1  }
0xa9: {  	s8 =	simm.s32 $0x2;
	s0 =	simm.s32 $0x0;
	v19 =	vmul.f32 v23, v22  }
.LBB2_3:
0xaa: {  	s31 =	sadd.s32 $0x80, s31  }
0xab: {  	s0 =	sadd.s32 $0x100, s0;
	s15 =	smov.u32 s8;
	s2 =	sadd.s32 $0x1, s8;
	[tilespmem:v21+s13+$0x0] =	vst.idx.add.f32.msk $0xffff, v19  }
0xac: {  	p0 =	sne.s32 s8, $0x3F;
	v21 =	vld.idx.msk [tilespmem:v20+s16+$0x0], $0xffff;
	_ =	sdelay $0x4  }
0xad: {  	s8 =	sand.u32 $0x3800, s0;
	s9 =	sand.u32 $0x380, s31  }
0xae: {  	s8 =	sor.u32 s9, s8;
	v19 =	vld.idx.msk [tilespmem:v20+s17+$0x0], $0xffff;
	v20 =	vshll.u32 v21, $0x8;
	v21 =	vshll.u32 v21, $0x7  }
0xaf: {  	v22 =	vld [tilespmem:s8+$0x180];
	v20 =	vand.u32 $0xFFFFF800, v20;
	v21 =	vand.u32 $0x380, v21  }
0xb0: {  	v20 =	vor.u32 v21, v20  }
0xb1: {  	v21 =	vor.u32 v0, v20;
	_ =	sdelay $0x2  }
0xb2: {  	v22 =	vmul.f32 v22, v19;
	_ =	sdelay $0x1  }
0xb3: {  	[tilespmem:v21+s13+$0x0] =	vst.idx.add.f32.msk $0xffff, v22  }
0xb4: {  	v21 =	vld [tilespmem:s8+$0x190];
	_ =	sdelay $0x1  }
0xb5: {  	v22 =	vor.u32 v4, v20;
	_ =	sdelay $0x2  }
0xb6: {  	v21 =	vmul.f32 v21, v19;
	_ =	sdelay $0x1  }
0xb7: {  	[tilespmem:v22+s13+$0x0] =	vst.idx.add.f32.msk $0xffff, v21  }
0xb8: {  	v21 =	vld [tilespmem:s8+$0x1A0];
	_ =	sdelay $0x1  }
0xb9: {  	v22 =	vor.u32 v5, v20;
	_ =	sdelay $0x2  }
0xba: {  	v21 =	vmul.f32 v21, v19;
	_ =	sdelay $0x1  }
0xbb: {  	[tilespmem:v22+s13+$0x0] =	vst.idx.add.f32.msk $0xffff, v21  }
0xbc: {  	v21 =	vld [tilespmem:s8+$0x1B0];
	_ =	sdelay $0x1  }
0xbd: {  	v22 =	vor.u32 v6, v20;
	_ =	sdelay $0x2  }
0xbe: {  	v21 =	vmul.f32 v21, v19;
	_ =	sdelay $0x1  }
0xbf: {  	[tilespmem:v22+s13+$0x0] =	vst.idx.add.f32.msk $0xffff, v21  }
0xc0: {  	v21 =	vld [tilespmem:s8+$0x1C0];
	_ =	sdelay $0x1  }
0xc1: {  	v22 =	vor.u32 v7, v20;
	_ =	sdelay $0x2  }
0xc2: {  	v21 =	vmul.f32 v21, v19;
	_ =	sdelay $0x1  }
0xc3: {  	[tilespmem:v22+s13+$0x0] =	vst.idx.add.f32.msk $0xffff, v21  }
0xc4: {  	v21 =	vld [tilespmem:s8+$0x1D0];
	_ =	sdelay $0x1  }
0xc5: {  	v22 =	vor.u32 v8, v20;
	_ =	sdelay $0x2  }
0xc6: {  	v21 =	vmul.f32 v21, v19;
	_ =	sdelay $0x1  }
0xc7: {  	[tilespmem:v22+s13+$0x0] =	vst.idx.add.f32.msk $0xffff, v21  }
0xc8: {  	v21 =	vld [tilespmem:s8+$0x1E0];
	_ =	sdelay $0x1  }
0xc9: {  	v22 =	vor.u32 v9, v20;
	_ =	sdelay $0x2  }
0xca: {  	v21 =	vmul.f32 v21, v19;
	_ =	sdelay $0x1  }
0xcb: {  	[tilespmem:v22+s13+$0x0] =	vst.idx.add.f32.msk $0xffff, v21  }
0xcc: {  	v21 =	vld [tilespmem:s8+$0x1F0];
	_ =	sdelay $0x1  }
0xcd: {  	v22 =	vor.u32 v10, v20;
	_ =	sdelay $0x2  }
0xce: {  	v21 =	vmul.f32 v21, v19;
	_ =	sdelay $0x1  }
0xcf: {  	[tilespmem:v22+s13+$0x0] =	vst.idx.add.f32.msk $0xffff, v21  }
0xd0: {  	v21 =	vld [tilespmem:s8+$0x580];
	_ =	sdelay $0x1  }
0xd1: {  	v22 =	vor.u32 v11, v20;
	_ =	sdelay $0x2  }
0xd2: {  	v21 =	vmul.f32 v21, v19;
	_ =	sdelay $0x1  }
0xd3: {  	[tilespmem:v22+s13+$0x0] =	vst.idx.add.f32.msk $0xffff, v21  }
0xd4: {  	v21 =	vld [tilespmem:s8+$0x590];
	_ =	sdelay $0x1  }
0xd5: {  	v22 =	vor.u32 v12, v20;
	_ =	sdelay $0x2  }
0xd6: {  	v21 =	vmul.f32 v21, v19;
	_ =	sdelay $0x1  }
0xd7: {  	[tilespmem:v22+s13+$0x0] =	vst.idx.add.f32.msk $0xffff, v21  }
0xd8: {  	v21 =	vld [tilespmem:s8+$0x5A0];
	_ =	sdelay $0x1  }
0xd9: {  	v22 =	vor.u32 v13, v20;
	_ =	sdelay $0x2  }
0xda: {  	v21 =	vmul.f32 v21, v19;
	_ =	sdelay $0x1  }
0xdb: {  	[tilespmem:v22+s13+$0x0] =	vst.idx.add.f32.msk $0xffff, v21  }
0xdc: {  	v21 =	vld [tilespmem:s8+$0x5B0];
	_ =	sdelay $0x1  }
0xdd: {  	v22 =	vor.u32 v14, v20;
	_ =	sdelay $0x2  }
0xde: {  	v21 =	vmul.f32 v21, v19;
	_ =	sdelay $0x1  }
0xdf: {  	[tilespmem:v22+s13+$0x0] =	vst.idx.add.f32.msk $0xffff, v21  }
0xe0: {  	v21 =	vld [tilespmem:s8+$0x5C0];
	_ =	sdelay $0x1  }
0xe1: {  	v22 =	vor.u32 v15, v20;
	_ =	sdelay $0x2  }
0xe2: {  	v21 =	vmul.f32 v21, v19;
	_ =	sdelay $0x1  }
0xe3: {  	[tilespmem:v22+s13+$0x0] =	vst.idx.add.f32.msk $0xffff, v21  }
0xe4: {  	v21 =	vld [tilespmem:s8+$0x5D0];
	_ =	sdelay $0x1  }
0xe5: {  	v22 =	vor.u32 v16, v20;
	_ =	sdelay $0x2  }
0xe6: {  	v21 =	vmul.f32 v21, v19;
	_ =	sdelay $0x1  }
0xe7: {  	[tilespmem:v22+s13+$0x0] =	vst.idx.add.f32.msk $0xffff, v21  }
0xe8: {  	v21 =	vld [tilespmem:s8+$0x5E0];
	_ =	sdelay $0x1  }
0xe9: {  	v22 =	vor.u32 v17, v20;
	_ =	sdelay $0x2  }
0xea: {  	v21 =	vmul.f32 v21, v19;
	_ =	sdelay $0x1  }
0xeb: {  	[tilespmem:v22+s13+$0x0] =	vst.idx.add.f32.msk $0xffff, v21  }
0xec: {  	v22 =	vld [tilespmem:s8+$0x5F0]  }
.Ltmp3:
0xed: {  	(pc) =	sbr.rel @p0 .LBB2_3-.Ltmp3, $3  }
0xee: {  	v21 =	vor.u32 v18, v20  }
0xef: {  	v20 =	vmov s15;
	_ =	sdelay $0x1  }
0xf0: {  	s8 =	smov.u32 s2;
	v19 =	vmul.f32 v22, v19  }
0xf1: {  	_ =	sdelay $0x3  }
0xf2: {  	[tilespmem:v21+s13+$0x0] =	vst.idx.add.f32.msk $0xffff, v19  }
0xf3: {  	v19 =	vld.idx.msk [tilespmem:v20+s16+$0x0], $0xffff;
	_ =	sdelay $0x2  }
0xf4: {  	s2 =	sadd.s32 $0x80, s31;
	s0 =	sadd.s32 $0x100, s0  }
0xf5: {  	s0 =	sand.u32 $0x3800, s0;
	s2 =	sand.u32 $0x380, s2  }
0xf6: {  	v20 =	vld.idx.msk [tilespmem:v20+s17+$0x0], $0xffff;
	s0 =	sor.u32 s2, s0;
	v49 =	vshll.u32 v19, $0x8;
	v19 =	vshll.u32 v19, $0x7  }
0xf7: {  	v22 =	vld [tilespmem:s0+$0x180];
	v21 =	vand.u32 $0xFFFFF800, v49;
	v19 =	vand.u32 $0x380, v19  }
0xf8: {  	v19 =	vor.u32 v19, v21  }
0xf9: {  	v21 =	vor.u32 v0, v19;
	_ =	sdelay $0x2  }
0xfa: {  	v22 =	vmul.f32 v22, v20;
	_ =	sdelay $0x1  }
0xfb: {  	[tilespmem:v21+s13+$0x0] =	vst.idx.add.f32.msk $0xffff, v22  }
0xfc: {  	v21 =	vld [tilespmem:s0+$0x190];
	_ =	sdelay $0x1  }
0xfd: {  	v50 =	vor.u32 v4, v19;
	_ =	sdelay $0x2  }
0xfe: {  	v21 =	vmul.f32 v21, v20;
	_ =	sdelay $0x1  }
0xff: {  	[tilespmem:v50+s13+$0x0] =	vst.idx.add.f32.msk $0xffff, v21  }
0x100: {  	v21 =	vld [tilespmem:s0+$0x1A0];
	_ =	sdelay $0x1  }
0x101: {  	v51 =	vor.u32 v5, v19;
	_ =	sdelay $0x2  }
0x102: {  	v21 =	vmul.f32 v21, v20;
	_ =	sdelay $0x1  }
0x103: {  	[tilespmem:v51+s13+$0x0] =	vst.idx.add.f32.msk $0xffff, v21  }
0x104: {  	v21 =	vld [tilespmem:s0+$0x1B0];
	_ =	sdelay $0x1  }
0x105: {  	v52 =	vor.u32 v6, v19;
	_ =	sdelay $0x2  }
0x106: {  	v21 =	vmul.f32 v21, v20;
	_ =	sdelay $0x1  }
0x107: {  	[tilespmem:v52+s13+$0x0] =	vst.idx.add.f32.msk $0xffff, v21  }
0x108: {  	v21 =	vld [tilespmem:s0+$0x1C0];
	_ =	sdelay $0x1  }
0x109: {  	v53 =	vor.u32 v7, v19;
	_ =	sdelay $0x2  }
0x10a: {  	v21 =	vmul.f32 v21, v20;
	_ =	sdelay $0x1  }
0x10b: {  	[tilespmem:v53+s13+$0x0] =	vst.idx.add.f32.msk $0xffff, v21  }
0x10c: {  	v21 =	vld [tilespmem:s0+$0x1D0];
	_ =	sdelay $0x1  }
0x10d: {  	v54 =	vor.u32 v8, v19;
	_ =	sdelay $0x2  }
0x10e: {  	v21 =	vmul.f32 v21, v20;
	_ =	sdelay $0x1  }
0x10f: {  	[tilespmem:v54+s13+$0x0] =	vst.idx.add.f32.msk $0xffff, v21  }
0x110: {  	v21 =	vld [tilespmem:s0+$0x1E0];
	_ =	sdelay $0x1  }
0x111: {  	v55 =	vor.u32 v9, v19;
	_ =	sdelay $0x2  }
0x112: {  	v21 =	vmul.f32 v21, v20;
	_ =	sdelay $0x1  }
0x113: {  	[tilespmem:v55+s13+$0x0] =	vst.idx.add.f32.msk $0xffff, v21  }
0x114: {  	v21 =	vld [tilespmem:s0+$0x1F0];
	_ =	sdelay $0x1  }
0x115: {  	v56 =	vor.u32 v10, v19;
	_ =	sdelay $0x2  }
0x116: {  	v21 =	vmul.f32 v21, v20;
	_ =	sdelay $0x1  }
0x117: {  	[tilespmem:v56+s13+$0x0] =	vst.idx.add.f32.msk $0xffff, v21  }
0x118: {  	v21 =	vld [tilespmem:s0+$0x580];
	_ =	sdelay $0x1  }
0x119: {  	v57 =	vor.u32 v11, v19;
	_ =	sdelay $0x2  }
0x11a: {  	v21 =	vmul.f32 v21, v20;
	_ =	sdelay $0x1  }
0x11b: {  	[tilespmem:v57+s13+$0x0] =	vst.idx.add.f32.msk $0xffff, v21  }
0x11c: {  	v21 =	vld [tilespmem:s0+$0x590];
	_ =	sdelay $0x1  }
0x11d: {  	v58 =	vor.u32 v12, v19;
	_ =	sdelay $0x2  }
0x11e: {  	v21 =	vmul.f32 v21, v20;
	_ =	sdelay $0x1  }
0x11f: {  	[tilespmem:v58+s13+$0x0] =	vst.idx.add.f32.msk $0xffff, v21  }
0x120: {  	v21 =	vld [tilespmem:s0+$0x5A0];
	_ =	sdelay $0x1  }
0x121: {  	v59 =	vor.u32 v13, v19;
	_ =	sdelay $0x2  }
0x122: {  	v21 =	vmul.f32 v21, v20;
	_ =	sdelay $0x1  }
0x123: {  	[tilespmem:v59+s13+$0x0] =	vst.idx.add.f32.msk $0xffff, v21  }
0x124: {  	v21 =	vld [tilespmem:s0+$0x5B0];
	_ =	sdelay $0x1  }
0x125: {  	v60 =	vor.u32 v14, v19;
	_ =	sdelay $0x2  }
0x126: {  	v21 =	vmul.f32 v21, v20;
	_ =	sdelay $0x1  }
0x127: {  	[tilespmem:v60+s13+$0x0] =	vst.idx.add.f32.msk $0xffff, v21  }
0x128: {  	v21 =	vld [tilespmem:s0+$0x5C0];
	_ =	sdelay $0x1  }
0x129: {  	v61 =	vor.u32 v15, v19;
	_ =	sdelay $0x2  }
0x12a: {  	v21 =	vmul.f32 v21, v20;
	_ =	sdelay $0x1  }
0x12b: {  	[tilespmem:v61+s13+$0x0] =	vst.idx.add.f32.msk $0xffff, v21  }
0x12c: {  	v21 =	vld [tilespmem:s0+$0x5D0];
	_ =	sdelay $0x1  }
0x12d: {  	v62 =	vor.u32 v16, v19;
	_ =	sdelay $0x2  }
0x12e: {  	v21 =	vmul.f32 v21, v20;
	_ =	sdelay $0x1  }
0x12f: {  	[tilespmem:v62+s13+$0x0] =	vst.idx.add.f32.msk $0xffff, v21  }
0x130: {  	v21 =	vld [tilespmem:s0+$0x5E0];
	_ =	sdelay $0x1  }
0x131: {  	v63 =	vor.u32 v17, v19;
	_ =	sdelay $0x2  }
0x132: {  	v21 =	vmul.f32 v21, v20;
	_ =	sdelay $0x1  }
0x133: {  	[tilespmem:v63+s13+$0x0] =	vst.idx.add.f32.msk $0xffff, v21  }
0x134: {  	v21 =	vld [tilespmem:s0+$0x5F0]  }
0x135: {  	s30 =	sadd.s32 $0x1, s30  }
0x136: {  	p0 =	sne.s32 s30, s29;
	v19 =	vor.u32 v18, v19  }
.Ltmp4:
0x137: {  	_ = 	snop;
	(pc) =	sbr.rel @p0 .LBB2_2-.Ltmp4, $4  }
.Ltmp5:
0x138: {  	_ = 	snop;
	(pc) =	sbr.rel @!p0 .LBB2_5-.Ltmp5, $4  }
0x139: {  	v20 =	vmul.f32 v21, v20  }
0x13a: {  	_ = 	snop  }
0x13b: {  	[tilespmem:v19+s13+$0x0] =	vst.idx.add.f32.msk $0xffff, v20  }
0x13c: {  	_ = 	snop  }
.LBB2_6:
0x13d: {  	_ =	sfence.sel $0x180000  }
0x13e: {  	[bflag:$0x0] =	sbarrier.arrive $0xFFFF  }
0x13f: {  	_ =	strace $0x90000056  }
0x140: {  	s0 =	stileid.u32;
	[bflag:$0x2] =	sbarrier.arrive $0xFFFF  }
0x141: {  	p0 =	sne.s32 s0, $0x0;
	s0 =	rddreg [dreg:$0x1]  }
0x142: {  	s0 =	sadd.s32 @!p0 $0x100000, s0  }
0x143: {  	[sflag:s0] =	ssyncadd.tile.s32 @!p0 $0x1;
	_ =	shalt  }
.Lfunc_end2:
_tile_overlayer_lowered:
.L_overlay_start_2:
0x144: {  	(tag) =	ssettag $0x2  }
0x145: {  	s0 =	rddreg [dreg:$0x0];
	s2 =	stileid.u32  }
0x146: {  	s1 =	rddreg [dreg:$0x1];
	p0 =	sne.s32 s2, $0x0  }
0x147: {  	s3 =	rddreg [dreg:$0x2];
	[bflag:$0x3] =	sbarrier.arrive $0xFFFF;
	s2 =	simm.s32 @!p0 $0x1C02  }
0x148: {  	[timem:s3], [sflag:s2] =	dma.local @!p0 [hbm:s0], s1  }
0x149: {  	s0 =	simm.s32 @!p0 $0x2  }
0x14a: {  	_ =	swait.ge @!p0 [sflag:s0], s1  }
0x14b: {  	s1 =	ssub.s32 @!p0 $0x0, s1;
	[sflag:s0] =	ssyncset.done @!p0 $0x0  }
0x14c: {  	[sflag:s0] =	ssyncadd.s32 @!p0 s1  }
0x14d: {  	[bflag:$0x3] =	sbarrier.arrive $0xFFFF  }
0x14e: {  	_ =	shalt  }

</sc_bundles>
